<compile_context>
chip_gen: v7x
topology: tpu7x:2x2x1
jax: 0.10.2.dev20260603
libtpu: 0.0.44.dev20260713+nightly
codegen_flags: <defaults>
</compile_context>

<pallas_src>
import functools

import jax
import jax.numpy as jnp
from jax import lax
from jax.experimental import pallas as pl
from jax.experimental.pallas import tpu as pltpu
from jax.experimental.pallas import tpu_sc as plsc

N_NODES = 10000
N_HEDGES = 10000
N_INC = 320000
F_IN = 128
F_OUT = 128
N_HEADS = 4
LN_EPS = 1e-5

D_SIDE = 16
K_CHUNK = 80


def _make_sc_pass(side_gather: bool, g_row: int, s_row: int):
    info = plsc.get_sparse_core_info()
    nc, ns, nl = info.num_cores, info.num_subcores, info.num_lanes
    nw = nc * ns
    epw = N_INC // nw
    chunks = epw // K_CHUNK
    assert N_INC == nw * K_CHUNK * chunks
    assert chunks % 3 == 2
    rows_per_tile = N_HEDGES // ns
    zrows = 25
    assert rows_per_tile % zrows == 0

    mesh = plsc.VectorSubcoreMesh(core_axis_name="c", subcore_axis_name="s")

    scratch = [
        pltpu.VMEM((3, 2, K_CHUNK), jnp.int32),
        pltpu.VMEM((K_CHUNK, F_IN), jnp.float32),
        pltpu.VMEM((K_CHUNK, F_IN), jnp.float32),
        pltpu.VMEM((K_CHUNK, F_IN), jnp.float32),
        pltpu.VMEM((K_CHUNK, D_SIDE), jnp.float32),
        pltpu.VMEM((K_CHUNK, D_SIDE), jnp.float32),
        pltpu.VMEM((K_CHUNK, D_SIDE), jnp.float32),
        pltpu.VMEM((zrows, F_IN), jnp.float32),
        pltpu.VMEM((5 * zrows, D_SIDE), jnp.float32),
        pltpu.VMEM_SHARED((N_HEDGES, F_IN), jnp.float32),
        pltpu.VMEM_SHARED((N_HEDGES, D_SIDE), jnp.float32),
    ] + [pltpu.SemaphoreType.DMA] * 12

    out_type = (
        jax.ShapeDtypeStruct((nc, N_HEDGES, F_IN), jnp.float32),
        jax.ShapeDtypeStruct((nc, N_HEDGES, D_SIDE), jnp.float32),
    )

    def body(table_hbm, idx_hbm, side_hbm, out_hbm, outs_hbm,
             idxb, rows0, rows1, rows2, srow0, srow1, srow2, zbuf_v, zbufs_v,
             acc_sh, accs_sh,
             g0, g1, g2, s0, s1, s2, ig0, ig1, ig2, is0, is1, is2):
        cid = lax.axis_index("c")
        sid = lax.axis_index("s")
        wid = cid * ns + sid
        rows = (rows0, rows1, rows2)
        srow = (srow0, srow1, srow2)
        gsem = (g0, g1, g2)
        ssem = (s0, s1, s2)
        igsem = (ig0, ig1, ig2)
        issem = (is0, is1, is2)

        def zrow(i, carry):
            def zcol(j, c2):
                zbuf_v[i, pl.ds(j * nl, nl)] = jnp.zeros((nl,), jnp.float32)
                return c2
            return lax.fori_loop(0, F_IN // nl, zcol, carry)
        lax.fori_loop(0, zrows, zrow, 0)

        def zrow_s(i, carry):
            zbufs_v[i, pl.ds(0, nl)] = jnp.zeros((nl,), jnp.float32)
            return carry
        lax.fori_loop(0, 5 * zrows, zrow_s, 0)
        base_row = sid * rows_per_tile
        for t in range(rows_per_tile // zrows):
            pltpu.sync_copy(zbuf_v, acc_sh.at[pl.ds(base_row + t * zrows, zrows)])
        for t in range(rows_per_tile // (5 * zrows)):
            pltpu.sync_copy(
                zbufs_v,
                accs_sh.at[pl.ds(base_row + t * 5 * zrows, 5 * zrows)])
        if not side_gather:
            def onerow(i, carry):
                srow0[i, pl.ds(0, nl)] = jnp.ones((nl,), jnp.float32)
                return carry
            lax.fori_loop(0, K_CHUNK, onerow, 0)
        plsc.subcore_barrier()

        ebase = wid * epw

        def idx_fetch(slot, j):
            off = ebase + j * K_CHUNK
            pltpu.async_copy(idx_hbm.at[0, pl.ds(off, K_CHUNK)],
                             idxb.at[slot, 0], igsem[slot])
            pltpu.async_copy(idx_hbm.at[1, pl.ds(off, K_CHUNK)],
                             idxb.at[slot, 1], igsem[slot])

        def idx_wait(slot, j):
            off = ebase + j * K_CHUNK
            pltpu.make_async_copy(idx_hbm.at[0, pl.ds(off, K_CHUNK)],
                                  idxb.at[slot, 0], igsem[slot]).wait()
            pltpu.make_async_copy(idx_hbm.at[1, pl.ds(off, K_CHUNK)],
                                  idxb.at[slot, 1], igsem[slot]).wait()

        def gather_start(slot):
            pltpu.async_copy(
                table_hbm.at[idxb.at[slot, g_row]], rows[slot], gsem[slot])
            if side_gather:
                pltpu.async_copy(
                    side_hbm.at[idxb.at[slot, g_row]], srow[slot], ssem[slot])

        def gather_wait(slot):
            pltpu.make_async_copy(
                table_hbm.at[idxb.at[slot, g_row]], rows[slot], gsem[slot]).wait()
            if side_gather:
                pltpu.make_async_copy(
                    side_hbm.at[idxb.at[slot, g_row]], srow[slot], ssem[slot]).wait()

        def scatter(slot):
            sb = srow[slot] if side_gather else srow0
            pltpu.async_copy(rows[slot], acc_sh.at[idxb.at[slot, s_row]],
                             issem[slot], add=True)
            pltpu.async_copy(sb, accs_sh.at[idxb.at[slot, s_row]],
                             issem[slot], add=True)
            pltpu.make_async_copy(rows[slot], acc_sh.at[idxb.at[slot, s_row]],
                                  issem[slot]).wait()
            pltpu.make_async_copy(sb, accs_sh.at[idxb.at[slot, s_row]],
                                  issem[slot]).wait()

        idx_fetch(0, 0)
        idx_wait(0, 0)
        gather_start(0)
        idx_fetch(1, 1)
        idx_wait(1, 1)
        gather_start(1)
        idx_fetch(2, 2)

        def loop_body(t, carry):
            for b in range(3):
                c = 3 * t + b
                b2 = (b + 2) % 3
                gather_wait(b)
                scatter(b)
                @pl.when(c + 3 < chunks)
                def _():
                    idx_fetch(b, c + 3)
                idx_wait(b2, c + 2)
                gather_start(b2)
            return carry
        lax.fori_loop(0, chunks // 3, loop_body, 0)

        for b in range(2):
            gather_wait(b)
            scatter(b)

        plsc.subcore_barrier()
        pltpu.sync_copy(acc_sh.at[pl.ds(base_row, rows_per_tile)],
                        out_hbm.at[cid, pl.ds(base_row, rows_per_tile)])
        pltpu.sync_copy(accs_sh.at[pl.ds(base_row, rows_per_tile)],
                        outs_hbm.at[cid, pl.ds(base_row, rows_per_tile)])

    if side_gather:
        fn = body
    else:
        def fn(table_hbm, idx_hbm, out_hbm, outs_hbm,
               idxb, rows0, rows1, rows2, srow0, srow1, srow2, zbuf_v, zbufs_v,
               acc_sh, accs_sh,
               g0, g1, g2, s0, s1, s2, ig0, ig1, ig2, is0, is1, is2):
            return body(table_hbm, idx_hbm, table_hbm, out_hbm, outs_hbm,
                        idxb, rows0, rows1, rows2, srow0, srow1, srow2,
                        zbuf_v, zbufs_v, acc_sh, accs_sh,
                        g0, g1, g2, s0, s1, s2, ig0, ig1, ig2, is0, is1, is2)

    return functools.partial(
        pl.kernel,
        mesh=mesh,
        compiler_params=pltpu.CompilerParams(use_tc_tiling_on_sc=False),
        out_type=out_type,
        scratch_types=scratch,
    )(fn)


def _mid_body(yp_ref, deg_ref, o_ref):
    ysum = yp_ref[0] + yp_ref[1]
    deg = deg_ref[...]
    binv = jnp.where(deg > 0, 1.0 / deg, 0.0)
    o_ref[...] = ysum * binv


def _final_body(ap_ref, deg_ref, w_ref, b_ref, g_ref, be_ref, o_ref):
    asum = ap_ref[0] + ap_ref[1]
    deg = deg_ref[...]
    dinv = jnp.where(deg > 0, 1.0 / deg, 0.0)
    a = asum * dinv
    h = jnp.dot(a, w_ref[...], preferred_element_type=jnp.float32,
                precision=lax.Precision.HIGHEST)
    h = jnp.maximum(h + b_ref[...], 0.0)
    mu = jnp.mean(h, axis=1, keepdims=True)
    var = jnp.mean((h - mu) ** 2, axis=1, keepdims=True)
    o_ref[...] = (h - mu) * lax.rsqrt(var + LN_EPS) * g_ref[...] + be_ref[...]


def kernel(x, edge, edge_weight, W0, b0, W1, b1, W2, b2, W3, b3, gamma, beta):
    sc_pass1 = _make_sc_pass(side_gather=False, g_row=0, s_row=1)
    sc_pass2 = _make_sc_pass(side_gather=True, g_row=1, s_row=0)

    ypart, cpart = sc_pass1(x, edge)
    deg_e = (cpart[0, :, 0] + cpart[1, :, 0]).reshape(N_HEDGES, 1)

    br = 1000
    hf = N_HEADS * F_OUT
    yscaled = pl.pallas_call(
        _mid_body,
        grid=(N_HEDGES // br,),
        in_specs=[
            pl.BlockSpec((2, br, F_IN), lambda i: (0, i, 0)),
            pl.BlockSpec((br, 1), lambda i: (i, 0)),
        ],
        out_specs=pl.BlockSpec((br, F_IN), lambda i: (i, 0)),
        out_shape=jax.ShapeDtypeStruct((N_HEDGES, F_IN), jnp.float32),
    )(ypart, deg_e)

    ew16 = jnp.broadcast_to(edge_weight.reshape(N_HEDGES, 1),
                            (N_HEDGES, D_SIDE))
    apart, wpart = sc_pass2(yscaled, edge, ew16)
    deg_v = (wpart[0, :, 0] + wpart[1, :, 0]).reshape(N_NODES, 1)

    wcat = jnp.concatenate([W0, W1, W2, W3], axis=1)
    bcat = jnp.concatenate([b0, b1, b2, b3]).reshape(1, hf)
    out = pl.pallas_call(
        _final_body,
        grid=(N_NODES // br,),
        in_specs=[
            pl.BlockSpec((2, br, F_IN), lambda i: (0, i, 0)),
            pl.BlockSpec((br, 1), lambda i: (i, 0)),
            pl.BlockSpec((F_IN, hf), lambda i: (0, 0)),
            pl.BlockSpec((1, hf), lambda i: (0, 0)),
            pl.BlockSpec((1, hf), lambda i: (0, 0)),
            pl.BlockSpec((1, hf), lambda i: (0, 0)),
        ],
        out_specs=pl.BlockSpec((br, hf), lambda i: (i, 0)),
        out_shape=jax.ShapeDtypeStruct((N_NODES, hf), jnp.float32),
    )(apart, deg_v, wcat, bcat, gamma.reshape(1, hf), beta.reshape(1, hf))

    return out

# --- scband reference (transcript-rebuilt; emitter-appended) ---
"""Pipeline reference for scband-hgnn-encoder-27264452395320 (READ-ONLY COPY).

The authoritative reference and input builder live on the scoring server;
editing this copy changes nothing except your own understanding.
"""

import jax, jax.numpy as jnp
import numpy as np

N = 10000      # num nodes
M = 10000      # num hyperedges
E = 320000     # num incidences (node, hyperedge) pairs
F_IN = 128
F_OUT = 128
HEADS = 4
EPS = 1e-5


def setup_inputs(seed: int = 0) -> dict:
    key = jax.random.key(seed)
    ks = jax.random.split(key, 16)
    inp = {}
    inp["x"] = jax.random.normal(ks[0], (N, F_IN), dtype=jnp.float32)
    inp["edge"] = jax.random.randint(ks[1], (2, E), 0, M, dtype=jnp.int32)
    inp["edge_weight"] = jax.random.uniform(ks[2], (M,), dtype=jnp.float32)
    # per-head HypergraphConv params: lin weight (no bias in lin) + output bias
    scale = 1.0 / np.sqrt(F_IN)
    for h in range(HEADS):
        inp[f"W{h}"] = jax.random.normal(ks[3 + h], (F_IN, F_OUT), dtype=jnp.float32) * scale
        inp[f"b{h}"] = jnp.zeros((F_OUT,), dtype=jnp.float32)
    # LayerNorm over concatenated heads
    inp["gamma"] = jnp.ones((HEADS * F_OUT,), dtype=jnp.float32)
    inp["beta"] = jnp.zeros((HEADS * F_OUT,), dtype=jnp.float32)
    return inp


def _hypergraph_conv(x, W, b, row, col, ew):
    # x: [N, F_IN], W: [F_IN, F_OUT], row: node ids [E], col: hyperedge ids [E], ew: [M]
    xl = x @ W  # [N, F_OUT]
    # node degree weighted by hyperedge weights: D[v] = sum_{e ~ v} w[e]
    deg_v = jax.ops.segment_sum(ew[col], row, num_segments=N)
    Dinv = jnp.where(deg_v > 0, 1.0 / deg_v, 0.0)
    # hyperedge degree: B[e] = |{v : v ~ e}|
    deg_e = jax.ops.segment_sum(jnp.ones((col.shape[0],), dtype=xl.dtype), col, num_segments=M)
    Binv = jnp.where(deg_e > 0, 1.0 / deg_e, 0.0)
    # node -> hyperedge aggregation with norm B
    out_e = jax.ops.segment_sum(xl[row], col, num_segments=M) * Binv[:, None]
    # hyperedge -> node aggregation with norm D
    out_v = jax.ops.segment_sum(out_e[col], row, num_segments=N) * Dinv[:, None]
    return out_v + b


def reference(x, edge, edge_weight, W0, b0, W1, b1, W2, b2, W3, b3, gamma, beta):
    row = edge[0]
    col = edge[1]
    Ws = [W0, W1, W2, W3]
    bs = [b0, b1, b2, b3]
    head_outs = []
    for h in range(HEADS):
        hcv = _hypergraph_conv(x, Ws[h], bs[h], row, col, edge_weight)
        head_outs.append(jax.nn.relu(hcv))
    h_cat = jnp.concatenate(head_outs, axis=1)  # [N, HEADS*F_OUT]
    mu = jnp.mean(h_cat, axis=-1, keepdims=True)
    var = jnp.mean((h_cat - mu) ** 2, axis=-1, keepdims=True)
    h_norm = (h_cat - mu) / jnp.sqrt(var + EPS) * gamma + beta
    # dropout is identity in eval mode
    return h_norm

if __name__ == "__main__":
    import jax
    _d = setup_inputs()
    print(jax.jit(kernel)(*tuple(_d.values())))

</pallas_src>

<mosaic_0001>
#map = affine_map<(d0, d1) -> (0, 0)>
#map1 = affine_map<(d0, d1) -> (0, 0, 0)>
module attributes {stable_mosaic.version = 14 : i64} {
  func.func @fn(%arg0: i32, %arg1: i32, %arg2: memref<10000x128xf32, #tpu.memory_space<hbm>>, %arg3: memref<2x320000xi32, #tpu.memory_space<hbm>>, %arg4: memref<2x10000x128xf32, #tpu.memory_space<hbm>>, %arg5: memref<2x10000x16xf32, #tpu.memory_space<hbm>>, %arg6: memref<3x2x80xi32, #tpu.memory_space<vmem>>, %arg7: memref<80x128xf32, #tpu.memory_space<vmem>>, %arg8: memref<80x128xf32, #tpu.memory_space<vmem>>, %arg9: memref<80x128xf32, #tpu.memory_space<vmem>>, %arg10: memref<80x16xf32, #tpu.memory_space<vmem>>, %arg11: memref<80x16xf32, #tpu.memory_space<vmem>>, %arg12: memref<80x16xf32, #tpu.memory_space<vmem>>, %arg13: memref<25x128xf32, #tpu.memory_space<vmem>>, %arg14: memref<125x16xf32, #tpu.memory_space<vmem>>, %arg15: memref<10000x128xf32, #tpu.memory_space<vmem_shared>>, %arg16: memref<10000x16xf32, #tpu.memory_space<vmem_shared>>, %arg17: memref<!tpu.dma_semaphore, #tpu.memory_space<semaphore_mem>>, %arg18: memref<!tpu.dma_semaphore, #tpu.memory_space<semaphore_mem>>, %arg19: memref<!tpu.dma_semaphore, #tpu.memory_space<semaphore_mem>>, %arg20: memref<!tpu.dma_semaphore, #tpu.memory_space<semaphore_mem>>, %arg21: memref<!tpu.dma_semaphore, #tpu.memory_space<semaphore_mem>>, %arg22: memref<!tpu.dma_semaphore, #tpu.memory_space<semaphore_mem>>, %arg23: memref<!tpu.dma_semaphore, #tpu.memory_space<semaphore_mem>>, %arg24: memref<!tpu.dma_semaphore, #tpu.memory_space<semaphore_mem>>, %arg25: memref<!tpu.dma_semaphore, #tpu.memory_space<semaphore_mem>>, %arg26: memref<!tpu.dma_semaphore, #tpu.memory_space<semaphore_mem>>, %arg27: memref<!tpu.dma_semaphore, #tpu.memory_space<semaphore_mem>>, %arg28: memref<!tpu.dma_semaphore, #tpu.memory_space<semaphore_mem>>) attributes {dimension_semantics = [#tpu.dimension_semantics<core_parallel>, #tpu.dimension_semantics<subcore_parallel>], iteration_bounds = array<i64: 2, 16>, scalar_prefetch = 0 : i64, scratch_operands = 23 : i64, tpu.core_type = #tpu.core_type<sc_vector_subcore>, window_params = [{transform_indices = #map}, {transform_indices = #map}, {transform_indices = #map1}, {transform_indices = #map1}]} {
    %mul3A = arith.constant 16 : i32
    %mul3A_0 = arith.muli %arg0, %mul3A : i32
    %add3A = arith.addi %mul3A_0, %arg1 : i32
    %scan3A = arith.constant 0 : i32
    %scan3A_1 = arith.constant 0 : i32
    %scan3A_2 = arith.constant 25 : i32
    %scan3A_3 = arith.addi %scan3A_1, %scan3A_2 : i32
    %scan3A_4 = arith.constant 1 : i32
    scf.for %scan3A_323 = %scan3A_1 to %scan3A_3 step %scan3A_4  : i32 {
      %scan3A_324 = arith.constant 0 : i32
      %scan3A_325 = arith.constant 8 : i32
      %scan3A_326 = arith.addi %scan3A_324, %scan3A_325 : i32
      %scan3A_327 = arith.constant 1 : i32
      scf.for %scan3A_329 = %scan3A_324 to %scan3A_326 step %scan3A_327  : i32 {
        %broadcast_in_dim3A = arith.constant 0.000000e+00 : f32
        %broadcast_in_dim3A_330 = vector.broadcast %broadcast_in_dim3A : f32 to vector<16xf32>
        %mul3A_331 = arith.constant 16 : i32
        %mul3A_332 = arith.muli %scan3A_329, %mul3A_331 : i32
        %swap3A = arith.index_cast %scan3A_323 : i32 to index
        %swap3A_333 = arith.index_cast %mul3A_332 : i32 to index
        %swap3A_334 = tpu.vector_load %arg13[%swap3A, %swap3A_333] {strides = array<i32>} : memref<25x128xf32, #tpu.memory_space<vmem>>, vector<1x16xf32>,
        %swap3A_335 = vector.shape_cast %swap3A_334 : vector<1x16xf32> to vector<16xf32>
        %swap3A_336 = vector.shape_cast %broadcast_in_dim3A_330 : vector<16xf32> to vector<1x16xf32>
        tpu.vector_store %arg13[%swap3A, %swap3A_333], %swap3A_336 {strides = array<i32>} : memref<25x128xf32, #tpu.memory_space<vmem>>, vector<1x16xf32>,
      }
      %scan3A_328 = arith.constant 8 : i32
    }
    %scan3A_5 = arith.constant 25 : i32
    %scan3A_6 = arith.constant 0 : i32
    %scan3A_7 = arith.constant 0 : i32
    %scan3A_8 = arith.constant 125 : i32
    %scan3A_9 = arith.addi %scan3A_7, %scan3A_8 : i32
    %scan3A_10 = arith.constant 1 : i32
    scf.for %scan3A_323 = %scan3A_7 to %scan3A_9 step %scan3A_10  : i32 {
      %broadcast_in_dim3A = arith.constant 0.000000e+00 : f32
      %broadcast_in_dim3A_324 = vector.broadcast %broadcast_in_dim3A : f32 to vector<16xf32>
      %swap3A = arith.index_cast %scan3A_323 : i32 to index
      %swap3A_325 = arith.constant 0 : index
      %swap3A_326 = tpu.vector_load %arg14[%swap3A, %swap3A_325] {strides = array<i32>} : memref<125x16xf32, #tpu.memory_space<vmem>>, vector<1x16xf32>,
      %swap3A_327 = vector.shape_cast %swap3A_326 : vector<1x16xf32> to vector<16xf32>
      %swap3A_328 = vector.shape_cast %broadcast_in_dim3A_324 : vector<16xf32> to vector<1x16xf32>
      tpu.vector_store %arg14[%swap3A, %swap3A_325], %swap3A_328 {strides = array<i32>} : memref<125x16xf32, #tpu.memory_space<vmem>>, vector<1x16xf32>,
    }
    %scan3A_11 = arith.constant 125 : i32
    %mul3A_12 = arith.constant 625 : i32
    %mul3A_13 = arith.muli %arg1, %mul3A_12 : i32
    %add3A_14 = arith.constant 0 : i32
    %add3A_15 = arith.addi %mul3A_13, %add3A_14 : i32
    "tpu.region"() ({
      %run_scoped3A = tpu.sem_alloc : memref<!tpu.dma_semaphore, #tpu.memory_space<semaphore_mem>>
      %dma_start3A_323 = arith.constant 0 : i32
      %dma_start3A_324 = tpu.memref_slice %arg15[%add3A_15, %dma_start3A_323] : memref<10000x128xf32, #tpu.memory_space<vmem_shared>> -> memref<25x128xf32, #tpu.memory_space<vmem_shared>>
      %dma_start3A_325 = arith.constant 0 : i32
      %dma_start3A_326 = tpu.memref_slice %arg15[%add3A_15, %dma_start3A_325] : memref<10000x128xf32, #tpu.memory_space<vmem_shared>> -> memref<25x128xf32, #tpu.memory_space<vmem_shared>>
      tpu.enqueue_dma source(%arg13 : memref<25x128xf32, #tpu.memory_space<vmem>>) target(%dma_start3A_326 : memref<25x128xf32, #tpu.memory_space<vmem_shared>>) target_semaphore(%run_scoped3A : memref<!tpu.dma_semaphore, #tpu.memory_space<semaphore_mem>>)
      %dma_wait3A_327 = arith.constant 0 : i32
      %dma_wait3A_328 = tpu.memref_slice %arg15[%add3A_15, %dma_wait3A_327] : memref<10000x128xf32, #tpu.memory_space<vmem_shared>> -> memref<25x128xf32, #tpu.memory_space<vmem_shared>>
      %dma_wait3A_329 = arith.constant 0 : i32
      %dma_wait3A_330 = tpu.memref_slice %arg15[%add3A_15, %dma_wait3A_329] : memref<10000x128xf32, #tpu.memory_space<vmem_shared>> -> memref<25x128xf32, #tpu.memory_space<vmem_shared>>
      tpu.wait_dma2 semaphore(%run_scoped3A : memref<!tpu.dma_semaphore, #tpu.memory_space<semaphore_mem>>) src(%arg13 : memref<25x128xf32, #tpu.memory_space<vmem>>) dst(%dma_wait3A_330 : memref<25x128xf32, #tpu.memory_space<vmem_shared>>)
      tpu.yield
    }) : () -> ()
    %add3A_16 = arith.constant 25 : i32
    %add3A_17 = arith.addi %mul3A_13, %add3A_16 : i32
    "tpu.region"() ({
      %run_scoped3A = tpu.sem_alloc : memref<!tpu.dma_semaphore, #tpu.memory_space<semaphore_mem>>
      %dma_start3A_323 = arith.constant 0 : i32
      %dma_start3A_324 = tpu.memref_slice %arg15[%add3A_17, %dma_start3A_323] : memref<10000x128xf32, #tpu.memory_space<vmem_shared>> -> memref<25x128xf32, #tpu.memory_space<vmem_shared>>
      %dma_start3A_325 = arith.constant 0 : i32
      %dma_start3A_326 = tpu.memref_slice %arg15[%add3A_17, %dma_start3A_325] : memref<10000x128xf32, #tpu.memory_space<vmem_shared>> -> memref<25x128xf32, #tpu.memory_space<vmem_shared>>
      tpu.enqueue_dma source(%arg13 : memref<25x128xf32, #tpu.memory_space<vmem>>) target(%dma_start3A_326 : memref<25x128xf32, #tpu.memory_space<vmem_shared>>) target_semaphore(%run_scoped3A : memref<!tpu.dma_semaphore, #tpu.memory_space<semaphore_mem>>)
      %dma_wait3A_327 = arith.constant 0 : i32
      %dma_wait3A_328 = tpu.memref_slice %arg15[%add3A_17, %dma_wait3A_327] : memref<10000x128xf32, #tpu.memory_space<vmem_shared>> -> memref<25x128xf32, #tpu.memory_space<vmem_shared>>
      %dma_wait3A_329 = arith.constant 0 : i32
      %dma_wait3A_330 = tpu.memref_slice %arg15[%add3A_17, %dma_wait3A_329] : memref<10000x128xf32, #tpu.memory_space<vmem_shared>> -> memref<25x128xf32, #tpu.memory_space<vmem_shared>>
      tpu.wait_dma2 semaphore(%run_scoped3A : memref<!tpu.dma_semaphore, #tpu.memory_space<semaphore_mem>>) src(%arg13 : memref<25x128xf32, #tpu.memory_space<vmem>>) dst(%dma_wait3A_330 : memref<25x128xf32, #tpu.memory_space<vmem_shared>>)
      tpu.yield
    }) : () -> ()
    %add3A_18 = arith.constant 50 : i32
    %add3A_19 = arith.addi %mul3A_13, %add3A_18 : i32
    "tpu.region"() ({
      %run_scoped3A = tpu.sem_alloc : memref<!tpu.dma_semaphore, #tpu.memory_space<semaphore_mem>>
      %dma_start3A_323 = arith.constant 0 : i32
      %dma_start3A_324 = tpu.memref_slice %arg15[%add3A_19, %dma_start3A_323] : memref<10000x128xf32, #tpu.memory_space<vmem_shared>> -> memref<25x128xf32, #tpu.memory_space<vmem_shared>>
      %dma_start3A_325 = arith.constant 0 : i32
      %dma_start3A_326 = tpu.memref_slice %arg15[%add3A_19, %dma_start3A_325] : memref<10000x128xf32, #tpu.memory_space<vmem_shared>> -> memref<25x128xf32, #tpu.memory_space<vmem_shared>>
      tpu.enqueue_dma source(%arg13 : memref<25x128xf32, #tpu.memory_space<vmem>>) target(%dma_start3A_326 : memref<25x128xf32, #tpu.memory_space<vmem_shared>>) target_semaphore(%run_scoped3A : memref<!tpu.dma_semaphore, #tpu.memory_space<semaphore_mem>>)
      %dma_wait3A_327 = arith.constant 0 : i32
      %dma_wait3A_328 = tpu.memref_slice %arg15[%add3A_19, %dma_wait3A_327] : memref<10000x128xf32, #tpu.memory_space<vmem_shared>> -> memref<25x128xf32, #tpu.memory_space<vmem_shared>>
      %dma_wait3A_329 = arith.constant 0 : i32
      %dma_wait3A_330 = tpu.memref_slice %arg15[%add3A_19, %dma_wait3A_329] : memref<10000x128xf32, #tpu.memory_space<vmem_shared>> -> memref<25x128xf32, #tpu.memory_space<vmem_shared>>
      tpu.wait_dma2 semaphore(%run_scoped3A : memref<!tpu.dma_semaphore, #tpu.memory_space<semaphore_mem>>) src(%arg13 : memref<25x128xf32, #tpu.memory_space<vmem>>) dst(%dma_wait3A_330 : memref<25x128xf32, #tpu.memory_space<vmem_shared>>)
      tpu.yield
    }) : () -> ()
    %add3A_20 = arith.constant 75 : i32
    %add3A_21 = arith.addi %mul3A_13, %add3A_20 : i32
    "tpu.region"() ({
      %run_scoped3A = tpu.sem_alloc : memref<!tpu.dma_semaphore, #tpu.memory_space<semaphore_mem>>
      %dma_start3A_323 = arith.constant 0 : i32
      %dma_start3A_324 = tpu.memref_slice %arg15[%add3A_21, %dma_start3A_323] : memref<10000x128xf32, #tpu.memory_space<vmem_shared>> -> memref<25x128xf32, #tpu.memory_space<vmem_shared>>
      %dma_start3A_325 = arith.constant 0 : i32
      %dma_start3A_326 = tpu.memref_slice %arg15[%add3A_21, %dma_start3A_325] : memref<10000x128xf32, #tpu.memory_space<vmem_shared>> -> memref<25x128xf32, #tpu.memory_space<vmem_shared>>
      tpu.enqueue_dma source(%arg13 : memref<25x128xf32, #tpu.memory_space<vmem>>) target(%dma_start3A_326 : memref<25x128xf32, #tpu.memory_space<vmem_shared>>) target_semaphore(%run_scoped3A : memref<!tpu.dma_semaphore, #tpu.memory_space<semaphore_mem>>)
      %dma_wait3A_327 = arith.constant 0 : i32
      %dma_wait3A_328 = tpu.memref_slice %arg15[%add3A_21, %dma_wait3A_327] : memref<10000x128xf32, #tpu.memory_space<vmem_shared>> -> memref<25x128xf32, #tpu.memory_space<vmem_shared>>
      %dma_wait3A_329 = arith.constant 0 : i32
      %dma_wait3A_330 = tpu.memref_slice %arg15[%add3A_21, %dma_wait3A_329] : memref<10000x128xf32, #tpu.memory_space<vmem_shared>> -> memref<25x128xf32, #tpu.memory_space<vmem_shared>>
      tpu.wait_dma2 semaphore(%run_scoped3A : memref<!tpu.dma_semaphore, #tpu.memory_space<semaphore_mem>>) src(%arg13 : memref<25x128xf32, #tpu.memory_space<vmem>>) dst(%dma_wait3A_330 : memref<25x128xf32, #tpu.memory_space<vmem_shared>>)
      tpu.yield
    }) : () -> ()
    %add3A_22 = arith.constant 100 : i32
    %add3A_23 = arith.addi %mul3A_13, %add3A_22 : i32
    "tpu.region"() ({
      %run_scoped3A = tpu.sem_alloc : memref<!tpu.dma_semaphore, #tpu.memory_space<semaphore_mem>>
      %dma_start3A_323 = arith.constant 0 : i32
      %dma_start3A_324 = tpu.memref_slice %arg15[%add3A_23, %dma_start3A_323] : memref<10000x128xf32, #tpu.memory_space<vmem_shared>> -> memref<25x128xf32, #tpu.memory_space<vmem_shared>>
      %dma_start3A_325 = arith.constant 0 : i32
      %dma_start3A_326 = tpu.memref_slice %arg15[%add3A_23, %dma_start3A_325] : memref<10000x128xf32, #tpu.memory_space<vmem_shared>> -> memref<25x128xf32, #tpu.memory_space<vmem_shared>>
      tpu.enqueue_dma source(%arg13 : memref<25x128xf32, #tpu.memory_space<vmem>>) target(%dma_start3A_326 : memref<25x128xf32, #tpu.memory_space<vmem_shared>>) target_semaphore(%run_scoped3A : memref<!tpu.dma_semaphore, #tpu.memory_space<semaphore_mem>>)
      %dma_wait3A_327 = arith.constant 0 : i32
      %dma_wait3A_328 = tpu.memref_slice %arg15[%add3A_23, %dma_wait3A_327] : memref<10000x128xf32, #tpu.memory_space<vmem_shared>> -> memref<25x128xf32, #tpu.memory_space<vmem_shared>>
      %dma_wait3A_329 = arith.constant 0 : i32
      %dma_wait3A_330 = tpu.memref_slice %arg15[%add3A_23, %dma_wait3A_329] : memref<10000x128xf32, #tpu.memory_space<vmem_shared>> -> memref<25x128xf32, #tpu.memory_space<vmem_shared>>
      tpu.wait_dma2 semaphore(%run_scoped3A : memref<!tpu.dma_semaphore, #tpu.memory_space<semaphore_mem>>) src(%arg13 : memref<25x128xf32, #tpu.memory_space<vmem>>) dst(%dma_wait3A_330 : memref<25x128xf32, #tpu.memory_space<vmem_shared>>)
      tpu.yield
    }) : () -> ()
    %add3A_24 = arith.constant 125 : i32
    %add3A_25 = arith.addi %mul3A_13, %add3A_24 : i32
    "tpu.region"() ({
      %run_scoped3A = tpu.sem_alloc : memref<!tpu.dma_semaphore, #tpu.memory_space<semaphore_mem>>
      %dma_start3A_323 = arith.constant 0 : i32
      %dma_start3A_324 = tpu.memref_slice %arg15[%add3A_25, %dma_start3A_323] : memref<10000x128xf32, #tpu.memory_space<vmem_shared>> -> memref<25x128xf32, #tpu.memory_space<vmem_shared>>
      %dma_start3A_325 = arith.constant 0 : i32
      %dma_start3A_326 = tpu.memref_slice %arg15[%add3A_25, %dma_start3A_325] : memref<10000x128xf32, #tpu.memory_space<vmem_shared>> -> memref<25x128xf32, #tpu.memory_space<vmem_shared>>
      tpu.enqueue_dma source(%arg13 : memref<25x128xf32, #tpu.memory_space<vmem>>) target(%dma_start3A_326 : memref<25x128xf32, #tpu.memory_space<vmem_shared>>) target_semaphore(%run_scoped3A : memref<!tpu.dma_semaphore, #tpu.memory_space<semaphore_mem>>)
      %dma_wait3A_327 = arith.constant 0 : i32
      %dma_wait3A_328 = tpu.memref_slice %arg15[%add3A_25, %dma_wait3A_327] : memref<10000x128xf32, #tpu.memory_space<vmem_shared>> -> memref<25x128xf32, #tpu.memory_space<vmem_shared>>
      %dma_wait3A_329 = arith.constant 0 : i32
      %dma_wait3A_330 = tpu.memref_slice %arg15[%add3A_25, %dma_wait3A_329] : memref<10000x128xf32, #tpu.memory_space<vmem_shared>> -> memref<25x128xf32, #tpu.memory_space<vmem_shared>>
      tpu.wait_dma2 semaphore(%run_scoped3A : memref<!tpu.dma_semaphore, #tpu.memory_space<semaphore_mem>>) src(%arg13 : memref<25x128xf32, #tpu.memory_space<vmem>>) dst(%dma_wait3A_330 : memref<25x128xf32, #tpu.memory_space<vmem_shared>>)
      tpu.yield
    }) : () -> ()
    %add3A_26 = arith.constant 150 : i32
    %add3A_27 = arith.addi %mul3A_13, %add3A_26 : i32
    "tpu.region"() ({
      %run_scoped3A = tpu.sem_alloc : memref<!tpu.dma_semaphore, #tpu.memory_space<semaphore_mem>>
      %dma_start3A_323 = arith.constant 0 : i32
      %dma_start3A_324 = tpu.memref_slice %arg15[%add3A_27, %dma_start3A_323] : memref<10000x128xf32, #tpu.memory_space<vmem_shared>> -> memref<25x128xf32, #tpu.memory_space<vmem_shared>>
      %dma_start3A_325 = arith.constant 0 : i32
      %dma_start3A_326 = tpu.memref_slice %arg15[%add3A_27, %dma_start3A_325] : memref<10000x128xf32, #tpu.memory_space<vmem_shared>> -> memref<25x128xf32, #tpu.memory_space<vmem_shared>>
      tpu.enqueue_dma source(%arg13 : memref<25x128xf32, #tpu.memory_space<vmem>>) target(%dma_start3A_326 : memref<25x128xf32, #tpu.memory_space<vmem_shared>>) target_semaphore(%run_scoped3A : memref<!tpu.dma_semaphore, #tpu.memory_space<semaphore_mem>>)
      %dma_wait3A_327 = arith.constant 0 : i32
      %dma_wait3A_328 = tpu.memref_slice %arg15[%add3A_27, %dma_wait3A_327] : memref<10000x128xf32, #tpu.memory_space<vmem_shared>> -> memref<25x128xf32, #tpu.memory_space<vmem_shared>>
      %dma_wait3A_329 = arith.constant 0 : i32
      %dma_wait3A_330 = tpu.memref_slice %arg15[%add3A_27, %dma_wait3A_329] : memref<10000x128xf32, #tpu.memory_space<vmem_shared>> -> memref<25x128xf32, #tpu.memory_space<vmem_shared>>
      tpu.wait_dma2 semaphore(%run_scoped3A : memref<!tpu.dma_semaphore, #tpu.memory_space<semaphore_mem>>) src(%arg13 : memref<25x128xf32, #tpu.memory_space<vmem>>) dst(%dma_wait3A_330 : memref<25x128xf32, #tpu.memory_space<vmem_shared>>)
      tpu.yield
    }) : () -> ()
    %add3A_28 = arith.constant 175 : i32
    %add3A_29 = arith.addi %mul3A_13, %add3A_28 : i32
    "tpu.region"() ({
      %run_scoped3A = tpu.sem_alloc : memref<!tpu.dma_semaphore, #tpu.memory_space<semaphore_mem>>
      %dma_start3A_323 = arith.constant 0 : i32
      %dma_start3A_324 = tpu.memref_slice %arg15[%add3A_29, %dma_start3A_323] : memref<10000x128xf32, #tpu.memory_space<vmem_shared>> -> memref<25x128xf32, #tpu.memory_space<vmem_shared>>
      %dma_start3A_325 = arith.constant 0 : i32
      %dma_start3A_326 = tpu.memref_slice %arg15[%add3A_29, %dma_start3A_325] : memref<10000x128xf32, #tpu.memory_space<vmem_shared>> -> memref<25x128xf32, #tpu.memory_space<vmem_shared>>
      tpu.enqueue_dma source(%arg13 : memref<25x128xf32, #tpu.memory_space<vmem>>) target(%dma_start3A_326 : memref<25x128xf32, #tpu.memory_space<vmem_shared>>) target_semaphore(%run_scoped3A : memref<!tpu.dma_semaphore, #tpu.memory_space<semaphore_mem>>)
      %dma_wait3A_327 = arith.constant 0 : i32
      %dma_wait3A_328 = tpu.memref_slice %arg15[%add3A_29, %dma_wait3A_327] : memref<10000x128xf32, #tpu.memory_space<vmem_shared>> -> memref<25x128xf32, #tpu.memory_space<vmem_shared>>
      %dma_wait3A_329 = arith.constant 0 : i32
      %dma_wait3A_330 = tpu.memref_slice %arg15[%add3A_29, %dma_wait3A_329] : memref<10000x128xf32, #tpu.memory_space<vmem_shared>> -> memref<25x128xf32, #tpu.memory_space<vmem_shared>>
      tpu.wait_dma2 semaphore(%run_scoped3A : memref<!tpu.dma_semaphore, #tpu.memory_space<semaphore_mem>>) src(%arg13 : memref<25x128xf32, #tpu.memory_space<vmem>>) dst(%dma_wait3A_330 : memref<25x128xf32, #tpu.memory_space<vmem_shared>>)
      tpu.yield
    }) : () -> ()
    %add3A_30 = arith.constant 200 : i32
    %add3A_31 = arith.addi %mul3A_13, %add3A_30 : i32
    "tpu.region"() ({
      %run_scoped3A = tpu.sem_alloc : memref<!tpu.dma_semaphore, #tpu.memory_space<semaphore_mem>>
      %dma_start3A_323 = arith.constant 0 : i32
      %dma_start3A_324 = tpu.memref_slice %arg15[%add3A_31, %dma_start3A_323] : memref<10000x128xf32, #tpu.memory_space<vmem_shared>> -> memref<25x128xf32, #tpu.memory_space<vmem_shared>>
      %dma_start3A_325 = arith.constant 0 : i32
      %dma_start3A_326 = tpu.memref_slice %arg15[%add3A_31, %dma_start3A_325] : memref<10000x128xf32, #tpu.memory_space<vmem_shared>> -> memref<25x128xf32, #tpu.memory_space<vmem_shared>>
      tpu.enqueue_dma source(%arg13 : memref<25x128xf32, #tpu.memory_space<vmem>>) target(%dma_start3A_326 : memref<25x128xf32, #tpu.memory_space<vmem_shared>>) target_semaphore(%run_scoped3A : memref<!tpu.dma_semaphore, #tpu.memory_space<semaphore_mem>>)
      %dma_wait3A_327 = arith.constant 0 : i32
      %dma_wait3A_328 = tpu.memref_slice %arg15[%add3A_31, %dma_wait3A_327] : memref<10000x128xf32, #tpu.memory_space<vmem_shared>> -> memref<25x128xf32, #tpu.memory_space<vmem_shared>>
      %dma_wait3A_329 = arith.constant 0 : i32
      %dma_wait3A_330 = tpu.memref_slice %arg15[%add3A_31, %dma_wait3A_329] : memref<10000x128xf32, #tpu.memory_space<vmem_shared>> -> memref<25x128xf32, #tpu.memory_space<vmem_shared>>
      tpu.wait_dma2 semaphore(%run_scoped3A : memref<!tpu.dma_semaphore, #tpu.memory_space<semaphore_mem>>) src(%arg13 : memref<25x128xf32, #tpu.memory_space<vmem>>) dst(%dma_wait3A_330 : memref<25x128xf32, #tpu.memory_space<vmem_shared>>)
      tpu.yield
    }) : () -> ()
    %add3A_32 = arith.constant 225 : i32
    %add3A_33 = arith.addi %mul3A_13, %add3A_32 : i32
    "tpu.region"() ({
      %run_scoped3A = tpu.sem_alloc : memref<!tpu.dma_semaphore, #tpu.memory_space<semaphore_mem>>
      %dma_start3A_323 = arith.constant 0 : i32
      %dma_start3A_324 = tpu.memref_slice %arg15[%add3A_33, %dma_start3A_323] : memref<10000x128xf32, #tpu.memory_space<vmem_shared>> -> memref<25x128xf32, #tpu.memory_space<vmem_shared>>
      %dma_start3A_325 = arith.constant 0 : i32
      %dma_start3A_326 = tpu.memref_slice %arg15[%add3A_33, %dma_start3A_325] : memref<10000x128xf32, #tpu.memory_space<vmem_shared>> -> memref<25x128xf32, #tpu.memory_space<vmem_shared>>
      tpu.enqueue_dma source(%arg13 : memref<25x128xf32, #tpu.memory_space<vmem>>) target(%dma_start3A_326 : memref<25x128xf32, #tpu.memory_space<vmem_shared>>) target_semaphore(%run_scoped3A : memref<!tpu.dma_semaphore, #tpu.memory_space<semaphore_mem>>)
      %dma_wait3A_327 = arith.constant 0 : i32
      %dma_wait3A_328 = tpu.memref_slice %arg15[%add3A_33, %dma_wait3A_327] : memref<10000x128xf32, #tpu.memory_space<vmem_shared>> -> memref<25x128xf32, #tpu.memory_space<vmem_shared>>
      %dma_wait3A_329 = arith.constant 0 : i32
      %dma_wait3A_330 = tpu.memref_slice %arg15[%add3A_33, %dma_wait3A_329] : memref<10000x128xf32, #tpu.memory_space<vmem_shared>> -> memref<25x128xf32, #tpu.memory_space<vmem_shared>>
      tpu.wait_dma2 semaphore(%run_scoped3A : memref<!tpu.dma_semaphore, #tpu.memory_space<semaphore_mem>>) src(%arg13 : memref<25x128xf32, #tpu.memory_space<vmem>>) dst(%dma_wait3A_330 : memref<25x128xf32, #tpu.memory_space<vmem_shared>>)
      tpu.yield
    }) : () -> ()
    %add3A_34 = arith.constant 250 : i32
    %add3A_35 = arith.addi %mul3A_13, %add3A_34 : i32
    "tpu.region"() ({
      %run_scoped3A = tpu.sem_alloc : memref<!tpu.dma_semaphore, #tpu.memory_space<semaphore_mem>>
      %dma_start3A_323 = arith.constant 0 : i32
      %dma_start3A_324 = tpu.memref_slice %arg15[%add3A_35, %dma_start3A_323] : memref<10000x128xf32, #tpu.memory_space<vmem_shared>> -> memref<25x128xf32, #tpu.memory_space<vmem_shared>>
      %dma_start3A_325 = arith.constant 0 : i32
      %dma_start3A_326 = tpu.memref_slice %arg15[%add3A_35, %dma_start3A_325] : memref<10000x128xf32, #tpu.memory_space<vmem_shared>> -> memref<25x128xf32, #tpu.memory_space<vmem_shared>>
      tpu.enqueue_dma source(%arg13 : memref<25x128xf32, #tpu.memory_space<vmem>>) target(%dma_start3A_326 : memref<25x128xf32, #tpu.memory_space<vmem_shared>>) target_semaphore(%run_scoped3A : memref<!tpu.dma_semaphore, #tpu.memory_space<semaphore_mem>>)
      %dma_wait3A_327 = arith.constant 0 : i32
      %dma_wait3A_328 = tpu.memref_slice %arg15[%add3A_35, %dma_wait3A_327] : memref<10000x128xf32, #tpu.memory_space<vmem_shared>> -> memref<25x128xf32, #tpu.memory_space<vmem_shared>>
      %dma_wait3A_329 = arith.constant 0 : i32
      %dma_wait3A_330 = tpu.memref_slice %arg15[%add3A_35, %dma_wait3A_329] : memref<10000x128xf32, #tpu.memory_space<vmem_shared>> -> memref<25x128xf32, #tpu.memory_space<vmem_shared>>
      tpu.wait_dma2 semaphore(%run_scoped3A : memref<!tpu.dma_semaphore, #tpu.memory_space<semaphore_mem>>) src(%arg13 : memref<25x128xf32, #tpu.memory_space<vmem>>) dst(%dma_wait3A_330 : memref<25x128xf32, #tpu.memory_space<vmem_shared>>)
      tpu.yield
    }) : () -> ()
    %add3A_36 = arith.constant 275 : i32
    %add3A_37 = arith.addi %mul3A_13, %add3A_36 : i32
    "tpu.region"() ({
      %run_scoped3A = tpu.sem_alloc : memref<!tpu.dma_semaphore, #tpu.memory_space<semaphore_mem>>
      %dma_start3A_323 = arith.constant 0 : i32
      %dma_start3A_324 = tpu.memref_slice %arg15[%add3A_37, %dma_start3A_323] : memref<10000x128xf32, #tpu.memory_space<vmem_shared>> -> memref<25x128xf32, #tpu.memory_space<vmem_shared>>
      %dma_start3A_325 = arith.constant 0 : i32
      %dma_start3A_326 = tpu.memref_slice %arg15[%add3A_37, %dma_start3A_325] : memref<10000x128xf32, #tpu.memory_space<vmem_shared>> -> memref<25x128xf32, #tpu.memory_space<vmem_shared>>
      tpu.enqueue_dma source(%arg13 : memref<25x128xf32, #tpu.memory_space<vmem>>) target(%dma_start3A_326 : memref<25x128xf32, #tpu.memory_space<vmem_shared>>) target_semaphore(%run_scoped3A : memref<!tpu.dma_semaphore, #tpu.memory_space<semaphore_mem>>)
      %dma_wait3A_327 = arith.constant 0 : i32
      %dma_wait3A_328 = tpu.memref_slice %arg15[%add3A_37, %dma_wait3A_327] : memref<10000x128xf32, #tpu.memory_space<vmem_shared>> -> memref<25x128xf32, #tpu.memory_space<vmem_shared>>
      %dma_wait3A_329 = arith.constant 0 : i32
      %dma_wait3A_330 = tpu.memref_slice %arg15[%add3A_37, %dma_wait3A_329] : memref<10000x128xf32, #tpu.memory_space<vmem_shared>> -> memref<25x128xf32, #tpu.memory_space<vmem_shared>>
      tpu.wait_dma2 semaphore(%run_scoped3A : memref<!tpu.dma_semaphore, #tpu.memory_space<semaphore_mem>>) src(%arg13 : memref<25x128xf32, #tpu.memory_space<vmem>>) dst(%dma_wait3A_330 : memref<25x128xf32, #tpu.memory_space<vmem_shared>>)
      tpu.yield
    }) : () -> ()
    %add3A_38 = arith.constant 300 : i32
    %add3A_39 = arith.addi %mul3A_13, %add3A_38 : i32
    "tpu.region"() ({
      %run_scoped3A = tpu.sem_alloc : memref<!tpu.dma_semaphore, #tpu.memory_space<semaphore_mem>>
      %dma_start3A_323 = arith.constant 0 : i32
      %dma_start3A_324 = tpu.memref_slice %arg15[%add3A_39, %dma_start3A_323] : memref<10000x128xf32, #tpu.memory_space<vmem_shared>> -> memref<25x128xf32, #tpu.memory_space<vmem_shared>>
      %dma_start3A_325 = arith.constant 0 : i32
      %dma_start3A_326 = tpu.memref_slice %arg15[%add3A_39, %dma_start3A_325] : memref<10000x128xf32, #tpu.memory_space<vmem_shared>> -> memref<25x128xf32, #tpu.memory_space<vmem_shared>>
      tpu.enqueue_dma source(%arg13 : memref<25x128xf32, #tpu.memory_space<vmem>>) target(%dma_start3A_326 : memref<25x128xf32, #tpu.memory_space<vmem_shared>>) target_semaphore(%run_scoped3A : memref<!tpu.dma_semaphore, #tpu.memory_space<semaphore_mem>>)
      %dma_wait3A_327 = arith.constant 0 : i32
      %dma_wait3A_328 = tpu.memref_slice %arg15[%add3A_39, %dma_wait3A_327] : memref<10000x128xf32, #tpu.memory_space<vmem_shared>> -> memref<25x128xf32, #tpu.memory_space<vmem_shared>>
      %dma_wait3A_329 = arith.constant 0 : i32
      %dma_wait3A_330 = tpu.memref_slice %arg15[%add3A_39, %dma_wait3A_329] : memref<10000x128xf32, #tpu.memory_space<vmem_shared>> -> memref<25x128xf32, #tpu.memory_space<vmem_shared>>
      tpu.wait_dma2 semaphore(%run_scoped3A : memref<!tpu.dma_semaphore, #tpu.memory_space<semaphore_mem>>) src(%arg13 : memref<25x128xf32, #tpu.memory_space<vmem>>) dst(%dma_wait3A_330 : memref<25x128xf32, #tpu.memory_space<vmem_shared>>)
      tpu.yield
    }) : () -> ()
    %add3A_40 = arith.constant 325 : i32
    %add3A_41 = arith.addi %mul3A_13, %add3A_40 : i32
    "tpu.region"() ({
      %run_scoped3A = tpu.sem_alloc : memref<!tpu.dma_semaphore, #tpu.memory_space<semaphore_mem>>
      %dma_start3A_323 = arith.constant 0 : i32
      %dma_start3A_324 = tpu.memref_slice %arg15[%add3A_41, %dma_start3A_323] : memref<10000x128xf32, #tpu.memory_space<vmem_shared>> -> memref<25x128xf32, #tpu.memory_space<vmem_shared>>
      %dma_start3A_325 = arith.constant 0 : i32
      %dma_start3A_326 = tpu.memref_slice %arg15[%add3A_41, %dma_start3A_325] : memref<10000x128xf32, #tpu.memory_space<vmem_shared>> -> memref<25x128xf32, #tpu.memory_space<vmem_shared>>
      tpu.enqueue_dma source(%arg13 : memref<25x128xf32, #tpu.memory_space<vmem>>) target(%dma_start3A_326 : memref<25x128xf32, #tpu.memory_space<vmem_shared>>) target_semaphore(%run_scoped3A : memref<!tpu.dma_semaphore, #tpu.memory_space<semaphore_mem>>)
      %dma_wait3A_327 = arith.constant 0 : i32
      %dma_wait3A_328 = tpu.memref_slice %arg15[%add3A_41, %dma_wait3A_327] : memref<10000x128xf32, #tpu.memory_space<vmem_shared>> -> memref<25x128xf32, #tpu.memory_space<vmem_shared>>
      %dma_wait3A_329 = arith.constant 0 : i32
      %dma_wait3A_330 = tpu.memref_slice %arg15[%add3A_41, %dma_wait3A_329] : memref<10000x128xf32, #tpu.memory_space<vmem_shared>> -> memref<25x128xf32, #tpu.memory_space<vmem_shared>>
      tpu.wait_dma2 semaphore(%run_scoped3A : memref<!tpu.dma_semaphore, #tpu.memory_space<semaphore_mem>>) src(%arg13 : memref<25x128xf32, #tpu.memory_space<vmem>>) dst(%dma_wait3A_330 : memref<25x128xf32, #tpu.memory_space<vmem_shared>>)
      tpu.yield
    }) : () -> ()
    %add3A_42 = arith.constant 350 : i32
    %add3A_43 = arith.addi %mul3A_13, %add3A_42 : i32
    "tpu.region"() ({
      %run_scoped3A = tpu.sem_alloc : memref<!tpu.dma_semaphore, #tpu.memory_space<semaphore_mem>>
      %dma_start3A_323 = arith.constant 0 : i32
      %dma_start3A_324 = tpu.memref_slice %arg15[%add3A_43, %dma_start3A_323] : memref<10000x128xf32, #tpu.memory_space<vmem_shared>> -> memref<25x128xf32, #tpu.memory_space<vmem_shared>>
      %dma_start3A_325 = arith.constant 0 : i32
      %dma_start3A_326 = tpu.memref_slice %arg15[%add3A_43, %dma_start3A_325] : memref<10000x128xf32, #tpu.memory_space<vmem_shared>> -> memref<25x128xf32, #tpu.memory_space<vmem_shared>>
      tpu.enqueue_dma source(%arg13 : memref<25x128xf32, #tpu.memory_space<vmem>>) target(%dma_start3A_326 : memref<25x128xf32, #tpu.memory_space<vmem_shared>>) target_semaphore(%run_scoped3A : memref<!tpu.dma_semaphore, #tpu.memory_space<semaphore_mem>>)
      %dma_wait3A_327 = arith.constant 0 : i32
      %dma_wait3A_328 = tpu.memref_slice %arg15[%add3A_43, %dma_wait3A_327] : memref<10000x128xf32, #tpu.memory_space<vmem_shared>> -> memref<25x128xf32, #tpu.memory_space<vmem_shared>>
      %dma_wait3A_329 = arith.constant 0 : i32
      %dma_wait3A_330 = tpu.memref_slice %arg15[%add3A_43, %dma_wait3A_329] : memref<10000x128xf32, #tpu.memory_space<vmem_shared>> -> memref<25x128xf32, #tpu.memory_space<vmem_shared>>
      tpu.wait_dma2 semaphore(%run_scoped3A : memref<!tpu.dma_semaphore, #tpu.memory_space<semaphore_mem>>) src(%arg13 : memref<25x128xf32, #tpu.memory_space<vmem>>) dst(%dma_wait3A_330 : memref<25x128xf32, #tpu.memory_space<vmem_shared>>)
      tpu.yield
    }) : () -> ()
    %add3A_44 = arith.constant 375 : i32
    %add3A_45 = arith.addi %mul3A_13, %add3A_44 : i32
    "tpu.region"() ({
      %run_scoped3A = tpu.sem_alloc : memref<!tpu.dma_semaphore, #tpu.memory_space<semaphore_mem>>
      %dma_start3A_323 = arith.constant 0 : i32
      %dma_start3A_324 = tpu.memref_slice %arg15[%add3A_45, %dma_start3A_323] : memref<10000x128xf32, #tpu.memory_space<vmem_shared>> -> memref<25x128xf32, #tpu.memory_space<vmem_shared>>
      %dma_start3A_325 = arith.constant 0 : i32
      %dma_start3A_326 = tpu.memref_slice %arg15[%add3A_45, %dma_start3A_325] : memref<10000x128xf32, #tpu.memory_space<vmem_shared>> -> memref<25x128xf32, #tpu.memory_space<vmem_shared>>
      tpu.enqueue_dma source(%arg13 : memref<25x128xf32, #tpu.memory_space<vmem>>) target(%dma_start3A_326 : memref<25x128xf32, #tpu.memory_space<vmem_shared>>) target_semaphore(%run_scoped3A : memref<!tpu.dma_semaphore, #tpu.memory_space<semaphore_mem>>)
      %dma_wait3A_327 = arith.constant 0 : i32
      %dma_wait3A_328 = tpu.memref_slice %arg15[%add3A_45, %dma_wait3A_327] : memref<10000x128xf32, #tpu.memory_space<vmem_shared>> -> memref<25x128xf32, #tpu.memory_space<vmem_shared>>
      %dma_wait3A_329 = arith.constant 0 : i32
      %dma_wait3A_330 = tpu.memref_slice %arg15[%add3A_45, %dma_wait3A_329] : memref<10000x128xf32, #tpu.memory_space<vmem_shared>> -> memref<25x128xf32, #tpu.memory_space<vmem_shared>>
      tpu.wait_dma2 semaphore(%run_scoped3A : memref<!tpu.dma_semaphore, #tpu.memory_space<semaphore_mem>>) src(%arg13 : memref<25x128xf32, #tpu.memory_space<vmem>>) dst(%dma_wait3A_330 : memref<25x128xf32, #tpu.memory_space<vmem_shared>>)
      tpu.yield
    }) : () -> ()
    %add3A_46 = arith.constant 400 : i32
    %add3A_47 = arith.addi %mul3A_13, %add3A_46 : i32
    "tpu.region"() ({
      %run_scoped3A = tpu.sem_alloc : memref<!tpu.dma_semaphore, #tpu.memory_space<semaphore_mem>>
      %dma_start3A_323 = arith.constant 0 : i32
      %dma_start3A_324 = tpu.memref_slice %arg15[%add3A_47, %dma_start3A_323] : memref<10000x128xf32, #tpu.memory_space<vmem_shared>> -> memref<25x128xf32, #tpu.memory_space<vmem_shared>>
      %dma_start3A_325 = arith.constant 0 : i32
      %dma_start3A_326 = tpu.memref_slice %arg15[%add3A_47, %dma_start3A_325] : memref<10000x128xf32, #tpu.memory_space<vmem_shared>> -> memref<25x128xf32, #tpu.memory_space<vmem_shared>>
      tpu.enqueue_dma source(%arg13 : memref<25x128xf32, #tpu.memory_space<vmem>>) target(%dma_start3A_326 : memref<25x128xf32, #tpu.memory_space<vmem_shared>>) target_semaphore(%run_scoped3A : memref<!tpu.dma_semaphore, #tpu.memory_space<semaphore_mem>>)
      %dma_wait3A_327 = arith.constant 0 : i32
      %dma_wait3A_328 = tpu.memref_slice %arg15[%add3A_47, %dma_wait3A_327] : memref<10000x128xf32, #tpu.memory_space<vmem_shared>> -> memref<25x128xf32, #tpu.memory_space<vmem_shared>>
      %dma_wait3A_329 = arith.constant 0 : i32
      %dma_wait3A_330 = tpu.memref_slice %arg15[%add3A_47, %dma_wait3A_329] : memref<10000x128xf32, #tpu.memory_space<vmem_shared>> -> memref<25x128xf32, #tpu.memory_space<vmem_shared>>
      tpu.wait_dma2 semaphore(%run_scoped3A : memref<!tpu.dma_semaphore, #tpu.memory_space<semaphore_mem>>) src(%arg13 : memref<25x128xf32, #tpu.memory_space<vmem>>) dst(%dma_wait3A_330 : memref<25x128xf32, #tpu.memory_space<vmem_shared>>)
      tpu.yield
    }) : () -> ()
    %add3A_48 = arith.constant 425 : i32
    %add3A_49 = arith.addi %mul3A_13, %add3A_48 : i32
    "tpu.region"() ({
      %run_scoped3A = tpu.sem_alloc : memref<!tpu.dma_semaphore, #tpu.memory_space<semaphore_mem>>
      %dma_start3A_323 = arith.constant 0 : i32
      %dma_start3A_324 = tpu.memref_slice %arg15[%add3A_49, %dma_start3A_323] : memref<10000x128xf32, #tpu.memory_space<vmem_shared>> -> memref<25x128xf32, #tpu.memory_space<vmem_shared>>
      %dma_start3A_325 = arith.constant 0 : i32
      %dma_start3A_326 = tpu.memref_slice %arg15[%add3A_49, %dma_start3A_325] : memref<10000x128xf32, #tpu.memory_space<vmem_shared>> -> memref<25x128xf32, #tpu.memory_space<vmem_shared>>
      tpu.enqueue_dma source(%arg13 : memref<25x128xf32, #tpu.memory_space<vmem>>) target(%dma_start3A_326 : memref<25x128xf32, #tpu.memory_space<vmem_shared>>) target_semaphore(%run_scoped3A : memref<!tpu.dma_semaphore, #tpu.memory_space<semaphore_mem>>)
      %dma_wait3A_327 = arith.constant 0 : i32
      %dma_wait3A_328 = tpu.memref_slice %arg15[%add3A_49, %dma_wait3A_327] : memref<10000x128xf32, #tpu.memory_space<vmem_shared>> -> memref<25x128xf32, #tpu.memory_space<vmem_shared>>
      %dma_wait3A_329 = arith.constant 0 : i32
      %dma_wait3A_330 = tpu.memref_slice %arg15[%add3A_49, %dma_wait3A_329] : memref<10000x128xf32, #tpu.memory_space<vmem_shared>> -> memref<25x128xf32, #tpu.memory_space<vmem_shared>>
      tpu.wait_dma2 semaphore(%run_scoped3A : memref<!tpu.dma_semaphore, #tpu.memory_space<semaphore_mem>>) src(%arg13 : memref<25x128xf32, #tpu.memory_space<vmem>>) dst(%dma_wait3A_330 : memref<25x128xf32, #tpu.memory_space<vmem_shared>>)
      tpu.yield
    }) : () -> ()
    %add3A_50 = arith.constant 450 : i32
    %add3A_51 = arith.addi %mul3A_13, %add3A_50 : i32
    "tpu.region"() ({
      %run_scoped3A = tpu.sem_alloc : memref<!tpu.dma_semaphore, #tpu.memory_space<semaphore_mem>>
      %dma_start3A_323 = arith.constant 0 : i32
      %dma_start3A_324 = tpu.memref_slice %arg15[%add3A_51, %dma_start3A_323] : memref<10000x128xf32, #tpu.memory_space<vmem_shared>> -> memref<25x128xf32, #tpu.memory_space<vmem_shared>>
      %dma_start3A_325 = arith.constant 0 : i32
      %dma_start3A_326 = tpu.memref_slice %arg15[%add3A_51, %dma_start3A_325] : memref<10000x128xf32, #tpu.memory_space<vmem_shared>> -> memref<25x128xf32, #tpu.memory_space<vmem_shared>>
      tpu.enqueue_dma source(%arg13 : memref<25x128xf32, #tpu.memory_space<vmem>>) target(%dma_start3A_326 : memref<25x128xf32, #tpu.memory_space<vmem_shared>>) target_semaphore(%run_scoped3A : memref<!tpu.dma_semaphore, #tpu.memory_space<semaphore_mem>>)
      %dma_wait3A_327 = arith.constant 0 : i32
      %dma_wait3A_328 = tpu.memref_slice %arg15[%add3A_51, %dma_wait3A_327] : memref<10000x128xf32, #tpu.memory_space<vmem_shared>> -> memref<25x128xf32, #tpu.memory_space<vmem_shared>>
      %dma_wait3A_329 = arith.constant 0 : i32
      %dma_wait3A_330 = tpu.memref_slice %arg15[%add3A_51, %dma_wait3A_329] : memref<10000x128xf32, #tpu.memory_space<vmem_shared>> -> memref<25x128xf32, #tpu.memory_space<vmem_shared>>
      tpu.wait_dma2 semaphore(%run_scoped3A : memref<!tpu.dma_semaphore, #tpu.memory_space<semaphore_mem>>) src(%arg13 : memref<25x128xf32, #tpu.memory_space<vmem>>) dst(%dma_wait3A_330 : memref<25x128xf32, #tpu.memory_space<vmem_shared>>)
      tpu.yield
    }) : () -> ()
    %add3A_52 = arith.constant 475 : i32
    %add3A_53 = arith.addi %mul3A_13, %add3A_52 : i32
    "tpu.region"() ({
      %run_scoped3A = tpu.sem_alloc : memref<!tpu.dma_semaphore, #tpu.memory_space<semaphore_mem>>
      %dma_start3A_323 = arith.constant 0 : i32
      %dma_start3A_324 = tpu.memref_slice %arg15[%add3A_53, %dma_start3A_323] : memref<10000x128xf32, #tpu.memory_space<vmem_shared>> -> memref<25x128xf32, #tpu.memory_space<vmem_shared>>
      %dma_start3A_325 = arith.constant 0 : i32
      %dma_start3A_326 = tpu.memref_slice %arg15[%add3A_53, %dma_start3A_325] : memref<10000x128xf32, #tpu.memory_space<vmem_shared>> -> memref<25x128xf32, #tpu.memory_space<vmem_shared>>
      tpu.enqueue_dma source(%arg13 : memref<25x128xf32, #tpu.memory_space<vmem>>) target(%dma_start3A_326 : memref<25x128xf32, #tpu.memory_space<vmem_shared>>) target_semaphore(%run_scoped3A : memref<!tpu.dma_semaphore, #tpu.memory_space<semaphore_mem>>)
      %dma_wait3A_327 = arith.constant 0 : i32
      %dma_wait3A_328 = tpu.memref_slice %arg15[%add3A_53, %dma_wait3A_327] : memref<10000x128xf32, #tpu.memory_space<vmem_shared>> -> memref<25x128xf32, #tpu.memory_space<vmem_shared>>
      %dma_wait3A_329 = arith.constant 0 : i32
      %dma_wait3A_330 = tpu.memref_slice %arg15[%add3A_53, %dma_wait3A_329] : memref<10000x128xf32, #tpu.memory_space<vmem_shared>> -> memref<25x128xf32, #tpu.memory_space<vmem_shared>>
      tpu.wait_dma2 semaphore(%run_scoped3A : memref<!tpu.dma_semaphore, #tpu.memory_space<semaphore_mem>>) src(%arg13 : memref<25x128xf32, #tpu.memory_space<vmem>>) dst(%dma_wait3A_330 : memref<25x128xf32, #tpu.memory_space<vmem_shared>>)
      tpu.yield
    }) : () -> ()
    %add3A_54 = arith.constant 500 : i32
    %add3A_55 = arith.addi %mul3A_13, %add3A_54 : i32
    "tpu.region"() ({
      %run_scoped3A = tpu.sem_alloc : memref<!tpu.dma_semaphore, #tpu.memory_space<semaphore_mem>>
      %dma_start3A_323 = arith.constant 0 : i32
      %dma_start3A_324 = tpu.memref_slice %arg15[%add3A_55, %dma_start3A_323] : memref<10000x128xf32, #tpu.memory_space<vmem_shared>> -> memref<25x128xf32, #tpu.memory_space<vmem_shared>>
      %dma_start3A_325 = arith.constant 0 : i32
      %dma_start3A_326 = tpu.memref_slice %arg15[%add3A_55, %dma_start3A_325] : memref<10000x128xf32, #tpu.memory_space<vmem_shared>> -> memref<25x128xf32, #tpu.memory_space<vmem_shared>>
      tpu.enqueue_dma source(%arg13 : memref<25x128xf32, #tpu.memory_space<vmem>>) target(%dma_start3A_326 : memref<25x128xf32, #tpu.memory_space<vmem_shared>>) target_semaphore(%run_scoped3A : memref<!tpu.dma_semaphore, #tpu.memory_space<semaphore_mem>>)
      %dma_wait3A_327 = arith.constant 0 : i32
      %dma_wait3A_328 = tpu.memref_slice %arg15[%add3A_55, %dma_wait3A_327] : memref<10000x128xf32, #tpu.memory_space<vmem_shared>> -> memref<25x128xf32, #tpu.memory_space<vmem_shared>>
      %dma_wait3A_329 = arith.constant 0 : i32
      %dma_wait3A_330 = tpu.memref_slice %arg15[%add3A_55, %dma_wait3A_329] : memref<10000x128xf32, #tpu.memory_space<vmem_shared>> -> memref<25x128xf32, #tpu.memory_space<vmem_shared>>
      tpu.wait_dma2 semaphore(%run_scoped3A : memref<!tpu.dma_semaphore, #tpu.memory_space<semaphore_mem>>) src(%arg13 : memref<25x128xf32, #tpu.memory_space<vmem>>) dst(%dma_wait3A_330 : memref<25x128xf32, #tpu.memory_space<vmem_shared>>)
      tpu.yield
    }) : () -> ()
    %add3A_56 = arith.constant 525 : i32
    %add3A_57 = arith.addi %mul3A_13, %add3A_56 : i32
    "tpu.region"() ({
      %run_scoped3A = tpu.sem_alloc : memref<!tpu.dma_semaphore, #tpu.memory_space<semaphore_mem>>
      %dma_start3A_323 = arith.constant 0 : i32
      %dma_start3A_324 = tpu.memref_slice %arg15[%add3A_57, %dma_start3A_323] : memref<10000x128xf32, #tpu.memory_space<vmem_shared>> -> memref<25x128xf32, #tpu.memory_space<vmem_shared>>
      %dma_start3A_325 = arith.constant 0 : i32
      %dma_start3A_326 = tpu.memref_slice %arg15[%add3A_57, %dma_start3A_325] : memref<10000x128xf32, #tpu.memory_space<vmem_shared>> -> memref<25x128xf32, #tpu.memory_space<vmem_shared>>
      tpu.enqueue_dma source(%arg13 : memref<25x128xf32, #tpu.memory_space<vmem>>) target(%dma_start3A_326 : memref<25x128xf32, #tpu.memory_space<vmem_shared>>) target_semaphore(%run_scoped3A : memref<!tpu.dma_semaphore, #tpu.memory_space<semaphore_mem>>)
      %dma_wait3A_327 = arith.constant 0 : i32
      %dma_wait3A_328 = tpu.memref_slice %arg15[%add3A_57, %dma_wait3A_327] : memref<10000x128xf32, #tpu.memory_space<vmem_shared>> -> memref<25x128xf32, #tpu.memory_space<vmem_shared>>
      %dma_wait3A_329 = arith.constant 0 : i32
      %dma_wait3A_330 = tpu.memref_slice %arg15[%add3A_57, %dma_wait3A_329] : memref<10000x128xf32, #tpu.memory_space<vmem_shared>> -> memref<25x128xf32, #tpu.memory_space<vmem_shared>>
      tpu.wait_dma2 semaphore(%run_scoped3A : memref<!tpu.dma_semaphore, #tpu.memory_space<semaphore_mem>>) src(%arg13 : memref<25x128xf32, #tpu.memory_space<vmem>>) dst(%dma_wait3A_330 : memref<25x128xf32, #tpu.memory_space<vmem_shared>>)
      tpu.yield
    }) : () -> ()
    %add3A_58 = arith.constant 550 : i32
    %add3A_59 = arith.addi %mul3A_13, %add3A_58 : i32
    "tpu.region"() ({
      %run_scoped3A = tpu.sem_alloc : memref<!tpu.dma_semaphore, #tpu.memory_space<semaphore_mem>>
      %dma_start3A_323 = arith.constant 0 : i32
      %dma_start3A_324 = tpu.memref_slice %arg15[%add3A_59, %dma_start3A_323] : memref<10000x128xf32, #tpu.memory_space<vmem_shared>> -> memref<25x128xf32, #tpu.memory_space<vmem_shared>>
      %dma_start3A_325 = arith.constant 0 : i32
      %dma_start3A_326 = tpu.memref_slice %arg15[%add3A_59, %dma_start3A_325] : memref<10000x128xf32, #tpu.memory_space<vmem_shared>> -> memref<25x128xf32, #tpu.memory_space<vmem_shared>>
      tpu.enqueue_dma source(%arg13 : memref<25x128xf32, #tpu.memory_space<vmem>>) target(%dma_start3A_326 : memref<25x128xf32, #tpu.memory_space<vmem_shared>>) target_semaphore(%run_scoped3A : memref<!tpu.dma_semaphore, #tpu.memory_space<semaphore_mem>>)
      %dma_wait3A_327 = arith.constant 0 : i32
      %dma_wait3A_328 = tpu.memref_slice %arg15[%add3A_59, %dma_wait3A_327] : memref<10000x128xf32, #tpu.memory_space<vmem_shared>> -> memref<25x128xf32, #tpu.memory_space<vmem_shared>>
      %dma_wait3A_329 = arith.constant 0 : i32
      %dma_wait3A_330 = tpu.memref_slice %arg15[%add3A_59, %dma_wait3A_329] : memref<10000x128xf32, #tpu.memory_space<vmem_shared>> -> memref<25x128xf32, #tpu.memory_space<vmem_shared>>
      tpu.wait_dma2 semaphore(%run_scoped3A : memref<!tpu.dma_semaphore, #tpu.memory_space<semaphore_mem>>) src(%arg13 : memref<25x128xf32, #tpu.memory_space<vmem>>) dst(%dma_wait3A_330 : memref<25x128xf32, #tpu.memory_space<vmem_shared>>)
      tpu.yield
    }) : () -> ()
    %add3A_60 = arith.constant 575 : i32
    %add3A_61 = arith.addi %mul3A_13, %add3A_60 : i32
    "tpu.region"() ({
      %run_scoped3A = tpu.sem_alloc : memref<!tpu.dma_semaphore, #tpu.memory_space<semaphore_mem>>
      %dma_start3A_323 = arith.constant 0 : i32
      %dma_start3A_324 = tpu.memref_slice %arg15[%add3A_61, %dma_start3A_323] : memref<10000x128xf32, #tpu.memory_space<vmem_shared>> -> memref<25x128xf32, #tpu.memory_space<vmem_shared>>
      %dma_start3A_325 = arith.constant 0 : i32
      %dma_start3A_326 = tpu.memref_slice %arg15[%add3A_61, %dma_start3A_325] : memref<10000x128xf32, #tpu.memory_space<vmem_shared>> -> memref<25x128xf32, #tpu.memory_space<vmem_shared>>
      tpu.enqueue_dma source(%arg13 : memref<25x128xf32, #tpu.memory_space<vmem>>) target(%dma_start3A_326 : memref<25x128xf32, #tpu.memory_space<vmem_shared>>) target_semaphore(%run_scoped3A : memref<!tpu.dma_semaphore, #tpu.memory_space<semaphore_mem>>)
      %dma_wait3A_327 = arith.constant 0 : i32
      %dma_wait3A_328 = tpu.memref_slice %arg15[%add3A_61, %dma_wait3A_327] : memref<10000x128xf32, #tpu.memory_space<vmem_shared>> -> memref<25x128xf32, #tpu.memory_space<vmem_shared>>
      %dma_wait3A_329 = arith.constant 0 : i32
      %dma_wait3A_330 = tpu.memref_slice %arg15[%add3A_61, %dma_wait3A_329] : memref<10000x128xf32, #tpu.memory_space<vmem_shared>> -> memref<25x128xf32, #tpu.memory_space<vmem_shared>>
      tpu.wait_dma2 semaphore(%run_scoped3A : memref<!tpu.dma_semaphore, #tpu.memory_space<semaphore_mem>>) src(%arg13 : memref<25x128xf32, #tpu.memory_space<vmem>>) dst(%dma_wait3A_330 : memref<25x128xf32, #tpu.memory_space<vmem_shared>>)
      tpu.yield
    }) : () -> ()
    %add3A_62 = arith.constant 600 : i32
    %add3A_63 = arith.addi %mul3A_13, %add3A_62 : i32
    "tpu.region"() ({
      %run_scoped3A = tpu.sem_alloc : memref<!tpu.dma_semaphore, #tpu.memory_space<semaphore_mem>>
      %dma_start3A_323 = arith.constant 0 : i32
      %dma_start3A_324 = tpu.memref_slice %arg15[%add3A_63, %dma_start3A_323] : memref<10000x128xf32, #tpu.memory_space<vmem_shared>> -> memref<25x128xf32, #tpu.memory_space<vmem_shared>>
      %dma_start3A_325 = arith.constant 0 : i32
      %dma_start3A_326 = tpu.memref_slice %arg15[%add3A_63, %dma_start3A_325] : memref<10000x128xf32, #tpu.memory_space<vmem_shared>> -> memref<25x128xf32, #tpu.memory_space<vmem_shared>>
      tpu.enqueue_dma source(%arg13 : memref<25x128xf32, #tpu.memory_space<vmem>>) target(%dma_start3A_326 : memref<25x128xf32, #tpu.memory_space<vmem_shared>>) target_semaphore(%run_scoped3A : memref<!tpu.dma_semaphore, #tpu.memory_space<semaphore_mem>>)
      %dma_wait3A_327 = arith.constant 0 : i32
      %dma_wait3A_328 = tpu.memref_slice %arg15[%add3A_63, %dma_wait3A_327] : memref<10000x128xf32, #tpu.memory_space<vmem_shared>> -> memref<25x128xf32, #tpu.memory_space<vmem_shared>>
      %dma_wait3A_329 = arith.constant 0 : i32
      %dma_wait3A_330 = tpu.memref_slice %arg15[%add3A_63, %dma_wait3A_329] : memref<10000x128xf32, #tpu.memory_space<vmem_shared>> -> memref<25x128xf32, #tpu.memory_space<vmem_shared>>
      tpu.wait_dma2 semaphore(%run_scoped3A : memref<!tpu.dma_semaphore, #tpu.memory_space<semaphore_mem>>) src(%arg13 : memref<25x128xf32, #tpu.memory_space<vmem>>) dst(%dma_wait3A_330 : memref<25x128xf32, #tpu.memory_space<vmem_shared>>)
      tpu.yield
    }) : () -> ()
    %add3A_64 = arith.constant 0 : i32
    %add3A_65 = arith.addi %mul3A_13, %add3A_64 : i32
    "tpu.region"() ({
      %run_scoped3A = tpu.sem_alloc : memref<!tpu.dma_semaphore, #tpu.memory_space<semaphore_mem>>
      %dma_start3A_323 = arith.constant 0 : i32
      %dma_start3A_324 = tpu.memref_slice %arg16[%add3A_65, %dma_start3A_323] : memref<10000x16xf32, #tpu.memory_space<vmem_shared>> -> memref<125x16xf32, #tpu.memory_space<vmem_shared>>
      %dma_start3A_325 = arith.constant 0 : i32
      %dma_start3A_326 = tpu.memref_slice %arg16[%add3A_65, %dma_start3A_325] : memref<10000x16xf32, #tpu.memory_space<vmem_shared>> -> memref<125x16xf32, #tpu.memory_space<vmem_shared>>
      tpu.enqueue_dma source(%arg14 : memref<125x16xf32, #tpu.memory_space<vmem>>) target(%dma_start3A_326 : memref<125x16xf32, #tpu.memory_space<vmem_shared>>) target_semaphore(%run_scoped3A : memref<!tpu.dma_semaphore, #tpu.memory_space<semaphore_mem>>)
      %dma_wait3A_327 = arith.constant 0 : i32
      %dma_wait3A_328 = tpu.memref_slice %arg16[%add3A_65, %dma_wait3A_327] : memref<10000x16xf32, #tpu.memory_space<vmem_shared>> -> memref<125x16xf32, #tpu.memory_space<vmem_shared>>
      %dma_wait3A_329 = arith.constant 0 : i32
      %dma_wait3A_330 = tpu.memref_slice %arg16[%add3A_65, %dma_wait3A_329] : memref<10000x16xf32, #tpu.memory_space<vmem_shared>> -> memref<125x16xf32, #tpu.memory_space<vmem_shared>>
      tpu.wait_dma2 semaphore(%run_scoped3A : memref<!tpu.dma_semaphore, #tpu.memory_space<semaphore_mem>>) src(%arg14 : memref<125x16xf32, #tpu.memory_space<vmem>>) dst(%dma_wait3A_330 : memref<125x16xf32, #tpu.memory_space<vmem_shared>>)
      tpu.yield
    }) : () -> ()
    %add3A_66 = arith.constant 125 : i32
    %add3A_67 = arith.addi %mul3A_13, %add3A_66 : i32
    "tpu.region"() ({
      %run_scoped3A = tpu.sem_alloc : memref<!tpu.dma_semaphore, #tpu.memory_space<semaphore_mem>>
      %dma_start3A_323 = arith.constant 0 : i32
      %dma_start3A_324 = tpu.memref_slice %arg16[%add3A_67, %dma_start3A_323] : memref<10000x16xf32, #tpu.memory_space<vmem_shared>> -> memref<125x16xf32, #tpu.memory_space<vmem_shared>>
      %dma_start3A_325 = arith.constant 0 : i32
      %dma_start3A_326 = tpu.memref_slice %arg16[%add3A_67, %dma_start3A_325] : memref<10000x16xf32, #tpu.memory_space<vmem_shared>> -> memref<125x16xf32, #tpu.memory_space<vmem_shared>>
      tpu.enqueue_dma source(%arg14 : memref<125x16xf32, #tpu.memory_space<vmem>>) target(%dma_start3A_326 : memref<125x16xf32, #tpu.memory_space<vmem_shared>>) target_semaphore(%run_scoped3A : memref<!tpu.dma_semaphore, #tpu.memory_space<semaphore_mem>>)
      %dma_wait3A_327 = arith.constant 0 : i32
      %dma_wait3A_328 = tpu.memref_slice %arg16[%add3A_67, %dma_wait3A_327] : memref<10000x16xf32, #tpu.memory_space<vmem_shared>> -> memref<125x16xf32, #tpu.memory_space<vmem_shared>>
      %dma_wait3A_329 = arith.constant 0 : i32
      %dma_wait3A_330 = tpu.memref_slice %arg16[%add3A_67, %dma_wait3A_329] : memref<10000x16xf32, #tpu.memory_space<vmem_shared>> -> memref<125x16xf32, #tpu.memory_space<vmem_shared>>
      tpu.wait_dma2 semaphore(%run_scoped3A : memref<!tpu.dma_semaphore, #tpu.memory_space<semaphore_mem>>) src(%arg14 : memref<125x16xf32, #tpu.memory_space<vmem>>) dst(%dma_wait3A_330 : memref<125x16xf32, #tpu.memory_space<vmem_shared>>)
      tpu.yield
    }) : () -> ()
    %add3A_68 = arith.constant 250 : i32
    %add3A_69 = arith.addi %mul3A_13, %add3A_68 : i32
    "tpu.region"() ({
      %run_scoped3A = tpu.sem_alloc : memref<!tpu.dma_semaphore, #tpu.memory_space<semaphore_mem>>
      %dma_start3A_323 = arith.constant 0 : i32
      %dma_start3A_324 = tpu.memref_slice %arg16[%add3A_69, %dma_start3A_323] : memref<10000x16xf32, #tpu.memory_space<vmem_shared>> -> memref<125x16xf32, #tpu.memory_space<vmem_shared>>
      %dma_start3A_325 = arith.constant 0 : i32
      %dma_start3A_326 = tpu.memref_slice %arg16[%add3A_69, %dma_start3A_325] : memref<10000x16xf32, #tpu.memory_space<vmem_shared>> -> memref<125x16xf32, #tpu.memory_space<vmem_shared>>
      tpu.enqueue_dma source(%arg14 : memref<125x16xf32, #tpu.memory_space<vmem>>) target(%dma_start3A_326 : memref<125x16xf32, #tpu.memory_space<vmem_shared>>) target_semaphore(%run_scoped3A : memref<!tpu.dma_semaphore, #tpu.memory_space<semaphore_mem>>)
      %dma_wait3A_327 = arith.constant 0 : i32
      %dma_wait3A_328 = tpu.memref_slice %arg16[%add3A_69, %dma_wait3A_327] : memref<10000x16xf32, #tpu.memory_space<vmem_shared>> -> memref<125x16xf32, #tpu.memory_space<vmem_shared>>
      %dma_wait3A_329 = arith.constant 0 : i32
      %dma_wait3A_330 = tpu.memref_slice %arg16[%add3A_69, %dma_wait3A_329] : memref<10000x16xf32, #tpu.memory_space<vmem_shared>> -> memref<125x16xf32, #tpu.memory_space<vmem_shared>>
      tpu.wait_dma2 semaphore(%run_scoped3A : memref<!tpu.dma_semaphore, #tpu.memory_space<semaphore_mem>>) src(%arg14 : memref<125x16xf32, #tpu.memory_space<vmem>>) dst(%dma_wait3A_330 : memref<125x16xf32, #tpu.memory_space<vmem_shared>>)
      tpu.yield
    }) : () -> ()
    %add3A_70 = arith.constant 375 : i32
    %add3A_71 = arith.addi %mul3A_13, %add3A_70 : i32
    "tpu.region"() ({
      %run_scoped3A = tpu.sem_alloc : memref<!tpu.dma_semaphore, #tpu.memory_space<semaphore_mem>>
      %dma_start3A_323 = arith.constant 0 : i32
      %dma_start3A_324 = tpu.memref_slice %arg16[%add3A_71, %dma_start3A_323] : memref<10000x16xf32, #tpu.memory_space<vmem_shared>> -> memref<125x16xf32, #tpu.memory_space<vmem_shared>>
      %dma_start3A_325 = arith.constant 0 : i32
      %dma_start3A_326 = tpu.memref_slice %arg16[%add3A_71, %dma_start3A_325] : memref<10000x16xf32, #tpu.memory_space<vmem_shared>> -> memref<125x16xf32, #tpu.memory_space<vmem_shared>>
      tpu.enqueue_dma source(%arg14 : memref<125x16xf32, #tpu.memory_space<vmem>>) target(%dma_start3A_326 : memref<125x16xf32, #tpu.memory_space<vmem_shared>>) target_semaphore(%run_scoped3A : memref<!tpu.dma_semaphore, #tpu.memory_space<semaphore_mem>>)
      %dma_wait3A_327 = arith.constant 0 : i32
      %dma_wait3A_328 = tpu.memref_slice %arg16[%add3A_71, %dma_wait3A_327] : memref<10000x16xf32, #tpu.memory_space<vmem_shared>> -> memref<125x16xf32, #tpu.memory_space<vmem_shared>>
      %dma_wait3A_329 = arith.constant 0 : i32
      %dma_wait3A_330 = tpu.memref_slice %arg16[%add3A_71, %dma_wait3A_329] : memref<10000x16xf32, #tpu.memory_space<vmem_shared>> -> memref<125x16xf32, #tpu.memory_space<vmem_shared>>
      tpu.wait_dma2 semaphore(%run_scoped3A : memref<!tpu.dma_semaphore, #tpu.memory_space<semaphore_mem>>) src(%arg14 : memref<125x16xf32, #tpu.memory_space<vmem>>) dst(%dma_wait3A_330 : memref<125x16xf32, #tpu.memory_space<vmem_shared>>)
      tpu.yield
    }) : () -> ()
    %add3A_72 = arith.constant 500 : i32
    %add3A_73 = arith.addi %mul3A_13, %add3A_72 : i32
    "tpu.region"() ({
      %run_scoped3A = tpu.sem_alloc : memref<!tpu.dma_semaphore, #tpu.memory_space<semaphore_mem>>
      %dma_start3A_323 = arith.constant 0 : i32
      %dma_start3A_324 = tpu.memref_slice %arg16[%add3A_73, %dma_start3A_323] : memref<10000x16xf32, #tpu.memory_space<vmem_shared>> -> memref<125x16xf32, #tpu.memory_space<vmem_shared>>
      %dma_start3A_325 = arith.constant 0 : i32
      %dma_start3A_326 = tpu.memref_slice %arg16[%add3A_73, %dma_start3A_325] : memref<10000x16xf32, #tpu.memory_space<vmem_shared>> -> memref<125x16xf32, #tpu.memory_space<vmem_shared>>
      tpu.enqueue_dma source(%arg14 : memref<125x16xf32, #tpu.memory_space<vmem>>) target(%dma_start3A_326 : memref<125x16xf32, #tpu.memory_space<vmem_shared>>) target_semaphore(%run_scoped3A : memref<!tpu.dma_semaphore, #tpu.memory_space<semaphore_mem>>)
      %dma_wait3A_327 = arith.constant 0 : i32
      %dma_wait3A_328 = tpu.memref_slice %arg16[%add3A_73, %dma_wait3A_327] : memref<10000x16xf32, #tpu.memory_space<vmem_shared>> -> memref<125x16xf32, #tpu.memory_space<vmem_shared>>
      %dma_wait3A_329 = arith.constant 0 : i32
      %dma_wait3A_330 = tpu.memref_slice %arg16[%add3A_73, %dma_wait3A_329] : memref<10000x16xf32, #tpu.memory_space<vmem_shared>> -> memref<125x16xf32, #tpu.memory_space<vmem_shared>>
      tpu.wait_dma2 semaphore(%run_scoped3A : memref<!tpu.dma_semaphore, #tpu.memory_space<semaphore_mem>>) src(%arg14 : memref<125x16xf32, #tpu.memory_space<vmem>>) dst(%dma_wait3A_330 : memref<125x16xf32, #tpu.memory_space<vmem_shared>>)
      tpu.yield
    }) : () -> ()
    %scan3A_74 = arith.constant 0 : i32
    %scan3A_75 = arith.constant 0 : i32
    %scan3A_76 = arith.constant 80 : i32
    %scan3A_77 = arith.addi %scan3A_75, %scan3A_76 : i32
    %scan3A_78 = arith.constant 1 : i32
    scf.for %scan3A_323 = %scan3A_75 to %scan3A_77 step %scan3A_78  : i32 {
      %broadcast_in_dim3A = arith.constant 1.000000e+00 : f32
      %broadcast_in_dim3A_324 = vector.broadcast %broadcast_in_dim3A : f32 to vector<16xf32>
      %swap3A = arith.index_cast %scan3A_323 : i32 to index
      %swap3A_325 = arith.constant 0 : index
      %swap3A_326 = tpu.vector_load %arg10[%swap3A, %swap3A_325] {strides = array<i32>} : memref<80x16xf32, #tpu.memory_space<vmem>>, vector<1x16xf32>,
      %swap3A_327 = vector.shape_cast %swap3A_326 : vector<1x16xf32> to vector<16xf32>
      %swap3A_328 = vector.shape_cast %broadcast_in_dim3A_324 : vector<16xf32> to vector<1x16xf32>
      tpu.vector_store %arg10[%swap3A, %swap3A_325], %swap3A_328 {strides = array<i32>} : memref<80x16xf32, #tpu.memory_space<vmem>>, vector<1x16xf32>,
    }
    %scan3A_79 = arith.constant 80 : i32
    %barrier3A = arith.constant 0 : index
    tpu.barrier barrier_id(%barrier3A)
    %mul3A_80 = arith.constant 10000 : i32
    %mul3A_81 = arith.muli %add3A, %mul3A_80 : i32
    %add3A_82 = arith.constant 0 : i32
    %add3A_83 = arith.addi %mul3A_81, %add3A_82 : i32
    %dma_start3A = arith.constant 0 : i32
    %dma_start3A_84 = arith.constant 0 : i32
    %dma_start3A_85 = arith.constant 0 : i32
    %dma_start3A_86 = arith.constant 0 : i32
    %dma_start3A_87 = tpu.memref_slice %arg6[%dma_start3A_84, %dma_start3A_85, %dma_start3A_86] : memref<3x2x80xi32, #tpu.memory_space<vmem>> -> memref<1x1x80xi32, #tpu.memory_space<vmem>>
    %dma_start3A_88 = tpu.memref_squeeze %dma_start3A_87 : memref<1x1x80xi32, #tpu.memory_space<vmem>> -> memref<80xi32, #tpu.memory_space<vmem>>
    %dma_start3A_89 = tpu.memref_slice %arg3[%dma_start3A, %add3A_83] : memref<2x320000xi32, #tpu.memory_space<hbm>> -> memref<1x80xi32, #tpu.memory_space<hbm>>
    %dma_start3A_90 = tpu.memref_squeeze %dma_start3A_89 : memref<1x80xi32, #tpu.memory_space<hbm>> -> memref<80xi32, #tpu.memory_space<hbm>>
    %dma_start3A_91 = arith.constant 0 : i32
    %dma_start3A_92 = tpu.memref_slice %arg6[%dma_start3A_84, %dma_start3A_85, %dma_start3A_91] : memref<3x2x80xi32, #tpu.memory_space<vmem>> -> memref<1x1x80xi32, #tpu.memory_space<vmem>>
    %dma_start3A_93 = tpu.memref_squeeze %dma_start3A_92 : memref<1x1x80xi32, #tpu.memory_space<vmem>> -> memref<80xi32, #tpu.memory_space<vmem>>
    %dma_start3A_94 = tpu.memref_slice %arg3[%dma_start3A, %add3A_83] : memref<2x320000xi32, #tpu.memory_space<hbm>> -> memref<1x80xi32, #tpu.memory_space<hbm>>
    %dma_start3A_95 = tpu.memref_squeeze %dma_start3A_94 : memref<1x80xi32, #tpu.memory_space<hbm>> -> memref<80xi32, #tpu.memory_space<hbm>>
    tpu.enqueue_dma source(%dma_start3A_95 : memref<80xi32, #tpu.memory_space<hbm>>) target(%dma_start3A_93 : memref<80xi32, #tpu.memory_space<vmem>>) target_semaphore(%arg23 : memref<!tpu.dma_semaphore, #tpu.memory_space<semaphore_mem>>)
    %dma_start3A_96 = arith.constant 1 : i32
    %dma_start3A_97 = arith.constant 0 : i32
    %dma_start3A_98 = arith.constant 1 : i32
    %dma_start3A_99 = arith.constant 0 : i32
    %dma_start3A_100 = tpu.memref_slice %arg6[%dma_start3A_97, %dma_start3A_98, %dma_start3A_99] : memref<3x2x80xi32, #tpu.memory_space<vmem>> -> memref<1x1x80xi32, #tpu.memory_space<vmem>>
    %dma_start3A_101 = tpu.memref_squeeze %dma_start3A_100 : memref<1x1x80xi32, #tpu.memory_space<vmem>> -> memref<80xi32, #tpu.memory_space<vmem>>
    %dma_start3A_102 = tpu.memref_slice %arg3[%dma_start3A_96, %add3A_83] : memref<2x320000xi32, #tpu.memory_space<hbm>> -> memref<1x80xi32, #tpu.memory_space<hbm>>
    %dma_start3A_103 = tpu.memref_squeeze %dma_start3A_102 : memref<1x80xi32, #tpu.memory_space<hbm>> -> memref<80xi32, #tpu.memory_space<hbm>>
    %dma_start3A_104 = arith.constant 0 : i32
    %dma_start3A_105 = tpu.memref_slice %arg6[%dma_start3A_97, %dma_start3A_98, %dma_start3A_104] : memref<3x2x80xi32, #tpu.memory_space<vmem>> -> memref<1x1x80xi32, #tpu.memory_space<vmem>>
    %dma_start3A_106 = tpu.memref_squeeze %dma_start3A_105 : memref<1x1x80xi32, #tpu.memory_space<vmem>> -> memref<80xi32, #tpu.memory_space<vmem>>
    %dma_start3A_107 = tpu.memref_slice %arg3[%dma_start3A_96, %add3A_83] : memref<2x320000xi32, #tpu.memory_space<hbm>> -> memref<1x80xi32, #tpu.memory_space<hbm>>
    %dma_start3A_108 = tpu.memref_squeeze %dma_start3A_107 : memref<1x80xi32, #tpu.memory_space<hbm>> -> memref<80xi32, #tpu.memory_space<hbm>>
    tpu.enqueue_dma source(%dma_start3A_108 : memref<80xi32, #tpu.memory_space<hbm>>) target(%dma_start3A_106 : memref<80xi32, #tpu.memory_space<vmem>>) target_semaphore(%arg23 : memref<!tpu.dma_semaphore, #tpu.memory_space<semaphore_mem>>)
    %add3A_109 = arith.constant 0 : i32
    %add3A_110 = arith.addi %mul3A_81, %add3A_109 : i32
    %dma_wait3A = arith.constant 0 : i32
    %dma_wait3A_111 = arith.constant 0 : i32
    %dma_wait3A_112 = arith.constant 0 : i32
    %dma_wait3A_113 = arith.constant 0 : i32
    %dma_wait3A_114 = tpu.memref_slice %arg6[%dma_wait3A_111, %dma_wait3A_112, %dma_wait3A_113] : memref<3x2x80xi32, #tpu.memory_space<vmem>> -> memref<1x1x80xi32, #tpu.memory_space<vmem>>
    %dma_wait3A_115 = tpu.memref_squeeze %dma_wait3A_114 : memref<1x1x80xi32, #tpu.memory_space<vmem>> -> memref<80xi32, #tpu.memory_space<vmem>>
    %dma_wait3A_116 = tpu.memref_slice %arg3[%dma_wait3A, %add3A_110] : memref<2x320000xi32, #tpu.memory_space<hbm>> -> memref<1x80xi32, #tpu.memory_space<hbm>>
    %dma_wait3A_117 = tpu.memref_squeeze %dma_wait3A_116 : memref<1x80xi32, #tpu.memory_space<hbm>> -> memref<80xi32, #tpu.memory_space<hbm>>
    %dma_wait3A_118 = arith.constant 0 : i32
    %dma_wait3A_119 = tpu.memref_slice %arg6[%dma_wait3A_111, %dma_wait3A_112, %dma_wait3A_118] : memref<3x2x80xi32, #tpu.memory_space<vmem>> -> memref<1x1x80xi32, #tpu.memory_space<vmem>>
    %dma_wait3A_120 = tpu.memref_squeeze %dma_wait3A_119 : memref<1x1x80xi32, #tpu.memory_space<vmem>> -> memref<80xi32, #tpu.memory_space<vmem>>
    %dma_wait3A_121 = tpu.memref_slice %arg3[%dma_wait3A, %add3A_110] : memref<2x320000xi32, #tpu.memory_space<hbm>> -> memref<1x80xi32, #tpu.memory_space<hbm>>
    %dma_wait3A_122 = tpu.memref_squeeze %dma_wait3A_121 : memref<1x80xi32, #tpu.memory_space<hbm>> -> memref<80xi32, #tpu.memory_space<hbm>>
    tpu.wait_dma2 semaphore(%arg23 : memref<!tpu.dma_semaphore, #tpu.memory_space<semaphore_mem>>) src(%dma_wait3A_122 : memref<80xi32, #tpu.memory_space<hbm>>) dst(%dma_wait3A_120 : memref<80xi32, #tpu.memory_space<vmem>>)
    %dma_wait3A_123 = arith.constant 1 : i32
    %dma_wait3A_124 = arith.constant 0 : i32
    %dma_wait3A_125 = arith.constant 1 : i32
    %dma_wait3A_126 = arith.constant 0 : i32
    %dma_wait3A_127 = tpu.memref_slice %arg6[%dma_wait3A_124, %dma_wait3A_125, %dma_wait3A_126] : memref<3x2x80xi32, #tpu.memory_space<vmem>> -> memref<1x1x80xi32, #tpu.memory_space<vmem>>
    %dma_wait3A_128 = tpu.memref_squeeze %dma_wait3A_127 : memref<1x1x80xi32, #tpu.memory_space<vmem>> -> memref<80xi32, #tpu.memory_space<vmem>>
    %dma_wait3A_129 = tpu.memref_slice %arg3[%dma_wait3A_123, %add3A_110] : memref<2x320000xi32, #tpu.memory_space<hbm>> -> memref<1x80xi32, #tpu.memory_space<hbm>>
    %dma_wait3A_130 = tpu.memref_squeeze %dma_wait3A_129 : memref<1x80xi32, #tpu.memory_space<hbm>> -> memref<80xi32, #tpu.memory_space<hbm>>
    %dma_wait3A_131 = arith.constant 0 : i32
    %dma_wait3A_132 = tpu.memref_slice %arg6[%dma_wait3A_124, %dma_wait3A_125, %dma_wait3A_131] : memref<3x2x80xi32, #tpu.memory_space<vmem>> -> memref<1x1x80xi32, #tpu.memory_space<vmem>>
    %dma_wait3A_133 = tpu.memref_squeeze %dma_wait3A_132 : memref<1x1x80xi32, #tpu.memory_space<vmem>> -> memref<80xi32, #tpu.memory_space<vmem>>
    %dma_wait3A_134 = tpu.memref_slice %arg3[%dma_wait3A_123, %add3A_110] : memref<2x320000xi32, #tpu.memory_space<hbm>> -> memref<1x80xi32, #tpu.memory_space<hbm>>
    %dma_wait3A_135 = tpu.memref_squeeze %dma_wait3A_134 : memref<1x80xi32, #tpu.memory_space<hbm>> -> memref<80xi32, #tpu.memory_space<hbm>>
    tpu.wait_dma2 semaphore(%arg23 : memref<!tpu.dma_semaphore, #tpu.memory_space<semaphore_mem>>) src(%dma_wait3A_135 : memref<80xi32, #tpu.memory_space<hbm>>) dst(%dma_wait3A_133 : memref<80xi32, #tpu.memory_space<vmem>>)
    %dma_start3A_136 = arith.constant 0 : i32
    %dma_start3A_137 = arith.constant 0 : i32
    %dma_start3A_138 = arith.constant 0 : i32
    %dma_start3A_139 = tpu.memref_slice %arg6[%dma_start3A_136, %dma_start3A_137, %dma_start3A_138] : memref<3x2x80xi32, #tpu.memory_space<vmem>> -> memref<1x1x80xi32, #tpu.memory_space<vmem>>
    %dma_start3A_140 = tpu.memref_squeeze %dma_start3A_139 : memref<1x1x80xi32, #tpu.memory_space<vmem>> -> memref<80xi32, #tpu.memory_space<vmem>>
    %dma_start3A_141 = arith.constant 0 : i32
    %dma_start3A_142 = arith.constant 0 : i32
    %dma_start3A_143 = tpu.memref_slice %arg2[%dma_start3A_141, %dma_start3A_142] : memref<10000x128xf32, #tpu.memory_space<hbm>> -> memref<10000x128xf32, #tpu.memory_space<hbm>>
    tpu.enqueue_indirect_dma source(%dma_start3A_143 : memref<10000x128xf32, #tpu.memory_space<hbm>>) target(%arg7 : memref<80x128xf32, #tpu.memory_space<vmem>>) offsets(%dma_start3A_140 : memref<80xi32, #tpu.memory_space<vmem>>) semaphore(%arg17 : memref<!tpu.dma_semaphore, #tpu.memory_space<semaphore_mem>>)
    %add3A_144 = arith.constant 80 : i32
    %add3A_145 = arith.addi %mul3A_81, %add3A_144 : i32
    %dma_start3A_146 = arith.constant 0 : i32
    %dma_start3A_147 = arith.constant 1 : i32
    %dma_start3A_148 = arith.constant 0 : i32
    %dma_start3A_149 = arith.constant 0 : i32
    %dma_start3A_150 = tpu.memref_slice %arg6[%dma_start3A_147, %dma_start3A_148, %dma_start3A_149] : memref<3x2x80xi32, #tpu.memory_space<vmem>> -> memref<1x1x80xi32, #tpu.memory_space<vmem>>
    %dma_start3A_151 = tpu.memref_squeeze %dma_start3A_150 : memref<1x1x80xi32, #tpu.memory_space<vmem>> -> memref<80xi32, #tpu.memory_space<vmem>>
    %dma_start3A_152 = tpu.memref_slice %arg3[%dma_start3A_146, %add3A_145] : memref<2x320000xi32, #tpu.memory_space<hbm>> -> memref<1x80xi32, #tpu.memory_space<hbm>>
    %dma_start3A_153 = tpu.memref_squeeze %dma_start3A_152 : memref<1x80xi32, #tpu.memory_space<hbm>> -> memref<80xi32, #tpu.memory_space<hbm>>
    %dma_start3A_154 = arith.constant 0 : i32
    %dma_start3A_155 = tpu.memref_slice %arg6[%dma_start3A_147, %dma_start3A_148, %dma_start3A_154] : memref<3x2x80xi32, #tpu.memory_space<vmem>> -> memref<1x1x80xi32, #tpu.memory_space<vmem>>
    %dma_start3A_156 = tpu.memref_squeeze %dma_start3A_155 : memref<1x1x80xi32, #tpu.memory_space<vmem>> -> memref<80xi32, #tpu.memory_space<vmem>>
    %dma_start3A_157 = tpu.memref_slice %arg3[%dma_start3A_146, %add3A_145] : memref<2x320000xi32, #tpu.memory_space<hbm>> -> memref<1x80xi32, #tpu.memory_space<hbm>>
    %dma_start3A_158 = tpu.memref_squeeze %dma_start3A_157 : memref<1x80xi32, #tpu.memory_space<hbm>> -> memref<80xi32, #tpu.memory_space<hbm>>
    tpu.enqueue_dma source(%dma_start3A_158 : memref<80xi32, #tpu.memory_space<hbm>>) target(%dma_start3A_156 : memref<80xi32, #tpu.memory_space<vmem>>) target_semaphore(%arg24 : memref<!tpu.dma_semaphore, #tpu.memory_space<semaphore_mem>>)
    %dma_start3A_159 = arith.constant 1 : i32
    %dma_start3A_160 = arith.constant 1 : i32
    %dma_start3A_161 = arith.constant 1 : i32
    %dma_start3A_162 = arith.constant 0 : i32
    %dma_start3A_163 = tpu.memref_slice %arg6[%dma_start3A_160, %dma_start3A_161, %dma_start3A_162] : memref<3x2x80xi32, #tpu.memory_space<vmem>> -> memref<1x1x80xi32, #tpu.memory_space<vmem>>
    %dma_start3A_164 = tpu.memref_squeeze %dma_start3A_163 : memref<1x1x80xi32, #tpu.memory_space<vmem>> -> memref<80xi32, #tpu.memory_space<vmem>>
    %dma_start3A_165 = tpu.memref_slice %arg3[%dma_start3A_159, %add3A_145] : memref<2x320000xi32, #tpu.memory_space<hbm>> -> memref<1x80xi32, #tpu.memory_space<hbm>>
    %dma_start3A_166 = tpu.memref_squeeze %dma_start3A_165 : memref<1x80xi32, #tpu.memory_space<hbm>> -> memref<80xi32, #tpu.memory_space<hbm>>
    %dma_start3A_167 = arith.constant 0 : i32
    %dma_start3A_168 = tpu.memref_slice %arg6[%dma_start3A_160, %dma_start3A_161, %dma_start3A_167] : memref<3x2x80xi32, #tpu.memory_space<vmem>> -> memref<1x1x80xi32, #tpu.memory_space<vmem>>
    %dma_start3A_169 = tpu.memref_squeeze %dma_start3A_168 : memref<1x1x80xi32, #tpu.memory_space<vmem>> -> memref<80xi32, #tpu.memory_space<vmem>>
    %dma_start3A_170 = tpu.memref_slice %arg3[%dma_start3A_159, %add3A_145] : memref<2x320000xi32, #tpu.memory_space<hbm>> -> memref<1x80xi32, #tpu.memory_space<hbm>>
    %dma_start3A_171 = tpu.memref_squeeze %dma_start3A_170 : memref<1x80xi32, #tpu.memory_space<hbm>> -> memref<80xi32, #tpu.memory_space<hbm>>
    tpu.enqueue_dma source(%dma_start3A_171 : memref<80xi32, #tpu.memory_space<hbm>>) target(%dma_start3A_169 : memref<80xi32, #tpu.memory_space<vmem>>) target_semaphore(%arg24 : memref<!tpu.dma_semaphore, #tpu.memory_space<semaphore_mem>>)
    %add3A_172 = arith.constant 80 : i32
    %add3A_173 = arith.addi %mul3A_81, %add3A_172 : i32
    %dma_wait3A_174 = arith.constant 0 : i32
    %dma_wait3A_175 = arith.constant 1 : i32
    %dma_wait3A_176 = arith.constant 0 : i32
    %dma_wait3A_177 = arith.constant 0 : i32
    %dma_wait3A_178 = tpu.memref_slice %arg6[%dma_wait3A_175, %dma_wait3A_176, %dma_wait3A_177] : memref<3x2x80xi32, #tpu.memory_space<vmem>> -> memref<1x1x80xi32, #tpu.memory_space<vmem>>
    %dma_wait3A_179 = tpu.memref_squeeze %dma_wait3A_178 : memref<1x1x80xi32, #tpu.memory_space<vmem>> -> memref<80xi32, #tpu.memory_space<vmem>>
    %dma_wait3A_180 = tpu.memref_slice %arg3[%dma_wait3A_174, %add3A_173] : memref<2x320000xi32, #tpu.memory_space<hbm>> -> memref<1x80xi32, #tpu.memory_space<hbm>>
    %dma_wait3A_181 = tpu.memref_squeeze %dma_wait3A_180 : memref<1x80xi32, #tpu.memory_space<hbm>> -> memref<80xi32, #tpu.memory_space<hbm>>
    %dma_wait3A_182 = arith.constant 0 : i32
    %dma_wait3A_183 = tpu.memref_slice %arg6[%dma_wait3A_175, %dma_wait3A_176, %dma_wait3A_182] : memref<3x2x80xi32, #tpu.memory_space<vmem>> -> memref<1x1x80xi32, #tpu.memory_space<vmem>>
    %dma_wait3A_184 = tpu.memref_squeeze %dma_wait3A_183 : memref<1x1x80xi32, #tpu.memory_space<vmem>> -> memref<80xi32, #tpu.memory_space<vmem>>
    %dma_wait3A_185 = tpu.memref_slice %arg3[%dma_wait3A_174, %add3A_173] : memref<2x320000xi32, #tpu.memory_space<hbm>> -> memref<1x80xi32, #tpu.memory_space<hbm>>
    %dma_wait3A_186 = tpu.memref_squeeze %dma_wait3A_185 : memref<1x80xi32, #tpu.memory_space<hbm>> -> memref<80xi32, #tpu.memory_space<hbm>>
    tpu.wait_dma2 semaphore(%arg24 : memref<!tpu.dma_semaphore, #tpu.memory_space<semaphore_mem>>) src(%dma_wait3A_186 : memref<80xi32, #tpu.memory_space<hbm>>) dst(%dma_wait3A_184 : memref<80xi32, #tpu.memory_space<vmem>>)
    %dma_wait3A_187 = arith.constant 1 : i32
    %dma_wait3A_188 = arith.constant 1 : i32
    %dma_wait3A_189 = arith.constant 1 : i32
    %dma_wait3A_190 = arith.constant 0 : i32
    %dma_wait3A_191 = tpu.memref_slice %arg6[%dma_wait3A_188, %dma_wait3A_189, %dma_wait3A_190] : memref<3x2x80xi32, #tpu.memory_space<vmem>> -> memref<1x1x80xi32, #tpu.memory_space<vmem>>
    %dma_wait3A_192 = tpu.memref_squeeze %dma_wait3A_191 : memref<1x1x80xi32, #tpu.memory_space<vmem>> -> memref<80xi32, #tpu.memory_space<vmem>>
    %dma_wait3A_193 = tpu.memref_slice %arg3[%dma_wait3A_187, %add3A_173] : memref<2x320000xi32, #tpu.memory_space<hbm>> -> memref<1x80xi32, #tpu.memory_space<hbm>>
    %dma_wait3A_194 = tpu.memref_squeeze %dma_wait3A_193 : memref<1x80xi32, #tpu.memory_space<hbm>> -> memref<80xi32, #tpu.memory_space<hbm>>
    %dma_wait3A_195 = arith.constant 0 : i32
    %dma_wait3A_196 = tpu.memref_slice %arg6[%dma_wait3A_188, %dma_wait3A_189, %dma_wait3A_195] : memref<3x2x80xi32, #tpu.memory_space<vmem>> -> memref<1x1x80xi32, #tpu.memory_space<vmem>>
    %dma_wait3A_197 = tpu.memref_squeeze %dma_wait3A_196 : memref<1x1x80xi32, #tpu.memory_space<vmem>> -> memref<80xi32, #tpu.memory_space<vmem>>
    %dma_wait3A_198 = tpu.memref_slice %arg3[%dma_wait3A_187, %add3A_173] : memref<2x320000xi32, #tpu.memory_space<hbm>> -> memref<1x80xi32, #tpu.memory_space<hbm>>
    %dma_wait3A_199 = tpu.memref_squeeze %dma_wait3A_198 : memref<1x80xi32, #tpu.memory_space<hbm>> -> memref<80xi32, #tpu.memory_space<hbm>>
    tpu.wait_dma2 semaphore(%arg24 : memref<!tpu.dma_semaphore, #tpu.memory_space<semaphore_mem>>) src(%dma_wait3A_199 : memref<80xi32, #tpu.memory_space<hbm>>) dst(%dma_wait3A_197 : memref<80xi32, #tpu.memory_space<vmem>>)
    %dma_start3A_200 = arith.constant 1 : i32
    %dma_start3A_201 = arith.constant 0 : i32
    %dma_start3A_202 = arith.constant 0 : i32
    %dma_start3A_203 = tpu.memref_slice %arg6[%dma_start3A_200, %dma_start3A_201, %dma_start3A_202] : memref<3x2x80xi32, #tpu.memory_space<vmem>> -> memref<1x1x80xi32, #tpu.memory_space<vmem>>
    %dma_start3A_204 = tpu.memref_squeeze %dma_start3A_203 : memref<1x1x80xi32, #tpu.memory_space<vmem>> -> memref<80xi32, #tpu.memory_space<vmem>>
    %dma_start3A_205 = arith.constant 0 : i32
    %dma_start3A_206 = arith.constant 0 : i32
    %dma_start3A_207 = tpu.memref_slice %arg2[%dma_start3A_205, %dma_start3A_206] : memref<10000x128xf32, #tpu.memory_space<hbm>> -> memref<10000x128xf32, #tpu.memory_space<hbm>>
    tpu.enqueue_indirect_dma source(%dma_start3A_207 : memref<10000x128xf32, #tpu.memory_space<hbm>>) target(%arg8 : memref<80x128xf32, #tpu.memory_space<vmem>>) offsets(%dma_start3A_204 : memref<80xi32, #tpu.memory_space<vmem>>) semaphore(%arg18 : memref<!tpu.dma_semaphore, #tpu.memory_space<semaphore_mem>>)
    %add3A_208 = arith.constant 160 : i32
    %add3A_209 = arith.addi %mul3A_81, %add3A_208 : i32
    %dma_start3A_210 = arith.constant 0 : i32
    %dma_start3A_211 = arith.constant 2 : i32
    %dma_start3A_212 = arith.constant 0 : i32
    %dma_start3A_213 = arith.constant 0 : i32
    %dma_start3A_214 = tpu.memref_slice %arg6[%dma_start3A_211, %dma_start3A_212, %dma_start3A_213] : memref<3x2x80xi32, #tpu.memory_space<vmem>> -> memref<1x1x80xi32, #tpu.memory_space<vmem>>
    %dma_start3A_215 = tpu.memref_squeeze %dma_start3A_214 : memref<1x1x80xi32, #tpu.memory_space<vmem>> -> memref<80xi32, #tpu.memory_space<vmem>>
    %dma_start3A_216 = tpu.memref_slice %arg3[%dma_start3A_210, %add3A_209] : memref<2x320000xi32, #tpu.memory_space<hbm>> -> memref<1x80xi32, #tpu.memory_space<hbm>>
    %dma_start3A_217 = tpu.memref_squeeze %dma_start3A_216 : memref<1x80xi32, #tpu.memory_space<hbm>> -> memref<80xi32, #tpu.memory_space<hbm>>
    %dma_start3A_218 = arith.constant 0 : i32
    %dma_start3A_219 = tpu.memref_slice %arg6[%dma_start3A_211, %dma_start3A_212, %dma_start3A_218] : memref<3x2x80xi32, #tpu.memory_space<vmem>> -> memref<1x1x80xi32, #tpu.memory_space<vmem>>
    %dma_start3A_220 = tpu.memref_squeeze %dma_start3A_219 : memref<1x1x80xi32, #tpu.memory_space<vmem>> -> memref<80xi32, #tpu.memory_space<vmem>>
    %dma_start3A_221 = tpu.memref_slice %arg3[%dma_start3A_210, %add3A_209] : memref<2x320000xi32, #tpu.memory_space<hbm>> -> memref<1x80xi32, #tpu.memory_space<hbm>>
    %dma_start3A_222 = tpu.memref_squeeze %dma_start3A_221 : memref<1x80xi32, #tpu.memory_space<hbm>> -> memref<80xi32, #tpu.memory_space<hbm>>
    tpu.enqueue_dma source(%dma_start3A_222 : memref<80xi32, #tpu.memory_space<hbm>>) target(%dma_start3A_220 : memref<80xi32, #tpu.memory_space<vmem>>) target_semaphore(%arg25 : memref<!tpu.dma_semaphore, #tpu.memory_space<semaphore_mem>>)
    %dma_start3A_223 = arith.constant 1 : i32
    %dma_start3A_224 = arith.constant 2 : i32
    %dma_start3A_225 = arith.constant 1 : i32
    %dma_start3A_226 = arith.constant 0 : i32
    %dma_start3A_227 = tpu.memref_slice %arg6[%dma_start3A_224, %dma_start3A_225, %dma_start3A_226] : memref<3x2x80xi32, #tpu.memory_space<vmem>> -> memref<1x1x80xi32, #tpu.memory_space<vmem>>
    %dma_start3A_228 = tpu.memref_squeeze %dma_start3A_227 : memref<1x1x80xi32, #tpu.memory_space<vmem>> -> memref<80xi32, #tpu.memory_space<vmem>>
    %dma_start3A_229 = tpu.memref_slice %arg3[%dma_start3A_223, %add3A_209] : memref<2x320000xi32, #tpu.memory_space<hbm>> -> memref<1x80xi32, #tpu.memory_space<hbm>>
    %dma_start3A_230 = tpu.memref_squeeze %dma_start3A_229 : memref<1x80xi32, #tpu.memory_space<hbm>> -> memref<80xi32, #tpu.memory_space<hbm>>
    %dma_start3A_231 = arith.constant 0 : i32
    %dma_start3A_232 = tpu.memref_slice %arg6[%dma_start3A_224, %dma_start3A_225, %dma_start3A_231] : memref<3x2x80xi32, #tpu.memory_space<vmem>> -> memref<1x1x80xi32, #tpu.memory_space<vmem>>
    %dma_start3A_233 = tpu.memref_squeeze %dma_start3A_232 : memref<1x1x80xi32, #tpu.memory_space<vmem>> -> memref<80xi32, #tpu.memory_space<vmem>>
    %dma_start3A_234 = tpu.memref_slice %arg3[%dma_start3A_223, %add3A_209] : memref<2x320000xi32, #tpu.memory_space<hbm>> -> memref<1x80xi32, #tpu.memory_space<hbm>>
    %dma_start3A_235 = tpu.memref_squeeze %dma_start3A_234 : memref<1x80xi32, #tpu.memory_space<hbm>> -> memref<80xi32, #tpu.memory_space<hbm>>
    tpu.enqueue_dma source(%dma_start3A_235 : memref<80xi32, #tpu.memory_space<hbm>>) target(%dma_start3A_233 : memref<80xi32, #tpu.memory_space<vmem>>) target_semaphore(%arg25 : memref<!tpu.dma_semaphore, #tpu.memory_space<semaphore_mem>>)
    %scan3A_236 = arith.constant 0 : i32
    %scan3A_237 = arith.constant 0 : i32
    %scan3A_238 = arith.constant 41 : i32
    %scan3A_239 = arith.addi %scan3A_237, %scan3A_238 : i32
    %scan3A_240 = arith.constant 1 : i32
    scf.for %scan3A_323 = %scan3A_237 to %scan3A_239 step %scan3A_240  : i32 {
      %mul3A_324 = arith.constant 3 : i32
      %mul3A_325 = arith.muli %mul3A_324, %scan3A_323 : i32
      %add3A_326 = arith.constant 0 : i32
      %add3A_327 = arith.addi %mul3A_325, %add3A_326 : i32
      %dma_wait3A_328 = arith.constant 0 : i32
      %dma_wait3A_329 = arith.constant 0 : i32
      %dma_wait3A_330 = arith.constant 0 : i32
      %dma_wait3A_331 = tpu.memref_slice %arg6[%dma_wait3A_328, %dma_wait3A_329, %dma_wait3A_330] : memref<3x2x80xi32, #tpu.memory_space<vmem>> -> memref<1x1x80xi32, #tpu.memory_space<vmem>>
      %dma_wait3A_332 = tpu.memref_squeeze %dma_wait3A_331 : memref<1x1x80xi32, #tpu.memory_space<vmem>> -> memref<80xi32, #tpu.memory_space<vmem>>
      %dma_wait3A_333 = arith.constant 0 : i32
      %dma_wait3A_334 = arith.constant 0 : i32
      %dma_wait3A_335 = tpu.memref_slice %arg2[%dma_wait3A_333, %dma_wait3A_334] : memref<10000x128xf32, #tpu.memory_space<hbm>> -> memref<10000x128xf32, #tpu.memory_space<hbm>>
      tpu.wait_indirect_dma semaphore(%arg17 : memref<!tpu.dma_semaphore, #tpu.memory_space<semaphore_mem>>) src(%dma_wait3A_335 : memref<10000x128xf32, #tpu.memory_space<hbm>>) dst(%arg7 : memref<80x128xf32, #tpu.memory_space<vmem>>)
      %dma_start3A_336 = arith.constant 0 : i32
      %dma_start3A_337 = arith.constant 1 : i32
      %dma_start3A_338 = arith.constant 0 : i32
      %dma_start3A_339 = tpu.memref_slice %arg6[%dma_start3A_336, %dma_start3A_337, %dma_start3A_338] : memref<3x2x80xi32, #tpu.memory_space<vmem>> -> memref<1x1x80xi32, #tpu.memory_space<vmem>>
      %dma_start3A_340 = tpu.memref_squeeze %dma_start3A_339 : memref<1x1x80xi32, #tpu.memory_space<vmem>> -> memref<80xi32, #tpu.memory_space<vmem>>
      %dma_start3A_341 = arith.constant 0 : i32
      %dma_start3A_342 = arith.constant 0 : i32
      %dma_start3A_343 = tpu.memref_slice %arg15[%dma_start3A_341, %dma_start3A_342] : memref<10000x128xf32, #tpu.memory_space<vmem_shared>> -> memref<10000x128xf32, #tpu.memory_space<vmem_shared>>
      tpu.enqueue_indirect_dma source(%arg7 : memref<80x128xf32, #tpu.memory_space<vmem>>) target(%dma_start3A_343 : memref<10000x128xf32, #tpu.memory_space<vmem_shared>>) offsets(%dma_start3A_340 : memref<80xi32, #tpu.memory_space<vmem>>) semaphore(%arg26 : memref<!tpu.dma_semaphore, #tpu.memory_space<semaphore_mem>>) {add = true}
      %dma_start3A_344 = arith.constant 0 : i32
      %dma_start3A_345 = arith.constant 1 : i32
      %dma_start3A_346 = arith.constant 0 : i32
      %dma_start3A_347 = tpu.memref_slice %arg6[%dma_start3A_344, %dma_start3A_345, %dma_start3A_346] : memref<3x2x80xi32, #tpu.memory_space<vmem>> -> memref<1x1x80xi32, #tpu.memory_space<vmem>>
      %dma_start3A_348 = tpu.memref_squeeze %dma_start3A_347 : memref<1x1x80xi32, #tpu.memory_space<vmem>> -> memref<80xi32, #tpu.memory_space<vmem>>
      %dma_start3A_349 = arith.constant 0 : i32
      %dma_start3A_350 = arith.constant 0 : i32
      %dma_start3A_351 = tpu.memref_slice %arg16[%dma_start3A_349, %dma_start3A_350] : memref<10000x16xf32, #tpu.memory_space<vmem_shared>> -> memref<10000x16xf32, #tpu.memory_space<vmem_shared>>
      tpu.enqueue_indirect_dma source(%arg10 : memref<80x16xf32, #tpu.memory_space<vmem>>) target(%dma_start3A_351 : memref<10000x16xf32, #tpu.memory_space<vmem_shared>>) offsets(%dma_start3A_348 : memref<80xi32, #tpu.memory_space<vmem>>) semaphore(%arg26 : memref<!tpu.dma_semaphore, #tpu.memory_space<semaphore_mem>>) {add = true}
      %dma_wait3A_352 = arith.constant 0 : i32
      %dma_wait3A_353 = arith.constant 1 : i32
      %dma_wait3A_354 = arith.constant 0 : i32
      %dma_wait3A_355 = tpu.memref_slice %arg6[%dma_wait3A_352, %dma_wait3A_353, %dma_wait3A_354] : memref<3x2x80xi32, #tpu.memory_space<vmem>> -> memref<1x1x80xi32, #tpu.memory_space<vmem>>
      %dma_wait3A_356 = tpu.memref_squeeze %dma_wait3A_355 : memref<1x1x80xi32, #tpu.memory_space<vmem>> -> memref<80xi32, #tpu.memory_space<vmem>>
      %dma_wait3A_357 = arith.constant 0 : i32
      %dma_wait3A_358 = arith.constant 0 : i32
      %dma_wait3A_359 = tpu.memref_slice %arg15[%dma_wait3A_357, %dma_wait3A_358] : memref<10000x128xf32, #tpu.memory_space<vmem_shared>> -> memref<10000x128xf32, #tpu.memory_space<vmem_shared>>
      tpu.wait_indirect_dma semaphore(%arg26 : memref<!tpu.dma_semaphore, #tpu.memory_space<semaphore_mem>>) src(%arg7 : memref<80x128xf32, #tpu.memory_space<vmem>>) dst(%dma_wait3A_359 : memref<10000x128xf32, #tpu.memory_space<vmem_shared>>)
      %dma_wait3A_360 = arith.constant 0 : i32
      %dma_wait3A_361 = arith.constant 1 : i32
      %dma_wait3A_362 = arith.constant 0 : i32
      %dma_wait3A_363 = tpu.memref_slice %arg6[%dma_wait3A_360, %dma_wait3A_361, %dma_wait3A_362] : memref<3x2x80xi32, #tpu.memory_space<vmem>> -> memref<1x1x80xi32, #tpu.memory_space<vmem>>
      %dma_wait3A_364 = tpu.memref_squeeze %dma_wait3A_363 : memref<1x1x80xi32, #tpu.memory_space<vmem>> -> memref<80xi32, #tpu.memory_space<vmem>>
      %dma_wait3A_365 = arith.constant 0 : i32
      %dma_wait3A_366 = arith.constant 0 : i32
      %dma_wait3A_367 = tpu.memref_slice %arg16[%dma_wait3A_365, %dma_wait3A_366] : memref<10000x16xf32, #tpu.memory_space<vmem_shared>> -> memref<10000x16xf32, #tpu.memory_space<vmem_shared>>
      tpu.wait_indirect_dma semaphore(%arg26 : memref<!tpu.dma_semaphore, #tpu.memory_space<semaphore_mem>>) src(%arg10 : memref<80x16xf32, #tpu.memory_space<vmem>>) dst(%dma_wait3A_367 : memref<10000x16xf32, #tpu.memory_space<vmem_shared>>)
      %add3A_368 = arith.constant 3 : i32
      %add3A_369 = arith.addi %add3A_327, %add3A_368 : i32
      %lt3A = arith.constant 125 : i32
      %lt3A_370 = arith.cmpi slt, %add3A_369, %lt3A : i32
      %convert_element_type3A = arith.extui %lt3A_370 : i1 to i32
      %cond3A = arith.constant 0 : i32
      %cond3A_371 = arith.cmpi ne, %convert_element_type3A, %cond3A : i32
      scf.if %cond3A_371 {
        %add3A_591 = arith.constant 3 : i32
        %add3A_592 = arith.addi %add3A_327, %add3A_591 : i32
        %mul3A_593 = arith.constant 80 : i32
        %mul3A_594 = arith.muli %add3A_592, %mul3A_593 : i32
        %add3A_595 = arith.addi %mul3A_81, %mul3A_594 : i32
        %dma_start3A_596 = arith.constant 0 : i32
        %dma_start3A_597 = arith.constant 0 : i32
        %dma_start3A_598 = arith.constant 0 : i32
        %dma_start3A_599 = arith.constant 0 : i32
        %dma_start3A_600 = tpu.memref_slice %arg6[%dma_start3A_597, %dma_start3A_598, %dma_start3A_599] : memref<3x2x80xi32, #tpu.memory_space<vmem>> -> memref<1x1x80xi32, #tpu.memory_space<vmem>>
        %dma_start3A_601 = tpu.memref_squeeze %dma_start3A_600 : memref<1x1x80xi32, #tpu.memory_space<vmem>> -> memref<80xi32, #tpu.memory_space<vmem>>
        %dma_start3A_602 = tpu.memref_slice %arg3[%dma_start3A_596, %add3A_595] : memref<2x320000xi32, #tpu.memory_space<hbm>> -> memref<1x80xi32, #tpu.memory_space<hbm>>
        %dma_start3A_603 = tpu.memref_squeeze %dma_start3A_602 : memref<1x80xi32, #tpu.memory_space<hbm>> -> memref<80xi32, #tpu.memory_space<hbm>>
        %dma_start3A_604 = arith.constant 0 : i32
        %dma_start3A_605 = tpu.memref_slice %arg6[%dma_start3A_597, %dma_start3A_598, %dma_start3A_604] : memref<3x2x80xi32, #tpu.memory_space<vmem>> -> memref<1x1x80xi32, #tpu.memory_space<vmem>>
        %dma_start3A_606 = tpu.memref_squeeze %dma_start3A_605 : memref<1x1x80xi32, #tpu.memory_space<vmem>> -> memref<80xi32, #tpu.memory_space<vmem>>
        %dma_start3A_607 = tpu.memref_slice %arg3[%dma_start3A_596, %add3A_595] : memref<2x320000xi32, #tpu.memory_space<hbm>> -> memref<1x80xi32, #tpu.memory_space<hbm>>
        %dma_start3A_608 = tpu.memref_squeeze %dma_start3A_607 : memref<1x80xi32, #tpu.memory_space<hbm>> -> memref<80xi32, #tpu.memory_space<hbm>>
        tpu.enqueue_dma source(%dma_start3A_608 : memref<80xi32, #tpu.memory_space<hbm>>) target(%dma_start3A_606 : memref<80xi32, #tpu.memory_space<vmem>>) target_semaphore(%arg23 : memref<!tpu.dma_semaphore, #tpu.memory_space<semaphore_mem>>)
        %dma_start3A_609 = arith.constant 1 : i32
        %dma_start3A_610 = arith.constant 0 : i32
        %dma_start3A_611 = arith.constant 1 : i32
        %dma_start3A_612 = arith.constant 0 : i32
        %dma_start3A_613 = tpu.memref_slice %arg6[%dma_start3A_610, %dma_start3A_611, %dma_start3A_612] : memref<3x2x80xi32, #tpu.memory_space<vmem>> -> memref<1x1x80xi32, #tpu.memory_space<vmem>>
        %dma_start3A_614 = tpu.memref_squeeze %dma_start3A_613 : memref<1x1x80xi32, #tpu.memory_space<vmem>> -> memref<80xi32, #tpu.memory_space<vmem>>
        %dma_start3A_615 = tpu.memref_slice %arg3[%dma_start3A_609, %add3A_595] : memref<2x320000xi32, #tpu.memory_space<hbm>> -> memref<1x80xi32, #tpu.memory_space<hbm>>
        %dma_start3A_616 = tpu.memref_squeeze %dma_start3A_615 : memref<1x80xi32, #tpu.memory_space<hbm>> -> memref<80xi32, #tpu.memory_space<hbm>>
        %dma_start3A_617 = arith.constant 0 : i32
        %dma_start3A_618 = tpu.memref_slice %arg6[%dma_start3A_610, %dma_start3A_611, %dma_start3A_617] : memref<3x2x80xi32, #tpu.memory_space<vmem>> -> memref<1x1x80xi32, #tpu.memory_space<vmem>>
        %dma_start3A_619 = tpu.memref_squeeze %dma_start3A_618 : memref<1x1x80xi32, #tpu.memory_space<vmem>> -> memref<80xi32, #tpu.memory_space<vmem>>
        %dma_start3A_620 = tpu.memref_slice %arg3[%dma_start3A_609, %add3A_595] : memref<2x320000xi32, #tpu.memory_space<hbm>> -> memref<1x80xi32, #tpu.memory_space<hbm>>
        %dma_start3A_621 = tpu.memref_squeeze %dma_start3A_620 : memref<1x80xi32, #tpu.memory_space<hbm>> -> memref<80xi32, #tpu.memory_space<hbm>>
        tpu.enqueue_dma source(%dma_start3A_621 : memref<80xi32, #tpu.memory_space<hbm>>) target(%dma_start3A_619 : memref<80xi32, #tpu.memory_space<vmem>>) target_semaphore(%arg23 : memref<!tpu.dma_semaphore, #tpu.memory_space<semaphore_mem>>)
      } else {
      }
      %add3A_372 = arith.constant 2 : i32
      %add3A_373 = arith.addi %add3A_327, %add3A_372 : i32
      %mul3A_374 = arith.constant 80 : i32
      %mul3A_375 = arith.muli %add3A_373, %mul3A_374 : i32
      %add3A_376 = arith.addi %mul3A_81, %mul3A_375 : i32
      %dma_wait3A_377 = arith.constant 0 : i32
      %dma_wait3A_378 = arith.constant 2 : i32
      %dma_wait3A_379 = arith.constant 0 : i32
      %dma_wait3A_380 = arith.constant 0 : i32
      %dma_wait3A_381 = tpu.memref_slice %arg6[%dma_wait3A_378, %dma_wait3A_379, %dma_wait3A_380] : memref<3x2x80xi32, #tpu.memory_space<vmem>> -> memref<1x1x80xi32, #tpu.memory_space<vmem>>
      %dma_wait3A_382 = tpu.memref_squeeze %dma_wait3A_381 : memref<1x1x80xi32, #tpu.memory_space<vmem>> -> memref<80xi32, #tpu.memory_space<vmem>>
      %dma_wait3A_383 = tpu.memref_slice %arg3[%dma_wait3A_377, %add3A_376] : memref<2x320000xi32, #tpu.memory_space<hbm>> -> memref<1x80xi32, #tpu.memory_space<hbm>>
      %dma_wait3A_384 = tpu.memref_squeeze %dma_wait3A_383 : memref<1x80xi32, #tpu.memory_space<hbm>> -> memref<80xi32, #tpu.memory_space<hbm>>
      %dma_wait3A_385 = arith.constant 0 : i32
      %dma_wait3A_386 = tpu.memref_slice %arg6[%dma_wait3A_378, %dma_wait3A_379, %dma_wait3A_385] : memref<3x2x80xi32, #tpu.memory_space<vmem>> -> memref<1x1x80xi32, #tpu.memory_space<vmem>>
      %dma_wait3A_387 = tpu.memref_squeeze %dma_wait3A_386 : memref<1x1x80xi32, #tpu.memory_space<vmem>> -> memref<80xi32, #tpu.memory_space<vmem>>
      %dma_wait3A_388 = tpu.memref_slice %arg3[%dma_wait3A_377, %add3A_376] : memref<2x320000xi32, #tpu.memory_space<hbm>> -> memref<1x80xi32, #tpu.memory_space<hbm>>
      %dma_wait3A_389 = tpu.memref_squeeze %dma_wait3A_388 : memref<1x80xi32, #tpu.memory_space<hbm>> -> memref<80xi32, #tpu.memory_space<hbm>>
      tpu.wait_dma2 semaphore(%arg25 : memref<!tpu.dma_semaphore, #tpu.memory_space<semaphore_mem>>) src(%dma_wait3A_389 : memref<80xi32, #tpu.memory_space<hbm>>) dst(%dma_wait3A_387 : memref<80xi32, #tpu.memory_space<vmem>>)
      %dma_wait3A_390 = arith.constant 1 : i32
      %dma_wait3A_391 = arith.constant 2 : i32
      %dma_wait3A_392 = arith.constant 1 : i32
      %dma_wait3A_393 = arith.constant 0 : i32
      %dma_wait3A_394 = tpu.memref_slice %arg6[%dma_wait3A_391, %dma_wait3A_392, %dma_wait3A_393] : memref<3x2x80xi32, #tpu.memory_space<vmem>> -> memref<1x1x80xi32, #tpu.memory_space<vmem>>
      %dma_wait3A_395 = tpu.memref_squeeze %dma_wait3A_394 : memref<1x1x80xi32, #tpu.memory_space<vmem>> -> memref<80xi32, #tpu.memory_space<vmem>>
      %dma_wait3A_396 = tpu.memref_slice %arg3[%dma_wait3A_390, %add3A_376] : memref<2x320000xi32, #tpu.memory_space<hbm>> -> memref<1x80xi32, #tpu.memory_space<hbm>>
      %dma_wait3A_397 = tpu.memref_squeeze %dma_wait3A_396 : memref<1x80xi32, #tpu.memory_space<hbm>> -> memref<80xi32, #tpu.memory_space<hbm>>
      %dma_wait3A_398 = arith.constant 0 : i32
      %dma_wait3A_399 = tpu.memref_slice %arg6[%dma_wait3A_391, %dma_wait3A_392, %dma_wait3A_398] : memref<3x2x80xi32, #tpu.memory_space<vmem>> -> memref<1x1x80xi32, #tpu.memory_space<vmem>>
      %dma_wait3A_400 = tpu.memref_squeeze %dma_wait3A_399 : memref<1x1x80xi32, #tpu.memory_space<vmem>> -> memref<80xi32, #tpu.memory_space<vmem>>
      %dma_wait3A_401 = tpu.memref_slice %arg3[%dma_wait3A_390, %add3A_376] : memref<2x320000xi32, #tpu.memory_space<hbm>> -> memref<1x80xi32, #tpu.memory_space<hbm>>
      %dma_wait3A_402 = tpu.memref_squeeze %dma_wait3A_401 : memref<1x80xi32, #tpu.memory_space<hbm>> -> memref<80xi32, #tpu.memory_space<hbm>>
      tpu.wait_dma2 semaphore(%arg25 : memref<!tpu.dma_semaphore, #tpu.memory_space<semaphore_mem>>) src(%dma_wait3A_402 : memref<80xi32, #tpu.memory_space<hbm>>) dst(%dma_wait3A_400 : memref<80xi32, #tpu.memory_space<vmem>>)
      %dma_start3A_403 = arith.constant 2 : i32
      %dma_start3A_404 = arith.constant 0 : i32
      %dma_start3A_405 = arith.constant 0 : i32
      %dma_start3A_406 = tpu.memref_slice %arg6[%dma_start3A_403, %dma_start3A_404, %dma_start3A_405] : memref<3x2x80xi32, #tpu.memory_space<vmem>> -> memref<1x1x80xi32, #tpu.memory_space<vmem>>
      %dma_start3A_407 = tpu.memref_squeeze %dma_start3A_406 : memref<1x1x80xi32, #tpu.memory_space<vmem>> -> memref<80xi32, #tpu.memory_space<vmem>>
      %dma_start3A_408 = arith.constant 0 : i32
      %dma_start3A_409 = arith.constant 0 : i32
      %dma_start3A_410 = tpu.memref_slice %arg2[%dma_start3A_408, %dma_start3A_409] : memref<10000x128xf32, #tpu.memory_space<hbm>> -> memref<10000x128xf32, #tpu.memory_space<hbm>>
      tpu.enqueue_indirect_dma source(%dma_start3A_410 : memref<10000x128xf32, #tpu.memory_space<hbm>>) target(%arg9 : memref<80x128xf32, #tpu.memory_space<vmem>>) offsets(%dma_start3A_407 : memref<80xi32, #tpu.memory_space<vmem>>) semaphore(%arg19 : memref<!tpu.dma_semaphore, #tpu.memory_space<semaphore_mem>>)
      %mul3A_411 = arith.constant 3 : i32
      %mul3A_412 = arith.muli %mul3A_411, %scan3A_323 : i32
      %add3A_413 = arith.constant 1 : i32
      %add3A_414 = arith.addi %mul3A_412, %add3A_413 : i32
      %dma_wait3A_415 = arith.constant 1 : i32
      %dma_wait3A_416 = arith.constant 0 : i32
      %dma_wait3A_417 = arith.constant 0 : i32
      %dma_wait3A_418 = tpu.memref_slice %arg6[%dma_wait3A_415, %dma_wait3A_416, %dma_wait3A_417] : memref<3x2x80xi32, #tpu.memory_space<vmem>> -> memref<1x1x80xi32, #tpu.memory_space<vmem>>
      %dma_wait3A_419 = tpu.memref_squeeze %dma_wait3A_418 : memref<1x1x80xi32, #tpu.memory_space<vmem>> -> memref<80xi32, #tpu.memory_space<vmem>>
      %dma_wait3A_420 = arith.constant 0 : i32
      %dma_wait3A_421 = arith.constant 0 : i32
      %dma_wait3A_422 = tpu.memref_slice %arg2[%dma_wait3A_420, %dma_wait3A_421] : memref<10000x128xf32, #tpu.memory_space<hbm>> -> memref<10000x128xf32, #tpu.memory_space<hbm>>
      tpu.wait_indirect_dma semaphore(%arg18 : memref<!tpu.dma_semaphore, #tpu.memory_space<semaphore_mem>>) src(%dma_wait3A_422 : memref<10000x128xf32, #tpu.memory_space<hbm>>) dst(%arg8 : memref<80x128xf32, #tpu.memory_space<vmem>>)
      %dma_start3A_423 = arith.constant 1 : i32
      %dma_start3A_424 = arith.constant 1 : i32
      %dma_start3A_425 = arith.constant 0 : i32
      %dma_start3A_426 = tpu.memref_slice %arg6[%dma_start3A_423, %dma_start3A_424, %dma_start3A_425] : memref<3x2x80xi32, #tpu.memory_space<vmem>> -> memref<1x1x80xi32, #tpu.memory_space<vmem>>
      %dma_start3A_427 = tpu.memref_squeeze %dma_start3A_426 : memref<1x1x80xi32, #tpu.memory_space<vmem>> -> memref<80xi32, #tpu.memory_space<vmem>>
      %dma_start3A_428 = arith.constant 0 : i32
      %dma_start3A_429 = arith.constant 0 : i32
      %dma_start3A_430 = tpu.memref_slice %arg15[%dma_start3A_428, %dma_start3A_429] : memref<10000x128xf32, #tpu.memory_space<vmem_shared>> -> memref<10000x128xf32, #tpu.memory_space<vmem_shared>>
      tpu.enqueue_indirect_dma source(%arg8 : memref<80x128xf32, #tpu.memory_space<vmem>>) target(%dma_start3A_430 : memref<10000x128xf32, #tpu.memory_space<vmem_shared>>) offsets(%dma_start3A_427 : memref<80xi32, #tpu.memory_space<vmem>>) semaphore(%arg27 : memref<!tpu.dma_semaphore, #tpu.memory_space<semaphore_mem>>) {add = true}
      %dma_start3A_431 = arith.constant 1 : i32
      %dma_start3A_432 = arith.constant 1 : i32
      %dma_start3A_433 = arith.constant 0 : i32
      %dma_start3A_434 = tpu.memref_slice %arg6[%dma_start3A_431, %dma_start3A_432, %dma_start3A_433] : memref<3x2x80xi32, #tpu.memory_space<vmem>> -> memref<1x1x80xi32, #tpu.memory_space<vmem>>
      %dma_start3A_435 = tpu.memref_squeeze %dma_start3A_434 : memref<1x1x80xi32, #tpu.memory_space<vmem>> -> memref<80xi32, #tpu.memory_space<vmem>>
      %dma_start3A_436 = arith.constant 0 : i32
      %dma_start3A_437 = arith.constant 0 : i32
      %dma_start3A_438 = tpu.memref_slice %arg16[%dma_start3A_436, %dma_start3A_437] : memref<10000x16xf32, #tpu.memory_space<vmem_shared>> -> memref<10000x16xf32, #tpu.memory_space<vmem_shared>>
      tpu.enqueue_indirect_dma source(%arg10 : memref<80x16xf32, #tpu.memory_space<vmem>>) target(%dma_start3A_438 : memref<10000x16xf32, #tpu.memory_space<vmem_shared>>) offsets(%dma_start3A_435 : memref<80xi32, #tpu.memory_space<vmem>>) semaphore(%arg27 : memref<!tpu.dma_semaphore, #tpu.memory_space<semaphore_mem>>) {add = true}
      %dma_wait3A_439 = arith.constant 1 : i32
      %dma_wait3A_440 = arith.constant 1 : i32
      %dma_wait3A_441 = arith.constant 0 : i32
      %dma_wait3A_442 = tpu.memref_slice %arg6[%dma_wait3A_439, %dma_wait3A_440, %dma_wait3A_441] : memref<3x2x80xi32, #tpu.memory_space<vmem>> -> memref<1x1x80xi32, #tpu.memory_space<vmem>>
      %dma_wait3A_443 = tpu.memref_squeeze %dma_wait3A_442 : memref<1x1x80xi32, #tpu.memory_space<vmem>> -> memref<80xi32, #tpu.memory_space<vmem>>
      %dma_wait3A_444 = arith.constant 0 : i32
      %dma_wait3A_445 = arith.constant 0 : i32
      %dma_wait3A_446 = tpu.memref_slice %arg15[%dma_wait3A_444, %dma_wait3A_445] : memref<10000x128xf32, #tpu.memory_space<vmem_shared>> -> memref<10000x128xf32, #tpu.memory_space<vmem_shared>>
      tpu.wait_indirect_dma semaphore(%arg27 : memref<!tpu.dma_semaphore, #tpu.memory_space<semaphore_mem>>) src(%arg8 : memref<80x128xf32, #tpu.memory_space<vmem>>) dst(%dma_wait3A_446 : memref<10000x128xf32, #tpu.memory_space<vmem_shared>>)
      %dma_wait3A_447 = arith.constant 1 : i32
      %dma_wait3A_448 = arith.constant 1 : i32
      %dma_wait3A_449 = arith.constant 0 : i32
      %dma_wait3A_450 = tpu.memref_slice %arg6[%dma_wait3A_447, %dma_wait3A_448, %dma_wait3A_449] : memref<3x2x80xi32, #tpu.memory_space<vmem>> -> memref<1x1x80xi32, #tpu.memory_space<vmem>>
      %dma_wait3A_451 = tpu.memref_squeeze %dma_wait3A_450 : memref<1x1x80xi32, #tpu.memory_space<vmem>> -> memref<80xi32, #tpu.memory_space<vmem>>
      %dma_wait3A_452 = arith.constant 0 : i32
      %dma_wait3A_453 = arith.constant 0 : i32
      %dma_wait3A_454 = tpu.memref_slice %arg16[%dma_wait3A_452, %dma_wait3A_453] : memref<10000x16xf32, #tpu.memory_space<vmem_shared>> -> memref<10000x16xf32, #tpu.memory_space<vmem_shared>>
      tpu.wait_indirect_dma semaphore(%arg27 : memref<!tpu.dma_semaphore, #tpu.memory_space<semaphore_mem>>) src(%arg10 : memref<80x16xf32, #tpu.memory_space<vmem>>) dst(%dma_wait3A_454 : memref<10000x16xf32, #tpu.memory_space<vmem_shared>>)
      %add3A_455 = arith.constant 3 : i32
      %add3A_456 = arith.addi %add3A_414, %add3A_455 : i32
      %lt3A_457 = arith.constant 125 : i32
      %lt3A_458 = arith.cmpi slt, %add3A_456, %lt3A_457 : i32
      %convert_element_type3A_459 = arith.extui %lt3A_458 : i1 to i32
      %cond3A_460 = arith.constant 0 : i32
      %cond3A_461 = arith.cmpi ne, %convert_element_type3A_459, %cond3A_460 : i32
      scf.if %cond3A_461 {
        %add3A_591 = arith.constant 3 : i32
        %add3A_592 = arith.addi %add3A_414, %add3A_591 : i32
        %mul3A_593 = arith.constant 80 : i32
        %mul3A_594 = arith.muli %add3A_592, %mul3A_593 : i32
        %add3A_595 = arith.addi %mul3A_81, %mul3A_594 : i32
        %dma_start3A_596 = arith.constant 0 : i32
        %dma_start3A_597 = arith.constant 1 : i32
        %dma_start3A_598 = arith.constant 0 : i32
        %dma_start3A_599 = arith.constant 0 : i32
        %dma_start3A_600 = tpu.memref_slice %arg6[%dma_start3A_597, %dma_start3A_598, %dma_start3A_599] : memref<3x2x80xi32, #tpu.memory_space<vmem>> -> memref<1x1x80xi32, #tpu.memory_space<vmem>>
        %dma_start3A_601 = tpu.memref_squeeze %dma_start3A_600 : memref<1x1x80xi32, #tpu.memory_space<vmem>> -> memref<80xi32, #tpu.memory_space<vmem>>
        %dma_start3A_602 = tpu.memref_slice %arg3[%dma_start3A_596, %add3A_595] : memref<2x320000xi32, #tpu.memory_space<hbm>> -> memref<1x80xi32, #tpu.memory_space<hbm>>
        %dma_start3A_603 = tpu.memref_squeeze %dma_start3A_602 : memref<1x80xi32, #tpu.memory_space<hbm>> -> memref<80xi32, #tpu.memory_space<hbm>>
        %dma_start3A_604 = arith.constant 0 : i32
        %dma_start3A_605 = tpu.memref_slice %arg6[%dma_start3A_597, %dma_start3A_598, %dma_start3A_604] : memref<3x2x80xi32, #tpu.memory_space<vmem>> -> memref<1x1x80xi32, #tpu.memory_space<vmem>>
        %dma_start3A_606 = tpu.memref_squeeze %dma_start3A_605 : memref<1x1x80xi32, #tpu.memory_space<vmem>> -> memref<80xi32, #tpu.memory_space<vmem>>
        %dma_start3A_607 = tpu.memref_slice %arg3[%dma_start3A_596, %add3A_595] : memref<2x320000xi32, #tpu.memory_space<hbm>> -> memref<1x80xi32, #tpu.memory_space<hbm>>
        %dma_start3A_608 = tpu.memref_squeeze %dma_start3A_607 : memref<1x80xi32, #tpu.memory_space<hbm>> -> memref<80xi32, #tpu.memory_space<hbm>>
        tpu.enqueue_dma source(%dma_start3A_608 : memref<80xi32, #tpu.memory_space<hbm>>) target(%dma_start3A_606 : memref<80xi32, #tpu.memory_space<vmem>>) target_semaphore(%arg24 : memref<!tpu.dma_semaphore, #tpu.memory_space<semaphore_mem>>)
        %dma_start3A_609 = arith.constant 1 : i32
        %dma_start3A_610 = arith.constant 1 : i32
        %dma_start3A_611 = arith.constant 1 : i32
        %dma_start3A_612 = arith.constant 0 : i32
        %dma_start3A_613 = tpu.memref_slice %arg6[%dma_start3A_610, %dma_start3A_611, %dma_start3A_612] : memref<3x2x80xi32, #tpu.memory_space<vmem>> -> memref<1x1x80xi32, #tpu.memory_space<vmem>>
        %dma_start3A_614 = tpu.memref_squeeze %dma_start3A_613 : memref<1x1x80xi32, #tpu.memory_space<vmem>> -> memref<80xi32, #tpu.memory_space<vmem>>
        %dma_start3A_615 = tpu.memref_slice %arg3[%dma_start3A_609, %add3A_595] : memref<2x320000xi32, #tpu.memory_space<hbm>> -> memref<1x80xi32, #tpu.memory_space<hbm>>
        %dma_start3A_616 = tpu.memref_squeeze %dma_start3A_615 : memref<1x80xi32, #tpu.memory_space<hbm>> -> memref<80xi32, #tpu.memory_space<hbm>>
        %dma_start3A_617 = arith.constant 0 : i32
        %dma_start3A_618 = tpu.memref_slice %arg6[%dma_start3A_610, %dma_start3A_611, %dma_start3A_617] : memref<3x2x80xi32, #tpu.memory_space<vmem>> -> memref<1x1x80xi32, #tpu.memory_space<vmem>>
        %dma_start3A_619 = tpu.memref_squeeze %dma_start3A_618 : memref<1x1x80xi32, #tpu.memory_space<vmem>> -> memref<80xi32, #tpu.memory_space<vmem>>
        %dma_start3A_620 = tpu.memref_slice %arg3[%dma_start3A_609, %add3A_595] : memref<2x320000xi32, #tpu.memory_space<hbm>> -> memref<1x80xi32, #tpu.memory_space<hbm>>
        %dma_start3A_621 = tpu.memref_squeeze %dma_start3A_620 : memref<1x80xi32, #tpu.memory_space<hbm>> -> memref<80xi32, #tpu.memory_space<hbm>>
        tpu.enqueue_dma source(%dma_start3A_621 : memref<80xi32, #tpu.memory_space<hbm>>) target(%dma_start3A_619 : memref<80xi32, #tpu.memory_space<vmem>>) target_semaphore(%arg24 : memref<!tpu.dma_semaphore, #tpu.memory_space<semaphore_mem>>)
      } else {
      }
      %add3A_462 = arith.constant 2 : i32
      %add3A_463 = arith.addi %add3A_414, %add3A_462 : i32
      %mul3A_464 = arith.constant 80 : i32
      %mul3A_465 = arith.muli %add3A_463, %mul3A_464 : i32
      %add3A_466 = arith.addi %mul3A_81, %mul3A_465 : i32
      %dma_wait3A_467 = arith.constant 0 : i32
      %dma_wait3A_468 = arith.constant 0 : i32
      %dma_wait3A_469 = arith.constant 0 : i32
      %dma_wait3A_470 = arith.constant 0 : i32
      %dma_wait3A_471 = tpu.memref_slice %arg6[%dma_wait3A_468, %dma_wait3A_469, %dma_wait3A_470] : memref<3x2x80xi32, #tpu.memory_space<vmem>> -> memref<1x1x80xi32, #tpu.memory_space<vmem>>
      %dma_wait3A_472 = tpu.memref_squeeze %dma_wait3A_471 : memref<1x1x80xi32, #tpu.memory_space<vmem>> -> memref<80xi32, #tpu.memory_space<vmem>>
      %dma_wait3A_473 = tpu.memref_slice %arg3[%dma_wait3A_467, %add3A_466] : memref<2x320000xi32, #tpu.memory_space<hbm>> -> memref<1x80xi32, #tpu.memory_space<hbm>>
      %dma_wait3A_474 = tpu.memref_squeeze %dma_wait3A_473 : memref<1x80xi32, #tpu.memory_space<hbm>> -> memref<80xi32, #tpu.memory_space<hbm>>
      %dma_wait3A_475 = arith.constant 0 : i32
      %dma_wait3A_476 = tpu.memref_slice %arg6[%dma_wait3A_468, %dma_wait3A_469, %dma_wait3A_475] : memref<3x2x80xi32, #tpu.memory_space<vmem>> -> memref<1x1x80xi32, #tpu.memory_space<vmem>>
      %dma_wait3A_477 = tpu.memref_squeeze %dma_wait3A_476 : memref<1x1x80xi32, #tpu.memory_space<vmem>> -> memref<80xi32, #tpu.memory_space<vmem>>
      %dma_wait3A_478 = tpu.memref_slice %arg3[%dma_wait3A_467, %add3A_466] : memref<2x320000xi32, #tpu.memory_space<hbm>> -> memref<1x80xi32, #tpu.memory_space<hbm>>
      %dma_wait3A_479 = tpu.memref_squeeze %dma_wait3A_478 : memref<1x80xi32, #tpu.memory_space<hbm>> -> memref<80xi32, #tpu.memory_space<hbm>>
      tpu.wait_dma2 semaphore(%arg23 : memref<!tpu.dma_semaphore, #tpu.memory_space<semaphore_mem>>) src(%dma_wait3A_479 : memref<80xi32, #tpu.memory_space<hbm>>) dst(%dma_wait3A_477 : memref<80xi32, #tpu.memory_space<vmem>>)
      %dma_wait3A_480 = arith.constant 1 : i32
      %dma_wait3A_481 = arith.constant 0 : i32
      %dma_wait3A_482 = arith.constant 1 : i32
      %dma_wait3A_483 = arith.constant 0 : i32
      %dma_wait3A_484 = tpu.memref_slice %arg6[%dma_wait3A_481, %dma_wait3A_482, %dma_wait3A_483] : memref<3x2x80xi32, #tpu.memory_space<vmem>> -> memref<1x1x80xi32, #tpu.memory_space<vmem>>
      %dma_wait3A_485 = tpu.memref_squeeze %dma_wait3A_484 : memref<1x1x80xi32, #tpu.memory_space<vmem>> -> memref<80xi32, #tpu.memory_space<vmem>>
      %dma_wait3A_486 = tpu.memref_slice %arg3[%dma_wait3A_480, %add3A_466] : memref<2x320000xi32, #tpu.memory_space<hbm>> -> memref<1x80xi32, #tpu.memory_space<hbm>>
      %dma_wait3A_487 = tpu.memref_squeeze %dma_wait3A_486 : memref<1x80xi32, #tpu.memory_space<hbm>> -> memref<80xi32, #tpu.memory_space<hbm>>
      %dma_wait3A_488 = arith.constant 0 : i32
      %dma_wait3A_489 = tpu.memref_slice %arg6[%dma_wait3A_481, %dma_wait3A_482, %dma_wait3A_488] : memref<3x2x80xi32, #tpu.memory_space<vmem>> -> memref<1x1x80xi32, #tpu.memory_space<vmem>>
      %dma_wait3A_490 = tpu.memref_squeeze %dma_wait3A_489 : memref<1x1x80xi32, #tpu.memory_space<vmem>> -> memref<80xi32, #tpu.memory_space<vmem>>
      %dma_wait3A_491 = tpu.memref_slice %arg3[%dma_wait3A_480, %add3A_466] : memref<2x320000xi32, #tpu.memory_space<hbm>> -> memref<1x80xi32, #tpu.memory_space<hbm>>
      %dma_wait3A_492 = tpu.memref_squeeze %dma_wait3A_491 : memref<1x80xi32, #tpu.memory_space<hbm>> -> memref<80xi32, #tpu.memory_space<hbm>>
      tpu.wait_dma2 semaphore(%arg23 : memref<!tpu.dma_semaphore, #tpu.memory_space<semaphore_mem>>) src(%dma_wait3A_492 : memref<80xi32, #tpu.memory_space<hbm>>) dst(%dma_wait3A_490 : memref<80xi32, #tpu.memory_space<vmem>>)
      %dma_start3A_493 = arith.constant 0 : i32
      %dma_start3A_494 = arith.constant 0 : i32
      %dma_start3A_495 = arith.constant 0 : i32
      %dma_start3A_496 = tpu.memref_slice %arg6[%dma_start3A_493, %dma_start3A_494, %dma_start3A_495] : memref<3x2x80xi32, #tpu.memory_space<vmem>> -> memref<1x1x80xi32, #tpu.memory_space<vmem>>
      %dma_start3A_497 = tpu.memref_squeeze %dma_start3A_496 : memref<1x1x80xi32, #tpu.memory_space<vmem>> -> memref<80xi32, #tpu.memory_space<vmem>>
      %dma_start3A_498 = arith.constant 0 : i32
      %dma_start3A_499 = arith.constant 0 : i32
      %dma_start3A_500 = tpu.memref_slice %arg2[%dma_start3A_498, %dma_start3A_499] : memref<10000x128xf32, #tpu.memory_space<hbm>> -> memref<10000x128xf32, #tpu.memory_space<hbm>>
      tpu.enqueue_indirect_dma source(%dma_start3A_500 : memref<10000x128xf32, #tpu.memory_space<hbm>>) target(%arg7 : memref<80x128xf32, #tpu.memory_space<vmem>>) offsets(%dma_start3A_497 : memref<80xi32, #tpu.memory_space<vmem>>) semaphore(%arg17 : memref<!tpu.dma_semaphore, #tpu.memory_space<semaphore_mem>>)
      %mul3A_501 = arith.constant 3 : i32
      %mul3A_502 = arith.muli %mul3A_501, %scan3A_323 : i32
      %add3A_503 = arith.constant 2 : i32
      %add3A_504 = arith.addi %mul3A_502, %add3A_503 : i32
      %dma_wait3A_505 = arith.constant 2 : i32
      %dma_wait3A_506 = arith.constant 0 : i32
      %dma_wait3A_507 = arith.constant 0 : i32
      %dma_wait3A_508 = tpu.memref_slice %arg6[%dma_wait3A_505, %dma_wait3A_506, %dma_wait3A_507] : memref<3x2x80xi32, #tpu.memory_space<vmem>> -> memref<1x1x80xi32, #tpu.memory_space<vmem>>
      %dma_wait3A_509 = tpu.memref_squeeze %dma_wait3A_508 : memref<1x1x80xi32, #tpu.memory_space<vmem>> -> memref<80xi32, #tpu.memory_space<vmem>>
      %dma_wait3A_510 = arith.constant 0 : i32
      %dma_wait3A_511 = arith.constant 0 : i32
      %dma_wait3A_512 = tpu.memref_slice %arg2[%dma_wait3A_510, %dma_wait3A_511] : memref<10000x128xf32, #tpu.memory_space<hbm>> -> memref<10000x128xf32, #tpu.memory_space<hbm>>
      tpu.wait_indirect_dma semaphore(%arg19 : memref<!tpu.dma_semaphore, #tpu.memory_space<semaphore_mem>>) src(%dma_wait3A_512 : memref<10000x128xf32, #tpu.memory_space<hbm>>) dst(%arg9 : memref<80x128xf32, #tpu.memory_space<vmem>>)
      %dma_start3A_513 = arith.constant 2 : i32
      %dma_start3A_514 = arith.constant 1 : i32
      %dma_start3A_515 = arith.constant 0 : i32
      %dma_start3A_516 = tpu.memref_slice %arg6[%dma_start3A_513, %dma_start3A_514, %dma_start3A_515] : memref<3x2x80xi32, #tpu.memory_space<vmem>> -> memref<1x1x80xi32, #tpu.memory_space<vmem>>
      %dma_start3A_517 = tpu.memref_squeeze %dma_start3A_516 : memref<1x1x80xi32, #tpu.memory_space<vmem>> -> memref<80xi32, #tpu.memory_space<vmem>>
      %dma_start3A_518 = arith.constant 0 : i32
      %dma_start3A_519 = arith.constant 0 : i32
      %dma_start3A_520 = tpu.memref_slice %arg15[%dma_start3A_518, %dma_start3A_519] : memref<10000x128xf32, #tpu.memory_space<vmem_shared>> -> memref<10000x128xf32, #tpu.memory_space<vmem_shared>>
      tpu.enqueue_indirect_dma source(%arg9 : memref<80x128xf32, #tpu.memory_space<vmem>>) target(%dma_start3A_520 : memref<10000x128xf32, #tpu.memory_space<vmem_shared>>) offsets(%dma_start3A_517 : memref<80xi32, #tpu.memory_space<vmem>>) semaphore(%arg28 : memref<!tpu.dma_semaphore, #tpu.memory_space<semaphore_mem>>) {add = true}
      %dma_start3A_521 = arith.constant 2 : i32
      %dma_start3A_522 = arith.constant 1 : i32
      %dma_start3A_523 = arith.constant 0 : i32
      %dma_start3A_524 = tpu.memref_slice %arg6[%dma_start3A_521, %dma_start3A_522, %dma_start3A_523] : memref<3x2x80xi32, #tpu.memory_space<vmem>> -> memref<1x1x80xi32, #tpu.memory_space<vmem>>
      %dma_start3A_525 = tpu.memref_squeeze %dma_start3A_524 : memref<1x1x80xi32, #tpu.memory_space<vmem>> -> memref<80xi32, #tpu.memory_space<vmem>>
      %dma_start3A_526 = arith.constant 0 : i32
      %dma_start3A_527 = arith.constant 0 : i32
      %dma_start3A_528 = tpu.memref_slice %arg16[%dma_start3A_526, %dma_start3A_527] : memref<10000x16xf32, #tpu.memory_space<vmem_shared>> -> memref<10000x16xf32, #tpu.memory_space<vmem_shared>>
      tpu.enqueue_indirect_dma source(%arg10 : memref<80x16xf32, #tpu.memory_space<vmem>>) target(%dma_start3A_528 : memref<10000x16xf32, #tpu.memory_space<vmem_shared>>) offsets(%dma_start3A_525 : memref<80xi32, #tpu.memory_space<vmem>>) semaphore(%arg28 : memref<!tpu.dma_semaphore, #tpu.memory_space<semaphore_mem>>) {add = true}
      %dma_wait3A_529 = arith.constant 2 : i32
      %dma_wait3A_530 = arith.constant 1 : i32
      %dma_wait3A_531 = arith.constant 0 : i32
      %dma_wait3A_532 = tpu.memref_slice %arg6[%dma_wait3A_529, %dma_wait3A_530, %dma_wait3A_531] : memref<3x2x80xi32, #tpu.memory_space<vmem>> -> memref<1x1x80xi32, #tpu.memory_space<vmem>>
      %dma_wait3A_533 = tpu.memref_squeeze %dma_wait3A_532 : memref<1x1x80xi32, #tpu.memory_space<vmem>> -> memref<80xi32, #tpu.memory_space<vmem>>
      %dma_wait3A_534 = arith.constant 0 : i32
      %dma_wait3A_535 = arith.constant 0 : i32
      %dma_wait3A_536 = tpu.memref_slice %arg15[%dma_wait3A_534, %dma_wait3A_535] : memref<10000x128xf32, #tpu.memory_space<vmem_shared>> -> memref<10000x128xf32, #tpu.memory_space<vmem_shared>>
      tpu.wait_indirect_dma semaphore(%arg28 : memref<!tpu.dma_semaphore, #tpu.memory_space<semaphore_mem>>) src(%arg9 : memref<80x128xf32, #tpu.memory_space<vmem>>) dst(%dma_wait3A_536 : memref<10000x128xf32, #tpu.memory_space<vmem_shared>>)
      %dma_wait3A_537 = arith.constant 2 : i32
      %dma_wait3A_538 = arith.constant 1 : i32
      %dma_wait3A_539 = arith.constant 0 : i32
      %dma_wait3A_540 = tpu.memref_slice %arg6[%dma_wait3A_537, %dma_wait3A_538, %dma_wait3A_539] : memref<3x2x80xi32, #tpu.memory_space<vmem>> -> memref<1x1x80xi32, #tpu.memory_space<vmem>>
      %dma_wait3A_541 = tpu.memref_squeeze %dma_wait3A_540 : memref<1x1x80xi32, #tpu.memory_space<vmem>> -> memref<80xi32, #tpu.memory_space<vmem>>
      %dma_wait3A_542 = arith.constant 0 : i32
      %dma_wait3A_543 = arith.constant 0 : i32
      %dma_wait3A_544 = tpu.memref_slice %arg16[%dma_wait3A_542, %dma_wait3A_543] : memref<10000x16xf32, #tpu.memory_space<vmem_shared>> -> memref<10000x16xf32, #tpu.memory_space<vmem_shared>>
      tpu.wait_indirect_dma semaphore(%arg28 : memref<!tpu.dma_semaphore, #tpu.memory_space<semaphore_mem>>) src(%arg10 : memref<80x16xf32, #tpu.memory_space<vmem>>) dst(%dma_wait3A_544 : memref<10000x16xf32, #tpu.memory_space<vmem_shared>>)
      %add3A_545 = arith.constant 3 : i32
      %add3A_546 = arith.addi %add3A_504, %add3A_545 : i32
      %lt3A_547 = arith.constant 125 : i32
      %lt3A_548 = arith.cmpi slt, %add3A_546, %lt3A_547 : i32
      %convert_element_type3A_549 = arith.extui %lt3A_548 : i1 to i32
      %cond3A_550 = arith.constant 0 : i32
      %cond3A_551 = arith.cmpi ne, %convert_element_type3A_549, %cond3A_550 : i32
      scf.if %cond3A_551 {
        %add3A_591 = arith.constant 3 : i32
        %add3A_592 = arith.addi %add3A_504, %add3A_591 : i32
        %mul3A_593 = arith.constant 80 : i32
        %mul3A_594 = arith.muli %add3A_592, %mul3A_593 : i32
        %add3A_595 = arith.addi %mul3A_81, %mul3A_594 : i32
        %dma_start3A_596 = arith.constant 0 : i32
        %dma_start3A_597 = arith.constant 2 : i32
        %dma_start3A_598 = arith.constant 0 : i32
        %dma_start3A_599 = arith.constant 0 : i32
        %dma_start3A_600 = tpu.memref_slice %arg6[%dma_start3A_597, %dma_start3A_598, %dma_start3A_599] : memref<3x2x80xi32, #tpu.memory_space<vmem>> -> memref<1x1x80xi32, #tpu.memory_space<vmem>>
        %dma_start3A_601 = tpu.memref_squeeze %dma_start3A_600 : memref<1x1x80xi32, #tpu.memory_space<vmem>> -> memref<80xi32, #tpu.memory_space<vmem>>
        %dma_start3A_602 = tpu.memref_slice %arg3[%dma_start3A_596, %add3A_595] : memref<2x320000xi32, #tpu.memory_space<hbm>> -> memref<1x80xi32, #tpu.memory_space<hbm>>
        %dma_start3A_603 = tpu.memref_squeeze %dma_start3A_602 : memref<1x80xi32, #tpu.memory_space<hbm>> -> memref<80xi32, #tpu.memory_space<hbm>>
        %dma_start3A_604 = arith.constant 0 : i32
        %dma_start3A_605 = tpu.memref_slice %arg6[%dma_start3A_597, %dma_start3A_598, %dma_start3A_604] : memref<3x2x80xi32, #tpu.memory_space<vmem>> -> memref<1x1x80xi32, #tpu.memory_space<vmem>>
        %dma_start3A_606 = tpu.memref_squeeze %dma_start3A_605 : memref<1x1x80xi32, #tpu.memory_space<vmem>> -> memref<80xi32, #tpu.memory_space<vmem>>
        %dma_start3A_607 = tpu.memref_slice %arg3[%dma_start3A_596, %add3A_595] : memref<2x320000xi32, #tpu.memory_space<hbm>> -> memref<1x80xi32, #tpu.memory_space<hbm>>
        %dma_start3A_608 = tpu.memref_squeeze %dma_start3A_607 : memref<1x80xi32, #tpu.memory_space<hbm>> -> memref<80xi32, #tpu.memory_space<hbm>>
        tpu.enqueue_dma source(%dma_start3A_608 : memref<80xi32, #tpu.memory_space<hbm>>) target(%dma_start3A_606 : memref<80xi32, #tpu.memory_space<vmem>>) target_semaphore(%arg25 : memref<!tpu.dma_semaphore, #tpu.memory_space<semaphore_mem>>)
        %dma_start3A_609 = arith.constant 1 : i32
        %dma_start3A_610 = arith.constant 2 : i32
        %dma_start3A_611 = arith.constant 1 : i32
        %dma_start3A_612 = arith.constant 0 : i32
        %dma_start3A_613 = tpu.memref_slice %arg6[%dma_start3A_610, %dma_start3A_611, %dma_start3A_612] : memref<3x2x80xi32, #tpu.memory_space<vmem>> -> memref<1x1x80xi32, #tpu.memory_space<vmem>>
        %dma_start3A_614 = tpu.memref_squeeze %dma_start3A_613 : memref<1x1x80xi32, #tpu.memory_space<vmem>> -> memref<80xi32, #tpu.memory_space<vmem>>
        %dma_start3A_615 = tpu.memref_slice %arg3[%dma_start3A_609, %add3A_595] : memref<2x320000xi32, #tpu.memory_space<hbm>> -> memref<1x80xi32, #tpu.memory_space<hbm>>
        %dma_start3A_616 = tpu.memref_squeeze %dma_start3A_615 : memref<1x80xi32, #tpu.memory_space<hbm>> -> memref<80xi32, #tpu.memory_space<hbm>>
        %dma_start3A_617 = arith.constant 0 : i32
        %dma_start3A_618 = tpu.memref_slice %arg6[%dma_start3A_610, %dma_start3A_611, %dma_start3A_617] : memref<3x2x80xi32, #tpu.memory_space<vmem>> -> memref<1x1x80xi32, #tpu.memory_space<vmem>>
        %dma_start3A_619 = tpu.memref_squeeze %dma_start3A_618 : memref<1x1x80xi32, #tpu.memory_space<vmem>> -> memref<80xi32, #tpu.memory_space<vmem>>
        %dma_start3A_620 = tpu.memref_slice %arg3[%dma_start3A_609, %add3A_595] : memref<2x320000xi32, #tpu.memory_space<hbm>> -> memref<1x80xi32, #tpu.memory_space<hbm>>
        %dma_start3A_621 = tpu.memref_squeeze %dma_start3A_620 : memref<1x80xi32, #tpu.memory_space<hbm>> -> memref<80xi32, #tpu.memory_space<hbm>>
        tpu.enqueue_dma source(%dma_start3A_621 : memref<80xi32, #tpu.memory_space<hbm>>) target(%dma_start3A_619 : memref<80xi32, #tpu.memory_space<vmem>>) target_semaphore(%arg25 : memref<!tpu.dma_semaphore, #tpu.memory_space<semaphore_mem>>)
      } else {
      }
      %add3A_552 = arith.constant 2 : i32
      %add3A_553 = arith.addi %add3A_504, %add3A_552 : i32
      %mul3A_554 = arith.constant 80 : i32
      %mul3A_555 = arith.muli %add3A_553, %mul3A_554 : i32
      %add3A_556 = arith.addi %mul3A_81, %mul3A_555 : i32
      %dma_wait3A_557 = arith.constant 0 : i32
      %dma_wait3A_558 = arith.constant 1 : i32
      %dma_wait3A_559 = arith.constant 0 : i32
      %dma_wait3A_560 = arith.constant 0 : i32
      %dma_wait3A_561 = tpu.memref_slice %arg6[%dma_wait3A_558, %dma_wait3A_559, %dma_wait3A_560] : memref<3x2x80xi32, #tpu.memory_space<vmem>> -> memref<1x1x80xi32, #tpu.memory_space<vmem>>
      %dma_wait3A_562 = tpu.memref_squeeze %dma_wait3A_561 : memref<1x1x80xi32, #tpu.memory_space<vmem>> -> memref<80xi32, #tpu.memory_space<vmem>>
      %dma_wait3A_563 = tpu.memref_slice %arg3[%dma_wait3A_557, %add3A_556] : memref<2x320000xi32, #tpu.memory_space<hbm>> -> memref<1x80xi32, #tpu.memory_space<hbm>>
      %dma_wait3A_564 = tpu.memref_squeeze %dma_wait3A_563 : memref<1x80xi32, #tpu.memory_space<hbm>> -> memref<80xi32, #tpu.memory_space<hbm>>
      %dma_wait3A_565 = arith.constant 0 : i32
      %dma_wait3A_566 = tpu.memref_slice %arg6[%dma_wait3A_558, %dma_wait3A_559, %dma_wait3A_565] : memref<3x2x80xi32, #tpu.memory_space<vmem>> -> memref<1x1x80xi32, #tpu.memory_space<vmem>>
      %dma_wait3A_567 = tpu.memref_squeeze %dma_wait3A_566 : memref<1x1x80xi32, #tpu.memory_space<vmem>> -> memref<80xi32, #tpu.memory_space<vmem>>
      %dma_wait3A_568 = tpu.memref_slice %arg3[%dma_wait3A_557, %add3A_556] : memref<2x320000xi32, #tpu.memory_space<hbm>> -> memref<1x80xi32, #tpu.memory_space<hbm>>
      %dma_wait3A_569 = tpu.memref_squeeze %dma_wait3A_568 : memref<1x80xi32, #tpu.memory_space<hbm>> -> memref<80xi32, #tpu.memory_space<hbm>>
      tpu.wait_dma2 semaphore(%arg24 : memref<!tpu.dma_semaphore, #tpu.memory_space<semaphore_mem>>) src(%dma_wait3A_569 : memref<80xi32, #tpu.memory_space<hbm>>) dst(%dma_wait3A_567 : memref<80xi32, #tpu.memory_space<vmem>>)
      %dma_wait3A_570 = arith.constant 1 : i32
      %dma_wait3A_571 = arith.constant 1 : i32
      %dma_wait3A_572 = arith.constant 1 : i32
      %dma_wait3A_573 = arith.constant 0 : i32
      %dma_wait3A_574 = tpu.memref_slice %arg6[%dma_wait3A_571, %dma_wait3A_572, %dma_wait3A_573] : memref<3x2x80xi32, #tpu.memory_space<vmem>> -> memref<1x1x80xi32, #tpu.memory_space<vmem>>
      %dma_wait3A_575 = tpu.memref_squeeze %dma_wait3A_574 : memref<1x1x80xi32, #tpu.memory_space<vmem>> -> memref<80xi32, #tpu.memory_space<vmem>>
      %dma_wait3A_576 = tpu.memref_slice %arg3[%dma_wait3A_570, %add3A_556] : memref<2x320000xi32, #tpu.memory_space<hbm>> -> memref<1x80xi32, #tpu.memory_space<hbm>>
      %dma_wait3A_577 = tpu.memref_squeeze %dma_wait3A_576 : memref<1x80xi32, #tpu.memory_space<hbm>> -> memref<80xi32, #tpu.memory_space<hbm>>
      %dma_wait3A_578 = arith.constant 0 : i32
      %dma_wait3A_579 = tpu.memref_slice %arg6[%dma_wait3A_571, %dma_wait3A_572, %dma_wait3A_578] : memref<3x2x80xi32, #tpu.memory_space<vmem>> -> memref<1x1x80xi32, #tpu.memory_space<vmem>>
      %dma_wait3A_580 = tpu.memref_squeeze %dma_wait3A_579 : memref<1x1x80xi32, #tpu.memory_space<vmem>> -> memref<80xi32, #tpu.memory_space<vmem>>
      %dma_wait3A_581 = tpu.memref_slice %arg3[%dma_wait3A_570, %add3A_556] : memref<2x320000xi32, #tpu.memory_space<hbm>> -> memref<1x80xi32, #tpu.memory_space<hbm>>
      %dma_wait3A_582 = tpu.memref_squeeze %dma_wait3A_581 : memref<1x80xi32, #tpu.memory_space<hbm>> -> memref<80xi32, #tpu.memory_space<hbm>>
      tpu.wait_dma2 semaphore(%arg24 : memref<!tpu.dma_semaphore, #tpu.memory_space<semaphore_mem>>) src(%dma_wait3A_582 : memref<80xi32, #tpu.memory_space<hbm>>) dst(%dma_wait3A_580 : memref<80xi32, #tpu.memory_space<vmem>>)
      %dma_start3A_583 = arith.constant 1 : i32
      %dma_start3A_584 = arith.constant 0 : i32
      %dma_start3A_585 = arith.constant 0 : i32
      %dma_start3A_586 = tpu.memref_slice %arg6[%dma_start3A_583, %dma_start3A_584, %dma_start3A_585] : memref<3x2x80xi32, #tpu.memory_space<vmem>> -> memref<1x1x80xi32, #tpu.memory_space<vmem>>
      %dma_start3A_587 = tpu.memref_squeeze %dma_start3A_586 : memref<1x1x80xi32, #tpu.memory_space<vmem>> -> memref<80xi32, #tpu.memory_space<vmem>>
      %dma_start3A_588 = arith.constant 0 : i32
      %dma_start3A_589 = arith.constant 0 : i32
      %dma_start3A_590 = tpu.memref_slice %arg2[%dma_start3A_588, %dma_start3A_589] : memref<10000x128xf32, #tpu.memory_space<hbm>> -> memref<10000x128xf32, #tpu.memory_space<hbm>>
      tpu.enqueue_indirect_dma source(%dma_start3A_590 : memref<10000x128xf32, #tpu.memory_space<hbm>>) target(%arg8 : memref<80x128xf32, #tpu.memory_space<vmem>>) offsets(%dma_start3A_587 : memref<80xi32, #tpu.memory_space<vmem>>) semaphore(%arg18 : memref<!tpu.dma_semaphore, #tpu.memory_space<semaphore_mem>>)
    }
    %scan3A_241 = arith.constant 41 : i32
    %dma_wait3A_242 = arith.constant 0 : i32
    %dma_wait3A_243 = arith.constant 0 : i32
    %dma_wait3A_244 = arith.constant 0 : i32
    %dma_wait3A_245 = tpu.memref_slice %arg6[%dma_wait3A_242, %dma_wait3A_243, %dma_wait3A_244] : memref<3x2x80xi32, #tpu.memory_space<vmem>> -> memref<1x1x80xi32, #tpu.memory_space<vmem>>
    %dma_wait3A_246 = tpu.memref_squeeze %dma_wait3A_245 : memref<1x1x80xi32, #tpu.memory_space<vmem>> -> memref<80xi32, #tpu.memory_space<vmem>>
    %dma_wait3A_247 = arith.constant 0 : i32
    %dma_wait3A_248 = arith.constant 0 : i32
    %dma_wait3A_249 = tpu.memref_slice %arg2[%dma_wait3A_247, %dma_wait3A_248] : memref<10000x128xf32, #tpu.memory_space<hbm>> -> memref<10000x128xf32, #tpu.memory_space<hbm>>
    tpu.wait_indirect_dma semaphore(%arg17 : memref<!tpu.dma_semaphore, #tpu.memory_space<semaphore_mem>>) src(%dma_wait3A_249 : memref<10000x128xf32, #tpu.memory_space<hbm>>) dst(%arg7 : memref<80x128xf32, #tpu.memory_space<vmem>>)
    %dma_start3A_250 = arith.constant 0 : i32
    %dma_start3A_251 = arith.constant 1 : i32
    %dma_start3A_252 = arith.constant 0 : i32
    %dma_start3A_253 = tpu.memref_slice %arg6[%dma_start3A_250, %dma_start3A_251, %dma_start3A_252] : memref<3x2x80xi32, #tpu.memory_space<vmem>> -> memref<1x1x80xi32, #tpu.memory_space<vmem>>
    %dma_start3A_254 = tpu.memref_squeeze %dma_start3A_253 : memref<1x1x80xi32, #tpu.memory_space<vmem>> -> memref<80xi32, #tpu.memory_space<vmem>>
    %dma_start3A_255 = arith.constant 0 : i32
    %dma_start3A_256 = arith.constant 0 : i32
    %dma_start3A_257 = tpu.memref_slice %arg15[%dma_start3A_255, %dma_start3A_256] : memref<10000x128xf32, #tpu.memory_space<vmem_shared>> -> memref<10000x128xf32, #tpu.memory_space<vmem_shared>>
    tpu.enqueue_indirect_dma source(%arg7 : memref<80x128xf32, #tpu.memory_space<vmem>>) target(%dma_start3A_257 : memref<10000x128xf32, #tpu.memory_space<vmem_shared>>) offsets(%dma_start3A_254 : memref<80xi32, #tpu.memory_space<vmem>>) semaphore(%arg26 : memref<!tpu.dma_semaphore, #tpu.memory_space<semaphore_mem>>) {add = true}
    %dma_start3A_258 = arith.constant 0 : i32
    %dma_start3A_259 = arith.constant 1 : i32
    %dma_start3A_260 = arith.constant 0 : i32
    %dma_start3A_261 = tpu.memref_slice %arg6[%dma_start3A_258, %dma_start3A_259, %dma_start3A_260] : memref<3x2x80xi32, #tpu.memory_space<vmem>> -> memref<1x1x80xi32, #tpu.memory_space<vmem>>
    %dma_start3A_262 = tpu.memref_squeeze %dma_start3A_261 : memref<1x1x80xi32, #tpu.memory_space<vmem>> -> memref<80xi32, #tpu.memory_space<vmem>>
    %dma_start3A_263 = arith.constant 0 : i32
    %dma_start3A_264 = arith.constant 0 : i32
    %dma_start3A_265 = tpu.memref_slice %arg16[%dma_start3A_263, %dma_start3A_264] : memref<10000x16xf32, #tpu.memory_space<vmem_shared>> -> memref<10000x16xf32, #tpu.memory_space<vmem_shared>>
    tpu.enqueue_indirect_dma source(%arg10 : memref<80x16xf32, #tpu.memory_space<vmem>>) target(%dma_start3A_265 : memref<10000x16xf32, #tpu.memory_space<vmem_shared>>) offsets(%dma_start3A_262 : memref<80xi32, #tpu.memory_space<vmem>>) semaphore(%arg26 : memref<!tpu.dma_semaphore, #tpu.memory_space<semaphore_mem>>) {add = true}
    %dma_wait3A_266 = arith.constant 0 : i32
    %dma_wait3A_267 = arith.constant 1 : i32
    %dma_wait3A_268 = arith.constant 0 : i32
    %dma_wait3A_269 = tpu.memref_slice %arg6[%dma_wait3A_266, %dma_wait3A_267, %dma_wait3A_268] : memref<3x2x80xi32, #tpu.memory_space<vmem>> -> memref<1x1x80xi32, #tpu.memory_space<vmem>>
    %dma_wait3A_270 = tpu.memref_squeeze %dma_wait3A_269 : memref<1x1x80xi32, #tpu.memory_space<vmem>> -> memref<80xi32, #tpu.memory_space<vmem>>
    %dma_wait3A_271 = arith.constant 0 : i32
    %dma_wait3A_272 = arith.constant 0 : i32
    %dma_wait3A_273 = tpu.memref_slice %arg15[%dma_wait3A_271, %dma_wait3A_272] : memref<10000x128xf32, #tpu.memory_space<vmem_shared>> -> memref<10000x128xf32, #tpu.memory_space<vmem_shared>>
    tpu.wait_indirect_dma semaphore(%arg26 : memref<!tpu.dma_semaphore, #tpu.memory_space<semaphore_mem>>) src(%arg7 : memref<80x128xf32, #tpu.memory_space<vmem>>) dst(%dma_wait3A_273 : memref<10000x128xf32, #tpu.memory_space<vmem_shared>>)
    %dma_wait3A_274 = arith.constant 0 : i32
    %dma_wait3A_275 = arith.constant 1 : i32
    %dma_wait3A_276 = arith.constant 0 : i32
    %dma_wait3A_277 = tpu.memref_slice %arg6[%dma_wait3A_274, %dma_wait3A_275, %dma_wait3A_276] : memref<3x2x80xi32, #tpu.memory_space<vmem>> -> memref<1x1x80xi32, #tpu.memory_space<vmem>>
    %dma_wait3A_278 = tpu.memref_squeeze %dma_wait3A_277 : memref<1x1x80xi32, #tpu.memory_space<vmem>> -> memref<80xi32, #tpu.memory_space<vmem>>
    %dma_wait3A_279 = arith.constant 0 : i32
    %dma_wait3A_280 = arith.constant 0 : i32
    %dma_wait3A_281 = tpu.memref_slice %arg16[%dma_wait3A_279, %dma_wait3A_280] : memref<10000x16xf32, #tpu.memory_space<vmem_shared>> -> memref<10000x16xf32, #tpu.memory_space<vmem_shared>>
    tpu.wait_indirect_dma semaphore(%arg26 : memref<!tpu.dma_semaphore, #tpu.memory_space<semaphore_mem>>) src(%arg10 : memref<80x16xf32, #tpu.memory_space<vmem>>) dst(%dma_wait3A_281 : memref<10000x16xf32, #tpu.memory_space<vmem_shared>>)
    %dma_wait3A_282 = arith.constant 1 : i32
    %dma_wait3A_283 = arith.constant 0 : i32
    %dma_wait3A_284 = arith.constant 0 : i32
    %dma_wait3A_285 = tpu.memref_slice %arg6[%dma_wait3A_282, %dma_wait3A_283, %dma_wait3A_284] : memref<3x2x80xi32, #tpu.memory_space<vmem>> -> memref<1x1x80xi32, #tpu.memory_space<vmem>>
    %dma_wait3A_286 = tpu.memref_squeeze %dma_wait3A_285 : memref<1x1x80xi32, #tpu.memory_space<vmem>> -> memref<80xi32, #tpu.memory_space<vmem>>
    %dma_wait3A_287 = arith.constant 0 : i32
    %dma_wait3A_288 = arith.constant 0 : i32
    %dma_wait3A_289 = tpu.memref_slice %arg2[%dma_wait3A_287, %dma_wait3A_288] : memref<10000x128xf32, #tpu.memory_space<hbm>> -> memref<10000x128xf32, #tpu.memory_space<hbm>>
    tpu.wait_indirect_dma semaphore(%arg18 : memref<!tpu.dma_semaphore, #tpu.memory_space<semaphore_mem>>) src(%dma_wait3A_289 : memref<10000x128xf32, #tpu.memory_space<hbm>>) dst(%arg8 : memref<80x128xf32, #tpu.memory_space<vmem>>)
    %dma_start3A_290 = arith.constant 1 : i32
    %dma_start3A_291 = arith.constant 1 : i32
    %dma_start3A_292 = arith.constant 0 : i32
    %dma_start3A_293 = tpu.memref_slice %arg6[%dma_start3A_290, %dma_start3A_291, %dma_start3A_292] : memref<3x2x80xi32, #tpu.memory_space<vmem>> -> memref<1x1x80xi32, #tpu.memory_space<vmem>>
    %dma_start3A_294 = tpu.memref_squeeze %dma_start3A_293 : memref<1x1x80xi32, #tpu.memory_space<vmem>> -> memref<80xi32, #tpu.memory_space<vmem>>
    %dma_start3A_295 = arith.constant 0 : i32
    %dma_start3A_296 = arith.constant 0 : i32
    %dma_start3A_297 = tpu.memref_slice %arg15[%dma_start3A_295, %dma_start3A_296] : memref<10000x128xf32, #tpu.memory_space<vmem_shared>> -> memref<10000x128xf32, #tpu.memory_space<vmem_shared>>
    tpu.enqueue_indirect_dma source(%arg8 : memref<80x128xf32, #tpu.memory_space<vmem>>) target(%dma_start3A_297 : memref<10000x128xf32, #tpu.memory_space<vmem_shared>>) offsets(%dma_start3A_294 : memref<80xi32, #tpu.memory_space<vmem>>) semaphore(%arg27 : memref<!tpu.dma_semaphore, #tpu.memory_space<semaphore_mem>>) {add = true}
    %dma_start3A_298 = arith.constant 1 : i32
    %dma_start3A_299 = arith.constant 1 : i32
    %dma_start3A_300 = arith.constant 0 : i32
    %dma_start3A_301 = tpu.memref_slice %arg6[%dma_start3A_298, %dma_start3A_299, %dma_start3A_300] : memref<3x2x80xi32, #tpu.memory_space<vmem>> -> memref<1x1x80xi32, #tpu.memory_space<vmem>>
    %dma_start3A_302 = tpu.memref_squeeze %dma_start3A_301 : memref<1x1x80xi32, #tpu.memory_space<vmem>> -> memref<80xi32, #tpu.memory_space<vmem>>
    %dma_start3A_303 = arith.constant 0 : i32
    %dma_start3A_304 = arith.constant 0 : i32
    %dma_start3A_305 = tpu.memref_slice %arg16[%dma_start3A_303, %dma_start3A_304] : memref<10000x16xf32, #tpu.memory_space<vmem_shared>> -> memref<10000x16xf32, #tpu.memory_space<vmem_shared>>
    tpu.enqueue_indirect_dma source(%arg10 : memref<80x16xf32, #tpu.memory_space<vmem>>) target(%dma_start3A_305 : memref<10000x16xf32, #tpu.memory_space<vmem_shared>>) offsets(%dma_start3A_302 : memref<80xi32, #tpu.memory_space<vmem>>) semaphore(%arg27 : memref<!tpu.dma_semaphore, #tpu.memory_space<semaphore_mem>>) {add = true}
    %dma_wait3A_306 = arith.constant 1 : i32
    %dma_wait3A_307 = arith.constant 1 : i32
    %dma_wait3A_308 = arith.constant 0 : i32
    %dma_wait3A_309 = tpu.memref_slice %arg6[%dma_wait3A_306, %dma_wait3A_307, %dma_wait3A_308] : memref<3x2x80xi32, #tpu.memory_space<vmem>> -> memref<1x1x80xi32, #tpu.memory_space<vmem>>
    %dma_wait3A_310 = tpu.memref_squeeze %dma_wait3A_309 : memref<1x1x80xi32, #tpu.memory_space<vmem>> -> memref<80xi32, #tpu.memory_space<vmem>>
    %dma_wait3A_311 = arith.constant 0 : i32
    %dma_wait3A_312 = arith.constant 0 : i32
    %dma_wait3A_313 = tpu.memref_slice %arg15[%dma_wait3A_311, %dma_wait3A_312] : memref<10000x128xf32, #tpu.memory_space<vmem_shared>> -> memref<10000x128xf32, #tpu.memory_space<vmem_shared>>
    tpu.wait_indirect_dma semaphore(%arg27 : memref<!tpu.dma_semaphore, #tpu.memory_space<semaphore_mem>>) src(%arg8 : memref<80x128xf32, #tpu.memory_space<vmem>>) dst(%dma_wait3A_313 : memref<10000x128xf32, #tpu.memory_space<vmem_shared>>)
    %dma_wait3A_314 = arith.constant 1 : i32
    %dma_wait3A_315 = arith.constant 1 : i32
    %dma_wait3A_316 = arith.constant 0 : i32
    %dma_wait3A_317 = tpu.memref_slice %arg6[%dma_wait3A_314, %dma_wait3A_315, %dma_wait3A_316] : memref<3x2x80xi32, #tpu.memory_space<vmem>> -> memref<1x1x80xi32, #tpu.memory_space<vmem>>
    %dma_wait3A_318 = tpu.memref_squeeze %dma_wait3A_317 : memref<1x1x80xi32, #tpu.memory_space<vmem>> -> memref<80xi32, #tpu.memory_space<vmem>>
    %dma_wait3A_319 = arith.constant 0 : i32
    %dma_wait3A_320 = arith.constant 0 : i32
    %dma_wait3A_321 = tpu.memref_slice %arg16[%dma_wait3A_319, %dma_wait3A_320] : memref<10000x16xf32, #tpu.memory_space<vmem_shared>> -> memref<10000x16xf32, #tpu.memory_space<vmem_shared>>
    tpu.wait_indirect_dma semaphore(%arg27 : memref<!tpu.dma_semaphore, #tpu.memory_space<semaphore_mem>>) src(%arg10 : memref<80x16xf32, #tpu.memory_space<vmem>>) dst(%dma_wait3A_321 : memref<10000x16xf32, #tpu.memory_space<vmem_shared>>)
    %barrier3A_322 = arith.constant 0 : index
    tpu.barrier barrier_id(%barrier3A_322)
    "tpu.region"() ({
      %run_scoped3A = tpu.sem_alloc : memref<!tpu.dma_semaphore, #tpu.memory_space<semaphore_mem>>
      %dma_start3A_323 = arith.constant 0 : i32
      %dma_start3A_324 = tpu.memref_slice %arg4[%arg0, %mul3A_13, %dma_start3A_323] : memref<2x10000x128xf32, #tpu.memory_space<hbm>> -> memref<1x625x128xf32, #tpu.memory_space<hbm>>
      %dma_start3A_325 = tpu.memref_squeeze %dma_start3A_324 : memref<1x625x128xf32, #tpu.memory_space<hbm>> -> memref<625x128xf32, #tpu.memory_space<hbm>>
      %dma_start3A_326 = arith.constant 0 : i32
      %dma_start3A_327 = tpu.memref_slice %arg15[%mul3A_13, %dma_start3A_326] : memref<10000x128xf32, #tpu.memory_space<vmem_shared>> -> memref<625x128xf32, #tpu.memory_space<vmem_shared>>
      tpu.enqueue_dma source(%dma_start3A_327 : memref<625x128xf32, #tpu.memory_space<vmem_shared>>) target(%dma_start3A_325 : memref<625x128xf32, #tpu.memory_space<hbm>>) target_semaphore(%run_scoped3A : memref<!tpu.dma_semaphore, #tpu.memory_space<semaphore_mem>>)
      %dma_wait3A_328 = arith.constant 0 : i32
      %dma_wait3A_329 = tpu.memref_slice %arg4[%arg0, %mul3A_13, %dma_wait3A_328] : memref<2x10000x128xf32, #tpu.memory_space<hbm>> -> memref<1x625x128xf32, #tpu.memory_space<hbm>>
      %dma_wait3A_330 = tpu.memref_squeeze %dma_wait3A_329 : memref<1x625x128xf32, #tpu.memory_space<hbm>> -> memref<625x128xf32, #tpu.memory_space<hbm>>
      %dma_wait3A_331 = arith.constant 0 : i32
      %dma_wait3A_332 = tpu.memref_slice %arg15[%mul3A_13, %dma_wait3A_331] : memref<10000x128xf32, #tpu.memory_space<vmem_shared>> -> memref<625x128xf32, #tpu.memory_space<vmem_shared>>
      tpu.wait_dma2 semaphore(%run_scoped3A : memref<!tpu.dma_semaphore, #tpu.memory_space<semaphore_mem>>) src(%dma_wait3A_332 : memref<625x128xf32, #tpu.memory_space<vmem_shared>>) dst(%dma_wait3A_330 : memref<625x128xf32, #tpu.memory_space<hbm>>)
      tpu.yield
    }) : () -> ()
    "tpu.region"() ({
      %run_scoped3A = tpu.sem_alloc : memref<!tpu.dma_semaphore, #tpu.memory_space<semaphore_mem>>
      %dma_start3A_323 = arith.constant 0 : i32
      %dma_start3A_324 = tpu.memref_slice %arg5[%arg0, %mul3A_13, %dma_start3A_323] : memref<2x10000x16xf32, #tpu.memory_space<hbm>> -> memref<1x625x16xf32, #tpu.memory_space<hbm>>
      %dma_start3A_325 = tpu.memref_squeeze %dma_start3A_324 : memref<1x625x16xf32, #tpu.memory_space<hbm>> -> memref<625x16xf32, #tpu.memory_space<hbm>>
      %dma_start3A_326 = arith.constant 0 : i32
      %dma_start3A_327 = tpu.memref_slice %arg16[%mul3A_13, %dma_start3A_326] : memref<10000x16xf32, #tpu.memory_space<vmem_shared>> -> memref<625x16xf32, #tpu.memory_space<vmem_shared>>
      tpu.enqueue_dma source(%dma_start3A_327 : memref<625x16xf32, #tpu.memory_space<vmem_shared>>) target(%dma_start3A_325 : memref<625x16xf32, #tpu.memory_space<hbm>>) target_semaphore(%run_scoped3A : memref<!tpu.dma_semaphore, #tpu.memory_space<semaphore_mem>>)
      %dma_wait3A_328 = arith.constant 0 : i32
      %dma_wait3A_329 = tpu.memref_slice %arg5[%arg0, %mul3A_13, %dma_wait3A_328] : memref<2x10000x16xf32, #tpu.memory_space<hbm>> -> memref<1x625x16xf32, #tpu.memory_space<hbm>>
      %dma_wait3A_330 = tpu.memref_squeeze %dma_wait3A_329 : memref<1x625x16xf32, #tpu.memory_space<hbm>> -> memref<625x16xf32, #tpu.memory_space<hbm>>
      %dma_wait3A_331 = arith.constant 0 : i32
      %dma_wait3A_332 = tpu.memref_slice %arg16[%mul3A_13, %dma_wait3A_331] : memref<10000x16xf32, #tpu.memory_space<vmem_shared>> -> memref<625x16xf32, #tpu.memory_space<vmem_shared>>
      tpu.wait_dma2 semaphore(%run_scoped3A : memref<!tpu.dma_semaphore, #tpu.memory_space<semaphore_mem>>) src(%dma_wait3A_332 : memref<625x16xf32, #tpu.memory_space<vmem_shared>>) dst(%dma_wait3A_330 : memref<625x16xf32, #tpu.memory_space<hbm>>)
      tpu.yield
    }) : () -> ()
    return
  }
}

#map = affine_map<(d0, d1) -> (0, 0)>
#map1 = affine_map<(d0, d1) -> (0, 0, 0)>
module attributes {stable_mosaic.version = 14 : i64} {
  func.func @body(%arg0: i32, %arg1: i32, %arg2: memref<10000x128xf32, #tpu.memory_space<hbm>>, %arg3: memref<2x320000xi32, #tpu.memory_space<hbm>>, %arg4: memref<10000x16xf32, #tpu.memory_space<hbm>>, %arg5: memref<2x10000x128xf32, #tpu.memory_space<hbm>>, %arg6: memref<2x10000x16xf32, #tpu.memory_space<hbm>>, %arg7: memref<3x2x80xi32, #tpu.memory_space<vmem>>, %arg8: memref<80x128xf32, #tpu.memory_space<vmem>>, %arg9: memref<80x128xf32, #tpu.memory_space<vmem>>, %arg10: memref<80x128xf32, #tpu.memory_space<vmem>>, %arg11: memref<80x16xf32, #tpu.memory_space<vmem>>, %arg12: memref<80x16xf32, #tpu.memory_space<vmem>>, %arg13: memref<80x16xf32, #tpu.memory_space<vmem>>, %arg14: memref<25x128xf32, #tpu.memory_space<vmem>>, %arg15: memref<125x16xf32, #tpu.memory_space<vmem>>, %arg16: memref<10000x128xf32, #tpu.memory_space<vmem_shared>>, %arg17: memref<10000x16xf32, #tpu.memory_space<vmem_shared>>, %arg18: memref<!tpu.dma_semaphore, #tpu.memory_space<semaphore_mem>>, %arg19: memref<!tpu.dma_semaphore, #tpu.memory_space<semaphore_mem>>, %arg20: memref<!tpu.dma_semaphore, #tpu.memory_space<semaphore_mem>>, %arg21: memref<!tpu.dma_semaphore, #tpu.memory_space<semaphore_mem>>, %arg22: memref<!tpu.dma_semaphore, #tpu.memory_space<semaphore_mem>>, %arg23: memref<!tpu.dma_semaphore, #tpu.memory_space<semaphore_mem>>, %arg24: memref<!tpu.dma_semaphore, #tpu.memory_space<semaphore_mem>>, %arg25: memref<!tpu.dma_semaphore, #tpu.memory_space<semaphore_mem>>, %arg26: memref<!tpu.dma_semaphore, #tpu.memory_space<semaphore_mem>>, %arg27: memref<!tpu.dma_semaphore, #tpu.memory_space<semaphore_mem>>, %arg28: memref<!tpu.dma_semaphore, #tpu.memory_space<semaphore_mem>>, %arg29: memref<!tpu.dma_semaphore, #tpu.memory_space<semaphore_mem>>) attributes {dimension_semantics = [#tpu.dimension_semantics<core_parallel>, #tpu.dimension_semantics<subcore_parallel>], iteration_bounds = array<i64: 2, 16>, scalar_prefetch = 0 : i64, scratch_operands = 23 : i64, tpu.core_type = #tpu.core_type<sc_vector_subcore>, window_params = [{transform_indices = #map}, {transform_indices = #map}, {transform_indices = #map}, {transform_indices = #map1}, {transform_indices = #map1}]} {
    %mul3A = arith.constant 16 : i32
    %mul3A_0 = arith.muli %arg0, %mul3A : i32
    %add3A = arith.addi %mul3A_0, %arg1 : i32
    %scan3A = arith.constant 0 : i32
    %scan3A_1 = arith.constant 0 : i32
    %scan3A_2 = arith.constant 25 : i32
    %scan3A_3 = arith.addi %scan3A_1, %scan3A_2 : i32
    %scan3A_4 = arith.constant 1 : i32
    scf.for %scan3A_349 = %scan3A_1 to %scan3A_3 step %scan3A_4  : i32 {
      %scan3A_350 = arith.constant 0 : i32
      %scan3A_351 = arith.constant 8 : i32
      %scan3A_352 = arith.addi %scan3A_350, %scan3A_351 : i32
      %scan3A_353 = arith.constant 1 : i32
      scf.for %scan3A_355 = %scan3A_350 to %scan3A_352 step %scan3A_353  : i32 {
        %broadcast_in_dim3A = arith.constant 0.000000e+00 : f32
        %broadcast_in_dim3A_356 = vector.broadcast %broadcast_in_dim3A : f32 to vector<16xf32>
        %mul3A_357 = arith.constant 16 : i32
        %mul3A_358 = arith.muli %scan3A_355, %mul3A_357 : i32
        %swap3A = arith.index_cast %scan3A_349 : i32 to index
        %swap3A_359 = arith.index_cast %mul3A_358 : i32 to index
        %swap3A_360 = tpu.vector_load %arg14[%swap3A, %swap3A_359] {strides = array<i32>} : memref<25x128xf32, #tpu.memory_space<vmem>>, vector<1x16xf32>,
        %swap3A_361 = vector.shape_cast %swap3A_360 : vector<1x16xf32> to vector<16xf32>
        %swap3A_362 = vector.shape_cast %broadcast_in_dim3A_356 : vector<16xf32> to vector<1x16xf32>
        tpu.vector_store %arg14[%swap3A, %swap3A_359], %swap3A_362 {strides = array<i32>} : memref<25x128xf32, #tpu.memory_space<vmem>>, vector<1x16xf32>,
      }
      %scan3A_354 = arith.constant 8 : i32
    }
    %scan3A_5 = arith.constant 25 : i32
    %scan3A_6 = arith.constant 0 : i32
    %scan3A_7 = arith.constant 0 : i32
    %scan3A_8 = arith.constant 125 : i32
    %scan3A_9 = arith.addi %scan3A_7, %scan3A_8 : i32
    %scan3A_10 = arith.constant 1 : i32
    scf.for %scan3A_349 = %scan3A_7 to %scan3A_9 step %scan3A_10  : i32 {
      %broadcast_in_dim3A = arith.constant 0.000000e+00 : f32
      %broadcast_in_dim3A_350 = vector.broadcast %broadcast_in_dim3A : f32 to vector<16xf32>
      %swap3A = arith.index_cast %scan3A_349 : i32 to index
      %swap3A_351 = arith.constant 0 : index
      %swap3A_352 = tpu.vector_load %arg15[%swap3A, %swap3A_351] {strides = array<i32>} : memref<125x16xf32, #tpu.memory_space<vmem>>, vector<1x16xf32>,
      %swap3A_353 = vector.shape_cast %swap3A_352 : vector<1x16xf32> to vector<16xf32>
      %swap3A_354 = vector.shape_cast %broadcast_in_dim3A_350 : vector<16xf32> to vector<1x16xf32>
      tpu.vector_store %arg15[%swap3A, %swap3A_351], %swap3A_354 {strides = array<i32>} : memref<125x16xf32, #tpu.memory_space<vmem>>, vector<1x16xf32>,
    }
    %scan3A_11 = arith.constant 125 : i32
    %mul3A_12 = arith.constant 625 : i32
    %mul3A_13 = arith.muli %arg1, %mul3A_12 : i32
    %add3A_14 = arith.constant 0 : i32
    %add3A_15 = arith.addi %mul3A_13, %add3A_14 : i32
    "tpu.region"() ({
      %run_scoped3A = tpu.sem_alloc : memref<!tpu.dma_semaphore, #tpu.memory_space<semaphore_mem>>
      %dma_start3A_349 = arith.constant 0 : i32
      %dma_start3A_350 = tpu.memref_slice %arg16[%add3A_15, %dma_start3A_349] : memref<10000x128xf32, #tpu.memory_space<vmem_shared>> -> memref<25x128xf32, #tpu.memory_space<vmem_shared>>
      %dma_start3A_351 = arith.constant 0 : i32
      %dma_start3A_352 = tpu.memref_slice %arg16[%add3A_15, %dma_start3A_351] : memref<10000x128xf32, #tpu.memory_space<vmem_shared>> -> memref<25x128xf32, #tpu.memory_space<vmem_shared>>
      tpu.enqueue_dma source(%arg14 : memref<25x128xf32, #tpu.memory_space<vmem>>) target(%dma_start3A_352 : memref<25x128xf32, #tpu.memory_space<vmem_shared>>) target_semaphore(%run_scoped3A : memref<!tpu.dma_semaphore, #tpu.memory_space<semaphore_mem>>)
      %dma_wait3A_353 = arith.constant 0 : i32
      %dma_wait3A_354 = tpu.memref_slice %arg16[%add3A_15, %dma_wait3A_353] : memref<10000x128xf32, #tpu.memory_space<vmem_shared>> -> memref<25x128xf32, #tpu.memory_space<vmem_shared>>
      %dma_wait3A_355 = arith.constant 0 : i32
      %dma_wait3A_356 = tpu.memref_slice %arg16[%add3A_15, %dma_wait3A_355] : memref<10000x128xf32, #tpu.memory_space<vmem_shared>> -> memref<25x128xf32, #tpu.memory_space<vmem_shared>>
      tpu.wait_dma2 semaphore(%run_scoped3A : memref<!tpu.dma_semaphore, #tpu.memory_space<semaphore_mem>>) src(%arg14 : memref<25x128xf32, #tpu.memory_space<vmem>>) dst(%dma_wait3A_356 : memref<25x128xf32, #tpu.memory_space<vmem_shared>>)
      tpu.yield
    }) : () -> ()
    %add3A_16 = arith.constant 25 : i32
    %add3A_17 = arith.addi %mul3A_13, %add3A_16 : i32
    "tpu.region"() ({
      %run_scoped3A = tpu.sem_alloc : memref<!tpu.dma_semaphore, #tpu.memory_space<semaphore_mem>>
      %dma_start3A_349 = arith.constant 0 : i32
      %dma_start3A_350 = tpu.memref_slice %arg16[%add3A_17, %dma_start3A_349] : memref<10000x128xf32, #tpu.memory_space<vmem_shared>> -> memref<25x128xf32, #tpu.memory_space<vmem_shared>>
      %dma_start3A_351 = arith.constant 0 : i32
      %dma_start3A_352 = tpu.memref_slice %arg16[%add3A_17, %dma_start3A_351] : memref<10000x128xf32, #tpu.memory_space<vmem_shared>> -> memref<25x128xf32, #tpu.memory_space<vmem_shared>>
      tpu.enqueue_dma source(%arg14 : memref<25x128xf32, #tpu.memory_space<vmem>>) target(%dma_start3A_352 : memref<25x128xf32, #tpu.memory_space<vmem_shared>>) target_semaphore(%run_scoped3A : memref<!tpu.dma_semaphore, #tpu.memory_space<semaphore_mem>>)
      %dma_wait3A_353 = arith.constant 0 : i32
      %dma_wait3A_354 = tpu.memref_slice %arg16[%add3A_17, %dma_wait3A_353] : memref<10000x128xf32, #tpu.memory_space<vmem_shared>> -> memref<25x128xf32, #tpu.memory_space<vmem_shared>>
      %dma_wait3A_355 = arith.constant 0 : i32
      %dma_wait3A_356 = tpu.memref_slice %arg16[%add3A_17, %dma_wait3A_355] : memref<10000x128xf32, #tpu.memory_space<vmem_shared>> -> memref<25x128xf32, #tpu.memory_space<vmem_shared>>
      tpu.wait_dma2 semaphore(%run_scoped3A : memref<!tpu.dma_semaphore, #tpu.memory_space<semaphore_mem>>) src(%arg14 : memref<25x128xf32, #tpu.memory_space<vmem>>) dst(%dma_wait3A_356 : memref<25x128xf32, #tpu.memory_space<vmem_shared>>)
      tpu.yield
    }) : () -> ()
    %add3A_18 = arith.constant 50 : i32
    %add3A_19 = arith.addi %mul3A_13, %add3A_18 : i32
    "tpu.region"() ({
      %run_scoped3A = tpu.sem_alloc : memref<!tpu.dma_semaphore, #tpu.memory_space<semaphore_mem>>
      %dma_start3A_349 = arith.constant 0 : i32
      %dma_start3A_350 = tpu.memref_slice %arg16[%add3A_19, %dma_start3A_349] : memref<10000x128xf32, #tpu.memory_space<vmem_shared>> -> memref<25x128xf32, #tpu.memory_space<vmem_shared>>
      %dma_start3A_351 = arith.constant 0 : i32
      %dma_start3A_352 = tpu.memref_slice %arg16[%add3A_19, %dma_start3A_351] : memref<10000x128xf32, #tpu.memory_space<vmem_shared>> -> memref<25x128xf32, #tpu.memory_space<vmem_shared>>
      tpu.enqueue_dma source(%arg14 : memref<25x128xf32, #tpu.memory_space<vmem>>) target(%dma_start3A_352 : memref<25x128xf32, #tpu.memory_space<vmem_shared>>) target_semaphore(%run_scoped3A : memref<!tpu.dma_semaphore, #tpu.memory_space<semaphore_mem>>)
      %dma_wait3A_353 = arith.constant 0 : i32
      %dma_wait3A_354 = tpu.memref_slice %arg16[%add3A_19, %dma_wait3A_353] : memref<10000x128xf32, #tpu.memory_space<vmem_shared>> -> memref<25x128xf32, #tpu.memory_space<vmem_shared>>
      %dma_wait3A_355 = arith.constant 0 : i32
      %dma_wait3A_356 = tpu.memref_slice %arg16[%add3A_19, %dma_wait3A_355] : memref<10000x128xf32, #tpu.memory_space<vmem_shared>> -> memref<25x128xf32, #tpu.memory_space<vmem_shared>>
      tpu.wait_dma2 semaphore(%run_scoped3A : memref<!tpu.dma_semaphore, #tpu.memory_space<semaphore_mem>>) src(%arg14 : memref<25x128xf32, #tpu.memory_space<vmem>>) dst(%dma_wait3A_356 : memref<25x128xf32, #tpu.memory_space<vmem_shared>>)
      tpu.yield
    }) : () -> ()
    %add3A_20 = arith.constant 75 : i32
    %add3A_21 = arith.addi %mul3A_13, %add3A_20 : i32
    "tpu.region"() ({
      %run_scoped3A = tpu.sem_alloc : memref<!tpu.dma_semaphore, #tpu.memory_space<semaphore_mem>>
      %dma_start3A_349 = arith.constant 0 : i32
      %dma_start3A_350 = tpu.memref_slice %arg16[%add3A_21, %dma_start3A_349] : memref<10000x128xf32, #tpu.memory_space<vmem_shared>> -> memref<25x128xf32, #tpu.memory_space<vmem_shared>>
      %dma_start3A_351 = arith.constant 0 : i32
      %dma_start3A_352 = tpu.memref_slice %arg16[%add3A_21, %dma_start3A_351] : memref<10000x128xf32, #tpu.memory_space<vmem_shared>> -> memref<25x128xf32, #tpu.memory_space<vmem_shared>>
      tpu.enqueue_dma source(%arg14 : memref<25x128xf32, #tpu.memory_space<vmem>>) target(%dma_start3A_352 : memref<25x128xf32, #tpu.memory_space<vmem_shared>>) target_semaphore(%run_scoped3A : memref<!tpu.dma_semaphore, #tpu.memory_space<semaphore_mem>>)
      %dma_wait3A_353 = arith.constant 0 : i32
      %dma_wait3A_354 = tpu.memref_slice %arg16[%add3A_21, %dma_wait3A_353] : memref<10000x128xf32, #tpu.memory_space<vmem_shared>> -> memref<25x128xf32, #tpu.memory_space<vmem_shared>>
      %dma_wait3A_355 = arith.constant 0 : i32
      %dma_wait3A_356 = tpu.memref_slice %arg16[%add3A_21, %dma_wait3A_355] : memref<10000x128xf32, #tpu.memory_space<vmem_shared>> -> memref<25x128xf32, #tpu.memory_space<vmem_shared>>
      tpu.wait_dma2 semaphore(%run_scoped3A : memref<!tpu.dma_semaphore, #tpu.memory_space<semaphore_mem>>) src(%arg14 : memref<25x128xf32, #tpu.memory_space<vmem>>) dst(%dma_wait3A_356 : memref<25x128xf32, #tpu.memory_space<vmem_shared>>)
      tpu.yield
    }) : () -> ()
    %add3A_22 = arith.constant 100 : i32
    %add3A_23 = arith.addi %mul3A_13, %add3A_22 : i32
    "tpu.region"() ({
      %run_scoped3A = tpu.sem_alloc : memref<!tpu.dma_semaphore, #tpu.memory_space<semaphore_mem>>
      %dma_start3A_349 = arith.constant 0 : i32
      %dma_start3A_350 = tpu.memref_slice %arg16[%add3A_23, %dma_start3A_349] : memref<10000x128xf32, #tpu.memory_space<vmem_shared>> -> memref<25x128xf32, #tpu.memory_space<vmem_shared>>
      %dma_start3A_351 = arith.constant 0 : i32
      %dma_start3A_352 = tpu.memref_slice %arg16[%add3A_23, %dma_start3A_351] : memref<10000x128xf32, #tpu.memory_space<vmem_shared>> -> memref<25x128xf32, #tpu.memory_space<vmem_shared>>
      tpu.enqueue_dma source(%arg14 : memref<25x128xf32, #tpu.memory_space<vmem>>) target(%dma_start3A_352 : memref<25x128xf32, #tpu.memory_space<vmem_shared>>) target_semaphore(%run_scoped3A : memref<!tpu.dma_semaphore, #tpu.memory_space<semaphore_mem>>)
      %dma_wait3A_353 = arith.constant 0 : i32
      %dma_wait3A_354 = tpu.memref_slice %arg16[%add3A_23, %dma_wait3A_353] : memref<10000x128xf32, #tpu.memory_space<vmem_shared>> -> memref<25x128xf32, #tpu.memory_space<vmem_shared>>
      %dma_wait3A_355 = arith.constant 0 : i32
      %dma_wait3A_356 = tpu.memref_slice %arg16[%add3A_23, %dma_wait3A_355] : memref<10000x128xf32, #tpu.memory_space<vmem_shared>> -> memref<25x128xf32, #tpu.memory_space<vmem_shared>>
      tpu.wait_dma2 semaphore(%run_scoped3A : memref<!tpu.dma_semaphore, #tpu.memory_space<semaphore_mem>>) src(%arg14 : memref<25x128xf32, #tpu.memory_space<vmem>>) dst(%dma_wait3A_356 : memref<25x128xf32, #tpu.memory_space<vmem_shared>>)
      tpu.yield
    }) : () -> ()
    %add3A_24 = arith.constant 125 : i32
    %add3A_25 = arith.addi %mul3A_13, %add3A_24 : i32
    "tpu.region"() ({
      %run_scoped3A = tpu.sem_alloc : memref<!tpu.dma_semaphore, #tpu.memory_space<semaphore_mem>>
      %dma_start3A_349 = arith.constant 0 : i32
      %dma_start3A_350 = tpu.memref_slice %arg16[%add3A_25, %dma_start3A_349] : memref<10000x128xf32, #tpu.memory_space<vmem_shared>> -> memref<25x128xf32, #tpu.memory_space<vmem_shared>>
      %dma_start3A_351 = arith.constant 0 : i32
      %dma_start3A_352 = tpu.memref_slice %arg16[%add3A_25, %dma_start3A_351] : memref<10000x128xf32, #tpu.memory_space<vmem_shared>> -> memref<25x128xf32, #tpu.memory_space<vmem_shared>>
      tpu.enqueue_dma source(%arg14 : memref<25x128xf32, #tpu.memory_space<vmem>>) target(%dma_start3A_352 : memref<25x128xf32, #tpu.memory_space<vmem_shared>>) target_semaphore(%run_scoped3A : memref<!tpu.dma_semaphore, #tpu.memory_space<semaphore_mem>>)
      %dma_wait3A_353 = arith.constant 0 : i32
      %dma_wait3A_354 = tpu.memref_slice %arg16[%add3A_25, %dma_wait3A_353] : memref<10000x128xf32, #tpu.memory_space<vmem_shared>> -> memref<25x128xf32, #tpu.memory_space<vmem_shared>>
      %dma_wait3A_355 = arith.constant 0 : i32
      %dma_wait3A_356 = tpu.memref_slice %arg16[%add3A_25, %dma_wait3A_355] : memref<10000x128xf32, #tpu.memory_space<vmem_shared>> -> memref<25x128xf32, #tpu.memory_space<vmem_shared>>
      tpu.wait_dma2 semaphore(%run_scoped3A : memref<!tpu.dma_semaphore, #tpu.memory_space<semaphore_mem>>) src(%arg14 : memref<25x128xf32, #tpu.memory_space<vmem>>) dst(%dma_wait3A_356 : memref<25x128xf32, #tpu.memory_space<vmem_shared>>)
      tpu.yield
    }) : () -> ()
    %add3A_26 = arith.constant 150 : i32
    %add3A_27 = arith.addi %mul3A_13, %add3A_26 : i32
    "tpu.region"() ({
      %run_scoped3A = tpu.sem_alloc : memref<!tpu.dma_semaphore, #tpu.memory_space<semaphore_mem>>
      %dma_start3A_349 = arith.constant 0 : i32
      %dma_start3A_350 = tpu.memref_slice %arg16[%add3A_27, %dma_start3A_349] : memref<10000x128xf32, #tpu.memory_space<vmem_shared>> -> memref<25x128xf32, #tpu.memory_space<vmem_shared>>
      %dma_start3A_351 = arith.constant 0 : i32
      %dma_start3A_352 = tpu.memref_slice %arg16[%add3A_27, %dma_start3A_351] : memref<10000x128xf32, #tpu.memory_space<vmem_shared>> -> memref<25x128xf32, #tpu.memory_space<vmem_shared>>
      tpu.enqueue_dma source(%arg14 : memref<25x128xf32, #tpu.memory_space<vmem>>) target(%dma_start3A_352 : memref<25x128xf32, #tpu.memory_space<vmem_shared>>) target_semaphore(%run_scoped3A : memref<!tpu.dma_semaphore, #tpu.memory_space<semaphore_mem>>)
      %dma_wait3A_353 = arith.constant 0 : i32
      %dma_wait3A_354 = tpu.memref_slice %arg16[%add3A_27, %dma_wait3A_353] : memref<10000x128xf32, #tpu.memory_space<vmem_shared>> -> memref<25x128xf32, #tpu.memory_space<vmem_shared>>
      %dma_wait3A_355 = arith.constant 0 : i32
      %dma_wait3A_356 = tpu.memref_slice %arg16[%add3A_27, %dma_wait3A_355] : memref<10000x128xf32, #tpu.memory_space<vmem_shared>> -> memref<25x128xf32, #tpu.memory_space<vmem_shared>>
      tpu.wait_dma2 semaphore(%run_scoped3A : memref<!tpu.dma_semaphore, #tpu.memory_space<semaphore_mem>>) src(%arg14 : memref<25x128xf32, #tpu.memory_space<vmem>>) dst(%dma_wait3A_356 : memref<25x128xf32, #tpu.memory_space<vmem_shared>>)
      tpu.yield
    }) : () -> ()
    %add3A_28 = arith.constant 175 : i32
    %add3A_29 = arith.addi %mul3A_13, %add3A_28 : i32
    "tpu.region"() ({
      %run_scoped3A = tpu.sem_alloc : memref<!tpu.dma_semaphore, #tpu.memory_space<semaphore_mem>>
      %dma_start3A_349 = arith.constant 0 : i32
      %dma_start3A_350 = tpu.memref_slice %arg16[%add3A_29, %dma_start3A_349] : memref<10000x128xf32, #tpu.memory_space<vmem_shared>> -> memref<25x128xf32, #tpu.memory_space<vmem_shared>>
      %dma_start3A_351 = arith.constant 0 : i32
      %dma_start3A_352 = tpu.memref_slice %arg16[%add3A_29, %dma_start3A_351] : memref<10000x128xf32, #tpu.memory_space<vmem_shared>> -> memref<25x128xf32, #tpu.memory_space<vmem_shared>>
      tpu.enqueue_dma source(%arg14 : memref<25x128xf32, #tpu.memory_space<vmem>>) target(%dma_start3A_352 : memref<25x128xf32, #tpu.memory_space<vmem_shared>>) target_semaphore(%run_scoped3A : memref<!tpu.dma_semaphore, #tpu.memory_space<semaphore_mem>>)
      %dma_wait3A_353 = arith.constant 0 : i32
      %dma_wait3A_354 = tpu.memref_slice %arg16[%add3A_29, %dma_wait3A_353] : memref<10000x128xf32, #tpu.memory_space<vmem_shared>> -> memref<25x128xf32, #tpu.memory_space<vmem_shared>>
      %dma_wait3A_355 = arith.constant 0 : i32
      %dma_wait3A_356 = tpu.memref_slice %arg16[%add3A_29, %dma_wait3A_355] : memref<10000x128xf32, #tpu.memory_space<vmem_shared>> -> memref<25x128xf32, #tpu.memory_space<vmem_shared>>
      tpu.wait_dma2 semaphore(%run_scoped3A : memref<!tpu.dma_semaphore, #tpu.memory_space<semaphore_mem>>) src(%arg14 : memref<25x128xf32, #tpu.memory_space<vmem>>) dst(%dma_wait3A_356 : memref<25x128xf32, #tpu.memory_space<vmem_shared>>)
      tpu.yield
    }) : () -> ()
    %add3A_30 = arith.constant 200 : i32
    %add3A_31 = arith.addi %mul3A_13, %add3A_30 : i32
    "tpu.region"() ({
      %run_scoped3A = tpu.sem_alloc : memref<!tpu.dma_semaphore, #tpu.memory_space<semaphore_mem>>
      %dma_start3A_349 = arith.constant 0 : i32
      %dma_start3A_350 = tpu.memref_slice %arg16[%add3A_31, %dma_start3A_349] : memref<10000x128xf32, #tpu.memory_space<vmem_shared>> -> memref<25x128xf32, #tpu.memory_space<vmem_shared>>
      %dma_start3A_351 = arith.constant 0 : i32
      %dma_start3A_352 = tpu.memref_slice %arg16[%add3A_31, %dma_start3A_351] : memref<10000x128xf32, #tpu.memory_space<vmem_shared>> -> memref<25x128xf32, #tpu.memory_space<vmem_shared>>
      tpu.enqueue_dma source(%arg14 : memref<25x128xf32, #tpu.memory_space<vmem>>) target(%dma_start3A_352 : memref<25x128xf32, #tpu.memory_space<vmem_shared>>) target_semaphore(%run_scoped3A : memref<!tpu.dma_semaphore, #tpu.memory_space<semaphore_mem>>)
      %dma_wait3A_353 = arith.constant 0 : i32
      %dma_wait3A_354 = tpu.memref_slice %arg16[%add3A_31, %dma_wait3A_353] : memref<10000x128xf32, #tpu.memory_space<vmem_shared>> -> memref<25x128xf32, #tpu.memory_space<vmem_shared>>
      %dma_wait3A_355 = arith.constant 0 : i32
      %dma_wait3A_356 = tpu.memref_slice %arg16[%add3A_31, %dma_wait3A_355] : memref<10000x128xf32, #tpu.memory_space<vmem_shared>> -> memref<25x128xf32, #tpu.memory_space<vmem_shared>>
      tpu.wait_dma2 semaphore(%run_scoped3A : memref<!tpu.dma_semaphore, #tpu.memory_space<semaphore_mem>>) src(%arg14 : memref<25x128xf32, #tpu.memory_space<vmem>>) dst(%dma_wait3A_356 : memref<25x128xf32, #tpu.memory_space<vmem_shared>>)
      tpu.yield
    }) : () -> ()
    %add3A_32 = arith.constant 225 : i32
    %add3A_33 = arith.addi %mul3A_13, %add3A_32 : i32
    "tpu.region"() ({
      %run_scoped3A = tpu.sem_alloc : memref<!tpu.dma_semaphore, #tpu.memory_space<semaphore_mem>>
      %dma_start3A_349 = arith.constant 0 : i32
      %dma_start3A_350 = tpu.memref_slice %arg16[%add3A_33, %dma_start3A_349] : memref<10000x128xf32, #tpu.memory_space<vmem_shared>> -> memref<25x128xf32, #tpu.memory_space<vmem_shared>>
      %dma_start3A_351 = arith.constant 0 : i32
      %dma_start3A_352 = tpu.memref_slice %arg16[%add3A_33, %dma_start3A_351] : memref<10000x128xf32, #tpu.memory_space<vmem_shared>> -> memref<25x128xf32, #tpu.memory_space<vmem_shared>>
      tpu.enqueue_dma source(%arg14 : memref<25x128xf32, #tpu.memory_space<vmem>>) target(%dma_start3A_352 : memref<25x128xf32, #tpu.memory_space<vmem_shared>>) target_semaphore(%run_scoped3A : memref<!tpu.dma_semaphore, #tpu.memory_space<semaphore_mem>>)
      %dma_wait3A_353 = arith.constant 0 : i32
      %dma_wait3A_354 = tpu.memref_slice %arg16[%add3A_33, %dma_wait3A_353] : memref<10000x128xf32, #tpu.memory_space<vmem_shared>> -> memref<25x128xf32, #tpu.memory_space<vmem_shared>>
      %dma_wait3A_355 = arith.constant 0 : i32
      %dma_wait3A_356 = tpu.memref_slice %arg16[%add3A_33, %dma_wait3A_355] : memref<10000x128xf32, #tpu.memory_space<vmem_shared>> -> memref<25x128xf32, #tpu.memory_space<vmem_shared>>
      tpu.wait_dma2 semaphore(%run_scoped3A : memref<!tpu.dma_semaphore, #tpu.memory_space<semaphore_mem>>) src(%arg14 : memref<25x128xf32, #tpu.memory_space<vmem>>) dst(%dma_wait3A_356 : memref<25x128xf32, #tpu.memory_space<vmem_shared>>)
      tpu.yield
    }) : () -> ()
    %add3A_34 = arith.constant 250 : i32
    %add3A_35 = arith.addi %mul3A_13, %add3A_34 : i32
    "tpu.region"() ({
      %run_scoped3A = tpu.sem_alloc : memref<!tpu.dma_semaphore, #tpu.memory_space<semaphore_mem>>
      %dma_start3A_349 = arith.constant 0 : i32
      %dma_start3A_350 = tpu.memref_slice %arg16[%add3A_35, %dma_start3A_349] : memref<10000x128xf32, #tpu.memory_space<vmem_shared>> -> memref<25x128xf32, #tpu.memory_space<vmem_shared>>
      %dma_start3A_351 = arith.constant 0 : i32
      %dma_start3A_352 = tpu.memref_slice %arg16[%add3A_35, %dma_start3A_351] : memref<10000x128xf32, #tpu.memory_space<vmem_shared>> -> memref<25x128xf32, #tpu.memory_space<vmem_shared>>
      tpu.enqueue_dma source(%arg14 : memref<25x128xf32, #tpu.memory_space<vmem>>) target(%dma_start3A_352 : memref<25x128xf32, #tpu.memory_space<vmem_shared>>) target_semaphore(%run_scoped3A : memref<!tpu.dma_semaphore, #tpu.memory_space<semaphore_mem>>)
      %dma_wait3A_353 = arith.constant 0 : i32
      %dma_wait3A_354 = tpu.memref_slice %arg16[%add3A_35, %dma_wait3A_353] : memref<10000x128xf32, #tpu.memory_space<vmem_shared>> -> memref<25x128xf32, #tpu.memory_space<vmem_shared>>
      %dma_wait3A_355 = arith.constant 0 : i32
      %dma_wait3A_356 = tpu.memref_slice %arg16[%add3A_35, %dma_wait3A_355] : memref<10000x128xf32, #tpu.memory_space<vmem_shared>> -> memref<25x128xf32, #tpu.memory_space<vmem_shared>>
      tpu.wait_dma2 semaphore(%run_scoped3A : memref<!tpu.dma_semaphore, #tpu.memory_space<semaphore_mem>>) src(%arg14 : memref<25x128xf32, #tpu.memory_space<vmem>>) dst(%dma_wait3A_356 : memref<25x128xf32, #tpu.memory_space<vmem_shared>>)
      tpu.yield
    }) : () -> ()
    %add3A_36 = arith.constant 275 : i32
    %add3A_37 = arith.addi %mul3A_13, %add3A_36 : i32
    "tpu.region"() ({
      %run_scoped3A = tpu.sem_alloc : memref<!tpu.dma_semaphore, #tpu.memory_space<semaphore_mem>>
      %dma_start3A_349 = arith.constant 0 : i32
      %dma_start3A_350 = tpu.memref_slice %arg16[%add3A_37, %dma_start3A_349] : memref<10000x128xf32, #tpu.memory_space<vmem_shared>> -> memref<25x128xf32, #tpu.memory_space<vmem_shared>>
      %dma_start3A_351 = arith.constant 0 : i32
      %dma_start3A_352 = tpu.memref_slice %arg16[%add3A_37, %dma_start3A_351] : memref<10000x128xf32, #tpu.memory_space<vmem_shared>> -> memref<25x128xf32, #tpu.memory_space<vmem_shared>>
      tpu.enqueue_dma source(%arg14 : memref<25x128xf32, #tpu.memory_space<vmem>>) target(%dma_start3A_352 : memref<25x128xf32, #tpu.memory_space<vmem_shared>>) target_semaphore(%run_scoped3A : memref<!tpu.dma_semaphore, #tpu.memory_space<semaphore_mem>>)
      %dma_wait3A_353 = arith.constant 0 : i32
      %dma_wait3A_354 = tpu.memref_slice %arg16[%add3A_37, %dma_wait3A_353] : memref<10000x128xf32, #tpu.memory_space<vmem_shared>> -> memref<25x128xf32, #tpu.memory_space<vmem_shared>>
      %dma_wait3A_355 = arith.constant 0 : i32
      %dma_wait3A_356 = tpu.memref_slice %arg16[%add3A_37, %dma_wait3A_355] : memref<10000x128xf32, #tpu.memory_space<vmem_shared>> -> memref<25x128xf32, #tpu.memory_space<vmem_shared>>
      tpu.wait_dma2 semaphore(%run_scoped3A : memref<!tpu.dma_semaphore, #tpu.memory_space<semaphore_mem>>) src(%arg14 : memref<25x128xf32, #tpu.memory_space<vmem>>) dst(%dma_wait3A_356 : memref<25x128xf32, #tpu.memory_space<vmem_shared>>)
      tpu.yield
    }) : () -> ()
    %add3A_38 = arith.constant 300 : i32
    %add3A_39 = arith.addi %mul3A_13, %add3A_38 : i32
    "tpu.region"() ({
      %run_scoped3A = tpu.sem_alloc : memref<!tpu.dma_semaphore, #tpu.memory_space<semaphore_mem>>
      %dma_start3A_349 = arith.constant 0 : i32
      %dma_start3A_350 = tpu.memref_slice %arg16[%add3A_39, %dma_start3A_349] : memref<10000x128xf32, #tpu.memory_space<vmem_shared>> -> memref<25x128xf32, #tpu.memory_space<vmem_shared>>
      %dma_start3A_351 = arith.constant 0 : i32
      %dma_start3A_352 = tpu.memref_slice %arg16[%add3A_39, %dma_start3A_351] : memref<10000x128xf32, #tpu.memory_space<vmem_shared>> -> memref<25x128xf32, #tpu.memory_space<vmem_shared>>
      tpu.enqueue_dma source(%arg14 : memref<25x128xf32, #tpu.memory_space<vmem>>) target(%dma_start3A_352 : memref<25x128xf32, #tpu.memory_space<vmem_shared>>) target_semaphore(%run_scoped3A : memref<!tpu.dma_semaphore, #tpu.memory_space<semaphore_mem>>)
      %dma_wait3A_353 = arith.constant 0 : i32
      %dma_wait3A_354 = tpu.memref_slice %arg16[%add3A_39, %dma_wait3A_353] : memref<10000x128xf32, #tpu.memory_space<vmem_shared>> -> memref<25x128xf32, #tpu.memory_space<vmem_shared>>
      %dma_wait3A_355 = arith.constant 0 : i32
      %dma_wait3A_356 = tpu.memref_slice %arg16[%add3A_39, %dma_wait3A_355] : memref<10000x128xf32, #tpu.memory_space<vmem_shared>> -> memref<25x128xf32, #tpu.memory_space<vmem_shared>>
      tpu.wait_dma2 semaphore(%run_scoped3A : memref<!tpu.dma_semaphore, #tpu.memory_space<semaphore_mem>>) src(%arg14 : memref<25x128xf32, #tpu.memory_space<vmem>>) dst(%dma_wait3A_356 : memref<25x128xf32, #tpu.memory_space<vmem_shared>>)
      tpu.yield
    }) : () -> ()
    %add3A_40 = arith.constant 325 : i32
    %add3A_41 = arith.addi %mul3A_13, %add3A_40 : i32
    "tpu.region"() ({
      %run_scoped3A = tpu.sem_alloc : memref<!tpu.dma_semaphore, #tpu.memory_space<semaphore_mem>>
      %dma_start3A_349 = arith.constant 0 : i32
      %dma_start3A_350 = tpu.memref_slice %arg16[%add3A_41, %dma_start3A_349] : memref<10000x128xf32, #tpu.memory_space<vmem_shared>> -> memref<25x128xf32, #tpu.memory_space<vmem_shared>>
      %dma_start3A_351 = arith.constant 0 : i32
      %dma_start3A_352 = tpu.memref_slice %arg16[%add3A_41, %dma_start3A_351] : memref<10000x128xf32, #tpu.memory_space<vmem_shared>> -> memref<25x128xf32, #tpu.memory_space<vmem_shared>>
      tpu.enqueue_dma source(%arg14 : memref<25x128xf32, #tpu.memory_space<vmem>>) target(%dma_start3A_352 : memref<25x128xf32, #tpu.memory_space<vmem_shared>>) target_semaphore(%run_scoped3A : memref<!tpu.dma_semaphore, #tpu.memory_space<semaphore_mem>>)
      %dma_wait3A_353 = arith.constant 0 : i32
      %dma_wait3A_354 = tpu.memref_slice %arg16[%add3A_41, %dma_wait3A_353] : memref<10000x128xf32, #tpu.memory_space<vmem_shared>> -> memref<25x128xf32, #tpu.memory_space<vmem_shared>>
      %dma_wait3A_355 = arith.constant 0 : i32
      %dma_wait3A_356 = tpu.memref_slice %arg16[%add3A_41, %dma_wait3A_355] : memref<10000x128xf32, #tpu.memory_space<vmem_shared>> -> memref<25x128xf32, #tpu.memory_space<vmem_shared>>
      tpu.wait_dma2 semaphore(%run_scoped3A : memref<!tpu.dma_semaphore, #tpu.memory_space<semaphore_mem>>) src(%arg14 : memref<25x128xf32, #tpu.memory_space<vmem>>) dst(%dma_wait3A_356 : memref<25x128xf32, #tpu.memory_space<vmem_shared>>)
      tpu.yield
    }) : () -> ()
    %add3A_42 = arith.constant 350 : i32
    %add3A_43 = arith.addi %mul3A_13, %add3A_42 : i32
    "tpu.region"() ({
      %run_scoped3A = tpu.sem_alloc : memref<!tpu.dma_semaphore, #tpu.memory_space<semaphore_mem>>
      %dma_start3A_349 = arith.constant 0 : i32
      %dma_start3A_350 = tpu.memref_slice %arg16[%add3A_43, %dma_start3A_349] : memref<10000x128xf32, #tpu.memory_space<vmem_shared>> -> memref<25x128xf32, #tpu.memory_space<vmem_shared>>
      %dma_start3A_351 = arith.constant 0 : i32
      %dma_start3A_352 = tpu.memref_slice %arg16[%add3A_43, %dma_start3A_351] : memref<10000x128xf32, #tpu.memory_space<vmem_shared>> -> memref<25x128xf32, #tpu.memory_space<vmem_shared>>
      tpu.enqueue_dma source(%arg14 : memref<25x128xf32, #tpu.memory_space<vmem>>) target(%dma_start3A_352 : memref<25x128xf32, #tpu.memory_space<vmem_shared>>) target_semaphore(%run_scoped3A : memref<!tpu.dma_semaphore, #tpu.memory_space<semaphore_mem>>)
      %dma_wait3A_353 = arith.constant 0 : i32
      %dma_wait3A_354 = tpu.memref_slice %arg16[%add3A_43, %dma_wait3A_353] : memref<10000x128xf32, #tpu.memory_space<vmem_shared>> -> memref<25x128xf32, #tpu.memory_space<vmem_shared>>
      %dma_wait3A_355 = arith.constant 0 : i32
      %dma_wait3A_356 = tpu.memref_slice %arg16[%add3A_43, %dma_wait3A_355] : memref<10000x128xf32, #tpu.memory_space<vmem_shared>> -> memref<25x128xf32, #tpu.memory_space<vmem_shared>>
      tpu.wait_dma2 semaphore(%run_scoped3A : memref<!tpu.dma_semaphore, #tpu.memory_space<semaphore_mem>>) src(%arg14 : memref<25x128xf32, #tpu.memory_space<vmem>>) dst(%dma_wait3A_356 : memref<25x128xf32, #tpu.memory_space<vmem_shared>>)
      tpu.yield
    }) : () -> ()
    %add3A_44 = arith.constant 375 : i32
    %add3A_45 = arith.addi %mul3A_13, %add3A_44 : i32
    "tpu.region"() ({
      %run_scoped3A = tpu.sem_alloc : memref<!tpu.dma_semaphore, #tpu.memory_space<semaphore_mem>>
      %dma_start3A_349 = arith.constant 0 : i32
      %dma_start3A_350 = tpu.memref_slice %arg16[%add3A_45, %dma_start3A_349] : memref<10000x128xf32, #tpu.memory_space<vmem_shared>> -> memref<25x128xf32, #tpu.memory_space<vmem_shared>>
      %dma_start3A_351 = arith.constant 0 : i32
      %dma_start3A_352 = tpu.memref_slice %arg16[%add3A_45, %dma_start3A_351] : memref<10000x128xf32, #tpu.memory_space<vmem_shared>> -> memref<25x128xf32, #tpu.memory_space<vmem_shared>>
      tpu.enqueue_dma source(%arg14 : memref<25x128xf32, #tpu.memory_space<vmem>>) target(%dma_start3A_352 : memref<25x128xf32, #tpu.memory_space<vmem_shared>>) target_semaphore(%run_scoped3A : memref<!tpu.dma_semaphore, #tpu.memory_space<semaphore_mem>>)
      %dma_wait3A_353 = arith.constant 0 : i32
      %dma_wait3A_354 = tpu.memref_slice %arg16[%add3A_45, %dma_wait3A_353] : memref<10000x128xf32, #tpu.memory_space<vmem_shared>> -> memref<25x128xf32, #tpu.memory_space<vmem_shared>>
      %dma_wait3A_355 = arith.constant 0 : i32
      %dma_wait3A_356 = tpu.memref_slice %arg16[%add3A_45, %dma_wait3A_355] : memref<10000x128xf32, #tpu.memory_space<vmem_shared>> -> memref<25x128xf32, #tpu.memory_space<vmem_shared>>
      tpu.wait_dma2 semaphore(%run_scoped3A : memref<!tpu.dma_semaphore, #tpu.memory_space<semaphore_mem>>) src(%arg14 : memref<25x128xf32, #tpu.memory_space<vmem>>) dst(%dma_wait3A_356 : memref<25x128xf32, #tpu.memory_space<vmem_shared>>)
      tpu.yield
    }) : () -> ()
    %add3A_46 = arith.constant 400 : i32
    %add3A_47 = arith.addi %mul3A_13, %add3A_46 : i32
    "tpu.region"() ({
      %run_scoped3A = tpu.sem_alloc : memref<!tpu.dma_semaphore, #tpu.memory_space<semaphore_mem>>
      %dma_start3A_349 = arith.constant 0 : i32
      %dma_start3A_350 = tpu.memref_slice %arg16[%add3A_47, %dma_start3A_349] : memref<10000x128xf32, #tpu.memory_space<vmem_shared>> -> memref<25x128xf32, #tpu.memory_space<vmem_shared>>
      %dma_start3A_351 = arith.constant 0 : i32
      %dma_start3A_352 = tpu.memref_slice %arg16[%add3A_47, %dma_start3A_351] : memref<10000x128xf32, #tpu.memory_space<vmem_shared>> -> memref<25x128xf32, #tpu.memory_space<vmem_shared>>
      tpu.enqueue_dma source(%arg14 : memref<25x128xf32, #tpu.memory_space<vmem>>) target(%dma_start3A_352 : memref<25x128xf32, #tpu.memory_space<vmem_shared>>) target_semaphore(%run_scoped3A : memref<!tpu.dma_semaphore, #tpu.memory_space<semaphore_mem>>)
      %dma_wait3A_353 = arith.constant 0 : i32
      %dma_wait3A_354 = tpu.memref_slice %arg16[%add3A_47, %dma_wait3A_353] : memref<10000x128xf32, #tpu.memory_space<vmem_shared>> -> memref<25x128xf32, #tpu.memory_space<vmem_shared>>
      %dma_wait3A_355 = arith.constant 0 : i32
      %dma_wait3A_356 = tpu.memref_slice %arg16[%add3A_47, %dma_wait3A_355] : memref<10000x128xf32, #tpu.memory_space<vmem_shared>> -> memref<25x128xf32, #tpu.memory_space<vmem_shared>>
      tpu.wait_dma2 semaphore(%run_scoped3A : memref<!tpu.dma_semaphore, #tpu.memory_space<semaphore_mem>>) src(%arg14 : memref<25x128xf32, #tpu.memory_space<vmem>>) dst(%dma_wait3A_356 : memref<25x128xf32, #tpu.memory_space<vmem_shared>>)
      tpu.yield
    }) : () -> ()
    %add3A_48 = arith.constant 425 : i32
    %add3A_49 = arith.addi %mul3A_13, %add3A_48 : i32
    "tpu.region"() ({
      %run_scoped3A = tpu.sem_alloc : memref<!tpu.dma_semaphore, #tpu.memory_space<semaphore_mem>>
      %dma_start3A_349 = arith.constant 0 : i32
      %dma_start3A_350 = tpu.memref_slice %arg16[%add3A_49, %dma_start3A_349] : memref<10000x128xf32, #tpu.memory_space<vmem_shared>> -> memref<25x128xf32, #tpu.memory_space<vmem_shared>>
      %dma_start3A_351 = arith.constant 0 : i32
      %dma_start3A_352 = tpu.memref_slice %arg16[%add3A_49, %dma_start3A_351] : memref<10000x128xf32, #tpu.memory_space<vmem_shared>> -> memref<25x128xf32, #tpu.memory_space<vmem_shared>>
      tpu.enqueue_dma source(%arg14 : memref<25x128xf32, #tpu.memory_space<vmem>>) target(%dma_start3A_352 : memref<25x128xf32, #tpu.memory_space<vmem_shared>>) target_semaphore(%run_scoped3A : memref<!tpu.dma_semaphore, #tpu.memory_space<semaphore_mem>>)
      %dma_wait3A_353 = arith.constant 0 : i32
      %dma_wait3A_354 = tpu.memref_slice %arg16[%add3A_49, %dma_wait3A_353] : memref<10000x128xf32, #tpu.memory_space<vmem_shared>> -> memref<25x128xf32, #tpu.memory_space<vmem_shared>>
      %dma_wait3A_355 = arith.constant 0 : i32
      %dma_wait3A_356 = tpu.memref_slice %arg16[%add3A_49, %dma_wait3A_355] : memref<10000x128xf32, #tpu.memory_space<vmem_shared>> -> memref<25x128xf32, #tpu.memory_space<vmem_shared>>
      tpu.wait_dma2 semaphore(%run_scoped3A : memref<!tpu.dma_semaphore, #tpu.memory_space<semaphore_mem>>) src(%arg14 : memref<25x128xf32, #tpu.memory_space<vmem>>) dst(%dma_wait3A_356 : memref<25x128xf32, #tpu.memory_space<vmem_shared>>)
      tpu.yield
    }) : () -> ()
    %add3A_50 = arith.constant 450 : i32
    %add3A_51 = arith.addi %mul3A_13, %add3A_50 : i32
    "tpu.region"() ({
      %run_scoped3A = tpu.sem_alloc : memref<!tpu.dma_semaphore, #tpu.memory_space<semaphore_mem>>
      %dma_start3A_349 = arith.constant 0 : i32
      %dma_start3A_350 = tpu.memref_slice %arg16[%add3A_51, %dma_start3A_349] : memref<10000x128xf32, #tpu.memory_space<vmem_shared>> -> memref<25x128xf32, #tpu.memory_space<vmem_shared>>
      %dma_start3A_351 = arith.constant 0 : i32
      %dma_start3A_352 = tpu.memref_slice %arg16[%add3A_51, %dma_start3A_351] : memref<10000x128xf32, #tpu.memory_space<vmem_shared>> -> memref<25x128xf32, #tpu.memory_space<vmem_shared>>
      tpu.enqueue_dma source(%arg14 : memref<25x128xf32, #tpu.memory_space<vmem>>) target(%dma_start3A_352 : memref<25x128xf32, #tpu.memory_space<vmem_shared>>) target_semaphore(%run_scoped3A : memref<!tpu.dma_semaphore, #tpu.memory_space<semaphore_mem>>)
      %dma_wait3A_353 = arith.constant 0 : i32
      %dma_wait3A_354 = tpu.memref_slice %arg16[%add3A_51, %dma_wait3A_353] : memref<10000x128xf32, #tpu.memory_space<vmem_shared>> -> memref<25x128xf32, #tpu.memory_space<vmem_shared>>
      %dma_wait3A_355 = arith.constant 0 : i32
      %dma_wait3A_356 = tpu.memref_slice %arg16[%add3A_51, %dma_wait3A_355] : memref<10000x128xf32, #tpu.memory_space<vmem_shared>> -> memref<25x128xf32, #tpu.memory_space<vmem_shared>>
      tpu.wait_dma2 semaphore(%run_scoped3A : memref<!tpu.dma_semaphore, #tpu.memory_space<semaphore_mem>>) src(%arg14 : memref<25x128xf32, #tpu.memory_space<vmem>>) dst(%dma_wait3A_356 : memref<25x128xf32, #tpu.memory_space<vmem_shared>>)
      tpu.yield
    }) : () -> ()
    %add3A_52 = arith.constant 475 : i32
    %add3A_53 = arith.addi %mul3A_13, %add3A_52 : i32
    "tpu.region"() ({
      %run_scoped3A = tpu.sem_alloc : memref<!tpu.dma_semaphore, #tpu.memory_space<semaphore_mem>>
      %dma_start3A_349 = arith.constant 0 : i32
      %dma_start3A_350 = tpu.memref_slice %arg16[%add3A_53, %dma_start3A_349] : memref<10000x128xf32, #tpu.memory_space<vmem_shared>> -> memref<25x128xf32, #tpu.memory_space<vmem_shared>>
      %dma_start3A_351 = arith.constant 0 : i32
      %dma_start3A_352 = tpu.memref_slice %arg16[%add3A_53, %dma_start3A_351] : memref<10000x128xf32, #tpu.memory_space<vmem_shared>> -> memref<25x128xf32, #tpu.memory_space<vmem_shared>>
      tpu.enqueue_dma source(%arg14 : memref<25x128xf32, #tpu.memory_space<vmem>>) target(%dma_start3A_352 : memref<25x128xf32, #tpu.memory_space<vmem_shared>>) target_semaphore(%run_scoped3A : memref<!tpu.dma_semaphore, #tpu.memory_space<semaphore_mem>>)
      %dma_wait3A_353 = arith.constant 0 : i32
      %dma_wait3A_354 = tpu.memref_slice %arg16[%add3A_53, %dma_wait3A_353] : memref<10000x128xf32, #tpu.memory_space<vmem_shared>> -> memref<25x128xf32, #tpu.memory_space<vmem_shared>>
      %dma_wait3A_355 = arith.constant 0 : i32
      %dma_wait3A_356 = tpu.memref_slice %arg16[%add3A_53, %dma_wait3A_355] : memref<10000x128xf32, #tpu.memory_space<vmem_shared>> -> memref<25x128xf32, #tpu.memory_space<vmem_shared>>
      tpu.wait_dma2 semaphore(%run_scoped3A : memref<!tpu.dma_semaphore, #tpu.memory_space<semaphore_mem>>) src(%arg14 : memref<25x128xf32, #tpu.memory_space<vmem>>) dst(%dma_wait3A_356 : memref<25x128xf32, #tpu.memory_space<vmem_shared>>)
      tpu.yield
    }) : () -> ()
    %add3A_54 = arith.constant 500 : i32
    %add3A_55 = arith.addi %mul3A_13, %add3A_54 : i32
    "tpu.region"() ({
      %run_scoped3A = tpu.sem_alloc : memref<!tpu.dma_semaphore, #tpu.memory_space<semaphore_mem>>
      %dma_start3A_349 = arith.constant 0 : i32
      %dma_start3A_350 = tpu.memref_slice %arg16[%add3A_55, %dma_start3A_349] : memref<10000x128xf32, #tpu.memory_space<vmem_shared>> -> memref<25x128xf32, #tpu.memory_space<vmem_shared>>
      %dma_start3A_351 = arith.constant 0 : i32
      %dma_start3A_352 = tpu.memref_slice %arg16[%add3A_55, %dma_start3A_351] : memref<10000x128xf32, #tpu.memory_space<vmem_shared>> -> memref<25x128xf32, #tpu.memory_space<vmem_shared>>
      tpu.enqueue_dma source(%arg14 : memref<25x128xf32, #tpu.memory_space<vmem>>) target(%dma_start3A_352 : memref<25x128xf32, #tpu.memory_space<vmem_shared>>) target_semaphore(%run_scoped3A : memref<!tpu.dma_semaphore, #tpu.memory_space<semaphore_mem>>)
      %dma_wait3A_353 = arith.constant 0 : i32
      %dma_wait3A_354 = tpu.memref_slice %arg16[%add3A_55, %dma_wait3A_353] : memref<10000x128xf32, #tpu.memory_space<vmem_shared>> -> memref<25x128xf32, #tpu.memory_space<vmem_shared>>
      %dma_wait3A_355 = arith.constant 0 : i32
      %dma_wait3A_356 = tpu.memref_slice %arg16[%add3A_55, %dma_wait3A_355] : memref<10000x128xf32, #tpu.memory_space<vmem_shared>> -> memref<25x128xf32, #tpu.memory_space<vmem_shared>>
      tpu.wait_dma2 semaphore(%run_scoped3A : memref<!tpu.dma_semaphore, #tpu.memory_space<semaphore_mem>>) src(%arg14 : memref<25x128xf32, #tpu.memory_space<vmem>>) dst(%dma_wait3A_356 : memref<25x128xf32, #tpu.memory_space<vmem_shared>>)
      tpu.yield
    }) : () -> ()
    %add3A_56 = arith.constant 525 : i32
    %add3A_57 = arith.addi %mul3A_13, %add3A_56 : i32
    "tpu.region"() ({
      %run_scoped3A = tpu.sem_alloc : memref<!tpu.dma_semaphore, #tpu.memory_space<semaphore_mem>>
      %dma_start3A_349 = arith.constant 0 : i32
      %dma_start3A_350 = tpu.memref_slice %arg16[%add3A_57, %dma_start3A_349] : memref<10000x128xf32, #tpu.memory_space<vmem_shared>> -> memref<25x128xf32, #tpu.memory_space<vmem_shared>>
      %dma_start3A_351 = arith.constant 0 : i32
      %dma_start3A_352 = tpu.memref_slice %arg16[%add3A_57, %dma_start3A_351] : memref<10000x128xf32, #tpu.memory_space<vmem_shared>> -> memref<25x128xf32, #tpu.memory_space<vmem_shared>>
      tpu.enqueue_dma source(%arg14 : memref<25x128xf32, #tpu.memory_space<vmem>>) target(%dma_start3A_352 : memref<25x128xf32, #tpu.memory_space<vmem_shared>>) target_semaphore(%run_scoped3A : memref<!tpu.dma_semaphore, #tpu.memory_space<semaphore_mem>>)
      %dma_wait3A_353 = arith.constant 0 : i32
      %dma_wait3A_354 = tpu.memref_slice %arg16[%add3A_57, %dma_wait3A_353] : memref<10000x128xf32, #tpu.memory_space<vmem_shared>> -> memref<25x128xf32, #tpu.memory_space<vmem_shared>>
      %dma_wait3A_355 = arith.constant 0 : i32
      %dma_wait3A_356 = tpu.memref_slice %arg16[%add3A_57, %dma_wait3A_355] : memref<10000x128xf32, #tpu.memory_space<vmem_shared>> -> memref<25x128xf32, #tpu.memory_space<vmem_shared>>
      tpu.wait_dma2 semaphore(%run_scoped3A : memref<!tpu.dma_semaphore, #tpu.memory_space<semaphore_mem>>) src(%arg14 : memref<25x128xf32, #tpu.memory_space<vmem>>) dst(%dma_wait3A_356 : memref<25x128xf32, #tpu.memory_space<vmem_shared>>)
      tpu.yield
    }) : () -> ()
    %add3A_58 = arith.constant 550 : i32
    %add3A_59 = arith.addi %mul3A_13, %add3A_58 : i32
    "tpu.region"() ({
      %run_scoped3A = tpu.sem_alloc : memref<!tpu.dma_semaphore, #tpu.memory_space<semaphore_mem>>
      %dma_start3A_349 = arith.constant 0 : i32
      %dma_start3A_350 = tpu.memref_slice %arg16[%add3A_59, %dma_start3A_349] : memref<10000x128xf32, #tpu.memory_space<vmem_shared>> -> memref<25x128xf32, #tpu.memory_space<vmem_shared>>
      %dma_start3A_351 = arith.constant 0 : i32
      %dma_start3A_352 = tpu.memref_slice %arg16[%add3A_59, %dma_start3A_351] : memref<10000x128xf32, #tpu.memory_space<vmem_shared>> -> memref<25x128xf32, #tpu.memory_space<vmem_shared>>
      tpu.enqueue_dma source(%arg14 : memref<25x128xf32, #tpu.memory_space<vmem>>) target(%dma_start3A_352 : memref<25x128xf32, #tpu.memory_space<vmem_shared>>) target_semaphore(%run_scoped3A : memref<!tpu.dma_semaphore, #tpu.memory_space<semaphore_mem>>)
      %dma_wait3A_353 = arith.constant 0 : i32
      %dma_wait3A_354 = tpu.memref_slice %arg16[%add3A_59, %dma_wait3A_353] : memref<10000x128xf32, #tpu.memory_space<vmem_shared>> -> memref<25x128xf32, #tpu.memory_space<vmem_shared>>
      %dma_wait3A_355 = arith.constant 0 : i32
      %dma_wait3A_356 = tpu.memref_slice %arg16[%add3A_59, %dma_wait3A_355] : memref<10000x128xf32, #tpu.memory_space<vmem_shared>> -> memref<25x128xf32, #tpu.memory_space<vmem_shared>>
      tpu.wait_dma2 semaphore(%run_scoped3A : memref<!tpu.dma_semaphore, #tpu.memory_space<semaphore_mem>>) src(%arg14 : memref<25x128xf32, #tpu.memory_space<vmem>>) dst(%dma_wait3A_356 : memref<25x128xf32, #tpu.memory_space<vmem_shared>>)
      tpu.yield
    }) : () -> ()
    %add3A_60 = arith.constant 575 : i32
    %add3A_61 = arith.addi %mul3A_13, %add3A_60 : i32
    "tpu.region"() ({
      %run_scoped3A = tpu.sem_alloc : memref<!tpu.dma_semaphore, #tpu.memory_space<semaphore_mem>>
      %dma_start3A_349 = arith.constant 0 : i32
      %dma_start3A_350 = tpu.memref_slice %arg16[%add3A_61, %dma_start3A_349] : memref<10000x128xf32, #tpu.memory_space<vmem_shared>> -> memref<25x128xf32, #tpu.memory_space<vmem_shared>>
      %dma_start3A_351 = arith.constant 0 : i32
      %dma_start3A_352 = tpu.memref_slice %arg16[%add3A_61, %dma_start3A_351] : memref<10000x128xf32, #tpu.memory_space<vmem_shared>> -> memref<25x128xf32, #tpu.memory_space<vmem_shared>>
      tpu.enqueue_dma source(%arg14 : memref<25x128xf32, #tpu.memory_space<vmem>>) target(%dma_start3A_352 : memref<25x128xf32, #tpu.memory_space<vmem_shared>>) target_semaphore(%run_scoped3A : memref<!tpu.dma_semaphore, #tpu.memory_space<semaphore_mem>>)
      %dma_wait3A_353 = arith.constant 0 : i32
      %dma_wait3A_354 = tpu.memref_slice %arg16[%add3A_61, %dma_wait3A_353] : memref<10000x128xf32, #tpu.memory_space<vmem_shared>> -> memref<25x128xf32, #tpu.memory_space<vmem_shared>>
      %dma_wait3A_355 = arith.constant 0 : i32
      %dma_wait3A_356 = tpu.memref_slice %arg16[%add3A_61, %dma_wait3A_355] : memref<10000x128xf32, #tpu.memory_space<vmem_shared>> -> memref<25x128xf32, #tpu.memory_space<vmem_shared>>
      tpu.wait_dma2 semaphore(%run_scoped3A : memref<!tpu.dma_semaphore, #tpu.memory_space<semaphore_mem>>) src(%arg14 : memref<25x128xf32, #tpu.memory_space<vmem>>) dst(%dma_wait3A_356 : memref<25x128xf32, #tpu.memory_space<vmem_shared>>)
      tpu.yield
    }) : () -> ()
    %add3A_62 = arith.constant 600 : i32
    %add3A_63 = arith.addi %mul3A_13, %add3A_62 : i32
    "tpu.region"() ({
      %run_scoped3A = tpu.sem_alloc : memref<!tpu.dma_semaphore, #tpu.memory_space<semaphore_mem>>
      %dma_start3A_349 = arith.constant 0 : i32
      %dma_start3A_350 = tpu.memref_slice %arg16[%add3A_63, %dma_start3A_349] : memref<10000x128xf32, #tpu.memory_space<vmem_shared>> -> memref<25x128xf32, #tpu.memory_space<vmem_shared>>
      %dma_start3A_351 = arith.constant 0 : i32
      %dma_start3A_352 = tpu.memref_slice %arg16[%add3A_63, %dma_start3A_351] : memref<10000x128xf32, #tpu.memory_space<vmem_shared>> -> memref<25x128xf32, #tpu.memory_space<vmem_shared>>
      tpu.enqueue_dma source(%arg14 : memref<25x128xf32, #tpu.memory_space<vmem>>) target(%dma_start3A_352 : memref<25x128xf32, #tpu.memory_space<vmem_shared>>) target_semaphore(%run_scoped3A : memref<!tpu.dma_semaphore, #tpu.memory_space<semaphore_mem>>)
      %dma_wait3A_353 = arith.constant 0 : i32
      %dma_wait3A_354 = tpu.memref_slice %arg16[%add3A_63, %dma_wait3A_353] : memref<10000x128xf32, #tpu.memory_space<vmem_shared>> -> memref<25x128xf32, #tpu.memory_space<vmem_shared>>
      %dma_wait3A_355 = arith.constant 0 : i32
      %dma_wait3A_356 = tpu.memref_slice %arg16[%add3A_63, %dma_wait3A_355] : memref<10000x128xf32, #tpu.memory_space<vmem_shared>> -> memref<25x128xf32, #tpu.memory_space<vmem_shared>>
      tpu.wait_dma2 semaphore(%run_scoped3A : memref<!tpu.dma_semaphore, #tpu.memory_space<semaphore_mem>>) src(%arg14 : memref<25x128xf32, #tpu.memory_space<vmem>>) dst(%dma_wait3A_356 : memref<25x128xf32, #tpu.memory_space<vmem_shared>>)
      tpu.yield
    }) : () -> ()
    %add3A_64 = arith.constant 0 : i32
    %add3A_65 = arith.addi %mul3A_13, %add3A_64 : i32
    "tpu.region"() ({
      %run_scoped3A = tpu.sem_alloc : memref<!tpu.dma_semaphore, #tpu.memory_space<semaphore_mem>>
      %dma_start3A_349 = arith.constant 0 : i32
      %dma_start3A_350 = tpu.memref_slice %arg17[%add3A_65, %dma_start3A_349] : memref<10000x16xf32, #tpu.memory_space<vmem_shared>> -> memref<125x16xf32, #tpu.memory_space<vmem_shared>>
      %dma_start3A_351 = arith.constant 0 : i32
      %dma_start3A_352 = tpu.memref_slice %arg17[%add3A_65, %dma_start3A_351] : memref<10000x16xf32, #tpu.memory_space<vmem_shared>> -> memref<125x16xf32, #tpu.memory_space<vmem_shared>>
      tpu.enqueue_dma source(%arg15 : memref<125x16xf32, #tpu.memory_space<vmem>>) target(%dma_start3A_352 : memref<125x16xf32, #tpu.memory_space<vmem_shared>>) target_semaphore(%run_scoped3A : memref<!tpu.dma_semaphore, #tpu.memory_space<semaphore_mem>>)
      %dma_wait3A_353 = arith.constant 0 : i32
      %dma_wait3A_354 = tpu.memref_slice %arg17[%add3A_65, %dma_wait3A_353] : memref<10000x16xf32, #tpu.memory_space<vmem_shared>> -> memref<125x16xf32, #tpu.memory_space<vmem_shared>>
      %dma_wait3A_355 = arith.constant 0 : i32
      %dma_wait3A_356 = tpu.memref_slice %arg17[%add3A_65, %dma_wait3A_355] : memref<10000x16xf32, #tpu.memory_space<vmem_shared>> -> memref<125x16xf32, #tpu.memory_space<vmem_shared>>
      tpu.wait_dma2 semaphore(%run_scoped3A : memref<!tpu.dma_semaphore, #tpu.memory_space<semaphore_mem>>) src(%arg15 : memref<125x16xf32, #tpu.memory_space<vmem>>) dst(%dma_wait3A_356 : memref<125x16xf32, #tpu.memory_space<vmem_shared>>)
      tpu.yield
    }) : () -> ()
    %add3A_66 = arith.constant 125 : i32
    %add3A_67 = arith.addi %mul3A_13, %add3A_66 : i32
    "tpu.region"() ({
      %run_scoped3A = tpu.sem_alloc : memref<!tpu.dma_semaphore, #tpu.memory_space<semaphore_mem>>
      %dma_start3A_349 = arith.constant 0 : i32
      %dma_start3A_350 = tpu.memref_slice %arg17[%add3A_67, %dma_start3A_349] : memref<10000x16xf32, #tpu.memory_space<vmem_shared>> -> memref<125x16xf32, #tpu.memory_space<vmem_shared>>
      %dma_start3A_351 = arith.constant 0 : i32
      %dma_start3A_352 = tpu.memref_slice %arg17[%add3A_67, %dma_start3A_351] : memref<10000x16xf32, #tpu.memory_space<vmem_shared>> -> memref<125x16xf32, #tpu.memory_space<vmem_shared>>
      tpu.enqueue_dma source(%arg15 : memref<125x16xf32, #tpu.memory_space<vmem>>) target(%dma_start3A_352 : memref<125x16xf32, #tpu.memory_space<vmem_shared>>) target_semaphore(%run_scoped3A : memref<!tpu.dma_semaphore, #tpu.memory_space<semaphore_mem>>)
      %dma_wait3A_353 = arith.constant 0 : i32
      %dma_wait3A_354 = tpu.memref_slice %arg17[%add3A_67, %dma_wait3A_353] : memref<10000x16xf32, #tpu.memory_space<vmem_shared>> -> memref<125x16xf32, #tpu.memory_space<vmem_shared>>
      %dma_wait3A_355 = arith.constant 0 : i32
      %dma_wait3A_356 = tpu.memref_slice %arg17[%add3A_67, %dma_wait3A_355] : memref<10000x16xf32, #tpu.memory_space<vmem_shared>> -> memref<125x16xf32, #tpu.memory_space<vmem_shared>>
      tpu.wait_dma2 semaphore(%run_scoped3A : memref<!tpu.dma_semaphore, #tpu.memory_space<semaphore_mem>>) src(%arg15 : memref<125x16xf32, #tpu.memory_space<vmem>>) dst(%dma_wait3A_356 : memref<125x16xf32, #tpu.memory_space<vmem_shared>>)
      tpu.yield
    }) : () -> ()
    %add3A_68 = arith.constant 250 : i32
    %add3A_69 = arith.addi %mul3A_13, %add3A_68 : i32
    "tpu.region"() ({
      %run_scoped3A = tpu.sem_alloc : memref<!tpu.dma_semaphore, #tpu.memory_space<semaphore_mem>>
      %dma_start3A_349 = arith.constant 0 : i32
      %dma_start3A_350 = tpu.memref_slice %arg17[%add3A_69, %dma_start3A_349] : memref<10000x16xf32, #tpu.memory_space<vmem_shared>> -> memref<125x16xf32, #tpu.memory_space<vmem_shared>>
      %dma_start3A_351 = arith.constant 0 : i32
      %dma_start3A_352 = tpu.memref_slice %arg17[%add3A_69, %dma_start3A_351] : memref<10000x16xf32, #tpu.memory_space<vmem_shared>> -> memref<125x16xf32, #tpu.memory_space<vmem_shared>>
      tpu.enqueue_dma source(%arg15 : memref<125x16xf32, #tpu.memory_space<vmem>>) target(%dma_start3A_352 : memref<125x16xf32, #tpu.memory_space<vmem_shared>>) target_semaphore(%run_scoped3A : memref<!tpu.dma_semaphore, #tpu.memory_space<semaphore_mem>>)
      %dma_wait3A_353 = arith.constant 0 : i32
      %dma_wait3A_354 = tpu.memref_slice %arg17[%add3A_69, %dma_wait3A_353] : memref<10000x16xf32, #tpu.memory_space<vmem_shared>> -> memref<125x16xf32, #tpu.memory_space<vmem_shared>>
      %dma_wait3A_355 = arith.constant 0 : i32
      %dma_wait3A_356 = tpu.memref_slice %arg17[%add3A_69, %dma_wait3A_355] : memref<10000x16xf32, #tpu.memory_space<vmem_shared>> -> memref<125x16xf32, #tpu.memory_space<vmem_shared>>
      tpu.wait_dma2 semaphore(%run_scoped3A : memref<!tpu.dma_semaphore, #tpu.memory_space<semaphore_mem>>) src(%arg15 : memref<125x16xf32, #tpu.memory_space<vmem>>) dst(%dma_wait3A_356 : memref<125x16xf32, #tpu.memory_space<vmem_shared>>)
      tpu.yield
    }) : () -> ()
    %add3A_70 = arith.constant 375 : i32
    %add3A_71 = arith.addi %mul3A_13, %add3A_70 : i32
    "tpu.region"() ({
      %run_scoped3A = tpu.sem_alloc : memref<!tpu.dma_semaphore, #tpu.memory_space<semaphore_mem>>
      %dma_start3A_349 = arith.constant 0 : i32
      %dma_start3A_350 = tpu.memref_slice %arg17[%add3A_71, %dma_start3A_349] : memref<10000x16xf32, #tpu.memory_space<vmem_shared>> -> memref<125x16xf32, #tpu.memory_space<vmem_shared>>
      %dma_start3A_351 = arith.constant 0 : i32
      %dma_start3A_352 = tpu.memref_slice %arg17[%add3A_71, %dma_start3A_351] : memref<10000x16xf32, #tpu.memory_space<vmem_shared>> -> memref<125x16xf32, #tpu.memory_space<vmem_shared>>
      tpu.enqueue_dma source(%arg15 : memref<125x16xf32, #tpu.memory_space<vmem>>) target(%dma_start3A_352 : memref<125x16xf32, #tpu.memory_space<vmem_shared>>) target_semaphore(%run_scoped3A : memref<!tpu.dma_semaphore, #tpu.memory_space<semaphore_mem>>)
      %dma_wait3A_353 = arith.constant 0 : i32
      %dma_wait3A_354 = tpu.memref_slice %arg17[%add3A_71, %dma_wait3A_353] : memref<10000x16xf32, #tpu.memory_space<vmem_shared>> -> memref<125x16xf32, #tpu.memory_space<vmem_shared>>
      %dma_wait3A_355 = arith.constant 0 : i32
      %dma_wait3A_356 = tpu.memref_slice %arg17[%add3A_71, %dma_wait3A_355] : memref<10000x16xf32, #tpu.memory_space<vmem_shared>> -> memref<125x16xf32, #tpu.memory_space<vmem_shared>>
      tpu.wait_dma2 semaphore(%run_scoped3A : memref<!tpu.dma_semaphore, #tpu.memory_space<semaphore_mem>>) src(%arg15 : memref<125x16xf32, #tpu.memory_space<vmem>>) dst(%dma_wait3A_356 : memref<125x16xf32, #tpu.memory_space<vmem_shared>>)
      tpu.yield
    }) : () -> ()
    %add3A_72 = arith.constant 500 : i32
    %add3A_73 = arith.addi %mul3A_13, %add3A_72 : i32
    "tpu.region"() ({
      %run_scoped3A = tpu.sem_alloc : memref<!tpu.dma_semaphore, #tpu.memory_space<semaphore_mem>>
      %dma_start3A_349 = arith.constant 0 : i32
      %dma_start3A_350 = tpu.memref_slice %arg17[%add3A_73, %dma_start3A_349] : memref<10000x16xf32, #tpu.memory_space<vmem_shared>> -> memref<125x16xf32, #tpu.memory_space<vmem_shared>>
      %dma_start3A_351 = arith.constant 0 : i32
      %dma_start3A_352 = tpu.memref_slice %arg17[%add3A_73, %dma_start3A_351] : memref<10000x16xf32, #tpu.memory_space<vmem_shared>> -> memref<125x16xf32, #tpu.memory_space<vmem_shared>>
      tpu.enqueue_dma source(%arg15 : memref<125x16xf32, #tpu.memory_space<vmem>>) target(%dma_start3A_352 : memref<125x16xf32, #tpu.memory_space<vmem_shared>>) target_semaphore(%run_scoped3A : memref<!tpu.dma_semaphore, #tpu.memory_space<semaphore_mem>>)
      %dma_wait3A_353 = arith.constant 0 : i32
      %dma_wait3A_354 = tpu.memref_slice %arg17[%add3A_73, %dma_wait3A_353] : memref<10000x16xf32, #tpu.memory_space<vmem_shared>> -> memref<125x16xf32, #tpu.memory_space<vmem_shared>>
      %dma_wait3A_355 = arith.constant 0 : i32
      %dma_wait3A_356 = tpu.memref_slice %arg17[%add3A_73, %dma_wait3A_355] : memref<10000x16xf32, #tpu.memory_space<vmem_shared>> -> memref<125x16xf32, #tpu.memory_space<vmem_shared>>
      tpu.wait_dma2 semaphore(%run_scoped3A : memref<!tpu.dma_semaphore, #tpu.memory_space<semaphore_mem>>) src(%arg15 : memref<125x16xf32, #tpu.memory_space<vmem>>) dst(%dma_wait3A_356 : memref<125x16xf32, #tpu.memory_space<vmem_shared>>)
      tpu.yield
    }) : () -> ()
    %barrier3A = arith.constant 0 : index
    tpu.barrier barrier_id(%barrier3A)
    %mul3A_74 = arith.constant 10000 : i32
    %mul3A_75 = arith.muli %add3A, %mul3A_74 : i32
    %add3A_76 = arith.constant 0 : i32
    %add3A_77 = arith.addi %mul3A_75, %add3A_76 : i32
    %dma_start3A = arith.constant 0 : i32
    %dma_start3A_78 = arith.constant 0 : i32
    %dma_start3A_79 = arith.constant 0 : i32
    %dma_start3A_80 = arith.constant 0 : i32
    %dma_start3A_81 = tpu.memref_slice %arg7[%dma_start3A_78, %dma_start3A_79, %dma_start3A_80] : memref<3x2x80xi32, #tpu.memory_space<vmem>> -> memref<1x1x80xi32, #tpu.memory_space<vmem>>
    %dma_start3A_82 = tpu.memref_squeeze %dma_start3A_81 : memref<1x1x80xi32, #tpu.memory_space<vmem>> -> memref<80xi32, #tpu.memory_space<vmem>>
    %dma_start3A_83 = tpu.memref_slice %arg3[%dma_start3A, %add3A_77] : memref<2x320000xi32, #tpu.memory_space<hbm>> -> memref<1x80xi32, #tpu.memory_space<hbm>>
    %dma_start3A_84 = tpu.memref_squeeze %dma_start3A_83 : memref<1x80xi32, #tpu.memory_space<hbm>> -> memref<80xi32, #tpu.memory_space<hbm>>
    %dma_start3A_85 = arith.constant 0 : i32
    %dma_start3A_86 = tpu.memref_slice %arg7[%dma_start3A_78, %dma_start3A_79, %dma_start3A_85] : memref<3x2x80xi32, #tpu.memory_space<vmem>> -> memref<1x1x80xi32, #tpu.memory_space<vmem>>
    %dma_start3A_87 = tpu.memref_squeeze %dma_start3A_86 : memref<1x1x80xi32, #tpu.memory_space<vmem>> -> memref<80xi32, #tpu.memory_space<vmem>>
    %dma_start3A_88 = tpu.memref_slice %arg3[%dma_start3A, %add3A_77] : memref<2x320000xi32, #tpu.memory_space<hbm>> -> memref<1x80xi32, #tpu.memory_space<hbm>>
    %dma_start3A_89 = tpu.memref_squeeze %dma_start3A_88 : memref<1x80xi32, #tpu.memory_space<hbm>> -> memref<80xi32, #tpu.memory_space<hbm>>
    tpu.enqueue_dma source(%dma_start3A_89 : memref<80xi32, #tpu.memory_space<hbm>>) target(%dma_start3A_87 : memref<80xi32, #tpu.memory_space<vmem>>) target_semaphore(%arg24 : memref<!tpu.dma_semaphore, #tpu.memory_space<semaphore_mem>>)
    %dma_start3A_90 = arith.constant 1 : i32
    %dma_start3A_91 = arith.constant 0 : i32
    %dma_start3A_92 = arith.constant 1 : i32
    %dma_start3A_93 = arith.constant 0 : i32
    %dma_start3A_94 = tpu.memref_slice %arg7[%dma_start3A_91, %dma_start3A_92, %dma_start3A_93] : memref<3x2x80xi32, #tpu.memory_space<vmem>> -> memref<1x1x80xi32, #tpu.memory_space<vmem>>
    %dma_start3A_95 = tpu.memref_squeeze %dma_start3A_94 : memref<1x1x80xi32, #tpu.memory_space<vmem>> -> memref<80xi32, #tpu.memory_space<vmem>>
    %dma_start3A_96 = tpu.memref_slice %arg3[%dma_start3A_90, %add3A_77] : memref<2x320000xi32, #tpu.memory_space<hbm>> -> memref<1x80xi32, #tpu.memory_space<hbm>>
    %dma_start3A_97 = tpu.memref_squeeze %dma_start3A_96 : memref<1x80xi32, #tpu.memory_space<hbm>> -> memref<80xi32, #tpu.memory_space<hbm>>
    %dma_start3A_98 = arith.constant 0 : i32
    %dma_start3A_99 = tpu.memref_slice %arg7[%dma_start3A_91, %dma_start3A_92, %dma_start3A_98] : memref<3x2x80xi32, #tpu.memory_space<vmem>> -> memref<1x1x80xi32, #tpu.memory_space<vmem>>
    %dma_start3A_100 = tpu.memref_squeeze %dma_start3A_99 : memref<1x1x80xi32, #tpu.memory_space<vmem>> -> memref<80xi32, #tpu.memory_space<vmem>>
    %dma_start3A_101 = tpu.memref_slice %arg3[%dma_start3A_90, %add3A_77] : memref<2x320000xi32, #tpu.memory_space<hbm>> -> memref<1x80xi32, #tpu.memory_space<hbm>>
    %dma_start3A_102 = tpu.memref_squeeze %dma_start3A_101 : memref<1x80xi32, #tpu.memory_space<hbm>> -> memref<80xi32, #tpu.memory_space<hbm>>
    tpu.enqueue_dma source(%dma_start3A_102 : memref<80xi32, #tpu.memory_space<hbm>>) target(%dma_start3A_100 : memref<80xi32, #tpu.memory_space<vmem>>) target_semaphore(%arg24 : memref<!tpu.dma_semaphore, #tpu.memory_space<semaphore_mem>>)
    %add3A_103 = arith.constant 0 : i32
    %add3A_104 = arith.addi %mul3A_75, %add3A_103 : i32
    %dma_wait3A = arith.constant 0 : i32
    %dma_wait3A_105 = arith.constant 0 : i32
    %dma_wait3A_106 = arith.constant 0 : i32
    %dma_wait3A_107 = arith.constant 0 : i32
    %dma_wait3A_108 = tpu.memref_slice %arg7[%dma_wait3A_105, %dma_wait3A_106, %dma_wait3A_107] : memref<3x2x80xi32, #tpu.memory_space<vmem>> -> memref<1x1x80xi32, #tpu.memory_space<vmem>>
    %dma_wait3A_109 = tpu.memref_squeeze %dma_wait3A_108 : memref<1x1x80xi32, #tpu.memory_space<vmem>> -> memref<80xi32, #tpu.memory_space<vmem>>
    %dma_wait3A_110 = tpu.memref_slice %arg3[%dma_wait3A, %add3A_104] : memref<2x320000xi32, #tpu.memory_space<hbm>> -> memref<1x80xi32, #tpu.memory_space<hbm>>
    %dma_wait3A_111 = tpu.memref_squeeze %dma_wait3A_110 : memref<1x80xi32, #tpu.memory_space<hbm>> -> memref<80xi32, #tpu.memory_space<hbm>>
    %dma_wait3A_112 = arith.constant 0 : i32
    %dma_wait3A_113 = tpu.memref_slice %arg7[%dma_wait3A_105, %dma_wait3A_106, %dma_wait3A_112] : memref<3x2x80xi32, #tpu.memory_space<vmem>> -> memref<1x1x80xi32, #tpu.memory_space<vmem>>
    %dma_wait3A_114 = tpu.memref_squeeze %dma_wait3A_113 : memref<1x1x80xi32, #tpu.memory_space<vmem>> -> memref<80xi32, #tpu.memory_space<vmem>>
    %dma_wait3A_115 = tpu.memref_slice %arg3[%dma_wait3A, %add3A_104] : memref<2x320000xi32, #tpu.memory_space<hbm>> -> memref<1x80xi32, #tpu.memory_space<hbm>>
    %dma_wait3A_116 = tpu.memref_squeeze %dma_wait3A_115 : memref<1x80xi32, #tpu.memory_space<hbm>> -> memref<80xi32, #tpu.memory_space<hbm>>
    tpu.wait_dma2 semaphore(%arg24 : memref<!tpu.dma_semaphore, #tpu.memory_space<semaphore_mem>>) src(%dma_wait3A_116 : memref<80xi32, #tpu.memory_space<hbm>>) dst(%dma_wait3A_114 : memref<80xi32, #tpu.memory_space<vmem>>)
    %dma_wait3A_117 = arith.constant 1 : i32
    %dma_wait3A_118 = arith.constant 0 : i32
    %dma_wait3A_119 = arith.constant 1 : i32
    %dma_wait3A_120 = arith.constant 0 : i32
    %dma_wait3A_121 = tpu.memref_slice %arg7[%dma_wait3A_118, %dma_wait3A_119, %dma_wait3A_120] : memref<3x2x80xi32, #tpu.memory_space<vmem>> -> memref<1x1x80xi32, #tpu.memory_space<vmem>>
    %dma_wait3A_122 = tpu.memref_squeeze %dma_wait3A_121 : memref<1x1x80xi32, #tpu.memory_space<vmem>> -> memref<80xi32, #tpu.memory_space<vmem>>
    %dma_wait3A_123 = tpu.memref_slice %arg3[%dma_wait3A_117, %add3A_104] : memref<2x320000xi32, #tpu.memory_space<hbm>> -> memref<1x80xi32, #tpu.memory_space<hbm>>
    %dma_wait3A_124 = tpu.memref_squeeze %dma_wait3A_123 : memref<1x80xi32, #tpu.memory_space<hbm>> -> memref<80xi32, #tpu.memory_space<hbm>>
    %dma_wait3A_125 = arith.constant 0 : i32
    %dma_wait3A_126 = tpu.memref_slice %arg7[%dma_wait3A_118, %dma_wait3A_119, %dma_wait3A_125] : memref<3x2x80xi32, #tpu.memory_space<vmem>> -> memref<1x1x80xi32, #tpu.memory_space<vmem>>
    %dma_wait3A_127 = tpu.memref_squeeze %dma_wait3A_126 : memref<1x1x80xi32, #tpu.memory_space<vmem>> -> memref<80xi32, #tpu.memory_space<vmem>>
    %dma_wait3A_128 = tpu.memref_slice %arg3[%dma_wait3A_117, %add3A_104] : memref<2x320000xi32, #tpu.memory_space<hbm>> -> memref<1x80xi32, #tpu.memory_space<hbm>>
    %dma_wait3A_129 = tpu.memref_squeeze %dma_wait3A_128 : memref<1x80xi32, #tpu.memory_space<hbm>> -> memref<80xi32, #tpu.memory_space<hbm>>
    tpu.wait_dma2 semaphore(%arg24 : memref<!tpu.dma_semaphore, #tpu.memory_space<semaphore_mem>>) src(%dma_wait3A_129 : memref<80xi32, #tpu.memory_space<hbm>>) dst(%dma_wait3A_127 : memref<80xi32, #tpu.memory_space<vmem>>)
    %dma_start3A_130 = arith.constant 0 : i32
    %dma_start3A_131 = arith.constant 1 : i32
    %dma_start3A_132 = arith.constant 0 : i32
    %dma_start3A_133 = tpu.memref_slice %arg7[%dma_start3A_130, %dma_start3A_131, %dma_start3A_132] : memref<3x2x80xi32, #tpu.memory_space<vmem>> -> memref<1x1x80xi32, #tpu.memory_space<vmem>>
    %dma_start3A_134 = tpu.memref_squeeze %dma_start3A_133 : memref<1x1x80xi32, #tpu.memory_space<vmem>> -> memref<80xi32, #tpu.memory_space<vmem>>
    %dma_start3A_135 = arith.constant 0 : i32
    %dma_start3A_136 = arith.constant 0 : i32
    %dma_start3A_137 = tpu.memref_slice %arg2[%dma_start3A_135, %dma_start3A_136] : memref<10000x128xf32, #tpu.memory_space<hbm>> -> memref<10000x128xf32, #tpu.memory_space<hbm>>
    tpu.enqueue_indirect_dma source(%dma_start3A_137 : memref<10000x128xf32, #tpu.memory_space<hbm>>) target(%arg8 : memref<80x128xf32, #tpu.memory_space<vmem>>) offsets(%dma_start3A_134 : memref<80xi32, #tpu.memory_space<vmem>>) semaphore(%arg18 : memref<!tpu.dma_semaphore, #tpu.memory_space<semaphore_mem>>)
    %dma_start3A_138 = arith.constant 0 : i32
    %dma_start3A_139 = arith.constant 1 : i32
    %dma_start3A_140 = arith.constant 0 : i32
    %dma_start3A_141 = tpu.memref_slice %arg7[%dma_start3A_138, %dma_start3A_139, %dma_start3A_140] : memref<3x2x80xi32, #tpu.memory_space<vmem>> -> memref<1x1x80xi32, #tpu.memory_space<vmem>>
    %dma_start3A_142 = tpu.memref_squeeze %dma_start3A_141 : memref<1x1x80xi32, #tpu.memory_space<vmem>> -> memref<80xi32, #tpu.memory_space<vmem>>
    %dma_start3A_143 = arith.constant 0 : i32
    %dma_start3A_144 = arith.constant 0 : i32
    %dma_start3A_145 = tpu.memref_slice %arg4[%dma_start3A_143, %dma_start3A_144] : memref<10000x16xf32, #tpu.memory_space<hbm>> -> memref<10000x16xf32, #tpu.memory_space<hbm>>
    tpu.enqueue_indirect_dma source(%dma_start3A_145 : memref<10000x16xf32, #tpu.memory_space<hbm>>) target(%arg11 : memref<80x16xf32, #tpu.memory_space<vmem>>) offsets(%dma_start3A_142 : memref<80xi32, #tpu.memory_space<vmem>>) semaphore(%arg21 : memref<!tpu.dma_semaphore, #tpu.memory_space<semaphore_mem>>)
    %add3A_146 = arith.constant 80 : i32
    %add3A_147 = arith.addi %mul3A_75, %add3A_146 : i32
    %dma_start3A_148 = arith.constant 0 : i32
    %dma_start3A_149 = arith.constant 1 : i32
    %dma_start3A_150 = arith.constant 0 : i32
    %dma_start3A_151 = arith.constant 0 : i32
    %dma_start3A_152 = tpu.memref_slice %arg7[%dma_start3A_149, %dma_start3A_150, %dma_start3A_151] : memref<3x2x80xi32, #tpu.memory_space<vmem>> -> memref<1x1x80xi32, #tpu.memory_space<vmem>>
    %dma_start3A_153 = tpu.memref_squeeze %dma_start3A_152 : memref<1x1x80xi32, #tpu.memory_space<vmem>> -> memref<80xi32, #tpu.memory_space<vmem>>
    %dma_start3A_154 = tpu.memref_slice %arg3[%dma_start3A_148, %add3A_147] : memref<2x320000xi32, #tpu.memory_space<hbm>> -> memref<1x80xi32, #tpu.memory_space<hbm>>
    %dma_start3A_155 = tpu.memref_squeeze %dma_start3A_154 : memref<1x80xi32, #tpu.memory_space<hbm>> -> memref<80xi32, #tpu.memory_space<hbm>>
    %dma_start3A_156 = arith.constant 0 : i32
    %dma_start3A_157 = tpu.memref_slice %arg7[%dma_start3A_149, %dma_start3A_150, %dma_start3A_156] : memref<3x2x80xi32, #tpu.memory_space<vmem>> -> memref<1x1x80xi32, #tpu.memory_space<vmem>>
    %dma_start3A_158 = tpu.memref_squeeze %dma_start3A_157 : memref<1x1x80xi32, #tpu.memory_space<vmem>> -> memref<80xi32, #tpu.memory_space<vmem>>
    %dma_start3A_159 = tpu.memref_slice %arg3[%dma_start3A_148, %add3A_147] : memref<2x320000xi32, #tpu.memory_space<hbm>> -> memref<1x80xi32, #tpu.memory_space<hbm>>
    %dma_start3A_160 = tpu.memref_squeeze %dma_start3A_159 : memref<1x80xi32, #tpu.memory_space<hbm>> -> memref<80xi32, #tpu.memory_space<hbm>>
    tpu.enqueue_dma source(%dma_start3A_160 : memref<80xi32, #tpu.memory_space<hbm>>) target(%dma_start3A_158 : memref<80xi32, #tpu.memory_space<vmem>>) target_semaphore(%arg25 : memref<!tpu.dma_semaphore, #tpu.memory_space<semaphore_mem>>)
    %dma_start3A_161 = arith.constant 1 : i32
    %dma_start3A_162 = arith.constant 1 : i32
    %dma_start3A_163 = arith.constant 1 : i32
    %dma_start3A_164 = arith.constant 0 : i32
    %dma_start3A_165 = tpu.memref_slice %arg7[%dma_start3A_162, %dma_start3A_163, %dma_start3A_164] : memref<3x2x80xi32, #tpu.memory_space<vmem>> -> memref<1x1x80xi32, #tpu.memory_space<vmem>>
    %dma_start3A_166 = tpu.memref_squeeze %dma_start3A_165 : memref<1x1x80xi32, #tpu.memory_space<vmem>> -> memref<80xi32, #tpu.memory_space<vmem>>
    %dma_start3A_167 = tpu.memref_slice %arg3[%dma_start3A_161, %add3A_147] : memref<2x320000xi32, #tpu.memory_space<hbm>> -> memref<1x80xi32, #tpu.memory_space<hbm>>
    %dma_start3A_168 = tpu.memref_squeeze %dma_start3A_167 : memref<1x80xi32, #tpu.memory_space<hbm>> -> memref<80xi32, #tpu.memory_space<hbm>>
    %dma_start3A_169 = arith.constant 0 : i32
    %dma_start3A_170 = tpu.memref_slice %arg7[%dma_start3A_162, %dma_start3A_163, %dma_start3A_169] : memref<3x2x80xi32, #tpu.memory_space<vmem>> -> memref<1x1x80xi32, #tpu.memory_space<vmem>>
    %dma_start3A_171 = tpu.memref_squeeze %dma_start3A_170 : memref<1x1x80xi32, #tpu.memory_space<vmem>> -> memref<80xi32, #tpu.memory_space<vmem>>
    %dma_start3A_172 = tpu.memref_slice %arg3[%dma_start3A_161, %add3A_147] : memref<2x320000xi32, #tpu.memory_space<hbm>> -> memref<1x80xi32, #tpu.memory_space<hbm>>
    %dma_start3A_173 = tpu.memref_squeeze %dma_start3A_172 : memref<1x80xi32, #tpu.memory_space<hbm>> -> memref<80xi32, #tpu.memory_space<hbm>>
    tpu.enqueue_dma source(%dma_start3A_173 : memref<80xi32, #tpu.memory_space<hbm>>) target(%dma_start3A_171 : memref<80xi32, #tpu.memory_space<vmem>>) target_semaphore(%arg25 : memref<!tpu.dma_semaphore, #tpu.memory_space<semaphore_mem>>)
    %add3A_174 = arith.constant 80 : i32
    %add3A_175 = arith.addi %mul3A_75, %add3A_174 : i32
    %dma_wait3A_176 = arith.constant 0 : i32
    %dma_wait3A_177 = arith.constant 1 : i32
    %dma_wait3A_178 = arith.constant 0 : i32
    %dma_wait3A_179 = arith.constant 0 : i32
    %dma_wait3A_180 = tpu.memref_slice %arg7[%dma_wait3A_177, %dma_wait3A_178, %dma_wait3A_179] : memref<3x2x80xi32, #tpu.memory_space<vmem>> -> memref<1x1x80xi32, #tpu.memory_space<vmem>>
    %dma_wait3A_181 = tpu.memref_squeeze %dma_wait3A_180 : memref<1x1x80xi32, #tpu.memory_space<vmem>> -> memref<80xi32, #tpu.memory_space<vmem>>
    %dma_wait3A_182 = tpu.memref_slice %arg3[%dma_wait3A_176, %add3A_175] : memref<2x320000xi32, #tpu.memory_space<hbm>> -> memref<1x80xi32, #tpu.memory_space<hbm>>
    %dma_wait3A_183 = tpu.memref_squeeze %dma_wait3A_182 : memref<1x80xi32, #tpu.memory_space<hbm>> -> memref<80xi32, #tpu.memory_space<hbm>>
    %dma_wait3A_184 = arith.constant 0 : i32
    %dma_wait3A_185 = tpu.memref_slice %arg7[%dma_wait3A_177, %dma_wait3A_178, %dma_wait3A_184] : memref<3x2x80xi32, #tpu.memory_space<vmem>> -> memref<1x1x80xi32, #tpu.memory_space<vmem>>
    %dma_wait3A_186 = tpu.memref_squeeze %dma_wait3A_185 : memref<1x1x80xi32, #tpu.memory_space<vmem>> -> memref<80xi32, #tpu.memory_space<vmem>>
    %dma_wait3A_187 = tpu.memref_slice %arg3[%dma_wait3A_176, %add3A_175] : memref<2x320000xi32, #tpu.memory_space<hbm>> -> memref<1x80xi32, #tpu.memory_space<hbm>>
    %dma_wait3A_188 = tpu.memref_squeeze %dma_wait3A_187 : memref<1x80xi32, #tpu.memory_space<hbm>> -> memref<80xi32, #tpu.memory_space<hbm>>
    tpu.wait_dma2 semaphore(%arg25 : memref<!tpu.dma_semaphore, #tpu.memory_space<semaphore_mem>>) src(%dma_wait3A_188 : memref<80xi32, #tpu.memory_space<hbm>>) dst(%dma_wait3A_186 : memref<80xi32, #tpu.memory_space<vmem>>)
    %dma_wait3A_189 = arith.constant 1 : i32
    %dma_wait3A_190 = arith.constant 1 : i32
    %dma_wait3A_191 = arith.constant 1 : i32
    %dma_wait3A_192 = arith.constant 0 : i32
    %dma_wait3A_193 = tpu.memref_slice %arg7[%dma_wait3A_190, %dma_wait3A_191, %dma_wait3A_192] : memref<3x2x80xi32, #tpu.memory_space<vmem>> -> memref<1x1x80xi32, #tpu.memory_space<vmem>>
    %dma_wait3A_194 = tpu.memref_squeeze %dma_wait3A_193 : memref<1x1x80xi32, #tpu.memory_space<vmem>> -> memref<80xi32, #tpu.memory_space<vmem>>
    %dma_wait3A_195 = tpu.memref_slice %arg3[%dma_wait3A_189, %add3A_175] : memref<2x320000xi32, #tpu.memory_space<hbm>> -> memref<1x80xi32, #tpu.memory_space<hbm>>
    %dma_wait3A_196 = tpu.memref_squeeze %dma_wait3A_195 : memref<1x80xi32, #tpu.memory_space<hbm>> -> memref<80xi32, #tpu.memory_space<hbm>>
    %dma_wait3A_197 = arith.constant 0 : i32
    %dma_wait3A_198 = tpu.memref_slice %arg7[%dma_wait3A_190, %dma_wait3A_191, %dma_wait3A_197] : memref<3x2x80xi32, #tpu.memory_space<vmem>> -> memref<1x1x80xi32, #tpu.memory_space<vmem>>
    %dma_wait3A_199 = tpu.memref_squeeze %dma_wait3A_198 : memref<1x1x80xi32, #tpu.memory_space<vmem>> -> memref<80xi32, #tpu.memory_space<vmem>>
    %dma_wait3A_200 = tpu.memref_slice %arg3[%dma_wait3A_189, %add3A_175] : memref<2x320000xi32, #tpu.memory_space<hbm>> -> memref<1x80xi32, #tpu.memory_space<hbm>>
    %dma_wait3A_201 = tpu.memref_squeeze %dma_wait3A_200 : memref<1x80xi32, #tpu.memory_space<hbm>> -> memref<80xi32, #tpu.memory_space<hbm>>
    tpu.wait_dma2 semaphore(%arg25 : memref<!tpu.dma_semaphore, #tpu.memory_space<semaphore_mem>>) src(%dma_wait3A_201 : memref<80xi32, #tpu.memory_space<hbm>>) dst(%dma_wait3A_199 : memref<80xi32, #tpu.memory_space<vmem>>)
    %dma_start3A_202 = arith.constant 1 : i32
    %dma_start3A_203 = arith.constant 1 : i32
    %dma_start3A_204 = arith.constant 0 : i32
    %dma_start3A_205 = tpu.memref_slice %arg7[%dma_start3A_202, %dma_start3A_203, %dma_start3A_204] : memref<3x2x80xi32, #tpu.memory_space<vmem>> -> memref<1x1x80xi32, #tpu.memory_space<vmem>>
    %dma_start3A_206 = tpu.memref_squeeze %dma_start3A_205 : memref<1x1x80xi32, #tpu.memory_space<vmem>> -> memref<80xi32, #tpu.memory_space<vmem>>
    %dma_start3A_207 = arith.constant 0 : i32
    %dma_start3A_208 = arith.constant 0 : i32
    %dma_start3A_209 = tpu.memref_slice %arg2[%dma_start3A_207, %dma_start3A_208] : memref<10000x128xf32, #tpu.memory_space<hbm>> -> memref<10000x128xf32, #tpu.memory_space<hbm>>
    tpu.enqueue_indirect_dma source(%dma_start3A_209 : memref<10000x128xf32, #tpu.memory_space<hbm>>) target(%arg9 : memref<80x128xf32, #tpu.memory_space<vmem>>) offsets(%dma_start3A_206 : memref<80xi32, #tpu.memory_space<vmem>>) semaphore(%arg19 : memref<!tpu.dma_semaphore, #tpu.memory_space<semaphore_mem>>)
    %dma_start3A_210 = arith.constant 1 : i32
    %dma_start3A_211 = arith.constant 1 : i32
    %dma_start3A_212 = arith.constant 0 : i32
    %dma_start3A_213 = tpu.memref_slice %arg7[%dma_start3A_210, %dma_start3A_211, %dma_start3A_212] : memref<3x2x80xi32, #tpu.memory_space<vmem>> -> memref<1x1x80xi32, #tpu.memory_space<vmem>>
    %dma_start3A_214 = tpu.memref_squeeze %dma_start3A_213 : memref<1x1x80xi32, #tpu.memory_space<vmem>> -> memref<80xi32, #tpu.memory_space<vmem>>
    %dma_start3A_215 = arith.constant 0 : i32
    %dma_start3A_216 = arith.constant 0 : i32
    %dma_start3A_217 = tpu.memref_slice %arg4[%dma_start3A_215, %dma_start3A_216] : memref<10000x16xf32, #tpu.memory_space<hbm>> -> memref<10000x16xf32, #tpu.memory_space<hbm>>
    tpu.enqueue_indirect_dma source(%dma_start3A_217 : memref<10000x16xf32, #tpu.memory_space<hbm>>) target(%arg12 : memref<80x16xf32, #tpu.memory_space<vmem>>) offsets(%dma_start3A_214 : memref<80xi32, #tpu.memory_space<vmem>>) semaphore(%arg22 : memref<!tpu.dma_semaphore, #tpu.memory_space<semaphore_mem>>)
    %add3A_218 = arith.constant 160 : i32
    %add3A_219 = arith.addi %mul3A_75, %add3A_218 : i32
    %dma_start3A_220 = arith.constant 0 : i32
    %dma_start3A_221 = arith.constant 2 : i32
    %dma_start3A_222 = arith.constant 0 : i32
    %dma_start3A_223 = arith.constant 0 : i32
    %dma_start3A_224 = tpu.memref_slice %arg7[%dma_start3A_221, %dma_start3A_222, %dma_start3A_223] : memref<3x2x80xi32, #tpu.memory_space<vmem>> -> memref<1x1x80xi32, #tpu.memory_space<vmem>>
    %dma_start3A_225 = tpu.memref_squeeze %dma_start3A_224 : memref<1x1x80xi32, #tpu.memory_space<vmem>> -> memref<80xi32, #tpu.memory_space<vmem>>
    %dma_start3A_226 = tpu.memref_slice %arg3[%dma_start3A_220, %add3A_219] : memref<2x320000xi32, #tpu.memory_space<hbm>> -> memref<1x80xi32, #tpu.memory_space<hbm>>
    %dma_start3A_227 = tpu.memref_squeeze %dma_start3A_226 : memref<1x80xi32, #tpu.memory_space<hbm>> -> memref<80xi32, #tpu.memory_space<hbm>>
    %dma_start3A_228 = arith.constant 0 : i32
    %dma_start3A_229 = tpu.memref_slice %arg7[%dma_start3A_221, %dma_start3A_222, %dma_start3A_228] : memref<3x2x80xi32, #tpu.memory_space<vmem>> -> memref<1x1x80xi32, #tpu.memory_space<vmem>>
    %dma_start3A_230 = tpu.memref_squeeze %dma_start3A_229 : memref<1x1x80xi32, #tpu.memory_space<vmem>> -> memref<80xi32, #tpu.memory_space<vmem>>
    %dma_start3A_231 = tpu.memref_slice %arg3[%dma_start3A_220, %add3A_219] : memref<2x320000xi32, #tpu.memory_space<hbm>> -> memref<1x80xi32, #tpu.memory_space<hbm>>
    %dma_start3A_232 = tpu.memref_squeeze %dma_start3A_231 : memref<1x80xi32, #tpu.memory_space<hbm>> -> memref<80xi32, #tpu.memory_space<hbm>>
    tpu.enqueue_dma source(%dma_start3A_232 : memref<80xi32, #tpu.memory_space<hbm>>) target(%dma_start3A_230 : memref<80xi32, #tpu.memory_space<vmem>>) target_semaphore(%arg26 : memref<!tpu.dma_semaphore, #tpu.memory_space<semaphore_mem>>)
    %dma_start3A_233 = arith.constant 1 : i32
    %dma_start3A_234 = arith.constant 2 : i32
    %dma_start3A_235 = arith.constant 1 : i32
    %dma_start3A_236 = arith.constant 0 : i32
    %dma_start3A_237 = tpu.memref_slice %arg7[%dma_start3A_234, %dma_start3A_235, %dma_start3A_236] : memref<3x2x80xi32, #tpu.memory_space<vmem>> -> memref<1x1x80xi32, #tpu.memory_space<vmem>>
    %dma_start3A_238 = tpu.memref_squeeze %dma_start3A_237 : memref<1x1x80xi32, #tpu.memory_space<vmem>> -> memref<80xi32, #tpu.memory_space<vmem>>
    %dma_start3A_239 = tpu.memref_slice %arg3[%dma_start3A_233, %add3A_219] : memref<2x320000xi32, #tpu.memory_space<hbm>> -> memref<1x80xi32, #tpu.memory_space<hbm>>
    %dma_start3A_240 = tpu.memref_squeeze %dma_start3A_239 : memref<1x80xi32, #tpu.memory_space<hbm>> -> memref<80xi32, #tpu.memory_space<hbm>>
    %dma_start3A_241 = arith.constant 0 : i32
    %dma_start3A_242 = tpu.memref_slice %arg7[%dma_start3A_234, %dma_start3A_235, %dma_start3A_241] : memref<3x2x80xi32, #tpu.memory_space<vmem>> -> memref<1x1x80xi32, #tpu.memory_space<vmem>>
    %dma_start3A_243 = tpu.memref_squeeze %dma_start3A_242 : memref<1x1x80xi32, #tpu.memory_space<vmem>> -> memref<80xi32, #tpu.memory_space<vmem>>
    %dma_start3A_244 = tpu.memref_slice %arg3[%dma_start3A_233, %add3A_219] : memref<2x320000xi32, #tpu.memory_space<hbm>> -> memref<1x80xi32, #tpu.memory_space<hbm>>
    %dma_start3A_245 = tpu.memref_squeeze %dma_start3A_244 : memref<1x80xi32, #tpu.memory_space<hbm>> -> memref<80xi32, #tpu.memory_space<hbm>>
    tpu.enqueue_dma source(%dma_start3A_245 : memref<80xi32, #tpu.memory_space<hbm>>) target(%dma_start3A_243 : memref<80xi32, #tpu.memory_space<vmem>>) target_semaphore(%arg26 : memref<!tpu.dma_semaphore, #tpu.memory_space<semaphore_mem>>)
    %scan3A_246 = arith.constant 0 : i32
    %scan3A_247 = arith.constant 0 : i32
    %scan3A_248 = arith.constant 41 : i32
    %scan3A_249 = arith.addi %scan3A_247, %scan3A_248 : i32
    %scan3A_250 = arith.constant 1 : i32
    scf.for %scan3A_349 = %scan3A_247 to %scan3A_249 step %scan3A_250  : i32 {
      %mul3A_350 = arith.constant 3 : i32
      %mul3A_351 = arith.muli %mul3A_350, %scan3A_349 : i32
      %add3A_352 = arith.constant 0 : i32
      %add3A_353 = arith.addi %mul3A_351, %add3A_352 : i32
      %dma_wait3A_354 = arith.constant 0 : i32
      %dma_wait3A_355 = arith.constant 1 : i32
      %dma_wait3A_356 = arith.constant 0 : i32
      %dma_wait3A_357 = tpu.memref_slice %arg7[%dma_wait3A_354, %dma_wait3A_355, %dma_wait3A_356] : memref<3x2x80xi32, #tpu.memory_space<vmem>> -> memref<1x1x80xi32, #tpu.memory_space<vmem>>
      %dma_wait3A_358 = tpu.memref_squeeze %dma_wait3A_357 : memref<1x1x80xi32, #tpu.memory_space<vmem>> -> memref<80xi32, #tpu.memory_space<vmem>>
      %dma_wait3A_359 = arith.constant 0 : i32
      %dma_wait3A_360 = arith.constant 0 : i32
      %dma_wait3A_361 = tpu.memref_slice %arg2[%dma_wait3A_359, %dma_wait3A_360] : memref<10000x128xf32, #tpu.memory_space<hbm>> -> memref<10000x128xf32, #tpu.memory_space<hbm>>
      tpu.wait_indirect_dma semaphore(%arg18 : memref<!tpu.dma_semaphore, #tpu.memory_space<semaphore_mem>>) src(%dma_wait3A_361 : memref<10000x128xf32, #tpu.memory_space<hbm>>) dst(%arg8 : memref<80x128xf32, #tpu.memory_space<vmem>>)
      %dma_wait3A_362 = arith.constant 0 : i32
      %dma_wait3A_363 = arith.constant 1 : i32
      %dma_wait3A_364 = arith.constant 0 : i32
      %dma_wait3A_365 = tpu.memref_slice %arg7[%dma_wait3A_362, %dma_wait3A_363, %dma_wait3A_364] : memref<3x2x80xi32, #tpu.memory_space<vmem>> -> memref<1x1x80xi32, #tpu.memory_space<vmem>>
      %dma_wait3A_366 = tpu.memref_squeeze %dma_wait3A_365 : memref<1x1x80xi32, #tpu.memory_space<vmem>> -> memref<80xi32, #tpu.memory_space<vmem>>
      %dma_wait3A_367 = arith.constant 0 : i32
      %dma_wait3A_368 = arith.constant 0 : i32
      %dma_wait3A_369 = tpu.memref_slice %arg4[%dma_wait3A_367, %dma_wait3A_368] : memref<10000x16xf32, #tpu.memory_space<hbm>> -> memref<10000x16xf32, #tpu.memory_space<hbm>>
      tpu.wait_indirect_dma semaphore(%arg21 : memref<!tpu.dma_semaphore, #tpu.memory_space<semaphore_mem>>) src(%dma_wait3A_369 : memref<10000x16xf32, #tpu.memory_space<hbm>>) dst(%arg11 : memref<80x16xf32, #tpu.memory_space<vmem>>)
      %dma_start3A_370 = arith.constant 0 : i32
      %dma_start3A_371 = arith.constant 0 : i32
      %dma_start3A_372 = arith.constant 0 : i32
      %dma_start3A_373 = tpu.memref_slice %arg7[%dma_start3A_370, %dma_start3A_371, %dma_start3A_372] : memref<3x2x80xi32, #tpu.memory_space<vmem>> -> memref<1x1x80xi32, #tpu.memory_space<vmem>>
      %dma_start3A_374 = tpu.memref_squeeze %dma_start3A_373 : memref<1x1x80xi32, #tpu.memory_space<vmem>> -> memref<80xi32, #tpu.memory_space<vmem>>
      %dma_start3A_375 = arith.constant 0 : i32
      %dma_start3A_376 = arith.constant 0 : i32
      %dma_start3A_377 = tpu.memref_slice %arg16[%dma_start3A_375, %dma_start3A_376] : memref<10000x128xf32, #tpu.memory_space<vmem_shared>> -> memref<10000x128xf32, #tpu.memory_space<vmem_shared>>
      tpu.enqueue_indirect_dma source(%arg8 : memref<80x128xf32, #tpu.memory_space<vmem>>) target(%dma_start3A_377 : memref<10000x128xf32, #tpu.memory_space<vmem_shared>>) offsets(%dma_start3A_374 : memref<80xi32, #tpu.memory_space<vmem>>) semaphore(%arg27 : memref<!tpu.dma_semaphore, #tpu.memory_space<semaphore_mem>>) {add = true}
      %dma_start3A_378 = arith.constant 0 : i32
      %dma_start3A_379 = arith.constant 0 : i32
      %dma_start3A_380 = arith.constant 0 : i32
      %dma_start3A_381 = tpu.memref_slice %arg7[%dma_start3A_378, %dma_start3A_379, %dma_start3A_380] : memref<3x2x80xi32, #tpu.memory_space<vmem>> -> memref<1x1x80xi32, #tpu.memory_space<vmem>>
      %dma_start3A_382 = tpu.memref_squeeze %dma_start3A_381 : memref<1x1x80xi32, #tpu.memory_space<vmem>> -> memref<80xi32, #tpu.memory_space<vmem>>
      %dma_start3A_383 = arith.constant 0 : i32
      %dma_start3A_384 = arith.constant 0 : i32
      %dma_start3A_385 = tpu.memref_slice %arg17[%dma_start3A_383, %dma_start3A_384] : memref<10000x16xf32, #tpu.memory_space<vmem_shared>> -> memref<10000x16xf32, #tpu.memory_space<vmem_shared>>
      tpu.enqueue_indirect_dma source(%arg11 : memref<80x16xf32, #tpu.memory_space<vmem>>) target(%dma_start3A_385 : memref<10000x16xf32, #tpu.memory_space<vmem_shared>>) offsets(%dma_start3A_382 : memref<80xi32, #tpu.memory_space<vmem>>) semaphore(%arg27 : memref<!tpu.dma_semaphore, #tpu.memory_space<semaphore_mem>>) {add = true}
      %dma_wait3A_386 = arith.constant 0 : i32
      %dma_wait3A_387 = arith.constant 0 : i32
      %dma_wait3A_388 = arith.constant 0 : i32
      %dma_wait3A_389 = tpu.memref_slice %arg7[%dma_wait3A_386, %dma_wait3A_387, %dma_wait3A_388] : memref<3x2x80xi32, #tpu.memory_space<vmem>> -> memref<1x1x80xi32, #tpu.memory_space<vmem>>
      %dma_wait3A_390 = tpu.memref_squeeze %dma_wait3A_389 : memref<1x1x80xi32, #tpu.memory_space<vmem>> -> memref<80xi32, #tpu.memory_space<vmem>>
      %dma_wait3A_391 = arith.constant 0 : i32
      %dma_wait3A_392 = arith.constant 0 : i32
      %dma_wait3A_393 = tpu.memref_slice %arg16[%dma_wait3A_391, %dma_wait3A_392] : memref<10000x128xf32, #tpu.memory_space<vmem_shared>> -> memref<10000x128xf32, #tpu.memory_space<vmem_shared>>
      tpu.wait_indirect_dma semaphore(%arg27 : memref<!tpu.dma_semaphore, #tpu.memory_space<semaphore_mem>>) src(%arg8 : memref<80x128xf32, #tpu.memory_space<vmem>>) dst(%dma_wait3A_393 : memref<10000x128xf32, #tpu.memory_space<vmem_shared>>)
      %dma_wait3A_394 = arith.constant 0 : i32
      %dma_wait3A_395 = arith.constant 0 : i32
      %dma_wait3A_396 = arith.constant 0 : i32
      %dma_wait3A_397 = tpu.memref_slice %arg7[%dma_wait3A_394, %dma_wait3A_395, %dma_wait3A_396] : memref<3x2x80xi32, #tpu.memory_space<vmem>> -> memref<1x1x80xi32, #tpu.memory_space<vmem>>
      %dma_wait3A_398 = tpu.memref_squeeze %dma_wait3A_397 : memref<1x1x80xi32, #tpu.memory_space<vmem>> -> memref<80xi32, #tpu.memory_space<vmem>>
      %dma_wait3A_399 = arith.constant 0 : i32
      %dma_wait3A_400 = arith.constant 0 : i32
      %dma_wait3A_401 = tpu.memref_slice %arg17[%dma_wait3A_399, %dma_wait3A_400] : memref<10000x16xf32, #tpu.memory_space<vmem_shared>> -> memref<10000x16xf32, #tpu.memory_space<vmem_shared>>
      tpu.wait_indirect_dma semaphore(%arg27 : memref<!tpu.dma_semaphore, #tpu.memory_space<semaphore_mem>>) src(%arg11 : memref<80x16xf32, #tpu.memory_space<vmem>>) dst(%dma_wait3A_401 : memref<10000x16xf32, #tpu.memory_space<vmem_shared>>)
      %add3A_402 = arith.constant 3 : i32
      %add3A_403 = arith.addi %add3A_353, %add3A_402 : i32
      %lt3A = arith.constant 125 : i32
      %lt3A_404 = arith.cmpi slt, %add3A_403, %lt3A : i32
      %convert_element_type3A = arith.extui %lt3A_404 : i1 to i32
      %cond3A = arith.constant 0 : i32
      %cond3A_405 = arith.cmpi ne, %convert_element_type3A, %cond3A : i32
      scf.if %cond3A_405 {
        %add3A_665 = arith.constant 3 : i32
        %add3A_666 = arith.addi %add3A_353, %add3A_665 : i32
        %mul3A_667 = arith.constant 80 : i32
        %mul3A_668 = arith.muli %add3A_666, %mul3A_667 : i32
        %add3A_669 = arith.addi %mul3A_75, %mul3A_668 : i32
        %dma_start3A_670 = arith.constant 0 : i32
        %dma_start3A_671 = arith.constant 0 : i32
        %dma_start3A_672 = arith.constant 0 : i32
        %dma_start3A_673 = arith.constant 0 : i32
        %dma_start3A_674 = tpu.memref_slice %arg7[%dma_start3A_671, %dma_start3A_672, %dma_start3A_673] : memref<3x2x80xi32, #tpu.memory_space<vmem>> -> memref<1x1x80xi32, #tpu.memory_space<vmem>>
        %dma_start3A_675 = tpu.memref_squeeze %dma_start3A_674 : memref<1x1x80xi32, #tpu.memory_space<vmem>> -> memref<80xi32, #tpu.memory_space<vmem>>
        %dma_start3A_676 = tpu.memref_slice %arg3[%dma_start3A_670, %add3A_669] : memref<2x320000xi32, #tpu.memory_space<hbm>> -> memref<1x80xi32, #tpu.memory_space<hbm>>
        %dma_start3A_677 = tpu.memref_squeeze %dma_start3A_676 : memref<1x80xi32, #tpu.memory_space<hbm>> -> memref<80xi32, #tpu.memory_space<hbm>>
        %dma_start3A_678 = arith.constant 0 : i32
        %dma_start3A_679 = tpu.memref_slice %arg7[%dma_start3A_671, %dma_start3A_672, %dma_start3A_678] : memref<3x2x80xi32, #tpu.memory_space<vmem>> -> memref<1x1x80xi32, #tpu.memory_space<vmem>>
        %dma_start3A_680 = tpu.memref_squeeze %dma_start3A_679 : memref<1x1x80xi32, #tpu.memory_space<vmem>> -> memref<80xi32, #tpu.memory_space<vmem>>
        %dma_start3A_681 = tpu.memref_slice %arg3[%dma_start3A_670, %add3A_669] : memref<2x320000xi32, #tpu.memory_space<hbm>> -> memref<1x80xi32, #tpu.memory_space<hbm>>
        %dma_start3A_682 = tpu.memref_squeeze %dma_start3A_681 : memref<1x80xi32, #tpu.memory_space<hbm>> -> memref<80xi32, #tpu.memory_space<hbm>>
        tpu.enqueue_dma source(%dma_start3A_682 : memref<80xi32, #tpu.memory_space<hbm>>) target(%dma_start3A_680 : memref<80xi32, #tpu.memory_space<vmem>>) target_semaphore(%arg24 : memref<!tpu.dma_semaphore, #tpu.memory_space<semaphore_mem>>)
        %dma_start3A_683 = arith.constant 1 : i32
        %dma_start3A_684 = arith.constant 0 : i32
        %dma_start3A_685 = arith.constant 1 : i32
        %dma_start3A_686 = arith.constant 0 : i32
        %dma_start3A_687 = tpu.memref_slice %arg7[%dma_start3A_684, %dma_start3A_685, %dma_start3A_686] : memref<3x2x80xi32, #tpu.memory_space<vmem>> -> memref<1x1x80xi32, #tpu.memory_space<vmem>>
        %dma_start3A_688 = tpu.memref_squeeze %dma_start3A_687 : memref<1x1x80xi32, #tpu.memory_space<vmem>> -> memref<80xi32, #tpu.memory_space<vmem>>
        %dma_start3A_689 = tpu.memref_slice %arg3[%dma_start3A_683, %add3A_669] : memref<2x320000xi32, #tpu.memory_space<hbm>> -> memref<1x80xi32, #tpu.memory_space<hbm>>
        %dma_start3A_690 = tpu.memref_squeeze %dma_start3A_689 : memref<1x80xi32, #tpu.memory_space<hbm>> -> memref<80xi32, #tpu.memory_space<hbm>>
        %dma_start3A_691 = arith.constant 0 : i32
        %dma_start3A_692 = tpu.memref_slice %arg7[%dma_start3A_684, %dma_start3A_685, %dma_start3A_691] : memref<3x2x80xi32, #tpu.memory_space<vmem>> -> memref<1x1x80xi32, #tpu.memory_space<vmem>>
        %dma_start3A_693 = tpu.memref_squeeze %dma_start3A_692 : memref<1x1x80xi32, #tpu.memory_space<vmem>> -> memref<80xi32, #tpu.memory_space<vmem>>
        %dma_start3A_694 = tpu.memref_slice %arg3[%dma_start3A_683, %add3A_669] : memref<2x320000xi32, #tpu.memory_space<hbm>> -> memref<1x80xi32, #tpu.memory_space<hbm>>
        %dma_start3A_695 = tpu.memref_squeeze %dma_start3A_694 : memref<1x80xi32, #tpu.memory_space<hbm>> -> memref<80xi32, #tpu.memory_space<hbm>>
        tpu.enqueue_dma source(%dma_start3A_695 : memref<80xi32, #tpu.memory_space<hbm>>) target(%dma_start3A_693 : memref<80xi32, #tpu.memory_space<vmem>>) target_semaphore(%arg24 : memref<!tpu.dma_semaphore, #tpu.memory_space<semaphore_mem>>)
      } else {
      }
      %add3A_406 = arith.constant 2 : i32
      %add3A_407 = arith.addi %add3A_353, %add3A_406 : i32
      %mul3A_408 = arith.constant 80 : i32
      %mul3A_409 = arith.muli %add3A_407, %mul3A_408 : i32
      %add3A_410 = arith.addi %mul3A_75, %mul3A_409 : i32
      %dma_wait3A_411 = arith.constant 0 : i32
      %dma_wait3A_412 = arith.constant 2 : i32
      %dma_wait3A_413 = arith.constant 0 : i32
      %dma_wait3A_414 = arith.constant 0 : i32
      %dma_wait3A_415 = tpu.memref_slice %arg7[%dma_wait3A_412, %dma_wait3A_413, %dma_wait3A_414] : memref<3x2x80xi32, #tpu.memory_space<vmem>> -> memref<1x1x80xi32, #tpu.memory_space<vmem>>
      %dma_wait3A_416 = tpu.memref_squeeze %dma_wait3A_415 : memref<1x1x80xi32, #tpu.memory_space<vmem>> -> memref<80xi32, #tpu.memory_space<vmem>>
      %dma_wait3A_417 = tpu.memref_slice %arg3[%dma_wait3A_411, %add3A_410] : memref<2x320000xi32, #tpu.memory_space<hbm>> -> memref<1x80xi32, #tpu.memory_space<hbm>>
      %dma_wait3A_418 = tpu.memref_squeeze %dma_wait3A_417 : memref<1x80xi32, #tpu.memory_space<hbm>> -> memref<80xi32, #tpu.memory_space<hbm>>
      %dma_wait3A_419 = arith.constant 0 : i32
      %dma_wait3A_420 = tpu.memref_slice %arg7[%dma_wait3A_412, %dma_wait3A_413, %dma_wait3A_419] : memref<3x2x80xi32, #tpu.memory_space<vmem>> -> memref<1x1x80xi32, #tpu.memory_space<vmem>>
      %dma_wait3A_421 = tpu.memref_squeeze %dma_wait3A_420 : memref<1x1x80xi32, #tpu.memory_space<vmem>> -> memref<80xi32, #tpu.memory_space<vmem>>
      %dma_wait3A_422 = tpu.memref_slice %arg3[%dma_wait3A_411, %add3A_410] : memref<2x320000xi32, #tpu.memory_space<hbm>> -> memref<1x80xi32, #tpu.memory_space<hbm>>
      %dma_wait3A_423 = tpu.memref_squeeze %dma_wait3A_422 : memref<1x80xi32, #tpu.memory_space<hbm>> -> memref<80xi32, #tpu.memory_space<hbm>>
      tpu.wait_dma2 semaphore(%arg26 : memref<!tpu.dma_semaphore, #tpu.memory_space<semaphore_mem>>) src(%dma_wait3A_423 : memref<80xi32, #tpu.memory_space<hbm>>) dst(%dma_wait3A_421 : memref<80xi32, #tpu.memory_space<vmem>>)
      %dma_wait3A_424 = arith.constant 1 : i32
      %dma_wait3A_425 = arith.constant 2 : i32
      %dma_wait3A_426 = arith.constant 1 : i32
      %dma_wait3A_427 = arith.constant 0 : i32
      %dma_wait3A_428 = tpu.memref_slice %arg7[%dma_wait3A_425, %dma_wait3A_426, %dma_wait3A_427] : memref<3x2x80xi32, #tpu.memory_space<vmem>> -> memref<1x1x80xi32, #tpu.memory_space<vmem>>
      %dma_wait3A_429 = tpu.memref_squeeze %dma_wait3A_428 : memref<1x1x80xi32, #tpu.memory_space<vmem>> -> memref<80xi32, #tpu.memory_space<vmem>>
      %dma_wait3A_430 = tpu.memref_slice %arg3[%dma_wait3A_424, %add3A_410] : memref<2x320000xi32, #tpu.memory_space<hbm>> -> memref<1x80xi32, #tpu.memory_space<hbm>>
      %dma_wait3A_431 = tpu.memref_squeeze %dma_wait3A_430 : memref<1x80xi32, #tpu.memory_space<hbm>> -> memref<80xi32, #tpu.memory_space<hbm>>
      %dma_wait3A_432 = arith.constant 0 : i32
      %dma_wait3A_433 = tpu.memref_slice %arg7[%dma_wait3A_425, %dma_wait3A_426, %dma_wait3A_432] : memref<3x2x80xi32, #tpu.memory_space<vmem>> -> memref<1x1x80xi32, #tpu.memory_space<vmem>>
      %dma_wait3A_434 = tpu.memref_squeeze %dma_wait3A_433 : memref<1x1x80xi32, #tpu.memory_space<vmem>> -> memref<80xi32, #tpu.memory_space<vmem>>
      %dma_wait3A_435 = tpu.memref_slice %arg3[%dma_wait3A_424, %add3A_410] : memref<2x320000xi32, #tpu.memory_space<hbm>> -> memref<1x80xi32, #tpu.memory_space<hbm>>
      %dma_wait3A_436 = tpu.memref_squeeze %dma_wait3A_435 : memref<1x80xi32, #tpu.memory_space<hbm>> -> memref<80xi32, #tpu.memory_space<hbm>>
      tpu.wait_dma2 semaphore(%arg26 : memref<!tpu.dma_semaphore, #tpu.memory_space<semaphore_mem>>) src(%dma_wait3A_436 : memref<80xi32, #tpu.memory_space<hbm>>) dst(%dma_wait3A_434 : memref<80xi32, #tpu.memory_space<vmem>>)
      %dma_start3A_437 = arith.constant 2 : i32
      %dma_start3A_438 = arith.constant 1 : i32
      %dma_start3A_439 = arith.constant 0 : i32
      %dma_start3A_440 = tpu.memref_slice %arg7[%dma_start3A_437, %dma_start3A_438, %dma_start3A_439] : memref<3x2x80xi32, #tpu.memory_space<vmem>> -> memref<1x1x80xi32, #tpu.memory_space<vmem>>
      %dma_start3A_441 = tpu.memref_squeeze %dma_start3A_440 : memref<1x1x80xi32, #tpu.memory_space<vmem>> -> memref<80xi32, #tpu.memory_space<vmem>>
      %dma_start3A_442 = arith.constant 0 : i32
      %dma_start3A_443 = arith.constant 0 : i32
      %dma_start3A_444 = tpu.memref_slice %arg2[%dma_start3A_442, %dma_start3A_443] : memref<10000x128xf32, #tpu.memory_space<hbm>> -> memref<10000x128xf32, #tpu.memory_space<hbm>>
      tpu.enqueue_indirect_dma source(%dma_start3A_444 : memref<10000x128xf32, #tpu.memory_space<hbm>>) target(%arg10 : memref<80x128xf32, #tpu.memory_space<vmem>>) offsets(%dma_start3A_441 : memref<80xi32, #tpu.memory_space<vmem>>) semaphore(%arg20 : memref<!tpu.dma_semaphore, #tpu.memory_space<semaphore_mem>>)
      %dma_start3A_445 = arith.constant 2 : i32
      %dma_start3A_446 = arith.constant 1 : i32
      %dma_start3A_447 = arith.constant 0 : i32
      %dma_start3A_448 = tpu.memref_slice %arg7[%dma_start3A_445, %dma_start3A_446, %dma_start3A_447] : memref<3x2x80xi32, #tpu.memory_space<vmem>> -> memref<1x1x80xi32, #tpu.memory_space<vmem>>
      %dma_start3A_449 = tpu.memref_squeeze %dma_start3A_448 : memref<1x1x80xi32, #tpu.memory_space<vmem>> -> memref<80xi32, #tpu.memory_space<vmem>>
      %dma_start3A_450 = arith.constant 0 : i32
      %dma_start3A_451 = arith.constant 0 : i32
      %dma_start3A_452 = tpu.memref_slice %arg4[%dma_start3A_450, %dma_start3A_451] : memref<10000x16xf32, #tpu.memory_space<hbm>> -> memref<10000x16xf32, #tpu.memory_space<hbm>>
      tpu.enqueue_indirect_dma source(%dma_start3A_452 : memref<10000x16xf32, #tpu.memory_space<hbm>>) target(%arg13 : memref<80x16xf32, #tpu.memory_space<vmem>>) offsets(%dma_start3A_449 : memref<80xi32, #tpu.memory_space<vmem>>) semaphore(%arg23 : memref<!tpu.dma_semaphore, #tpu.memory_space<semaphore_mem>>)
      %mul3A_453 = arith.constant 3 : i32
      %mul3A_454 = arith.muli %mul3A_453, %scan3A_349 : i32
      %add3A_455 = arith.constant 1 : i32
      %add3A_456 = arith.addi %mul3A_454, %add3A_455 : i32
      %dma_wait3A_457 = arith.constant 1 : i32
      %dma_wait3A_458 = arith.constant 1 : i32
      %dma_wait3A_459 = arith.constant 0 : i32
      %dma_wait3A_460 = tpu.memref_slice %arg7[%dma_wait3A_457, %dma_wait3A_458, %dma_wait3A_459] : memref<3x2x80xi32, #tpu.memory_space<vmem>> -> memref<1x1x80xi32, #tpu.memory_space<vmem>>
      %dma_wait3A_461 = tpu.memref_squeeze %dma_wait3A_460 : memref<1x1x80xi32, #tpu.memory_space<vmem>> -> memref<80xi32, #tpu.memory_space<vmem>>
      %dma_wait3A_462 = arith.constant 0 : i32
      %dma_wait3A_463 = arith.constant 0 : i32
      %dma_wait3A_464 = tpu.memref_slice %arg2[%dma_wait3A_462, %dma_wait3A_463] : memref<10000x128xf32, #tpu.memory_space<hbm>> -> memref<10000x128xf32, #tpu.memory_space<hbm>>
      tpu.wait_indirect_dma semaphore(%arg19 : memref<!tpu.dma_semaphore, #tpu.memory_space<semaphore_mem>>) src(%dma_wait3A_464 : memref<10000x128xf32, #tpu.memory_space<hbm>>) dst(%arg9 : memref<80x128xf32, #tpu.memory_space<vmem>>)
      %dma_wait3A_465 = arith.constant 1 : i32
      %dma_wait3A_466 = arith.constant 1 : i32
      %dma_wait3A_467 = arith.constant 0 : i32
      %dma_wait3A_468 = tpu.memref_slice %arg7[%dma_wait3A_465, %dma_wait3A_466, %dma_wait3A_467] : memref<3x2x80xi32, #tpu.memory_space<vmem>> -> memref<1x1x80xi32, #tpu.memory_space<vmem>>
      %dma_wait3A_469 = tpu.memref_squeeze %dma_wait3A_468 : memref<1x1x80xi32, #tpu.memory_space<vmem>> -> memref<80xi32, #tpu.memory_space<vmem>>
      %dma_wait3A_470 = arith.constant 0 : i32
      %dma_wait3A_471 = arith.constant 0 : i32
      %dma_wait3A_472 = tpu.memref_slice %arg4[%dma_wait3A_470, %dma_wait3A_471] : memref<10000x16xf32, #tpu.memory_space<hbm>> -> memref<10000x16xf32, #tpu.memory_space<hbm>>
      tpu.wait_indirect_dma semaphore(%arg22 : memref<!tpu.dma_semaphore, #tpu.memory_space<semaphore_mem>>) src(%dma_wait3A_472 : memref<10000x16xf32, #tpu.memory_space<hbm>>) dst(%arg12 : memref<80x16xf32, #tpu.memory_space<vmem>>)
      %dma_start3A_473 = arith.constant 1 : i32
      %dma_start3A_474 = arith.constant 0 : i32
      %dma_start3A_475 = arith.constant 0 : i32
      %dma_start3A_476 = tpu.memref_slice %arg7[%dma_start3A_473, %dma_start3A_474, %dma_start3A_475] : memref<3x2x80xi32, #tpu.memory_space<vmem>> -> memref<1x1x80xi32, #tpu.memory_space<vmem>>
      %dma_start3A_477 = tpu.memref_squeeze %dma_start3A_476 : memref<1x1x80xi32, #tpu.memory_space<vmem>> -> memref<80xi32, #tpu.memory_space<vmem>>
      %dma_start3A_478 = arith.constant 0 : i32
      %dma_start3A_479 = arith.constant 0 : i32
      %dma_start3A_480 = tpu.memref_slice %arg16[%dma_start3A_478, %dma_start3A_479] : memref<10000x128xf32, #tpu.memory_space<vmem_shared>> -> memref<10000x128xf32, #tpu.memory_space<vmem_shared>>
      tpu.enqueue_indirect_dma source(%arg9 : memref<80x128xf32, #tpu.memory_space<vmem>>) target(%dma_start3A_480 : memref<10000x128xf32, #tpu.memory_space<vmem_shared>>) offsets(%dma_start3A_477 : memref<80xi32, #tpu.memory_space<vmem>>) semaphore(%arg28 : memref<!tpu.dma_semaphore, #tpu.memory_space<semaphore_mem>>) {add = true}
      %dma_start3A_481 = arith.constant 1 : i32
      %dma_start3A_482 = arith.constant 0 : i32
      %dma_start3A_483 = arith.constant 0 : i32
      %dma_start3A_484 = tpu.memref_slice %arg7[%dma_start3A_481, %dma_start3A_482, %dma_start3A_483] : memref<3x2x80xi32, #tpu.memory_space<vmem>> -> memref<1x1x80xi32, #tpu.memory_space<vmem>>
      %dma_start3A_485 = tpu.memref_squeeze %dma_start3A_484 : memref<1x1x80xi32, #tpu.memory_space<vmem>> -> memref<80xi32, #tpu.memory_space<vmem>>
      %dma_start3A_486 = arith.constant 0 : i32
      %dma_start3A_487 = arith.constant 0 : i32
      %dma_start3A_488 = tpu.memref_slice %arg17[%dma_start3A_486, %dma_start3A_487] : memref<10000x16xf32, #tpu.memory_space<vmem_shared>> -> memref<10000x16xf32, #tpu.memory_space<vmem_shared>>
      tpu.enqueue_indirect_dma source(%arg12 : memref<80x16xf32, #tpu.memory_space<vmem>>) target(%dma_start3A_488 : memref<10000x16xf32, #tpu.memory_space<vmem_shared>>) offsets(%dma_start3A_485 : memref<80xi32, #tpu.memory_space<vmem>>) semaphore(%arg28 : memref<!tpu.dma_semaphore, #tpu.memory_space<semaphore_mem>>) {add = true}
      %dma_wait3A_489 = arith.constant 1 : i32
      %dma_wait3A_490 = arith.constant 0 : i32
      %dma_wait3A_491 = arith.constant 0 : i32
      %dma_wait3A_492 = tpu.memref_slice %arg7[%dma_wait3A_489, %dma_wait3A_490, %dma_wait3A_491] : memref<3x2x80xi32, #tpu.memory_space<vmem>> -> memref<1x1x80xi32, #tpu.memory_space<vmem>>
      %dma_wait3A_493 = tpu.memref_squeeze %dma_wait3A_492 : memref<1x1x80xi32, #tpu.memory_space<vmem>> -> memref<80xi32, #tpu.memory_space<vmem>>
      %dma_wait3A_494 = arith.constant 0 : i32
      %dma_wait3A_495 = arith.constant 0 : i32
      %dma_wait3A_496 = tpu.memref_slice %arg16[%dma_wait3A_494, %dma_wait3A_495] : memref<10000x128xf32, #tpu.memory_space<vmem_shared>> -> memref<10000x128xf32, #tpu.memory_space<vmem_shared>>
      tpu.wait_indirect_dma semaphore(%arg28 : memref<!tpu.dma_semaphore, #tpu.memory_space<semaphore_mem>>) src(%arg9 : memref<80x128xf32, #tpu.memory_space<vmem>>) dst(%dma_wait3A_496 : memref<10000x128xf32, #tpu.memory_space<vmem_shared>>)
      %dma_wait3A_497 = arith.constant 1 : i32
      %dma_wait3A_498 = arith.constant 0 : i32
      %dma_wait3A_499 = arith.constant 0 : i32
      %dma_wait3A_500 = tpu.memref_slice %arg7[%dma_wait3A_497, %dma_wait3A_498, %dma_wait3A_499] : memref<3x2x80xi32, #tpu.memory_space<vmem>> -> memref<1x1x80xi32, #tpu.memory_space<vmem>>
      %dma_wait3A_501 = tpu.memref_squeeze %dma_wait3A_500 : memref<1x1x80xi32, #tpu.memory_space<vmem>> -> memref<80xi32, #tpu.memory_space<vmem>>
      %dma_wait3A_502 = arith.constant 0 : i32
      %dma_wait3A_503 = arith.constant 0 : i32
      %dma_wait3A_504 = tpu.memref_slice %arg17[%dma_wait3A_502, %dma_wait3A_503] : memref<10000x16xf32, #tpu.memory_space<vmem_shared>> -> memref<10000x16xf32, #tpu.memory_space<vmem_shared>>
      tpu.wait_indirect_dma semaphore(%arg28 : memref<!tpu.dma_semaphore, #tpu.memory_space<semaphore_mem>>) src(%arg12 : memref<80x16xf32, #tpu.memory_space<vmem>>) dst(%dma_wait3A_504 : memref<10000x16xf32, #tpu.memory_space<vmem_shared>>)
      %add3A_505 = arith.constant 3 : i32
      %add3A_506 = arith.addi %add3A_456, %add3A_505 : i32
      %lt3A_507 = arith.constant 125 : i32
      %lt3A_508 = arith.cmpi slt, %add3A_506, %lt3A_507 : i32
      %convert_element_type3A_509 = arith.extui %lt3A_508 : i1 to i32
      %cond3A_510 = arith.constant 0 : i32
      %cond3A_511 = arith.cmpi ne, %convert_element_type3A_509, %cond3A_510 : i32
      scf.if %cond3A_511 {
        %add3A_665 = arith.constant 3 : i32
        %add3A_666 = arith.addi %add3A_456, %add3A_665 : i32
        %mul3A_667 = arith.constant 80 : i32
        %mul3A_668 = arith.muli %add3A_666, %mul3A_667 : i32
        %add3A_669 = arith.addi %mul3A_75, %mul3A_668 : i32
        %dma_start3A_670 = arith.constant 0 : i32
        %dma_start3A_671 = arith.constant 1 : i32
        %dma_start3A_672 = arith.constant 0 : i32
        %dma_start3A_673 = arith.constant 0 : i32
        %dma_start3A_674 = tpu.memref_slice %arg7[%dma_start3A_671, %dma_start3A_672, %dma_start3A_673] : memref<3x2x80xi32, #tpu.memory_space<vmem>> -> memref<1x1x80xi32, #tpu.memory_space<vmem>>
        %dma_start3A_675 = tpu.memref_squeeze %dma_start3A_674 : memref<1x1x80xi32, #tpu.memory_space<vmem>> -> memref<80xi32, #tpu.memory_space<vmem>>
        %dma_start3A_676 = tpu.memref_slice %arg3[%dma_start3A_670, %add3A_669] : memref<2x320000xi32, #tpu.memory_space<hbm>> -> memref<1x80xi32, #tpu.memory_space<hbm>>
        %dma_start3A_677 = tpu.memref_squeeze %dma_start3A_676 : memref<1x80xi32, #tpu.memory_space<hbm>> -> memref<80xi32, #tpu.memory_space<hbm>>
        %dma_start3A_678 = arith.constant 0 : i32
        %dma_start3A_679 = tpu.memref_slice %arg7[%dma_start3A_671, %dma_start3A_672, %dma_start3A_678] : memref<3x2x80xi32, #tpu.memory_space<vmem>> -> memref<1x1x80xi32, #tpu.memory_space<vmem>>
        %dma_start3A_680 = tpu.memref_squeeze %dma_start3A_679 : memref<1x1x80xi32, #tpu.memory_space<vmem>> -> memref<80xi32, #tpu.memory_space<vmem>>
        %dma_start3A_681 = tpu.memref_slice %arg3[%dma_start3A_670, %add3A_669] : memref<2x320000xi32, #tpu.memory_space<hbm>> -> memref<1x80xi32, #tpu.memory_space<hbm>>
        %dma_start3A_682 = tpu.memref_squeeze %dma_start3A_681 : memref<1x80xi32, #tpu.memory_space<hbm>> -> memref<80xi32, #tpu.memory_space<hbm>>
        tpu.enqueue_dma source(%dma_start3A_682 : memref<80xi32, #tpu.memory_space<hbm>>) target(%dma_start3A_680 : memref<80xi32, #tpu.memory_space<vmem>>) target_semaphore(%arg25 : memref<!tpu.dma_semaphore, #tpu.memory_space<semaphore_mem>>)
        %dma_start3A_683 = arith.constant 1 : i32
        %dma_start3A_684 = arith.constant 1 : i32
        %dma_start3A_685 = arith.constant 1 : i32
        %dma_start3A_686 = arith.constant 0 : i32
        %dma_start3A_687 = tpu.memref_slice %arg7[%dma_start3A_684, %dma_start3A_685, %dma_start3A_686] : memref<3x2x80xi32, #tpu.memory_space<vmem>> -> memref<1x1x80xi32, #tpu.memory_space<vmem>>
        %dma_start3A_688 = tpu.memref_squeeze %dma_start3A_687 : memref<1x1x80xi32, #tpu.memory_space<vmem>> -> memref<80xi32, #tpu.memory_space<vmem>>
        %dma_start3A_689 = tpu.memref_slice %arg3[%dma_start3A_683, %add3A_669] : memref<2x320000xi32, #tpu.memory_space<hbm>> -> memref<1x80xi32, #tpu.memory_space<hbm>>
        %dma_start3A_690 = tpu.memref_squeeze %dma_start3A_689 : memref<1x80xi32, #tpu.memory_space<hbm>> -> memref<80xi32, #tpu.memory_space<hbm>>
        %dma_start3A_691 = arith.constant 0 : i32
        %dma_start3A_692 = tpu.memref_slice %arg7[%dma_start3A_684, %dma_start3A_685, %dma_start3A_691] : memref<3x2x80xi32, #tpu.memory_space<vmem>> -> memref<1x1x80xi32, #tpu.memory_space<vmem>>
        %dma_start3A_693 = tpu.memref_squeeze %dma_start3A_692 : memref<1x1x80xi32, #tpu.memory_space<vmem>> -> memref<80xi32, #tpu.memory_space<vmem>>
        %dma_start3A_694 = tpu.memref_slice %arg3[%dma_start3A_683, %add3A_669] : memref<2x320000xi32, #tpu.memory_space<hbm>> -> memref<1x80xi32, #tpu.memory_space<hbm>>
        %dma_start3A_695 = tpu.memref_squeeze %dma_start3A_694 : memref<1x80xi32, #tpu.memory_space<hbm>> -> memref<80xi32, #tpu.memory_space<hbm>>
        tpu.enqueue_dma source(%dma_start3A_695 : memref<80xi32, #tpu.memory_space<hbm>>) target(%dma_start3A_693 : memref<80xi32, #tpu.memory_space<vmem>>) target_semaphore(%arg25 : memref<!tpu.dma_semaphore, #tpu.memory_space<semaphore_mem>>)
      } else {
      }
      %add3A_512 = arith.constant 2 : i32
      %add3A_513 = arith.addi %add3A_456, %add3A_512 : i32
      %mul3A_514 = arith.constant 80 : i32
      %mul3A_515 = arith.muli %add3A_513, %mul3A_514 : i32
      %add3A_516 = arith.addi %mul3A_75, %mul3A_515 : i32
      %dma_wait3A_517 = arith.constant 0 : i32
      %dma_wait3A_518 = arith.constant 0 : i32
      %dma_wait3A_519 = arith.constant 0 : i32
      %dma_wait3A_520 = arith.constant 0 : i32
      %dma_wait3A_521 = tpu.memref_slice %arg7[%dma_wait3A_518, %dma_wait3A_519, %dma_wait3A_520] : memref<3x2x80xi32, #tpu.memory_space<vmem>> -> memref<1x1x80xi32, #tpu.memory_space<vmem>>
      %dma_wait3A_522 = tpu.memref_squeeze %dma_wait3A_521 : memref<1x1x80xi32, #tpu.memory_space<vmem>> -> memref<80xi32, #tpu.memory_space<vmem>>
      %dma_wait3A_523 = tpu.memref_slice %arg3[%dma_wait3A_517, %add3A_516] : memref<2x320000xi32, #tpu.memory_space<hbm>> -> memref<1x80xi32, #tpu.memory_space<hbm>>
      %dma_wait3A_524 = tpu.memref_squeeze %dma_wait3A_523 : memref<1x80xi32, #tpu.memory_space<hbm>> -> memref<80xi32, #tpu.memory_space<hbm>>
      %dma_wait3A_525 = arith.constant 0 : i32
      %dma_wait3A_526 = tpu.memref_slice %arg7[%dma_wait3A_518, %dma_wait3A_519, %dma_wait3A_525] : memref<3x2x80xi32, #tpu.memory_space<vmem>> -> memref<1x1x80xi32, #tpu.memory_space<vmem>>
      %dma_wait3A_527 = tpu.memref_squeeze %dma_wait3A_526 : memref<1x1x80xi32, #tpu.memory_space<vmem>> -> memref<80xi32, #tpu.memory_space<vmem>>
      %dma_wait3A_528 = tpu.memref_slice %arg3[%dma_wait3A_517, %add3A_516] : memref<2x320000xi32, #tpu.memory_space<hbm>> -> memref<1x80xi32, #tpu.memory_space<hbm>>
      %dma_wait3A_529 = tpu.memref_squeeze %dma_wait3A_528 : memref<1x80xi32, #tpu.memory_space<hbm>> -> memref<80xi32, #tpu.memory_space<hbm>>
      tpu.wait_dma2 semaphore(%arg24 : memref<!tpu.dma_semaphore, #tpu.memory_space<semaphore_mem>>) src(%dma_wait3A_529 : memref<80xi32, #tpu.memory_space<hbm>>) dst(%dma_wait3A_527 : memref<80xi32, #tpu.memory_space<vmem>>)
      %dma_wait3A_530 = arith.constant 1 : i32
      %dma_wait3A_531 = arith.constant 0 : i32
      %dma_wait3A_532 = arith.constant 1 : i32
      %dma_wait3A_533 = arith.constant 0 : i32
      %dma_wait3A_534 = tpu.memref_slice %arg7[%dma_wait3A_531, %dma_wait3A_532, %dma_wait3A_533] : memref<3x2x80xi32, #tpu.memory_space<vmem>> -> memref<1x1x80xi32, #tpu.memory_space<vmem>>
      %dma_wait3A_535 = tpu.memref_squeeze %dma_wait3A_534 : memref<1x1x80xi32, #tpu.memory_space<vmem>> -> memref<80xi32, #tpu.memory_space<vmem>>
      %dma_wait3A_536 = tpu.memref_slice %arg3[%dma_wait3A_530, %add3A_516] : memref<2x320000xi32, #tpu.memory_space<hbm>> -> memref<1x80xi32, #tpu.memory_space<hbm>>
      %dma_wait3A_537 = tpu.memref_squeeze %dma_wait3A_536 : memref<1x80xi32, #tpu.memory_space<hbm>> -> memref<80xi32, #tpu.memory_space<hbm>>
      %dma_wait3A_538 = arith.constant 0 : i32
      %dma_wait3A_539 = tpu.memref_slice %arg7[%dma_wait3A_531, %dma_wait3A_532, %dma_wait3A_538] : memref<3x2x80xi32, #tpu.memory_space<vmem>> -> memref<1x1x80xi32, #tpu.memory_space<vmem>>
      %dma_wait3A_540 = tpu.memref_squeeze %dma_wait3A_539 : memref<1x1x80xi32, #tpu.memory_space<vmem>> -> memref<80xi32, #tpu.memory_space<vmem>>
      %dma_wait3A_541 = tpu.memref_slice %arg3[%dma_wait3A_530, %add3A_516] : memref<2x320000xi32, #tpu.memory_space<hbm>> -> memref<1x80xi32, #tpu.memory_space<hbm>>
      %dma_wait3A_542 = tpu.memref_squeeze %dma_wait3A_541 : memref<1x80xi32, #tpu.memory_space<hbm>> -> memref<80xi32, #tpu.memory_space<hbm>>
      tpu.wait_dma2 semaphore(%arg24 : memref<!tpu.dma_semaphore, #tpu.memory_space<semaphore_mem>>) src(%dma_wait3A_542 : memref<80xi32, #tpu.memory_space<hbm>>) dst(%dma_wait3A_540 : memref<80xi32, #tpu.memory_space<vmem>>)
      %dma_start3A_543 = arith.constant 0 : i32
      %dma_start3A_544 = arith.constant 1 : i32
      %dma_start3A_545 = arith.constant 0 : i32
      %dma_start3A_546 = tpu.memref_slice %arg7[%dma_start3A_543, %dma_start3A_544, %dma_start3A_545] : memref<3x2x80xi32, #tpu.memory_space<vmem>> -> memref<1x1x80xi32, #tpu.memory_space<vmem>>
      %dma_start3A_547 = tpu.memref_squeeze %dma_start3A_546 : memref<1x1x80xi32, #tpu.memory_space<vmem>> -> memref<80xi32, #tpu.memory_space<vmem>>
      %dma_start3A_548 = arith.constant 0 : i32
      %dma_start3A_549 = arith.constant 0 : i32
      %dma_start3A_550 = tpu.memref_slice %arg2[%dma_start3A_548, %dma_start3A_549] : memref<10000x128xf32, #tpu.memory_space<hbm>> -> memref<10000x128xf32, #tpu.memory_space<hbm>>
      tpu.enqueue_indirect_dma source(%dma_start3A_550 : memref<10000x128xf32, #tpu.memory_space<hbm>>) target(%arg8 : memref<80x128xf32, #tpu.memory_space<vmem>>) offsets(%dma_start3A_547 : memref<80xi32, #tpu.memory_space<vmem>>) semaphore(%arg18 : memref<!tpu.dma_semaphore, #tpu.memory_space<semaphore_mem>>)
      %dma_start3A_551 = arith.constant 0 : i32
      %dma_start3A_552 = arith.constant 1 : i32
      %dma_start3A_553 = arith.constant 0 : i32
      %dma_start3A_554 = tpu.memref_slice %arg7[%dma_start3A_551, %dma_start3A_552, %dma_start3A_553] : memref<3x2x80xi32, #tpu.memory_space<vmem>> -> memref<1x1x80xi32, #tpu.memory_space<vmem>>
      %dma_start3A_555 = tpu.memref_squeeze %dma_start3A_554 : memref<1x1x80xi32, #tpu.memory_space<vmem>> -> memref<80xi32, #tpu.memory_space<vmem>>
      %dma_start3A_556 = arith.constant 0 : i32
      %dma_start3A_557 = arith.constant 0 : i32
      %dma_start3A_558 = tpu.memref_slice %arg4[%dma_start3A_556, %dma_start3A_557] : memref<10000x16xf32, #tpu.memory_space<hbm>> -> memref<10000x16xf32, #tpu.memory_space<hbm>>
      tpu.enqueue_indirect_dma source(%dma_start3A_558 : memref<10000x16xf32, #tpu.memory_space<hbm>>) target(%arg11 : memref<80x16xf32, #tpu.memory_space<vmem>>) offsets(%dma_start3A_555 : memref<80xi32, #tpu.memory_space<vmem>>) semaphore(%arg21 : memref<!tpu.dma_semaphore, #tpu.memory_space<semaphore_mem>>)
      %mul3A_559 = arith.constant 3 : i32
      %mul3A_560 = arith.muli %mul3A_559, %scan3A_349 : i32
      %add3A_561 = arith.constant 2 : i32
      %add3A_562 = arith.addi %mul3A_560, %add3A_561 : i32
      %dma_wait3A_563 = arith.constant 2 : i32
      %dma_wait3A_564 = arith.constant 1 : i32
      %dma_wait3A_565 = arith.constant 0 : i32
      %dma_wait3A_566 = tpu.memref_slice %arg7[%dma_wait3A_563, %dma_wait3A_564, %dma_wait3A_565] : memref<3x2x80xi32, #tpu.memory_space<vmem>> -> memref<1x1x80xi32, #tpu.memory_space<vmem>>
      %dma_wait3A_567 = tpu.memref_squeeze %dma_wait3A_566 : memref<1x1x80xi32, #tpu.memory_space<vmem>> -> memref<80xi32, #tpu.memory_space<vmem>>
      %dma_wait3A_568 = arith.constant 0 : i32
      %dma_wait3A_569 = arith.constant 0 : i32
      %dma_wait3A_570 = tpu.memref_slice %arg2[%dma_wait3A_568, %dma_wait3A_569] : memref<10000x128xf32, #tpu.memory_space<hbm>> -> memref<10000x128xf32, #tpu.memory_space<hbm>>
      tpu.wait_indirect_dma semaphore(%arg20 : memref<!tpu.dma_semaphore, #tpu.memory_space<semaphore_mem>>) src(%dma_wait3A_570 : memref<10000x128xf32, #tpu.memory_space<hbm>>) dst(%arg10 : memref<80x128xf32, #tpu.memory_space<vmem>>)
      %dma_wait3A_571 = arith.constant 2 : i32
      %dma_wait3A_572 = arith.constant 1 : i32
      %dma_wait3A_573 = arith.constant 0 : i32
      %dma_wait3A_574 = tpu.memref_slice %arg7[%dma_wait3A_571, %dma_wait3A_572, %dma_wait3A_573] : memref<3x2x80xi32, #tpu.memory_space<vmem>> -> memref<1x1x80xi32, #tpu.memory_space<vmem>>
      %dma_wait3A_575 = tpu.memref_squeeze %dma_wait3A_574 : memref<1x1x80xi32, #tpu.memory_space<vmem>> -> memref<80xi32, #tpu.memory_space<vmem>>
      %dma_wait3A_576 = arith.constant 0 : i32
      %dma_wait3A_577 = arith.constant 0 : i32
      %dma_wait3A_578 = tpu.memref_slice %arg4[%dma_wait3A_576, %dma_wait3A_577] : memref<10000x16xf32, #tpu.memory_space<hbm>> -> memref<10000x16xf32, #tpu.memory_space<hbm>>
      tpu.wait_indirect_dma semaphore(%arg23 : memref<!tpu.dma_semaphore, #tpu.memory_space<semaphore_mem>>) src(%dma_wait3A_578 : memref<10000x16xf32, #tpu.memory_space<hbm>>) dst(%arg13 : memref<80x16xf32, #tpu.memory_space<vmem>>)
      %dma_start3A_579 = arith.constant 2 : i32
      %dma_start3A_580 = arith.constant 0 : i32
      %dma_start3A_581 = arith.constant 0 : i32
      %dma_start3A_582 = tpu.memref_slice %arg7[%dma_start3A_579, %dma_start3A_580, %dma_start3A_581] : memref<3x2x80xi32, #tpu.memory_space<vmem>> -> memref<1x1x80xi32, #tpu.memory_space<vmem>>
      %dma_start3A_583 = tpu.memref_squeeze %dma_start3A_582 : memref<1x1x80xi32, #tpu.memory_space<vmem>> -> memref<80xi32, #tpu.memory_space<vmem>>
      %dma_start3A_584 = arith.constant 0 : i32
      %dma_start3A_585 = arith.constant 0 : i32
      %dma_start3A_586 = tpu.memref_slice %arg16[%dma_start3A_584, %dma_start3A_585] : memref<10000x128xf32, #tpu.memory_space<vmem_shared>> -> memref<10000x128xf32, #tpu.memory_space<vmem_shared>>
      tpu.enqueue_indirect_dma source(%arg10 : memref<80x128xf32, #tpu.memory_space<vmem>>) target(%dma_start3A_586 : memref<10000x128xf32, #tpu.memory_space<vmem_shared>>) offsets(%dma_start3A_583 : memref<80xi32, #tpu.memory_space<vmem>>) semaphore(%arg29 : memref<!tpu.dma_semaphore, #tpu.memory_space<semaphore_mem>>) {add = true}
      %dma_start3A_587 = arith.constant 2 : i32
      %dma_start3A_588 = arith.constant 0 : i32
      %dma_start3A_589 = arith.constant 0 : i32
      %dma_start3A_590 = tpu.memref_slice %arg7[%dma_start3A_587, %dma_start3A_588, %dma_start3A_589] : memref<3x2x80xi32, #tpu.memory_space<vmem>> -> memref<1x1x80xi32, #tpu.memory_space<vmem>>
      %dma_start3A_591 = tpu.memref_squeeze %dma_start3A_590 : memref<1x1x80xi32, #tpu.memory_space<vmem>> -> memref<80xi32, #tpu.memory_space<vmem>>
      %dma_start3A_592 = arith.constant 0 : i32
      %dma_start3A_593 = arith.constant 0 : i32
      %dma_start3A_594 = tpu.memref_slice %arg17[%dma_start3A_592, %dma_start3A_593] : memref<10000x16xf32, #tpu.memory_space<vmem_shared>> -> memref<10000x16xf32, #tpu.memory_space<vmem_shared>>
      tpu.enqueue_indirect_dma source(%arg13 : memref<80x16xf32, #tpu.memory_space<vmem>>) target(%dma_start3A_594 : memref<10000x16xf32, #tpu.memory_space<vmem_shared>>) offsets(%dma_start3A_591 : memref<80xi32, #tpu.memory_space<vmem>>) semaphore(%arg29 : memref<!tpu.dma_semaphore, #tpu.memory_space<semaphore_mem>>) {add = true}
      %dma_wait3A_595 = arith.constant 2 : i32
      %dma_wait3A_596 = arith.constant 0 : i32
      %dma_wait3A_597 = arith.constant 0 : i32
      %dma_wait3A_598 = tpu.memref_slice %arg7[%dma_wait3A_595, %dma_wait3A_596, %dma_wait3A_597] : memref<3x2x80xi32, #tpu.memory_space<vmem>> -> memref<1x1x80xi32, #tpu.memory_space<vmem>>
      %dma_wait3A_599 = tpu.memref_squeeze %dma_wait3A_598 : memref<1x1x80xi32, #tpu.memory_space<vmem>> -> memref<80xi32, #tpu.memory_space<vmem>>
      %dma_wait3A_600 = arith.constant 0 : i32
      %dma_wait3A_601 = arith.constant 0 : i32
      %dma_wait3A_602 = tpu.memref_slice %arg16[%dma_wait3A_600, %dma_wait3A_601] : memref<10000x128xf32, #tpu.memory_space<vmem_shared>> -> memref<10000x128xf32, #tpu.memory_space<vmem_shared>>
      tpu.wait_indirect_dma semaphore(%arg29 : memref<!tpu.dma_semaphore, #tpu.memory_space<semaphore_mem>>) src(%arg10 : memref<80x128xf32, #tpu.memory_space<vmem>>) dst(%dma_wait3A_602 : memref<10000x128xf32, #tpu.memory_space<vmem_shared>>)
      %dma_wait3A_603 = arith.constant 2 : i32
      %dma_wait3A_604 = arith.constant 0 : i32
      %dma_wait3A_605 = arith.constant 0 : i32
      %dma_wait3A_606 = tpu.memref_slice %arg7[%dma_wait3A_603, %dma_wait3A_604, %dma_wait3A_605] : memref<3x2x80xi32, #tpu.memory_space<vmem>> -> memref<1x1x80xi32, #tpu.memory_space<vmem>>
      %dma_wait3A_607 = tpu.memref_squeeze %dma_wait3A_606 : memref<1x1x80xi32, #tpu.memory_space<vmem>> -> memref<80xi32, #tpu.memory_space<vmem>>
      %dma_wait3A_608 = arith.constant 0 : i32
      %dma_wait3A_609 = arith.constant 0 : i32
      %dma_wait3A_610 = tpu.memref_slice %arg17[%dma_wait3A_608, %dma_wait3A_609] : memref<10000x16xf32, #tpu.memory_space<vmem_shared>> -> memref<10000x16xf32, #tpu.memory_space<vmem_shared>>
      tpu.wait_indirect_dma semaphore(%arg29 : memref<!tpu.dma_semaphore, #tpu.memory_space<semaphore_mem>>) src(%arg13 : memref<80x16xf32, #tpu.memory_space<vmem>>) dst(%dma_wait3A_610 : memref<10000x16xf32, #tpu.memory_space<vmem_shared>>)
      %add3A_611 = arith.constant 3 : i32
      %add3A_612 = arith.addi %add3A_562, %add3A_611 : i32
      %lt3A_613 = arith.constant 125 : i32
      %lt3A_614 = arith.cmpi slt, %add3A_612, %lt3A_613 : i32
      %convert_element_type3A_615 = arith.extui %lt3A_614 : i1 to i32
      %cond3A_616 = arith.constant 0 : i32
      %cond3A_617 = arith.cmpi ne, %convert_element_type3A_615, %cond3A_616 : i32
      scf.if %cond3A_617 {
        %add3A_665 = arith.constant 3 : i32
        %add3A_666 = arith.addi %add3A_562, %add3A_665 : i32
        %mul3A_667 = arith.constant 80 : i32
        %mul3A_668 = arith.muli %add3A_666, %mul3A_667 : i32
        %add3A_669 = arith.addi %mul3A_75, %mul3A_668 : i32
        %dma_start3A_670 = arith.constant 0 : i32
        %dma_start3A_671 = arith.constant 2 : i32
        %dma_start3A_672 = arith.constant 0 : i32
        %dma_start3A_673 = arith.constant 0 : i32
        %dma_start3A_674 = tpu.memref_slice %arg7[%dma_start3A_671, %dma_start3A_672, %dma_start3A_673] : memref<3x2x80xi32, #tpu.memory_space<vmem>> -> memref<1x1x80xi32, #tpu.memory_space<vmem>>
        %dma_start3A_675 = tpu.memref_squeeze %dma_start3A_674 : memref<1x1x80xi32, #tpu.memory_space<vmem>> -> memref<80xi32, #tpu.memory_space<vmem>>
        %dma_start3A_676 = tpu.memref_slice %arg3[%dma_start3A_670, %add3A_669] : memref<2x320000xi32, #tpu.memory_space<hbm>> -> memref<1x80xi32, #tpu.memory_space<hbm>>
        %dma_start3A_677 = tpu.memref_squeeze %dma_start3A_676 : memref<1x80xi32, #tpu.memory_space<hbm>> -> memref<80xi32, #tpu.memory_space<hbm>>
        %dma_start3A_678 = arith.constant 0 : i32
        %dma_start3A_679 = tpu.memref_slice %arg7[%dma_start3A_671, %dma_start3A_672, %dma_start3A_678] : memref<3x2x80xi32, #tpu.memory_space<vmem>> -> memref<1x1x80xi32, #tpu.memory_space<vmem>>
        %dma_start3A_680 = tpu.memref_squeeze %dma_start3A_679 : memref<1x1x80xi32, #tpu.memory_space<vmem>> -> memref<80xi32, #tpu.memory_space<vmem>>
        %dma_start3A_681 = tpu.memref_slice %arg3[%dma_start3A_670, %add3A_669] : memref<2x320000xi32, #tpu.memory_space<hbm>> -> memref<1x80xi32, #tpu.memory_space<hbm>>
        %dma_start3A_682 = tpu.memref_squeeze %dma_start3A_681 : memref<1x80xi32, #tpu.memory_space<hbm>> -> memref<80xi32, #tpu.memory_space<hbm>>
        tpu.enqueue_dma source(%dma_start3A_682 : memref<80xi32, #tpu.memory_space<hbm>>) target(%dma_start3A_680 : memref<80xi32, #tpu.memory_space<vmem>>) target_semaphore(%arg26 : memref<!tpu.dma_semaphore, #tpu.memory_space<semaphore_mem>>)
        %dma_start3A_683 = arith.constant 1 : i32
        %dma_start3A_684 = arith.constant 2 : i32
        %dma_start3A_685 = arith.constant 1 : i32
        %dma_start3A_686 = arith.constant 0 : i32
        %dma_start3A_687 = tpu.memref_slice %arg7[%dma_start3A_684, %dma_start3A_685, %dma_start3A_686] : memref<3x2x80xi32, #tpu.memory_space<vmem>> -> memref<1x1x80xi32, #tpu.memory_space<vmem>>
        %dma_start3A_688 = tpu.memref_squeeze %dma_start3A_687 : memref<1x1x80xi32, #tpu.memory_space<vmem>> -> memref<80xi32, #tpu.memory_space<vmem>>
        %dma_start3A_689 = tpu.memref_slice %arg3[%dma_start3A_683, %add3A_669] : memref<2x320000xi32, #tpu.memory_space<hbm>> -> memref<1x80xi32, #tpu.memory_space<hbm>>
        %dma_start3A_690 = tpu.memref_squeeze %dma_start3A_689 : memref<1x80xi32, #tpu.memory_space<hbm>> -> memref<80xi32, #tpu.memory_space<hbm>>
        %dma_start3A_691 = arith.constant 0 : i32
        %dma_start3A_692 = tpu.memref_slice %arg7[%dma_start3A_684, %dma_start3A_685, %dma_start3A_691] : memref<3x2x80xi32, #tpu.memory_space<vmem>> -> memref<1x1x80xi32, #tpu.memory_space<vmem>>
        %dma_start3A_693 = tpu.memref_squeeze %dma_start3A_692 : memref<1x1x80xi32, #tpu.memory_space<vmem>> -> memref<80xi32, #tpu.memory_space<vmem>>
        %dma_start3A_694 = tpu.memref_slice %arg3[%dma_start3A_683, %add3A_669] : memref<2x320000xi32, #tpu.memory_space<hbm>> -> memref<1x80xi32, #tpu.memory_space<hbm>>
        %dma_start3A_695 = tpu.memref_squeeze %dma_start3A_694 : memref<1x80xi32, #tpu.memory_space<hbm>> -> memref<80xi32, #tpu.memory_space<hbm>>
        tpu.enqueue_dma source(%dma_start3A_695 : memref<80xi32, #tpu.memory_space<hbm>>) target(%dma_start3A_693 : memref<80xi32, #tpu.memory_space<vmem>>) target_semaphore(%arg26 : memref<!tpu.dma_semaphore, #tpu.memory_space<semaphore_mem>>)
      } else {
      }
      %add3A_618 = arith.constant 2 : i32
      %add3A_619 = arith.addi %add3A_562, %add3A_618 : i32
      %mul3A_620 = arith.constant 80 : i32
      %mul3A_621 = arith.muli %add3A_619, %mul3A_620 : i32
      %add3A_622 = arith.addi %mul3A_75, %mul3A_621 : i32
      %dma_wait3A_623 = arith.constant 0 : i32
      %dma_wait3A_624 = arith.constant 1 : i32
      %dma_wait3A_625 = arith.constant 0 : i32
      %dma_wait3A_626 = arith.constant 0 : i32
      %dma_wait3A_627 = tpu.memref_slice %arg7[%dma_wait3A_624, %dma_wait3A_625, %dma_wait3A_626] : memref<3x2x80xi32, #tpu.memory_space<vmem>> -> memref<1x1x80xi32, #tpu.memory_space<vmem>>
      %dma_wait3A_628 = tpu.memref_squeeze %dma_wait3A_627 : memref<1x1x80xi32, #tpu.memory_space<vmem>> -> memref<80xi32, #tpu.memory_space<vmem>>
      %dma_wait3A_629 = tpu.memref_slice %arg3[%dma_wait3A_623, %add3A_622] : memref<2x320000xi32, #tpu.memory_space<hbm>> -> memref<1x80xi32, #tpu.memory_space<hbm>>
      %dma_wait3A_630 = tpu.memref_squeeze %dma_wait3A_629 : memref<1x80xi32, #tpu.memory_space<hbm>> -> memref<80xi32, #tpu.memory_space<hbm>>
      %dma_wait3A_631 = arith.constant 0 : i32
      %dma_wait3A_632 = tpu.memref_slice %arg7[%dma_wait3A_624, %dma_wait3A_625, %dma_wait3A_631] : memref<3x2x80xi32, #tpu.memory_space<vmem>> -> memref<1x1x80xi32, #tpu.memory_space<vmem>>
      %dma_wait3A_633 = tpu.memref_squeeze %dma_wait3A_632 : memref<1x1x80xi32, #tpu.memory_space<vmem>> -> memref<80xi32, #tpu.memory_space<vmem>>
      %dma_wait3A_634 = tpu.memref_slice %arg3[%dma_wait3A_623, %add3A_622] : memref<2x320000xi32, #tpu.memory_space<hbm>> -> memref<1x80xi32, #tpu.memory_space<hbm>>
      %dma_wait3A_635 = tpu.memref_squeeze %dma_wait3A_634 : memref<1x80xi32, #tpu.memory_space<hbm>> -> memref<80xi32, #tpu.memory_space<hbm>>
      tpu.wait_dma2 semaphore(%arg25 : memref<!tpu.dma_semaphore, #tpu.memory_space<semaphore_mem>>) src(%dma_wait3A_635 : memref<80xi32, #tpu.memory_space<hbm>>) dst(%dma_wait3A_633 : memref<80xi32, #tpu.memory_space<vmem>>)
      %dma_wait3A_636 = arith.constant 1 : i32
      %dma_wait3A_637 = arith.constant 1 : i32
      %dma_wait3A_638 = arith.constant 1 : i32
      %dma_wait3A_639 = arith.constant 0 : i32
      %dma_wait3A_640 = tpu.memref_slice %arg7[%dma_wait3A_637, %dma_wait3A_638, %dma_wait3A_639] : memref<3x2x80xi32, #tpu.memory_space<vmem>> -> memref<1x1x80xi32, #tpu.memory_space<vmem>>
      %dma_wait3A_641 = tpu.memref_squeeze %dma_wait3A_640 : memref<1x1x80xi32, #tpu.memory_space<vmem>> -> memref<80xi32, #tpu.memory_space<vmem>>
      %dma_wait3A_642 = tpu.memref_slice %arg3[%dma_wait3A_636, %add3A_622] : memref<2x320000xi32, #tpu.memory_space<hbm>> -> memref<1x80xi32, #tpu.memory_space<hbm>>
      %dma_wait3A_643 = tpu.memref_squeeze %dma_wait3A_642 : memref<1x80xi32, #tpu.memory_space<hbm>> -> memref<80xi32, #tpu.memory_space<hbm>>
      %dma_wait3A_644 = arith.constant 0 : i32
      %dma_wait3A_645 = tpu.memref_slice %arg7[%dma_wait3A_637, %dma_wait3A_638, %dma_wait3A_644] : memref<3x2x80xi32, #tpu.memory_space<vmem>> -> memref<1x1x80xi32, #tpu.memory_space<vmem>>
      %dma_wait3A_646 = tpu.memref_squeeze %dma_wait3A_645 : memref<1x1x80xi32, #tpu.memory_space<vmem>> -> memref<80xi32, #tpu.memory_space<vmem>>
      %dma_wait3A_647 = tpu.memref_slice %arg3[%dma_wait3A_636, %add3A_622] : memref<2x320000xi32, #tpu.memory_space<hbm>> -> memref<1x80xi32, #tpu.memory_space<hbm>>
      %dma_wait3A_648 = tpu.memref_squeeze %dma_wait3A_647 : memref<1x80xi32, #tpu.memory_space<hbm>> -> memref<80xi32, #tpu.memory_space<hbm>>
      tpu.wait_dma2 semaphore(%arg25 : memref<!tpu.dma_semaphore, #tpu.memory_space<semaphore_mem>>) src(%dma_wait3A_648 : memref<80xi32, #tpu.memory_space<hbm>>) dst(%dma_wait3A_646 : memref<80xi32, #tpu.memory_space<vmem>>)
      %dma_start3A_649 = arith.constant 1 : i32
      %dma_start3A_650 = arith.constant 1 : i32
      %dma_start3A_651 = arith.constant 0 : i32
      %dma_start3A_652 = tpu.memref_slice %arg7[%dma_start3A_649, %dma_start3A_650, %dma_start3A_651] : memref<3x2x80xi32, #tpu.memory_space<vmem>> -> memref<1x1x80xi32, #tpu.memory_space<vmem>>
      %dma_start3A_653 = tpu.memref_squeeze %dma_start3A_652 : memref<1x1x80xi32, #tpu.memory_space<vmem>> -> memref<80xi32, #tpu.memory_space<vmem>>
      %dma_start3A_654 = arith.constant 0 : i32
      %dma_start3A_655 = arith.constant 0 : i32
      %dma_start3A_656 = tpu.memref_slice %arg2[%dma_start3A_654, %dma_start3A_655] : memref<10000x128xf32, #tpu.memory_space<hbm>> -> memref<10000x128xf32, #tpu.memory_space<hbm>>
      tpu.enqueue_indirect_dma source(%dma_start3A_656 : memref<10000x128xf32, #tpu.memory_space<hbm>>) target(%arg9 : memref<80x128xf32, #tpu.memory_space<vmem>>) offsets(%dma_start3A_653 : memref<80xi32, #tpu.memory_space<vmem>>) semaphore(%arg19 : memref<!tpu.dma_semaphore, #tpu.memory_space<semaphore_mem>>)
      %dma_start3A_657 = arith.constant 1 : i32
      %dma_start3A_658 = arith.constant 1 : i32
      %dma_start3A_659 = arith.constant 0 : i32
      %dma_start3A_660 = tpu.memref_slice %arg7[%dma_start3A_657, %dma_start3A_658, %dma_start3A_659] : memref<3x2x80xi32, #tpu.memory_space<vmem>> -> memref<1x1x80xi32, #tpu.memory_space<vmem>>
      %dma_start3A_661 = tpu.memref_squeeze %dma_start3A_660 : memref<1x1x80xi32, #tpu.memory_space<vmem>> -> memref<80xi32, #tpu.memory_space<vmem>>
      %dma_start3A_662 = arith.constant 0 : i32
      %dma_start3A_663 = arith.constant 0 : i32
      %dma_start3A_664 = tpu.memref_slice %arg4[%dma_start3A_662, %dma_start3A_663] : memref<10000x16xf32, #tpu.memory_space<hbm>> -> memref<10000x16xf32, #tpu.memory_space<hbm>>
      tpu.enqueue_indirect_dma source(%dma_start3A_664 : memref<10000x16xf32, #tpu.memory_space<hbm>>) target(%arg12 : memref<80x16xf32, #tpu.memory_space<vmem>>) offsets(%dma_start3A_661 : memref<80xi32, #tpu.memory_space<vmem>>) semaphore(%arg22 : memref<!tpu.dma_semaphore, #tpu.memory_space<semaphore_mem>>)
    }
    %scan3A_251 = arith.constant 41 : i32
    %dma_wait3A_252 = arith.constant 0 : i32
    %dma_wait3A_253 = arith.constant 1 : i32
    %dma_wait3A_254 = arith.constant 0 : i32
    %dma_wait3A_255 = tpu.memref_slice %arg7[%dma_wait3A_252, %dma_wait3A_253, %dma_wait3A_254] : memref<3x2x80xi32, #tpu.memory_space<vmem>> -> memref<1x1x80xi32, #tpu.memory_space<vmem>>
    %dma_wait3A_256 = tpu.memref_squeeze %dma_wait3A_255 : memref<1x1x80xi32, #tpu.memory_space<vmem>> -> memref<80xi32, #tpu.memory_space<vmem>>
    %dma_wait3A_257 = arith.constant 0 : i32
    %dma_wait3A_258 = arith.constant 0 : i32
    %dma_wait3A_259 = tpu.memref_slice %arg2[%dma_wait3A_257, %dma_wait3A_258] : memref<10000x128xf32, #tpu.memory_space<hbm>> -> memref<10000x128xf32, #tpu.memory_space<hbm>>
    tpu.wait_indirect_dma semaphore(%arg18 : memref<!tpu.dma_semaphore, #tpu.memory_space<semaphore_mem>>) src(%dma_wait3A_259 : memref<10000x128xf32, #tpu.memory_space<hbm>>) dst(%arg8 : memref<80x128xf32, #tpu.memory_space<vmem>>)
    %dma_wait3A_260 = arith.constant 0 : i32
    %dma_wait3A_261 = arith.constant 1 : i32
    %dma_wait3A_262 = arith.constant 0 : i32
    %dma_wait3A_263 = tpu.memref_slice %arg7[%dma_wait3A_260, %dma_wait3A_261, %dma_wait3A_262] : memref<3x2x80xi32, #tpu.memory_space<vmem>> -> memref<1x1x80xi32, #tpu.memory_space<vmem>>
    %dma_wait3A_264 = tpu.memref_squeeze %dma_wait3A_263 : memref<1x1x80xi32, #tpu.memory_space<vmem>> -> memref<80xi32, #tpu.memory_space<vmem>>
    %dma_wait3A_265 = arith.constant 0 : i32
    %dma_wait3A_266 = arith.constant 0 : i32
    %dma_wait3A_267 = tpu.memref_slice %arg4[%dma_wait3A_265, %dma_wait3A_266] : memref<10000x16xf32, #tpu.memory_space<hbm>> -> memref<10000x16xf32, #tpu.memory_space<hbm>>
    tpu.wait_indirect_dma semaphore(%arg21 : memref<!tpu.dma_semaphore, #tpu.memory_space<semaphore_mem>>) src(%dma_wait3A_267 : memref<10000x16xf32, #tpu.memory_space<hbm>>) dst(%arg11 : memref<80x16xf32, #tpu.memory_space<vmem>>)
    %dma_start3A_268 = arith.constant 0 : i32
    %dma_start3A_269 = arith.constant 0 : i32
    %dma_start3A_270 = arith.constant 0 : i32
    %dma_start3A_271 = tpu.memref_slice %arg7[%dma_start3A_268, %dma_start3A_269, %dma_start3A_270] : memref<3x2x80xi32, #tpu.memory_space<vmem>> -> memref<1x1x80xi32, #tpu.memory_space<vmem>>
    %dma_start3A_272 = tpu.memref_squeeze %dma_start3A_271 : memref<1x1x80xi32, #tpu.memory_space<vmem>> -> memref<80xi32, #tpu.memory_space<vmem>>
    %dma_start3A_273 = arith.constant 0 : i32
    %dma_start3A_274 = arith.constant 0 : i32
    %dma_start3A_275 = tpu.memref_slice %arg16[%dma_start3A_273, %dma_start3A_274] : memref<10000x128xf32, #tpu.memory_space<vmem_shared>> -> memref<10000x128xf32, #tpu.memory_space<vmem_shared>>
    tpu.enqueue_indirect_dma source(%arg8 : memref<80x128xf32, #tpu.memory_space<vmem>>) target(%dma_start3A_275 : memref<10000x128xf32, #tpu.memory_space<vmem_shared>>) offsets(%dma_start3A_272 : memref<80xi32, #tpu.memory_space<vmem>>) semaphore(%arg27 : memref<!tpu.dma_semaphore, #tpu.memory_space<semaphore_mem>>) {add = true}
    %dma_start3A_276 = arith.constant 0 : i32
    %dma_start3A_277 = arith.constant 0 : i32
    %dma_start3A_278 = arith.constant 0 : i32
    %dma_start3A_279 = tpu.memref_slice %arg7[%dma_start3A_276, %dma_start3A_277, %dma_start3A_278] : memref<3x2x80xi32, #tpu.memory_space<vmem>> -> memref<1x1x80xi32, #tpu.memory_space<vmem>>
    %dma_start3A_280 = tpu.memref_squeeze %dma_start3A_279 : memref<1x1x80xi32, #tpu.memory_space<vmem>> -> memref<80xi32, #tpu.memory_space<vmem>>
    %dma_start3A_281 = arith.constant 0 : i32
    %dma_start3A_282 = arith.constant 0 : i32
    %dma_start3A_283 = tpu.memref_slice %arg17[%dma_start3A_281, %dma_start3A_282] : memref<10000x16xf32, #tpu.memory_space<vmem_shared>> -> memref<10000x16xf32, #tpu.memory_space<vmem_shared>>
    tpu.enqueue_indirect_dma source(%arg11 : memref<80x16xf32, #tpu.memory_space<vmem>>) target(%dma_start3A_283 : memref<10000x16xf32, #tpu.memory_space<vmem_shared>>) offsets(%dma_start3A_280 : memref<80xi32, #tpu.memory_space<vmem>>) semaphore(%arg27 : memref<!tpu.dma_semaphore, #tpu.memory_space<semaphore_mem>>) {add = true}
    %dma_wait3A_284 = arith.constant 0 : i32
    %dma_wait3A_285 = arith.constant 0 : i32
    %dma_wait3A_286 = arith.constant 0 : i32
    %dma_wait3A_287 = tpu.memref_slice %arg7[%dma_wait3A_284, %dma_wait3A_285, %dma_wait3A_286] : memref<3x2x80xi32, #tpu.memory_space<vmem>> -> memref<1x1x80xi32, #tpu.memory_space<vmem>>
    %dma_wait3A_288 = tpu.memref_squeeze %dma_wait3A_287 : memref<1x1x80xi32, #tpu.memory_space<vmem>> -> memref<80xi32, #tpu.memory_space<vmem>>
    %dma_wait3A_289 = arith.constant 0 : i32
    %dma_wait3A_290 = arith.constant 0 : i32
    %dma_wait3A_291 = tpu.memref_slice %arg16[%dma_wait3A_289, %dma_wait3A_290] : memref<10000x128xf32, #tpu.memory_space<vmem_shared>> -> memref<10000x128xf32, #tpu.memory_space<vmem_shared>>
    tpu.wait_indirect_dma semaphore(%arg27 : memref<!tpu.dma_semaphore, #tpu.memory_space<semaphore_mem>>) src(%arg8 : memref<80x128xf32, #tpu.memory_space<vmem>>) dst(%dma_wait3A_291 : memref<10000x128xf32, #tpu.memory_space<vmem_shared>>)
    %dma_wait3A_292 = arith.constant 0 : i32
    %dma_wait3A_293 = arith.constant 0 : i32
    %dma_wait3A_294 = arith.constant 0 : i32
    %dma_wait3A_295 = tpu.memref_slice %arg7[%dma_wait3A_292, %dma_wait3A_293, %dma_wait3A_294] : memref<3x2x80xi32, #tpu.memory_space<vmem>> -> memref<1x1x80xi32, #tpu.memory_space<vmem>>
    %dma_wait3A_296 = tpu.memref_squeeze %dma_wait3A_295 : memref<1x1x80xi32, #tpu.memory_space<vmem>> -> memref<80xi32, #tpu.memory_space<vmem>>
    %dma_wait3A_297 = arith.constant 0 : i32
    %dma_wait3A_298 = arith.constant 0 : i32
    %dma_wait3A_299 = tpu.memref_slice %arg17[%dma_wait3A_297, %dma_wait3A_298] : memref<10000x16xf32, #tpu.memory_space<vmem_shared>> -> memref<10000x16xf32, #tpu.memory_space<vmem_shared>>
    tpu.wait_indirect_dma semaphore(%arg27 : memref<!tpu.dma_semaphore, #tpu.memory_space<semaphore_mem>>) src(%arg11 : memref<80x16xf32, #tpu.memory_space<vmem>>) dst(%dma_wait3A_299 : memref<10000x16xf32, #tpu.memory_space<vmem_shared>>)
    %dma_wait3A_300 = arith.constant 1 : i32
    %dma_wait3A_301 = arith.constant 1 : i32
    %dma_wait3A_302 = arith.constant 0 : i32
    %dma_wait3A_303 = tpu.memref_slice %arg7[%dma_wait3A_300, %dma_wait3A_301, %dma_wait3A_302] : memref<3x2x80xi32, #tpu.memory_space<vmem>> -> memref<1x1x80xi32, #tpu.memory_space<vmem>>
    %dma_wait3A_304 = tpu.memref_squeeze %dma_wait3A_303 : memref<1x1x80xi32, #tpu.memory_space<vmem>> -> memref<80xi32, #tpu.memory_space<vmem>>
    %dma_wait3A_305 = arith.constant 0 : i32
    %dma_wait3A_306 = arith.constant 0 : i32
    %dma_wait3A_307 = tpu.memref_slice %arg2[%dma_wait3A_305, %dma_wait3A_306] : memref<10000x128xf32, #tpu.memory_space<hbm>> -> memref<10000x128xf32, #tpu.memory_space<hbm>>
    tpu.wait_indirect_dma semaphore(%arg19 : memref<!tpu.dma_semaphore, #tpu.memory_space<semaphore_mem>>) src(%dma_wait3A_307 : memref<10000x128xf32, #tpu.memory_space<hbm>>) dst(%arg9 : memref<80x128xf32, #tpu.memory_space<vmem>>)
    %dma_wait3A_308 = arith.constant 1 : i32
    %dma_wait3A_309 = arith.constant 1 : i32
    %dma_wait3A_310 = arith.constant 0 : i32
    %dma_wait3A_311 = tpu.memref_slice %arg7[%dma_wait3A_308, %dma_wait3A_309, %dma_wait3A_310] : memref<3x2x80xi32, #tpu.memory_space<vmem>> -> memref<1x1x80xi32, #tpu.memory_space<vmem>>
    %dma_wait3A_312 = tpu.memref_squeeze %dma_wait3A_311 : memref<1x1x80xi32, #tpu.memory_space<vmem>> -> memref<80xi32, #tpu.memory_space<vmem>>
    %dma_wait3A_313 = arith.constant 0 : i32
    %dma_wait3A_314 = arith.constant 0 : i32
    %dma_wait3A_315 = tpu.memref_slice %arg4[%dma_wait3A_313, %dma_wait3A_314] : memref<10000x16xf32, #tpu.memory_space<hbm>> -> memref<10000x16xf32, #tpu.memory_space<hbm>>
    tpu.wait_indirect_dma semaphore(%arg22 : memref<!tpu.dma_semaphore, #tpu.memory_space<semaphore_mem>>) src(%dma_wait3A_315 : memref<10000x16xf32, #tpu.memory_space<hbm>>) dst(%arg12 : memref<80x16xf32, #tpu.memory_space<vmem>>)
    %dma_start3A_316 = arith.constant 1 : i32
    %dma_start3A_317 = arith.constant 0 : i32
    %dma_start3A_318 = arith.constant 0 : i32
    %dma_start3A_319 = tpu.memref_slice %arg7[%dma_start3A_316, %dma_start3A_317, %dma_start3A_318] : memref<3x2x80xi32, #tpu.memory_space<vmem>> -> memref<1x1x80xi32, #tpu.memory_space<vmem>>
    %dma_start3A_320 = tpu.memref_squeeze %dma_start3A_319 : memref<1x1x80xi32, #tpu.memory_space<vmem>> -> memref<80xi32, #tpu.memory_space<vmem>>
    %dma_start3A_321 = arith.constant 0 : i32
    %dma_start3A_322 = arith.constant 0 : i32
    %dma_start3A_323 = tpu.memref_slice %arg16[%dma_start3A_321, %dma_start3A_322] : memref<10000x128xf32, #tpu.memory_space<vmem_shared>> -> memref<10000x128xf32, #tpu.memory_space<vmem_shared>>
    tpu.enqueue_indirect_dma source(%arg9 : memref<80x128xf32, #tpu.memory_space<vmem>>) target(%dma_start3A_323 : memref<10000x128xf32, #tpu.memory_space<vmem_shared>>) offsets(%dma_start3A_320 : memref<80xi32, #tpu.memory_space<vmem>>) semaphore(%arg28 : memref<!tpu.dma_semaphore, #tpu.memory_space<semaphore_mem>>) {add = true}
    %dma_start3A_324 = arith.constant 1 : i32
    %dma_start3A_325 = arith.constant 0 : i32
    %dma_start3A_326 = arith.constant 0 : i32
    %dma_start3A_327 = tpu.memref_slice %arg7[%dma_start3A_324, %dma_start3A_325, %dma_start3A_326] : memref<3x2x80xi32, #tpu.memory_space<vmem>> -> memref<1x1x80xi32, #tpu.memory_space<vmem>>
    %dma_start3A_328 = tpu.memref_squeeze %dma_start3A_327 : memref<1x1x80xi32, #tpu.memory_space<vmem>> -> memref<80xi32, #tpu.memory_space<vmem>>
    %dma_start3A_329 = arith.constant 0 : i32
    %dma_start3A_330 = arith.constant 0 : i32
    %dma_start3A_331 = tpu.memref_slice %arg17[%dma_start3A_329, %dma_start3A_330] : memref<10000x16xf32, #tpu.memory_space<vmem_shared>> -> memref<10000x16xf32, #tpu.memory_space<vmem_shared>>
    tpu.enqueue_indirect_dma source(%arg12 : memref<80x16xf32, #tpu.memory_space<vmem>>) target(%dma_start3A_331 : memref<10000x16xf32, #tpu.memory_space<vmem_shared>>) offsets(%dma_start3A_328 : memref<80xi32, #tpu.memory_space<vmem>>) semaphore(%arg28 : memref<!tpu.dma_semaphore, #tpu.memory_space<semaphore_mem>>) {add = true}
    %dma_wait3A_332 = arith.constant 1 : i32
    %dma_wait3A_333 = arith.constant 0 : i32
    %dma_wait3A_334 = arith.constant 0 : i32
    %dma_wait3A_335 = tpu.memref_slice %arg7[%dma_wait3A_332, %dma_wait3A_333, %dma_wait3A_334] : memref<3x2x80xi32, #tpu.memory_space<vmem>> -> memref<1x1x80xi32, #tpu.memory_space<vmem>>
    %dma_wait3A_336 = tpu.memref_squeeze %dma_wait3A_335 : memref<1x1x80xi32, #tpu.memory_space<vmem>> -> memref<80xi32, #tpu.memory_space<vmem>>
    %dma_wait3A_337 = arith.constant 0 : i32
    %dma_wait3A_338 = arith.constant 0 : i32
    %dma_wait3A_339 = tpu.memref_slice %arg16[%dma_wait3A_337, %dma_wait3A_338] : memref<10000x128xf32, #tpu.memory_space<vmem_shared>> -> memref<10000x128xf32, #tpu.memory_space<vmem_shared>>
    tpu.wait_indirect_dma semaphore(%arg28 : memref<!tpu.dma_semaphore, #tpu.memory_space<semaphore_mem>>) src(%arg9 : memref<80x128xf32, #tpu.memory_space<vmem>>) dst(%dma_wait3A_339 : memref<10000x128xf32, #tpu.memory_space<vmem_shared>>)
    %dma_wait3A_340 = arith.constant 1 : i32
    %dma_wait3A_341 = arith.constant 0 : i32
    %dma_wait3A_342 = arith.constant 0 : i32
    %dma_wait3A_343 = tpu.memref_slice %arg7[%dma_wait3A_340, %dma_wait3A_341, %dma_wait3A_342] : memref<3x2x80xi32, #tpu.memory_space<vmem>> -> memref<1x1x80xi32, #tpu.memory_space<vmem>>
    %dma_wait3A_344 = tpu.memref_squeeze %dma_wait3A_343 : memref<1x1x80xi32, #tpu.memory_space<vmem>> -> memref<80xi32, #tpu.memory_space<vmem>>
    %dma_wait3A_345 = arith.constant 0 : i32
    %dma_wait3A_346 = arith.constant 0 : i32
    %dma_wait3A_347 = tpu.memref_slice %arg17[%dma_wait3A_345, %dma_wait3A_346] : memref<10000x16xf32, #tpu.memory_space<vmem_shared>> -> memref<10000x16xf32, #tpu.memory_space<vmem_shared>>
    tpu.wait_indirect_dma semaphore(%arg28 : memref<!tpu.dma_semaphore, #tpu.memory_space<semaphore_mem>>) src(%arg12 : memref<80x16xf32, #tpu.memory_space<vmem>>) dst(%dma_wait3A_347 : memref<10000x16xf32, #tpu.memory_space<vmem_shared>>)
    %barrier3A_348 = arith.constant 0 : index
    tpu.barrier barrier_id(%barrier3A_348)
    "tpu.region"() ({
      %run_scoped3A = tpu.sem_alloc : memref<!tpu.dma_semaphore, #tpu.memory_space<semaphore_mem>>
      %dma_start3A_349 = arith.constant 0 : i32
      %dma_start3A_350 = tpu.memref_slice %arg5[%arg0, %mul3A_13, %dma_start3A_349] : memref<2x10000x128xf32, #tpu.memory_space<hbm>> -> memref<1x625x128xf32, #tpu.memory_space<hbm>>
      %dma_start3A_351 = tpu.memref_squeeze %dma_start3A_350 : memref<1x625x128xf32, #tpu.memory_space<hbm>> -> memref<625x128xf32, #tpu.memory_space<hbm>>
      %dma_start3A_352 = arith.constant 0 : i32
      %dma_start3A_353 = tpu.memref_slice %arg16[%mul3A_13, %dma_start3A_352] : memref<10000x128xf32, #tpu.memory_space<vmem_shared>> -> memref<625x128xf32, #tpu.memory_space<vmem_shared>>
      tpu.enqueue_dma source(%dma_start3A_353 : memref<625x128xf32, #tpu.memory_space<vmem_shared>>) target(%dma_start3A_351 : memref<625x128xf32, #tpu.memory_space<hbm>>) target_semaphore(%run_scoped3A : memref<!tpu.dma_semaphore, #tpu.memory_space<semaphore_mem>>)
      %dma_wait3A_354 = arith.constant 0 : i32
      %dma_wait3A_355 = tpu.memref_slice %arg5[%arg0, %mul3A_13, %dma_wait3A_354] : memref<2x10000x128xf32, #tpu.memory_space<hbm>> -> memref<1x625x128xf32, #tpu.memory_space<hbm>>
      %dma_wait3A_356 = tpu.memref_squeeze %dma_wait3A_355 : memref<1x625x128xf32, #tpu.memory_space<hbm>> -> memref<625x128xf32, #tpu.memory_space<hbm>>
      %dma_wait3A_357 = arith.constant 0 : i32
      %dma_wait3A_358 = tpu.memref_slice %arg16[%mul3A_13, %dma_wait3A_357] : memref<10000x128xf32, #tpu.memory_space<vmem_shared>> -> memref<625x128xf32, #tpu.memory_space<vmem_shared>>
      tpu.wait_dma2 semaphore(%run_scoped3A : memref<!tpu.dma_semaphore, #tpu.memory_space<semaphore_mem>>) src(%dma_wait3A_358 : memref<625x128xf32, #tpu.memory_space<vmem_shared>>) dst(%dma_wait3A_356 : memref<625x128xf32, #tpu.memory_space<hbm>>)
      tpu.yield
    }) : () -> ()
    "tpu.region"() ({
      %run_scoped3A = tpu.sem_alloc : memref<!tpu.dma_semaphore, #tpu.memory_space<semaphore_mem>>
      %dma_start3A_349 = arith.constant 0 : i32
      %dma_start3A_350 = tpu.memref_slice %arg6[%arg0, %mul3A_13, %dma_start3A_349] : memref<2x10000x16xf32, #tpu.memory_space<hbm>> -> memref<1x625x16xf32, #tpu.memory_space<hbm>>
      %dma_start3A_351 = tpu.memref_squeeze %dma_start3A_350 : memref<1x625x16xf32, #tpu.memory_space<hbm>> -> memref<625x16xf32, #tpu.memory_space<hbm>>
      %dma_start3A_352 = arith.constant 0 : i32
      %dma_start3A_353 = tpu.memref_slice %arg17[%mul3A_13, %dma_start3A_352] : memref<10000x16xf32, #tpu.memory_space<vmem_shared>> -> memref<625x16xf32, #tpu.memory_space<vmem_shared>>
      tpu.enqueue_dma source(%dma_start3A_353 : memref<625x16xf32, #tpu.memory_space<vmem_shared>>) target(%dma_start3A_351 : memref<625x16xf32, #tpu.memory_space<hbm>>) target_semaphore(%run_scoped3A : memref<!tpu.dma_semaphore, #tpu.memory_space<semaphore_mem>>)
      %dma_wait3A_354 = arith.constant 0 : i32
      %dma_wait3A_355 = tpu.memref_slice %arg6[%arg0, %mul3A_13, %dma_wait3A_354] : memref<2x10000x16xf32, #tpu.memory_space<hbm>> -> memref<1x625x16xf32, #tpu.memory_space<hbm>>
      %dma_wait3A_356 = tpu.memref_squeeze %dma_wait3A_355 : memref<1x625x16xf32, #tpu.memory_space<hbm>> -> memref<625x16xf32, #tpu.memory_space<hbm>>
      %dma_wait3A_357 = arith.constant 0 : i32
      %dma_wait3A_358 = tpu.memref_slice %arg17[%mul3A_13, %dma_wait3A_357] : memref<10000x16xf32, #tpu.memory_space<vmem_shared>> -> memref<625x16xf32, #tpu.memory_space<vmem_shared>>
      tpu.wait_dma2 semaphore(%run_scoped3A : memref<!tpu.dma_semaphore, #tpu.memory_space<semaphore_mem>>) src(%dma_wait3A_358 : memref<625x16xf32, #tpu.memory_space<vmem_shared>>) dst(%dma_wait3A_356 : memref<625x16xf32, #tpu.memory_space<hbm>>)
      tpu.yield
    }) : () -> ()
    return
  }
}

module attributes {stable_mosaic.version = 14 : i64} {
  func.func @_mid_body(%arg0: i32, %arg1: memref<2x1000x128xf32, #tpu.memory_space<vmem>>, %arg2: memref<1000x1xf32, #tpu.memory_space<vmem>>, %arg3: memref<1000x128xf32, #tpu.memory_space<vmem>>) attributes {dimension_semantics = [#tpu.dimension_semantics<arbitrary>], iteration_bounds = array<i64: 10>, scalar_prefetch = 0 : i64, scratch_operands = 0 : i64, tpu.core_type = #tpu.core_type<tc>, window_params = [{transform_indices = @transform_0, window_bounds = array<i64: 2, 1000, 128>}, {transform_indices = @transform_1, window_bounds = array<i64: 1000, 1>}, {transform_indices = @transform_2, window_bounds = array<i64: 1000, 128>}]} {
    %get3A = arith.constant 0 : index
    %get3A_0 = arith.constant 0 : index
    %get3A_1 = arith.constant 0 : index
    %get3A_2 = vector.load %arg1[%get3A, %get3A_0, %get3A_1] : memref<2x1000x128xf32, #tpu.memory_space<vmem>>, vector<1x1000x128xf32>
    %get3A_3 = vector.shape_cast %get3A_2 : vector<1x1000x128xf32> to vector<1000x128xf32>
    %get3A_4 = arith.constant 1 : index
    %get3A_5 = arith.constant 0 : index
    %get3A_6 = arith.constant 0 : index
    %get3A_7 = vector.load %arg1[%get3A_4, %get3A_5, %get3A_6] : memref<2x1000x128xf32, #tpu.memory_space<vmem>>, vector<1x1000x128xf32>
    %get3A_8 = vector.shape_cast %get3A_7 : vector<1x1000x128xf32> to vector<1000x128xf32>
    %add3A = arith.addf %get3A_3, %get3A_8 : vector<1000x128xf32>
    %get3A_9 = arith.constant 0 : index
    %get3A_10 = arith.constant 0 : index
    %get3A_11 = vector.load %arg2[%get3A_9, %get3A_10] : memref<1000x1xf32, #tpu.memory_space<vmem>>, vector<1000x1xf32>
    %gt3A = arith.constant 0.000000e+00 : f32
    %gt3A_12 = vector.broadcast %gt3A : f32 to vector<1000x1xf32>
    %gt3A_13 = arith.cmpf ogt, %get3A_11, %gt3A_12 : vector<1000x1xf32>
    %div3A = arith.constant 1.000000e+00 : f32
    %div3A_14 = vector.broadcast %div3A : f32 to vector<1000x1xf32>
    %div3A_15 = arith.divf %div3A_14, %get3A_11 : vector<1000x1xf32>
    %jit3A = arith.constant 0.000000e+00 : f32
    %broadcast_in_dim3A = vector.broadcast %jit3A : f32 to vector<1000x1xf32>
    %select_n3A = arith.select %gt3A_13, %div3A_15, %broadcast_in_dim3A : vector<1000x1xi1>, vector<1000x1xf32>
    %mul3A = vector.broadcast %select_n3A : vector<1000x1xf32> to vector<1000x128xf32>
    %mul3A_16 = arith.mulf %add3A, %mul3A : vector<1000x128xf32>
    %swap3A = arith.constant 0 : index
    %swap3A_17 = arith.constant 0 : index
    %swap3A_18 = vector.load %arg3[%swap3A, %swap3A_17] : memref<1000x128xf32, #tpu.memory_space<vmem>>, vector<1000x128xf32>
    tpu.vector_store %arg3[%swap3A, %swap3A_17], %mul3A_16 {strides = array<i32>} : memref<1000x128xf32, #tpu.memory_space<vmem>>, vector<1000x128xf32>,
    return
  }
  func.func @transform_0(%arg0: i32) -> (i32, i32, i32) {
    %c0_i32 = arith.constant 0 : i32
    %c0_i32_0 = arith.constant 0 : i32
    %c0_i32_1 = arith.constant 0 : i32
    return %c0_i32, %arg0, %c0_i32_0 : i32, i32, i32
  }
  func.func @transform_1(%arg0: i32) -> (i32, i32) {
    %c0_i32 = arith.constant 0 : i32
    %c0_i32_0 = arith.constant 0 : i32
    return %arg0, %c0_i32 : i32, i32
  }
  func.func @transform_2(%arg0: i32) -> (i32, i32) {
    %c0_i32 = arith.constant 0 : i32
    %c0_i32_0 = arith.constant 0 : i32
    return %arg0, %c0_i32 : i32, i32
  }
}

module attributes {stable_mosaic.version = 14 : i64} {
  func.func @_final_body(%arg0: i32, %arg1: memref<2x1000x128xf32, #tpu.memory_space<vmem>>, %arg2: memref<1000x1xf32, #tpu.memory_space<vmem>>, %arg3: memref<128x512xf32, #tpu.memory_space<vmem>>, %arg4: memref<1x512xf32, #tpu.memory_space<vmem>>, %arg5: memref<1x512xf32, #tpu.memory_space<vmem>>, %arg6: memref<1x512xf32, #tpu.memory_space<vmem>>, %arg7: memref<1000x512xf32, #tpu.memory_space<vmem>>) attributes {dimension_semantics = [#tpu.dimension_semantics<arbitrary>], iteration_bounds = array<i64: 10>, scalar_prefetch = 0 : i64, scratch_operands = 0 : i64, tpu.core_type = #tpu.core_type<tc>, window_params = [{transform_indices = @transform_0, window_bounds = array<i64: 2, 1000, 128>}, {transform_indices = @transform_1, window_bounds = array<i64: 1000, 1>}, {pipeline_mode = #tpu.pipeline_mode<synchronous>, transform_indices = @transform_2, window_bounds = array<i64: 128, 512>}, {pipeline_mode = #tpu.pipeline_mode<synchronous>, transform_indices = @transform_3, window_bounds = array<i64: 1, 512>}, {pipeline_mode = #tpu.pipeline_mode<synchronous>, transform_indices = @transform_4, window_bounds = array<i64: 1, 512>}, {pipeline_mode = #tpu.pipeline_mode<synchronous>, transform_indices = @transform_5, window_bounds = array<i64: 1, 512>}, {transform_indices = @transform_6, window_bounds = array<i64: 1000, 512>}]} {
    %get3A = arith.constant 0 : index
    %get3A_0 = arith.constant 0 : index
    %get3A_1 = arith.constant 0 : index
    %get3A_2 = vector.load %arg1[%get3A, %get3A_0, %get3A_1] : memref<2x1000x128xf32, #tpu.memory_space<vmem>>, vector<1x1000x128xf32>
    %get3A_3 = vector.shape_cast %get3A_2 : vector<1x1000x128xf32> to vector<1000x128xf32>
    %get3A_4 = arith.constant 1 : index
    %get3A_5 = arith.constant 0 : index
    %get3A_6 = arith.constant 0 : index
    %get3A_7 = vector.load %arg1[%get3A_4, %get3A_5, %get3A_6] : memref<2x1000x128xf32, #tpu.memory_space<vmem>>, vector<1x1000x128xf32>
    %get3A_8 = vector.shape_cast %get3A_7 : vector<1x1000x128xf32> to vector<1000x128xf32>
    %add3A = arith.addf %get3A_3, %get3A_8 : vector<1000x128xf32>
    %get3A_9 = arith.constant 0 : index
    %get3A_10 = arith.constant 0 : index
    %get3A_11 = vector.load %arg2[%get3A_9, %get3A_10] : memref<1000x1xf32, #tpu.memory_space<vmem>>, vector<1000x1xf32>
    %gt3A = arith.constant 0.000000e+00 : f32
    %gt3A_12 = vector.broadcast %gt3A : f32 to vector<1000x1xf32>
    %gt3A_13 = arith.cmpf ogt, %get3A_11, %gt3A_12 : vector<1000x1xf32>
    %div3A = arith.constant 1.000000e+00 : f32
    %div3A_14 = vector.broadcast %div3A : f32 to vector<1000x1xf32>
    %div3A_15 = arith.divf %div3A_14, %get3A_11 : vector<1000x1xf32>
    %jit3A = arith.constant 0.000000e+00 : f32
    %broadcast_in_dim3A = vector.broadcast %jit3A : f32 to vector<1000x1xf32>
    %select_n3A = arith.select %gt3A_13, %div3A_15, %broadcast_in_dim3A : vector<1000x1xi1>, vector<1000x1xf32>
    %mul3A = vector.broadcast %select_n3A : vector<1000x1xf32> to vector<1000x128xf32>
    %mul3A_16 = arith.mulf %add3A, %mul3A : vector<1000x128xf32>
    %get3A_17 = arith.constant 0 : index
    %get3A_18 = arith.constant 0 : index
    %get3A_19 = vector.load %arg3[%get3A_17, %get3A_18] : memref<128x512xf32, #tpu.memory_space<vmem>>, vector<128x512xf32>
    %dot_general3A = arith.constant dense<0.000000e+00> : vector<1000x512xf32>
    %dot_general3A_20 = tpu.matmul %mul3A_16, %get3A_19, %dot_general3A {dimension_numbers = #tpu.dot_dimension_numbers<[1], [0], [0], [1], [0, 0, 1, 1], [], []>, precision = #tpu.contract_precision<fp32>, transpose_lhs_hint = false} : vector<1000x128xf32>, vector<128x512xf32>, vector<1000x512xf32> -> vector<1000x512xf32>
    %get3A_21 = arith.constant 0 : index
    %get3A_22 = arith.constant 0 : index
    %get3A_23 = vector.load %arg4[%get3A_21, %get3A_22] : memref<1x512xf32, #tpu.memory_space<vmem>>, vector<1x512xf32>
    %add3A_24 = vector.broadcast %get3A_23 : vector<1x512xf32> to vector<1000x512xf32>
    %add3A_25 = arith.addf %dot_general3A_20, %add3A_24 : vector<1000x512xf32>
    %max3A = arith.constant 0.000000e+00 : f32
    %max3A_26 = vector.broadcast %max3A : f32 to vector<1000x512xf32>
    %max3A_27 = arith.maximumf %add3A_25, %max3A_26 : vector<1000x512xf32>
    %reduce_sum3A = arith.constant dense<0.000000e+00> : vector<1000xf32>
    %reduce_sum3A_28 = vector.multi_reduction <add>, %max3A_27, %reduce_sum3A [1] : vector<1000x512xf32> to vector<1000xf32>
    %broadcast_in_dim3A_29 = vector.shape_cast %reduce_sum3A_28 : vector<1000xf32> to vector<1000x1xf32>
    %div3A_30 = arith.constant 5.120000e+02 : f32
    %div3A_31 = vector.broadcast %div3A_30 : f32 to vector<1000x1xf32>
    %div3A_32 = arith.divf %broadcast_in_dim3A_29, %div3A_31 : vector<1000x1xf32>
    %sub3A = vector.broadcast %div3A_32 : vector<1000x1xf32> to vector<1000x512xf32>
    %sub3A_33 = arith.subf %max3A_27, %sub3A : vector<1000x512xf32>
    %integer_pow3A = arith.mulf %sub3A_33, %sub3A_33 : vector<1000x512xf32>
    %reduce_sum3A_34 = arith.constant dense<0.000000e+00> : vector<1000xf32>
    %reduce_sum3A_35 = vector.multi_reduction <add>, %integer_pow3A, %reduce_sum3A_34 [1] : vector<1000x512xf32> to vector<1000xf32>
    %broadcast_in_dim3A_36 = vector.shape_cast %reduce_sum3A_35 : vector<1000xf32> to vector<1000x1xf32>
    %div3A_37 = arith.constant 5.120000e+02 : f32
    %div3A_38 = vector.broadcast %div3A_37 : f32 to vector<1000x1xf32>
    %div3A_39 = arith.divf %broadcast_in_dim3A_36, %div3A_38 : vector<1000x1xf32>
    %sub3A_40 = vector.broadcast %div3A_32 : vector<1000x1xf32> to vector<1000x512xf32>
    %sub3A_41 = arith.subf %max3A_27, %sub3A_40 : vector<1000x512xf32>
    %add3A_42 = arith.constant 9.99999974E-6 : f32
    %add3A_43 = vector.broadcast %add3A_42 : f32 to vector<1000x1xf32>
    %add3A_44 = arith.addf %div3A_39, %add3A_43 : vector<1000x1xf32>
    %rsqrt3A = math.rsqrt %add3A_44 : vector<1000x1xf32>
    %mul3A_45 = vector.broadcast %rsqrt3A : vector<1000x1xf32> to vector<1000x512xf32>
    %mul3A_46 = arith.mulf %sub3A_41, %mul3A_45 : vector<1000x512xf32>
    %get3A_47 = arith.constant 0 : index
    %get3A_48 = arith.constant 0 : index
    %get3A_49 = vector.load %arg5[%get3A_47, %get3A_48] : memref<1x512xf32, #tpu.memory_space<vmem>>, vector<1x512xf32>
    %mul3A_50 = vector.broadcast %get3A_49 : vector<1x512xf32> to vector<1000x512xf32>
    %mul3A_51 = arith.mulf %mul3A_46, %mul3A_50 : vector<1000x512xf32>
    %get3A_52 = arith.constant 0 : index
    %get3A_53 = arith.constant 0 : index
    %get3A_54 = vector.load %arg6[%get3A_52, %get3A_53] : memref<1x512xf32, #tpu.memory_space<vmem>>, vector<1x512xf32>
    %add3A_55 = vector.broadcast %get3A_54 : vector<1x512xf32> to vector<1000x512xf32>
    %add3A_56 = arith.addf %mul3A_51, %add3A_55 : vector<1000x512xf32>
    %swap3A = arith.constant 0 : index
    %swap3A_57 = arith.constant 0 : index
    %swap3A_58 = vector.load %arg7[%swap3A, %swap3A_57] : memref<1000x512xf32, #tpu.memory_space<vmem>>, vector<1000x512xf32>
    tpu.vector_store %arg7[%swap3A, %swap3A_57], %add3A_56 {strides = array<i32>} : memref<1000x512xf32, #tpu.memory_space<vmem>>, vector<1000x512xf32>,
    return
  }
  func.func @transform_0(%arg0: i32) -> (i32, i32, i32) {
    %c0_i32 = arith.constant 0 : i32
    %c0_i32_0 = arith.constant 0 : i32
    %c0_i32_1 = arith.constant 0 : i32
    return %c0_i32, %arg0, %c0_i32_0 : i32, i32, i32
  }
  func.func @transform_1(%arg0: i32) -> (i32, i32) {
    %c0_i32 = arith.constant 0 : i32
    %c0_i32_0 = arith.constant 0 : i32
    return %arg0, %c0_i32 : i32, i32
  }
  func.func @transform_2(%arg0: i32) -> (i32, i32) {
    %c0_i32 = arith.constant 0 : i32
    %c0_i32_0 = arith.constant 0 : i32
    %c0_i32_1 = arith.constant 0 : i32
    return %c0_i32, %c0_i32_0 : i32, i32
  }
  func.func @transform_3(%arg0: i32) -> (i32, i32) {
    %c0_i32 = arith.constant 0 : i32
    %c0_i32_0 = arith.constant 0 : i32
    %c0_i32_1 = arith.constant 0 : i32
    return %c0_i32, %c0_i32_0 : i32, i32
  }
  func.func @transform_4(%arg0: i32) -> (i32, i32) {
    %c0_i32 = arith.constant 0 : i32
    %c0_i32_0 = arith.constant 0 : i32
    %c0_i32_1 = arith.constant 0 : i32
    return %c0_i32, %c0_i32_0 : i32, i32
  }
  func.func @transform_5(%arg0: i32) -> (i32, i32) {
    %c0_i32 = arith.constant 0 : i32
    %c0_i32_0 = arith.constant 0 : i32
    %c0_i32_1 = arith.constant 0 : i32
    return %c0_i32, %c0_i32_0 : i32, i32
  }
  func.func @transform_6(%arg0: i32) -> (i32, i32) {
    %c0_i32 = arith.constant 0 : i32
    %c0_i32_0 = arith.constant 0 : i32
    return %arg0, %c0_i32 : i32, i32
  }
}

</mosaic_0001>

<sc_bundles>
// kernel: kernel.6.cloned.1.call-start
scs
__scs_entry_jumppad:
0x0: {  	(pc) =	sbr.rel $0x88, $3  }
0x1: {  	(tag) =	ssettag $0x0;
	lr =	simm.s32 $0x1  }
0x2: {  	[smem:$0x3F94] =	sst lr;
	_ =	strace $0xD0000000  }
0x3: {  	_ = 	snop  }
0x4: {  	_ = 	snop  }
0x5: {  	_ = 	snop  }
0x6: {  	_ = 	snop  }
0x7: {  	_ = 	snop  }
__scs_overlays_trampoline_lowered:
0x8: {  	[smem:$0x3FA3] =	sst s0  }
0x9: {  	[smem:$0x3FA4] =	sst s1  }
0xa: {  	[smem:$0x3FA5] =	sst s2  }
0xb: {  	[smem:$0x3FA6] =	sst s3  }
0xc: {  	[smem:$0x3FA7] =	sst s4  }
0xd: {  	[smem:$0x3FA8] =	sst s5  }
0xe: {  	[smem:$0x3FA9] =	sst s6  }
0xf: {  	[smem:$0x3FAA] =	sst s7  }
0x10: {  	[smem:$0x3FAB] =	sst s8  }
0x11: {  	[smem:$0x3FAC] =	sst s9;
	s0 =	simm.s32 @!p0 $0x0  }
0x12: {  	s1 =	sld [smem:$0x3F92];
	s0 =	simm.s32 @p0 $0x1  }
0x13: {  	[smem:$0x3FAD] =	sst s0;
	s0 =	simm.s32 @!p1 $0x0  }
0x14: {  	s2 =	sld [smem:$0x3F91];
	s0 =	simm.s32 @p1 $0x1  }
0x15: {  	[smem:$0x3FAE] =	sst s0;
	s0 =	simm.s32 @!p2 $0x0  }
0x16: {  	s3 =	sld [smem:$0x3FDB];
	s0 =	simm.s32 @p2 $0x1  }
0x17: {  	s4 =	simm.s32 $0x1BF5;
	[smem:$0x3FB0] =	sst s0  }
0x18: {  	s0 =	sld [smem:$0x3F93];
	_ =	swait.ge [sflag:s4], $0x0  }
0x19: {  	s7 =	sld [smem:$0x3F94]  }
0x1a: {  	s8 =	sadd.s32 $0xFFFFE003, lr  }
0x1b: {  	s9 =	sadd.s32 $0xFFFFFEF7, lr;
	s5 =	simm.s32 $0xFFFFFFFF;
	p2 =	slt.u32 s8, $0xFFFFF086  }
0x1c: {  	p1 =	slt.u32 s9, $0xF7A;
	s5 =	simm.s32 @!p2 $0x0  }
0x1d: {  	s5 =	simm.s32 @p1 $0x1;
	p0 =	seq.s32 s7, s2  }
0x1e: {  	s7 =	smul.u32 @!p0 $0xF7A, s2;
	p2 =	seq.s32 @!p0 s5, $0x0  }
0x1f: {  	s9 =	smul.u32 $0xF7A, s1;
	s8 =	simm.s32 @!p0 $0x1BF5;
	p2 =	por !p2, p0  }
0x20: {  	[sflag:s8] =	ssyncset.s32 @!p0 $0xFFFFF086;
	s6 =	sadd.s32 @!p0 s3, s7;
	s7 =	simm.s32 @!p0 $0x108  }
0x21: {  	s3 =	sadd.s32 s3, s9;
	s6 =	sadd.s32 @!p0 $0x88, s6;
	s7 =	simm.s32 @p2 $0x1082  }
0x22: {  	[simem:s7], [sflag:s8] =	dma.local @!p0 [hbm:s6], $0xF7A  }
0x23: {  	s9 =	sor.u32 $0xD0000000, s2;
	s6 =	simm.s32 $0x108;
	_ =	swait.ge @!p0 [sflag:s8], $0x0  }
0x24: {  	s3 =	sadd.s32 $0x88, s3;
	s6 =	simm.s32 @!p1 $0x1082;
	[sflag:s4] =	ssyncset.s32 $0xFFFFF086  }
0x25: {  	[simem:s6], [sflag:s4] =	dma.local [hbm:s3], $0xF7A  }
0x26: {  	[smem:$0x3F94] =	sst s1;
	(tag) =	ssettag s2;
	_ =	strace s9  }
0x27: {  	s1 =	sld [smem:$0x3FA4]  }
0x28: {  	s2 =	sld [smem:$0x3FA5]  }
0x29: {  	s4 =	sld [smem:$0x3FA7]  }
0x2a: {  	p0 =	seq.s32 s5, $0x0;
	s5 =	sld [smem:$0x3FA8]  }
0x2b: {  	s6 =	sld [smem:$0x3FA9]  }
0x2c: {  	s7 =	sld [smem:$0x3FAA]  }
0x2d: {  	s3 =	simm.s32 $0x108;
	s8 =	sld [smem:$0x3FAB]  }
0x2e: {  	s3 =	simm.s32 @!p0 $0x1082;
	s9 =	sld [smem:$0x3FAC]  }
0x2f: {  	lr =	sadd.s32 s0, s3;
	s0 =	sld [smem:$0x3FA3]  }
0x30: {  	s3 =	sld [smem:$0x3FA6]  }
0x31: {  	[smem:$0x3FAF] =	sst s10  }
0x32: {  	s10 =	sld [smem:$0x3FAD];
	_ =	sdelay $0x3  }
0x33: {  	p0 =	seq.s32 s10, $0x1;
	s10 =	sld [smem:$0x3FAF];
	_ =	sdelay $0x3  }
0x34: {  	[smem:$0x3FAF] =	sst s10  }
0x35: {  	s10 =	sld [smem:$0x3FAE];
	_ =	sdelay $0x3  }
0x36: {  	p1 =	seq.s32 s10, $0x1;
	s10 =	sld [smem:$0x3FAF];
	_ =	sdelay $0x3  }
0x37: {  	[smem:$0x3FAF] =	sst s10  }
0x38: {  	s10 =	sld [smem:$0x3FB0]  }
0x39: {  	_ = 	snop;
	(pc) =	sbr.ind lr, $3  }
0x3a: {  	_ = 	snop  }
0x3b: {  	_ = 	snop  }
0x3c: {  	p2 =	seq.s32 s10, $0x1;
	s10 =	sld [smem:$0x3FAF]  }
0x3d: {  	_ =	shalt  }
0x3e: {  	_ =	shalt  }
0x3f: {  	_ =	shalt  }
0x40: {  	_ =	shalt  }
0x41: {  	_ =	shalt  }
0x42: {  	_ =	shalt  }
0x43: {  	_ =	shalt  }
0x44: {  	_ =	shalt  }
0x45: {  	_ =	shalt  }
0x46: {  	_ =	shalt  }
0x47: {  	_ =	shalt  }
0x48: {  	_ =	shalt  }
0x49: {  	_ =	shalt  }
0x4a: {  	_ =	shalt  }
0x4b: {  	_ =	shalt  }
0x4c: {  	_ =	shalt  }
0x4d: {  	_ =	shalt  }
0x4e: {  	_ =	shalt  }
0x4f: {  	_ =	shalt  }
0x50: {  	_ =	shalt  }
0x51: {  	_ =	shalt  }
0x52: {  	_ =	shalt  }
0x53: {  	_ =	shalt  }
0x54: {  	_ =	shalt  }
0x55: {  	_ =	shalt  }
0x56: {  	_ =	shalt  }
0x57: {  	_ =	shalt  }
0x58: {  	_ =	shalt  }
0x59: {  	_ =	shalt  }
0x5a: {  	_ =	shalt  }
0x5b: {  	_ =	shalt  }
0x5c: {  	_ =	shalt  }
0x5d: {  	_ =	shalt  }
0x5e: {  	_ =	shalt  }
0x5f: {  	_ =	shalt  }
0x60: {  	_ =	shalt  }
0x61: {  	_ =	shalt  }
0x62: {  	_ =	shalt  }
0x63: {  	_ =	shalt  }
0x64: {  	_ =	shalt  }
0x65: {  	_ =	shalt  }
0x66: {  	_ =	shalt  }
0x67: {  	_ =	shalt  }
0x68: {  	_ =	shalt  }
0x69: {  	_ =	shalt  }
0x6a: {  	_ =	shalt  }
0x6b: {  	_ =	shalt  }
0x6c: {  	_ =	shalt  }
0x6d: {  	_ =	shalt  }
0x6e: {  	_ =	shalt  }
0x6f: {  	_ =	shalt  }
0x70: {  	_ =	shalt  }
0x71: {  	_ =	shalt  }
0x72: {  	_ =	shalt  }
0x73: {  	_ =	shalt  }
0x74: {  	_ =	shalt  }
0x75: {  	_ =	shalt  }
0x76: {  	_ =	shalt  }
0x77: {  	_ =	shalt  }
0x78: {  	_ =	shalt  }
0x79: {  	_ =	shalt  }
0x7a: {  	_ =	shalt  }
0x7b: {  	_ =	shalt  }
0x7c: {  	_ =	shalt  }
0x7d: {  	_ =	shalt  }
0x7e: {  	_ =	shalt  }
0x7f: {  	_ =	shalt  }
0x80: {  	_ =	shalt  }
0x81: {  	_ =	shalt  }
0x82: {  	_ =	shalt  }
0x83: {  	_ =	shalt  }
0x84: {  	_ =	shalt  }
0x85: {  	_ =	shalt  }
0x86: {  	_ =	shalt  }
0x87: {  	_ =	shalt  }
.Lfunc_end0:
.L_simem_size_0:
called_computation_lowered:
.L_overlay_start_0:
0x88: {  	s2 =	sld [smem:$0x3FD9]  }
0x89: {  	s3 =	sld [smem:$0x3FFE];
	_ =	sdelay $0x1  }
0x8a: {  	s1 =	srdreg.scid  }
0x8b: {  	s0 =	sand.u32 $0x1, s1  }
0x8c: {  	s17 =	sshll.u32 s0, $0xA;
	s2 =	sadd.s32 s3, s2  }
0x8d: {  	s2 =	sadd.s32 s2, s17  }
0x8e: {  	[smem:$0x3FBB] =	sst s2  }
0x8f: {  	_ = 	snop  }
0x90: {  	s2 =	sld [smem:$0x3FC9]  }
0x91: {  	s18 =	sld [smem:$0x3FD0];
	(tm) =	ssettm $0x1  }
0x92: {  	s4 =	sld [smem:$0x3FFB];
	_ =	sdelay $0x3  }
0x93: {  	_ =	strace s4  }
0x94: {  	s4 =	sld [smem:$0x3FFC];
	_ =	sdelay $0x3  }
0x95: {  	_ =	strace s4  }
0x96: {  	s4 =	sld [smem:$0x3FFD];
	_ =	sdelay $0x3  }
0x97: {  	_ =	strace s4  }
0x98: {  	_ =	strace $0x8FFFFFFF  }
0x99: {  	s19 =	sld [smem:$0x3FDB];
	_ =	sdelay $0x1  }
0x9a: {  	s5 =	simm.s32 $_scs_section_size  }
0x9b: {  	s6 =	simm.s32 $_size__tile_overlayer_lowered;
	s7 =	simm.s32 $_tile_overlayer_lowered  }
0x9c: {  	s22 =	simm.s32 $0x1BFF;
	s21 =	sshll.u32 s7, $0x1;
	s4 =	sadd.s32 s5, s19  }
0x9d: {  	s8 =	simm.s32 $0x0;
	s20 =	sshll.u32 s6, $0x1;
	s6 =	sadd.s32 s21, s4  }
0x9e: {  	[timem:s8], [sflag:s22] =	dma.local [hbm:s6], s20  }
0x9f: {  	_ =	swait.ge [sflag:s22], s20  }
0xa0: {  	s5 =	ssub.s32 $0x0, s20;
	[sflag:s22] =	ssyncset.done $0x0  }
0xa1: {  	[sflag:s22] =	ssyncadd.s32 s5;
	_ =	sdelay $0x1  }
0xa2: {  	s23 =	simm.s32 $0x1B8B  }
0xa3: {  	_ =	swait.ge [sflag:s23], $0x1  }
0xa4: {  	[sflag:s23] =	ssyncset.done $0x0  }
0xa5: {  	s25 =	simm.s32 $0x1B8E;
	s24 =	sld [smem:$0x3FFE];
	[sflag:s23] =	ssyncadd.s32 $0xFFFFFFFF  }
0xa6: {  	s26 =	simm.s32 $execute0_lowered;
	[smem:$0x3FD2] =	sst s25  }
0xa7: {  	s6 =	sshll.u32 s26, $0x1;
	_ =	strace $0x80000046;
	[dreg:$0x1] =	wrdreg $0xFFFFFFFF  }
0xa8: {  	s28 =	simm.s32 $_size_execute0_lowered;
	s4 =	sadd.s32 s4, s6;
	[dreg:$0x0] =	wrdreg $0x0  }
0xa9: {  	s6 =	sshll.u32 s28, $0x1;
	[dreg:$0x2] =	wrdreg s4  }
0xaa: {  	[dreg:$0x3] =	wrdreg s6  }
0xab: {  	[dreg:$0x4] =	wrdreg $0xC0  }
0xac: {  	_ =	task [dreg:s8], $0x5FFFF  }
0xad: {  	[dreg:$0x1] =	wrdreg $0xFFFFFFFF  }
0xae: {  	[dreg:$0x0] =	wrdreg $0x60  }
0xaf: {  	[dreg:$0x2] =	wrdreg s2  }
0xb0: {  	[dreg:$0x3] =	wrdreg s24  }
0xb1: {  	[dreg:$0x4] =	wrdreg s18  }
0xb2: {  	[dreg:$0x5] =	wrdreg $0x93300  }
0xb3: {  	[dreg:$0x6] =	wrdreg $0x1CBB00  }
0xb4: {  	[dreg:$0x7] =	wrdreg $0x9  }
0xb5: {  	_ =	task.clear_ibuf [dreg:s8], $0x8FFFF;
	_ =	strace $0x90000046  }
0xb6: {  	s29 =	simm.s32 $0x9;
	_ =	strace $0x80000048  }
0xb7: {  	_ =	swait.ge [sflag:s29], $0x1  }
0xb8: {  	[sflag:s29] =	ssyncadd.s32 $0xFFFFFFFF  }
0xb9: {  	_ =	strace $0x90000048  }
0xba: {  	_ =	sfence  }
0xbb: {  	s30 =	sld [smem:$0x0];
	_ =	sdelay $0x2  }
0xbc: {  	s31 =	sshll.u32 s1, $0xD;
	s1 =	sshrl.u32 s1, $0x2  }
0xbd: {  	s3 =	sand.u32 $0x4000, s31;
	s1 =	sadd.s32 s1, s30  }
0xbe: {  	s0 =	sor.u32 s3, s0;
	s1 =	sshll.u32 s1, $0x11  }
0xbf: {  	s0 =	sor.u32 s1, s0  }
0xc0: {  	s0 =	sadd.s32 $0x8F2B, s0  }
0xc1: {  	[sflag:s0] =	ssyncadd.remote.s32 $0x1  }
0xc2: {  	_ =	sfence.sel $0xFFFF  }
0xc3: {  	[dreg:$0x0] =	wrdreg $0xFFFFFFFF;
	(pc) =	sbr.abs _section_cstart, $3  }
0xc4: {  	[dreg:$0x1] =	wrdreg $0xFFFFFFFF  }
0xc5: {  	_ =	task.clear_ibuf [dreg:s8], $0x2FFFF;
	_ =	strace $0x9FFFFFFF  }
0xc6: {  	(tm) =	ssettm $0x7FFFFFFF  }
0xc7: {  	_ =	shalt  }
tec
execute0_lowered:
.L_overlay_start_1:
0x0: {  	(tag) =	ssettag $0x1  }
0x1: {  	s0 =	rddreg [dreg:$0x0]  }
0x2: {  	s7 =	rddreg [dreg:$0x1]  }
0x3: {  	s9 =	rddreg [dreg:$0x2]  }
0x4: {  	s3 =	rddreg [dreg:$0x3];
	s16 =	stileid.u32  }
0x5: {  	s1 =	srdreg.scid;
	s2 =	smul.u32 $0x2710, s16  }
0x6: {  	s4 =	rddreg [dreg:$0x4];
	s5 =	simm.s32 $0x0;
	s12 =	smul.u32 $0x4E200, s16  }
0x7: {  	s10 =	sand.u32 $0x1, s1;
	[smem:$0x7FF] =	sst s5;
	s15 =	smul.u32 $0x13880, s16  }
0x8: {  	s6 =	sadd.s32 $0x2C00, s7;
	s1 =	smul.u32 $0x27100, s10;
	_ =	strace $0x80000047  }
0x9: {  	s11 =	ssub.s32 $0x2, s10;
	s14 =	sshll.u32 s10, $0x4;
	s10 =	smul.u32 $0x138800, s10  }
0xa: {  	s21 =	sshrl.u32 s11, $0x1;
	s12 =	sshrl.u32 s12, $0x2;
	s1 =	sadd.s32 s2, s1  }
0xb: {  	s12 =	sadd.s32 s12, s3;
	s10 =	sadd.s32 s15, s10;
	s8 =	sshrl.u32 s1, $0x3  }
0xc: {  	s22 =	sadd.s32 $0xC80, s12;
	s23 =	sadd.s32 $0x1900, s12;
	s17 =	sadd.s32 $0x2580, s12  }
0xd: {  	s26 =	sadd.s32 $0x190, s1;
	s10 =	sshrl.u32 s10, $0x3;
	[dreg:$0xc] =	wrdreg s22  }
0xe: {  	s19 =	sadd.s32 $0x4E340, s1;
	s7 =	sadd.s32 s8, s7;
	[dreg:$0xd] =	wrdreg s23  }
0xf: {  	s8 =	ssub.s32 s11, s21;
	[dreg:$0xe] =	wrdreg s17;
	s9 =	sadd.s32 s9, s10  }
0x10: {  	s22 =	sshrl.u32 s19, $0x3;
	s19 =	sadd.s32 $0x5780, s12;
	[dreg:$0x11] =	wrdreg s9  }
0x11: {  	s21 =	sadd.s32 s15, s3;
	s15 =	sshrl.u32 s26, $0x3;
	[dreg:$0x16] =	wrdreg s19  }
0x12: {  	s10 =	sadd.s32 s15, s6;
	[dreg:$0xb] =	wrdreg s21  }
0x13: {  	s13 =	smul.u32 $0x271, s16;
	s23 =	sadd.s32 s22, s6;
	[dreg:$0x6] =	wrdreg s10  }
0x14: {  	s11 =	sor.u32 s16, s14;
	s22 =	sadd.s32 $0x7080, s12;
	[dreg:$0x9] =	wrdreg s23  }
0x15: {  	s14 =	sadd.s32 $0x7D, s13;
	s19 =	sadd.s32 $0xED80, s12;
	[dreg:$0x18] =	wrdreg s22  }
0x16: {  	s24 =	sshll.u32 s14, $0x7;
	s7 =	sadd.s32 $0x16600, s7;
	[smem:$0x7EB] =	sst s19  }
0x17: {  	s18 =	sadd.s32 $0x140, s1;
	s16 =	sadd.s32 s24, s3;
	[smem:$0x7F4] =	sst s7  }
0x18: {  	s10 =	sshrl.u32 s18, $0x3;
	s18 =	sadd.s32 $0x4B00, s12;
	[dreg:$0xf] =	wrdreg s16  }
0x19: {  	s23 =	sadd.s32 $0x8980, s12;
	[dreg:$0x15] =	wrdreg s18  }
0x1a: {  	s15 =	sadd.s32 $0x4E390, s1;
	s22 =	sadd.s32 $0x11300, s12;
	[dreg:$0x19] =	wrdreg s23  }
0x1b: {  	s24 =	sadd.s32 $0x4E2F0, s1;
	s1 =	sadd.s32 $0xF0, s1;
	[smem:$0x7ED] =	sst s22  }
0x1c: {  	s28 =	simm.s32 $0x1E0;
	s20 =	sadd.s32 s10, s6;
	[smem:$0x7F6] =	sst s1  }
0x1d: {  	s29 =	simm.s32 $0xA0;
	s18 =	sadd.s32 $0xE100, s12;
	[dreg:$0x8] =	wrdreg s20  }
0x1e: {  	s16 =	sadd.s32 $0xFA, s13;
	s23 =	sadd.s32 $0x11F80, s12;
	[dreg:$0x1f] =	wrdreg s18  }
0x1f: {  	s25 =	sshll.u32 s16, $0x7;
	s20 =	sadd.s32 $0x6400, s12;
	[smem:$0x7EE] =	sst s23  }
0x20: {  	s30 =	simm.s32 $0xF0;
	s17 =	sadd.s32 s25, s3;
	[dreg:$0x17] =	wrdreg s20  }
0x21: {  	s25 =	sshrl.u32 s24, $0x3;
	s24 =	sadd.s32 $0x9600, s12;
	[dreg:$0x10] =	wrdreg s17  }
0x22: {  	s31 =	simm.s32 $0x5;
	s20 =	sadd.s32 $0x10680, s12;
	[dreg:$0x1a] =	wrdreg s24  }
0x23: {  	s11 =	smul.u32 $0x2710, s11;
	[smem:$0x7EC] =	sst s20;
	s24 =	sadd.s32 $0x12C00, s12  }
0x24: {  	s17 =	sshrl.u32 s15, $0x3;
	s20 =	smax.u32 s8, $0x1;
	[smem:$0x7EF] =	sst s24  }
0x25: {  	s15 =	sadd.s32 $0x177, s13;
	s9 =	sadd.s32 s17, s6;
	[smem:$0x7F5] =	sst s20  }
0x26: {  	s26 =	sshll.u32 s15, $0x7;
	s17 =	sadd.s32 $0x3200, s12;
	[dreg:$0x7] =	wrdreg s9  }
0x27: {  	s1 =	simm.s32 $0x140;
	s10 =	sadd.s32 s26, s3;
	[dreg:$0x14] =	wrdreg s17  }
0x28: {  	s13 =	sadd.s32 $0x1F4, s13;
	s9 =	sadd.s32 s25, s6;
	[dreg:$0x12] =	wrdreg s10  }
0x29: {  	s8 =	simm.s32 $0x0;
	s25 =	sadd.s32 $0xA280, s12;
	[dreg:$0xa] =	wrdreg s9  }
0x2a: {  	s20 =	simm.s32 $0x9;
	s26 =	sadd.s32 $0xAF00, s12;
	[dreg:$0x1b] =	wrdreg s25  }
0x2b: {  	s17 =	sadd.s32 $0xD480, s12;
	s10 =	sshll.u32 s13, $0x7;
	[dreg:$0x1c] =	wrdreg s26  }
0x2c: {  	[dreg:$0x1e] =	wrdreg s17;
	s26 =	sshll.u32 s16, $0x4;
	s16 =	sadd.s32 s2, s4  }
0x2d: {  	s25 =	sshll.u32 s14, $0x4;
	s9 =	sadd.s32 s10, s3;
	[smem:$0x7FD] =	sst s16  }
0x2e: {  	s14 =	sshll.u32 s15, $0x4;
	s10 =	sadd.s32 $0xC800, s12;
	[dreg:$0x13] =	wrdreg s9  }
0x2f: {  	s15 =	sshll.u32 s13, $0x4;
	s12 =	sadd.s32 s26, s4;
	[dreg:$0x1d] =	wrdreg s10  }
0x30: {  	s17 =	sshrl.u32 s11, $0x3;
	s2 =	sadd.s32 s14, s4;
	[smem:$0x7F1] =	sst s12  }
0x31: {  	s11 =	simm.s32 $0x79E0;
	s18 =	sadd.s32 s15, s4;
	[smem:$0x7F2] =	sst s2  }
0x32: {  	s19 =	sadd.s32 s6, s17;
	s14 =	simm.s32 $0x6;
	[smem:$0x7F3] =	sst s18  }
0x33: {  	s15 =	simm.s32 $0x51E0;
	s9 =	sadd.s32 s25, s4;
	[smem:$0x7FB] =	sst s19  }
0x34: {  	s17 =	simm.s32 $0x2;
	s22 =	sadd.s32 $0x9C40, s19;
	[smem:$0x7F0] =	sst s9  }
0x35: {  	s23 =	sadd.s32 $0xA, s19;
	s24 =	sadd.s32 $0x9C4A, s19;
	[smem:$0x7F7] =	sst s22  }
0x36: {  	s25 =	sadd.s32 $0x14, s19;
	s26 =	sadd.s32 $0x9C54, s19;
	[smem:$0x7F8] =	sst s23  }
0x37: {  	s2 =	simm.s32 $0x29E0;
	s10 =	simm.s32 $0x1;
	[smem:$0x7F9] =	sst s24  }
0x38: {  	s12 =	simm.s32 $0x7;
	s18 =	simm.s32 $0x8;
	[smem:$0x7FA] =	sst s25  }
0x39: {  	s19 =	simm.s32 $0x3;
	[smem:$0x7FC] =	sst s26;
	s22 =	simm.s32 $0xA  }
0x3a: {  	v0 =	vimm.f32 $0.0e+00;
	v1 =	vimm.f32 $1.000000000e+00;
	s25 =	simm.s32 $0x50;
	s26 =	simm.s32 $0x4;
	s9 =	simm.s32 $0x190  }
.LBB2_1:
0x3b: {  	[smem:$0x7EA] =	sst s8;
	s8 =	simm.s32 $0x70;
	s13 =	simm.s32 $0x3C0  }
.LBB2_2:
0x3c: {  	p0 =	sne.s32 s13, $0x31C0;
	[tilespmem:s8+$0x7EE0] =	vst v0  }
0x3d: {  	[tilespmem:s8+$0x7E70] =	vst v0  }
0x3e: {  	[tilespmem:s8+$0x7E80] =	vst v0  }
.Ltmp0:
0x3f: {  	[tilespmem:s8+$0x7E90] =	vst v0;
	(pc) =	sbr.rel @p0 .LBB2_2-.Ltmp0, $4  }
0x40: {  	[tilespmem:s8+$0x7EA0] =	vst v0  }
0x41: {  	[tilespmem:s8+$0x7EB0] =	vst v0  }
0x42: {  	[tilespmem:s8+$0x7EC0] =	vst v0  }
0x43: {  	[tilespmem:s8+$0x7ED0] =	vst v0;
	s8 =	sshra.s32 s13, $0x2;
	s13 =	sadd.s32 $0x200, s13  }
0x44: {  	[tilespmem:s8+$0x7EE0] =	vst v0  }
0x45: {  	[tilespmem:s8+$0x7E70] =	vst v0  }
0x46: {  	[tilespmem:s8+$0x7E80] =	vst v0  }
0x47: {  	[tilespmem:s8+$0x7E90] =	vst v0  }
0x48: {  	[tilespmem:s8+$0x7EA0] =	vst v0  }
0x49: {  	[tilespmem:s8+$0x7EB0] =	vst v0  }
0x4a: {  	[tilespmem:s8+$0x7EC0] =	vst v0  }
0x4b: {  	[tilespmem:s8+$0x7ED0] =	vst v0;
	s8 =	simm.s32 $0x40;
	s13 =	simm.s32 $0x0  }
.LBB2_4:
0x4c: {  	p0 =	sne.s32 s8, $0x1F00;
	[tilespmem:s13+$0x8B60] =	vst v0;
	s13 =	smov.u32 s8;
	s8 =	sadd.s32 $0x40, s8  }
.Ltmp1:
0x4d: {  	(pc) =	sbr.rel @p0 .LBB2_4-.Ltmp1, $2  }
0x4e: {  	_ =	sdelay $0x2  }
0x4f: {  	s13 =	sshra.s32 s13, $0x2  }
0x50: {  	[tilespmem:s13+$0x8B60] =	vst v0;
	s8 =	simm.s32 $0x7EE0  }
0x51: {  	[spmem:s21] =	stream.linear.scatter [tilespmem:s8], [sflag:$0xA], $0xC80, $0x38;
	[tilespmem:$0x1F2C0] =	vst v63  }
0x52: {  	_ =	swait.ge [sflag:s22], $0xC80  }
0x53: {  	[sflag:s22] =	ssyncset.done $0x0  }
0x54: {  	s7 =	rddreg [dreg:$0xc];
	[sflag:s22] =	ssyncadd.s32 $0xFFFFF380  }
0x55: {  	[spmem:s7] =	stream.linear.scatter [tilespmem:s8], [sflag:$0xA], $0xC80, $0x38;
	[tilespmem:$0x1F2C0] =	vst v63  }
0x56: {  	_ =	swait.ge [sflag:s22], $0xC80  }
0x57: {  	[sflag:s22] =	ssyncset.done $0x0  }
0x58: {  	s21 =	rddreg [dreg:$0xd];
	[sflag:s22] =	ssyncadd.s32 $0xFFFFF380  }
0x59: {  	[spmem:s21] =	stream.linear.scatter [tilespmem:s8], [sflag:$0xA], $0xC80, $0x38;
	[tilespmem:$0x1F2C0] =	vst v63  }
0x5a: {  	_ =	swait.ge [sflag:s22], $0xC80  }
0x5b: {  	[sflag:s22] =	ssyncset.done $0x0  }
0x5c: {  	s23 =	rddreg [dreg:$0xe];
	[sflag:s22] =	ssyncadd.s32 $0xFFFFF380  }
0x5d: {  	[spmem:s23] =	stream.linear.scatter [tilespmem:s8], [sflag:$0xA], $0xC80, $0x38;
	[tilespmem:$0x1F2C0] =	vst v63  }
0x5e: {  	_ =	swait.ge [sflag:s22], $0xC80  }
0x5f: {  	[sflag:s22] =	ssyncset.done $0x0  }
0x60: {  	s24 =	rddreg [dreg:$0x14];
	[sflag:s22] =	ssyncadd.s32 $0xFFFFF380  }
0x61: {  	[spmem:s24] =	stream.linear.scatter [tilespmem:s8], [sflag:$0xA], $0xC80, $0x38;
	[tilespmem:$0x1F2C0] =	vst v63  }
0x62: {  	_ =	swait.ge [sflag:s22], $0xC80  }
0x63: {  	[sflag:s22] =	ssyncset.done $0x0  }
0x64: {  	s13 =	rddreg [dreg:$0xf];
	[sflag:s22] =	ssyncadd.s32 $0xFFFFF380  }
0x65: {  	[spmem:s13] =	stream.linear.scatter [tilespmem:s8], [sflag:$0xA], $0xC80, $0x38;
	[tilespmem:$0x1F2C0] =	vst v63  }
0x66: {  	_ =	swait.ge [sflag:s22], $0xC80  }
0x67: {  	[sflag:s22] =	ssyncset.done $0x0  }
0x68: {  	s21 =	rddreg [dreg:$0x15];
	[sflag:s22] =	ssyncadd.s32 $0xFFFFF380  }
0x69: {  	[spmem:s21] =	stream.linear.scatter [tilespmem:s8], [sflag:$0xA], $0xC80, $0x38;
	[tilespmem:$0x1F2C0] =	vst v63  }
0x6a: {  	_ =	swait.ge [sflag:s22], $0xC80  }
0x6b: {  	[sflag:s22] =	ssyncset.done $0x0  }
0x6c: {  	s23 =	rddreg [dreg:$0x16];
	[sflag:s22] =	ssyncadd.s32 $0xFFFFF380  }
0x6d: {  	[spmem:s23] =	stream.linear.scatter [tilespmem:s8], [sflag:$0xA], $0xC80, $0x38;
	[tilespmem:$0x1F2C0] =	vst v63  }
0x6e: {  	_ =	swait.ge [sflag:s22], $0xC80  }
0x6f: {  	[sflag:s22] =	ssyncset.done $0x0  }
0x70: {  	s24 =	rddreg [dreg:$0x17];
	[sflag:s22] =	ssyncadd.s32 $0xFFFFF380  }
0x71: {  	[spmem:s24] =	stream.linear.scatter [tilespmem:s8], [sflag:$0xA], $0xC80, $0x38;
	[tilespmem:$0x1F2C0] =	vst v63  }
0x72: {  	_ =	swait.ge [sflag:s22], $0xC80  }
0x73: {  	[sflag:s22] =	ssyncset.done $0x0  }
0x74: {  	s13 =	rddreg [dreg:$0x18];
	[sflag:s22] =	ssyncadd.s32 $0xFFFFF380  }
0x75: {  	[spmem:s13] =	stream.linear.scatter [tilespmem:s8], [sflag:$0xA], $0xC80, $0x38;
	[tilespmem:$0x1F2C0] =	vst v63  }
0x76: {  	_ =	swait.ge [sflag:s22], $0xC80  }
0x77: {  	[sflag:s22] =	ssyncset.done $0x0  }
0x78: {  	s21 =	rddreg [dreg:$0x10];
	[sflag:s22] =	ssyncadd.s32 $0xFFFFF380  }
0x79: {  	[spmem:s21] =	stream.linear.scatter [tilespmem:s8], [sflag:$0xA], $0xC80, $0x38;
	[tilespmem:$0x1F2C0] =	vst v63  }
0x7a: {  	_ =	swait.ge [sflag:s22], $0xC80  }
0x7b: {  	[sflag:s22] =	ssyncset.done $0x0  }
0x7c: {  	s23 =	rddreg [dreg:$0x19];
	[sflag:s22] =	ssyncadd.s32 $0xFFFFF380  }
0x7d: {  	[spmem:s23] =	stream.linear.scatter [tilespmem:s8], [sflag:$0xA], $0xC80, $0x38;
	[tilespmem:$0x1F2C0] =	vst v63  }
0x7e: {  	_ =	swait.ge [sflag:s22], $0xC80  }
0x7f: {  	[sflag:s22] =	ssyncset.done $0x0  }
0x80: {  	s24 =	rddreg [dreg:$0x1a];
	[sflag:s22] =	ssyncadd.s32 $0xFFFFF380  }
0x81: {  	[spmem:s24] =	stream.linear.scatter [tilespmem:s8], [sflag:$0xA], $0xC80, $0x38;
	[tilespmem:$0x1F2C0] =	vst v63  }
0x82: {  	_ =	swait.ge [sflag:s22], $0xC80  }
0x83: {  	[sflag:s22] =	ssyncset.done $0x0  }
0x84: {  	s13 =	rddreg [dreg:$0x1b];
	[sflag:s22] =	ssyncadd.s32 $0xFFFFF380  }
0x85: {  	[spmem:s13] =	stream.linear.scatter [tilespmem:s8], [sflag:$0xA], $0xC80, $0x38;
	[tilespmem:$0x1F2C0] =	vst v63  }
0x86: {  	_ =	swait.ge [sflag:s22], $0xC80  }
0x87: {  	[sflag:s22] =	ssyncset.done $0x0  }
0x88: {  	s21 =	rddreg [dreg:$0x1c];
	[sflag:s22] =	ssyncadd.s32 $0xFFFFF380  }
0x89: {  	[spmem:s21] =	stream.linear.scatter [tilespmem:s8], [sflag:$0xA], $0xC80, $0x38;
	[tilespmem:$0x1F2C0] =	vst v63  }
0x8a: {  	_ =	swait.ge [sflag:s22], $0xC80  }
0x8b: {  	[sflag:s22] =	ssyncset.done $0x0  }
0x8c: {  	s23 =	rddreg [dreg:$0x12];
	[sflag:s22] =	ssyncadd.s32 $0xFFFFF380  }
0x8d: {  	[spmem:s23] =	stream.linear.scatter [tilespmem:s8], [sflag:$0xA], $0xC80, $0x38;
	[tilespmem:$0x1F2C0] =	vst v63  }
0x8e: {  	_ =	swait.ge [sflag:s22], $0xC80  }
0x8f: {  	[sflag:s22] =	ssyncset.done $0x0  }
0x90: {  	s24 =	rddreg [dreg:$0x1d];
	[sflag:s22] =	ssyncadd.s32 $0xFFFFF380  }
0x91: {  	[spmem:s24] =	stream.linear.scatter [tilespmem:s8], [sflag:$0xA], $0xC80, $0x38;
	[tilespmem:$0x1F2C0] =	vst v63  }
0x92: {  	_ =	swait.ge [sflag:s22], $0xC80  }
0x93: {  	[sflag:s22] =	ssyncset.done $0x0  }
0x94: {  	s13 =	rddreg [dreg:$0x1e];
	[sflag:s22] =	ssyncadd.s32 $0xFFFFF380  }
0x95: {  	[spmem:s13] =	stream.linear.scatter [tilespmem:s8], [sflag:$0xA], $0xC80, $0x38;
	[tilespmem:$0x1F2C0] =	vst v63  }
0x96: {  	_ =	swait.ge [sflag:s22], $0xC80  }
0x97: {  	[sflag:s22] =	ssyncset.done $0x0  }
0x98: {  	s21 =	rddreg [dreg:$0x1f];
	[sflag:s22] =	ssyncadd.s32 $0xFFFFF380  }
0x99: {  	[spmem:s21] =	stream.linear.scatter [tilespmem:s8], [sflag:$0xA], $0xC80, $0x38;
	[tilespmem:$0x1F2C0] =	vst v63  }
0x9a: {  	_ =	swait.ge [sflag:s22], $0xC80  }
0x9b: {  	s23 =	sld [smem:$0x7EB]  }
0x9c: {  	[sflag:s22] =	ssyncset.done $0x0  }
0x9d: {  	[sflag:s22] =	ssyncadd.s32 $0xFFFFF380  }
0x9e: {  	[spmem:s23] =	stream.linear.scatter [tilespmem:s8], [sflag:$0xA], $0xC80, $0x38;
	[tilespmem:$0x1F2C0] =	vst v63  }
0x9f: {  	_ =	swait.ge [sflag:s22], $0xC80  }
0xa0: {  	[sflag:s22] =	ssyncset.done $0x0  }
0xa1: {  	s24 =	rddreg [dreg:$0x13];
	[sflag:s22] =	ssyncadd.s32 $0xFFFFF380  }
0xa2: {  	[spmem:s24] =	stream.linear.scatter [tilespmem:s8], [sflag:$0xA], $0xC80, $0x38;
	[tilespmem:$0x1F2C0] =	vst v63  }
0xa3: {  	_ =	swait.ge [sflag:s22], $0xC80  }
0xa4: {  	s13 =	sld [smem:$0x7EC]  }
0xa5: {  	[sflag:s22] =	ssyncset.done $0x0  }
0xa6: {  	[sflag:s22] =	ssyncadd.s32 $0xFFFFF380  }
0xa7: {  	[spmem:s13] =	stream.linear.scatter [tilespmem:s8], [sflag:$0xA], $0xC80, $0x38;
	[tilespmem:$0x1F2C0] =	vst v63  }
0xa8: {  	_ =	swait.ge [sflag:s22], $0xC80  }
0xa9: {  	s21 =	sld [smem:$0x7ED]  }
0xaa: {  	[sflag:s22] =	ssyncset.done $0x0  }
0xab: {  	[sflag:s22] =	ssyncadd.s32 $0xFFFFF380  }
0xac: {  	[spmem:s21] =	stream.linear.scatter [tilespmem:s8], [sflag:$0xA], $0xC80, $0x38;
	[tilespmem:$0x1F2C0] =	vst v63  }
0xad: {  	_ =	swait.ge [sflag:s22], $0xC80  }
0xae: {  	s23 =	sld [smem:$0x7EE]  }
0xaf: {  	[sflag:s22] =	ssyncset.done $0x0  }
0xb0: {  	[sflag:s22] =	ssyncadd.s32 $0xFFFFF380  }
0xb1: {  	[spmem:s23] =	stream.linear.scatter [tilespmem:s8], [sflag:$0xA], $0xC80, $0x38;
	[tilespmem:$0x1F2C0] =	vst v63  }
0xb2: {  	_ =	swait.ge [sflag:s22], $0xC80  }
0xb3: {  	s24 =	sld [smem:$0x7EF]  }
0xb4: {  	[sflag:s22] =	ssyncset.done $0x0  }
0xb5: {  	[sflag:s22] =	ssyncadd.s32 $0xFFFFF380  }
0xb6: {  	[spmem:s24] =	stream.linear.scatter [tilespmem:s8], [sflag:$0xA], $0xC80, $0x38;
	[tilespmem:$0x1F2C0] =	vst v63  }
0xb7: {  	_ =	swait.ge [sflag:s22], $0xC80  }
0xb8: {  	[sflag:s22] =	ssyncset.done $0x0  }
0xb9: {  	s13 =	simm.s32 $0x8B60;
	[sflag:s22] =	ssyncadd.s32 $0xFFFFF380  }
0xba: {  	[spmem:s16] =	stream.linear.scatter [tilespmem:s13], [sflag:$0xA], $0x7D0, $0x38;
	[tilespmem:$0x1F2C0] =	vst v63  }
0xbb: {  	_ =	swait.ge [sflag:s22], $0x7D0  }
0xbc: {  	s16 =	sld [smem:$0x7F0]  }
0xbd: {  	[sflag:s22] =	ssyncset.done $0x0  }
0xbe: {  	[sflag:s22] =	ssyncadd.s32 $0xFFFFF830  }
0xbf: {  	[spmem:s16] =	stream.linear.scatter [tilespmem:s13], [sflag:$0xA], $0x7D0, $0x38;
	[tilespmem:$0x1F2C0] =	vst v63  }
0xc0: {  	_ =	swait.ge [sflag:s22], $0x7D0  }
0xc1: {  	s21 =	sld [smem:$0x7F1]  }
0xc2: {  	[sflag:s22] =	ssyncset.done $0x0  }
0xc3: {  	[sflag:s22] =	ssyncadd.s32 $0xFFFFF830  }
0xc4: {  	[spmem:s21] =	stream.linear.scatter [tilespmem:s13], [sflag:$0xA], $0x7D0, $0x38;
	[tilespmem:$0x1F2C0] =	vst v63  }
0xc5: {  	_ =	swait.ge [sflag:s22], $0x7D0  }
0xc6: {  	s23 =	sld [smem:$0x7F2]  }
0xc7: {  	[sflag:s22] =	ssyncset.done $0x0  }
0xc8: {  	[sflag:s22] =	ssyncadd.s32 $0xFFFFF830  }
0xc9: {  	[spmem:s23] =	stream.linear.scatter [tilespmem:s13], [sflag:$0xA], $0x7D0, $0x38;
	[tilespmem:$0x1F2C0] =	vst v63  }
0xca: {  	_ =	swait.ge [sflag:s22], $0x7D0  }
0xcb: {  	s24 =	sld [smem:$0x7F3]  }
0xcc: {  	[sflag:s22] =	ssyncset.done $0x0  }
0xcd: {  	[sflag:s22] =	ssyncadd.s32 $0xFFFFF830  }
0xce: {  	[spmem:s24] =	stream.linear.scatter [tilespmem:s13], [sflag:$0xA], $0x7D0, $0x38;
	[tilespmem:$0x1F2C0] =	vst v63  }
0xcf: {  	_ =	swait.ge [sflag:s22], $0x7D0  }
0xd0: {  	[sflag:s22] =	ssyncset.done $0x0  }
0xd1: {  	s8 =	simm.s32 $0x40;
	s13 =	simm.s32 $0x0;
	[sflag:s22] =	ssyncadd.s32 $0xFFFFF830  }
.LBB2_6:
0xd2: {  	p0 =	sne.s32 s8, $0x13C0;
	[tilespmem:s13+$0x79E0] =	vst v1;
	s13 =	smov.u32 s8;
	s8 =	sadd.s32 $0x40, s8  }
.Ltmp2:
0xd3: {  	(pc) =	sbr.rel @p0 .LBB2_6-.Ltmp2, $2  }
0xd4: {  	_ =	sdelay $0x2  }
0xd5: {  	s13 =	sshra.s32 s13, $0x2  }
0xd6: {  	[tilespmem:s13+$0x79E0] =	vst v1  }
0xd7: {  	[bflag:$0x0] =	sbarrier.arrive $0xFFFF  }
0xd8: {  	s7 =	sld [smem:$0x7FB];
	_ =	sdelay $0x1  }
0xd9: {  	s8 =	simm.s32 $0x0;
	s13 =	sld [smem:$0x7F7]  }
0xda: {  	[tilespmem:s8], [sflag:$0x4] =	stream.linear.gather [hbm4b:s7+s8], $0x50, $0x38;
	[tilespmem:$0x1F2C0] =	vst v63  }
0xdb: {  	_ = 	snop  }
0xdc: {  	[tilespmem:s25], [sflag:$0x4] =	stream.linear.gather [hbm4b:s13+s8], $0x50, $0x38;
	[tilespmem:$0x1F2C0] =	vst v63  }
0xdd: {  	_ =	swait.ge [sflag:s26], $0x50  }
0xde: {  	[sflag:s26] =	ssyncset.done $0x0  }
0xdf: {  	[sflag:s26] =	ssyncadd.s32 $0xFFFFFFB0  }
0xe0: {  	_ =	swait.ge [sflag:s26], $0x50  }
0xe1: {  	[sflag:s26] =	ssyncset.done $0x0  }
0xe2: {  	s16 =	sld [smem:$0x7F8];
	[sflag:s26] =	ssyncadd.s32 $0xFFFFFFB0  }
0xe3: {  	[tilespmem:s28], [sflag:$0x1] =	stream.indirect.gather [hbm4b:s0+s25], $0x80, s8, s25, $0xb8;
	[tilespmem:$0x1F2C0] =	vst v63  }
0xe4: {  	s21 =	sld [smem:$0x7F9]  }
0xe5: {  	[tilespmem:s29], [sflag:$0x5] =	stream.linear.gather [hbm4b:s16+s8], $0x50, $0x38;
	[tilespmem:$0x1F2C0] =	vst v63  }
0xe6: {  	_ = 	snop  }
0xe7: {  	[tilespmem:s30], [sflag:$0x5] =	stream.linear.gather [hbm4b:s21+s8], $0x50, $0x38;
	[tilespmem:$0x1F2C0] =	vst v63  }
0xe8: {  	_ =	swait.ge [sflag:s31], $0x50  }
0xe9: {  	[sflag:s31] =	ssyncset.done $0x0  }
0xea: {  	[sflag:s31] =	ssyncadd.s32 $0xFFFFFFB0  }
0xeb: {  	_ =	swait.ge [sflag:s31], $0x50  }
0xec: {  	[sflag:s31] =	ssyncset.done $0x0  }
0xed: {  	s22 =	sld [smem:$0x7FA];
	[sflag:s31] =	ssyncadd.s32 $0xFFFFFFB0  }
0xee: {  	[tilespmem:s2], [sflag:$0x2] =	stream.indirect.gather [hbm4b:s0+s25], $0x80, s29, s25, $0xb8;
	[tilespmem:$0x1F2C0] =	vst v63  }
0xef: {  	s23 =	sld [smem:$0x7FC]  }
0xf0: {  	[tilespmem:s1], [sflag:$0x6] =	stream.linear.gather [hbm4b:s22+s8], $0x50, $0x38;
	[tilespmem:$0x1F2C0] =	vst v63  }
0xf1: {  	_ = 	snop  }
0xf2: {  	[tilespmem:s9], [sflag:$0x6] =	stream.linear.gather [hbm4b:s23+s8], $0x50, $0x38;
	[tilespmem:$0x1F2C0] =	vst v63  }
0xf3: {  	_ =	swait.ge [sflag:s10], $0x2800  }
0xf4: {  	[sflag:s10] =	ssyncset.done $0x0  }
0xf5: {  	[sflag:s10] =	ssyncadd.s32 $0xFFFFD800  }
0xf6: {  	[spmem:s3] =	stream.indirect.scatter.add.f32 [tilespmem:s28], [sflag:$0x7], $0x80, s25, s25, $0xb8;
	[tilespmem:$0x1F2C0] =	vst v63  }
0xf7: {  	_ = 	snop  }
0xf8: {  	[spmem:s4] =	stream.indirect.scatter.add.f32 [tilespmem:s11], [sflag:$0x7], $0x10, s25, s25, $0xb8;
	[tilespmem:$0x1F2C0] =	vst v63  }
0xf9: {  	_ =	swait.ge [sflag:s12], $0x2800  }
0xfa: {  	[sflag:s12] =	ssyncset.done $0x0  }
0xfb: {  	[sflag:s12] =	ssyncadd.s32 $0xFFFFD800  }
0xfc: {  	_ =	swait.ge [sflag:s12], $0x500  }
0xfd: {  	s21 =	sld [smem:$0x7F6];
	_ =	sdelay $0x2  }
0xfe: {  	[sflag:s12] =	ssyncset.done $0x0;
	s24 =	sshrl.u32 s21, $0x3  }
0xff: {  	s7 =	rddreg [dreg:$0xa];
	[sflag:s12] =	ssyncadd.s32 $0xFFFFFB00;
	s8 =	sadd.s32 s6, s24  }
0x100: {  	[tilespmem:s5], [sflag:$0x4] =	stream.linear.gather [hbm4b:s8+s5], $0x50, $0x38;
	[tilespmem:$0x1F2C0] =	vst v63  }
0x101: {  	s16 =	sadd.s32 $0x0, s7  }
0x102: {  	[tilespmem:s25], [sflag:$0x4] =	stream.linear.gather [hbm4b:s16+s5], $0x50, $0x38;
	[tilespmem:$0x1F2C0] =	vst v63  }
0x103: {  	_ =	swait.ge [sflag:s14], $0x50  }
0x104: {  	[sflag:s14] =	ssyncset.done $0x0  }
0x105: {  	[sflag:s14] =	ssyncadd.s32 $0xFFFFFFB0  }
0x106: {  	_ =	swait.ge [sflag:s14], $0x50  }
0x107: {  	[sflag:s14] =	ssyncset.done $0x0  }
0x108: {  	[sflag:s14] =	ssyncadd.s32 $0xFFFFFFB0  }
0x109: {  	[tilespmem:s15], [sflag:$0x3] =	stream.indirect.gather [hbm4b:s0+s25], $0x80, s1, s25, $0xb8;
	[tilespmem:$0x1F2C0] =	vst v63  }
0x10a: {  	_ =	swait.ge [sflag:s17], $0x2800  }
0x10b: {  	[sflag:s17] =	ssyncset.done $0x0  }
0x10c: {  	[sflag:s17] =	ssyncadd.s32 $0xFFFFD800  }
0x10d: {  	[spmem:s3] =	stream.indirect.scatter.add.f32 [tilespmem:s2], [sflag:$0x8], $0x80, s30, s25, $0xb8;
	[tilespmem:$0x1F2C0] =	vst v63  }
0x10e: {  	_ = 	snop  }
0x10f: {  	[spmem:s4] =	stream.indirect.scatter.add.f32 [tilespmem:s11], [sflag:$0x8], $0x10, s30, s25, $0xb8;
	[tilespmem:$0x1F2C0] =	vst v63  }
0x110: {  	_ =	swait.ge [sflag:s18], $0x2800  }
0x111: {  	[sflag:s18] =	ssyncset.done $0x0  }
0x112: {  	[sflag:s18] =	ssyncadd.s32 $0xFFFFD800  }
0x113: {  	_ =	swait.ge [sflag:s18], $0x500  }
0x114: {  	s22 =	rddreg [dreg:$0x8];
	[sflag:s18] =	ssyncset.done $0x0  }
0x115: {  	s23 =	rddreg [dreg:$0x9];
	[sflag:s18] =	ssyncadd.s32 $0xFFFFFB00;
	s8 =	sadd.s32 $0x0, s22  }
0x116: {  	[tilespmem:s29], [sflag:$0x5] =	stream.linear.gather [hbm4b:s8+s5], $0x50, $0x38;
	[tilespmem:$0x1F2C0] =	vst v63  }
0x117: {  	s24 =	sadd.s32 $0x0, s23  }
0x118: {  	[tilespmem:s30], [sflag:$0x5] =	stream.linear.gather [hbm4b:s24+s5], $0x50, $0x38;
	[tilespmem:$0x1F2C0] =	vst v63  }
0x119: {  	_ =	swait.ge [sflag:s26], $0x50  }
0x11a: {  	[sflag:s26] =	ssyncset.done $0x0  }
0x11b: {  	[sflag:s26] =	ssyncadd.s32 $0xFFFFFFB0  }
0x11c: {  	_ =	swait.ge [sflag:s26], $0x50  }
0x11d: {  	[sflag:s26] =	ssyncset.done $0x0  }
0x11e: {  	[sflag:s26] =	ssyncadd.s32 $0xFFFFFFB0  }
0x11f: {  	[tilespmem:s28], [sflag:$0x1] =	stream.indirect.gather [hbm4b:s0+s25], $0x80, s5, s25, $0xb8;
	[tilespmem:$0x1F2C0] =	vst v63  }
0x120: {  	_ =	swait.ge [sflag:s19], $0x2800  }
0x121: {  	[sflag:s19] =	ssyncset.done $0x0  }
0x122: {  	[sflag:s19] =	ssyncadd.s32 $0xFFFFD800  }
0x123: {  	[spmem:s3] =	stream.indirect.scatter.add.f32 [tilespmem:s15], [sflag:$0x9], $0x80, s9, s25, $0xb8;
	[tilespmem:$0x1F2C0] =	vst v63  }
0x124: {  	_ = 	snop  }
0x125: {  	[spmem:s4] =	stream.indirect.scatter.add.f32 [tilespmem:s11], [sflag:$0x9], $0x10, s9, s25, $0xb8;
	[tilespmem:$0x1F2C0] =	vst v63  }
0x126: {  	_ =	swait.ge [sflag:s20], $0x2800  }
0x127: {  	[sflag:s20] =	ssyncset.done $0x0  }
0x128: {  	p0 =	por $0x0, $0x0;
	[sflag:s20] =	ssyncadd.s32 $0xFFFFD800  }
0x129: {  	s7 =	simm.s32 @!p0 $0x140;
	_ =	swait.ge [sflag:s20], $0x500  }
0x12a: {  	s16 =	simm.s32 @!p0 $0x0;
	s8 =	rddreg [dreg:$0x6];
	[sflag:s20] =	ssyncset.done $0x0  }
0x12b: {  	s13 =	rddreg [dreg:$0x7];
	[sflag:s20] =	ssyncadd.s32 $0xFFFFFB00;
	s8 =	sadd.s32 @!p0 $0x0, s8  }
0x12c: {  	[tilespmem:s7], [sflag:$0x6] =	stream.linear.gather @!p0 [hbm4b:s8+s16], $0x50, $0x38;
	[tilespmem:$0x1F2C0] =	vst v63  }
0x12d: {  	s7 =	simm.s32 @!p0 $0x190;
	s8 =	sadd.s32 @!p0 $0x0, s13  }
0x12e: {  	[tilespmem:s7], [sflag:$0x6] =	stream.linear.gather @!p0 [hbm4b:s8+s16], $0x50, $0x38;
	[tilespmem:$0x1F2C0] =	vst v63  }
0x12f: {  	_ =	swait.ge [sflag:s31], $0x50  }
0x130: {  	[sflag:s31] =	ssyncset.done $0x0  }
0x131: {  	[sflag:s31] =	ssyncadd.s32 $0xFFFFFFB0  }
0x132: {  	_ =	swait.ge [sflag:s31], $0x50  }
0x133: {  	s13 =	simm.s32 $0x1E;
	s16 =	smov.u32 s21;
	[sflag:s31] =	ssyncset.done $0x0  }
.LBB2_8:
0x134: {  	[sflag:s31] =	ssyncadd.s32 $0xFFFFFFB0  }
0x135: {  	[tilespmem:s2], [sflag:$0x2] =	stream.indirect.gather [hbm4b:s0+s25], $0x80, s29, s25, $0xb8;
	[tilespmem:$0x1F2C0] =	vst v63  }
0x136: {  	_ =	swait.ge [sflag:s10], $0x2800  }
0x137: {  	[sflag:s10] =	ssyncset.done $0x0  }
0x138: {  	[sflag:s10] =	ssyncadd.s32 $0xFFFFD800  }
0x139: {  	[spmem:s3] =	stream.indirect.scatter.add.f32 [tilespmem:s28], [sflag:$0x7], $0x80, s25, s25, $0xb8;
	[tilespmem:$0x1F2C0] =	vst v63  }
0x13a: {  	_ = 	snop  }
0x13b: {  	[spmem:s4] =	stream.indirect.scatter.add.f32 [tilespmem:s11], [sflag:$0x7], $0x10, s25, s25, $0xb8;
	[tilespmem:$0x1F2C0] =	vst v63  }
0x13c: {  	_ =	swait.ge [sflag:s12], $0x2800  }
0x13d: {  	[sflag:s12] =	ssyncset.done $0x0  }
0x13e: {  	[sflag:s12] =	ssyncadd.s32 $0xFFFFD800  }
0x13f: {  	s16 =	sadd.s32 $0xF0, s16;
	_ =	swait.ge [sflag:s12], $0x500  }
0x140: {  	s8 =	smov.u32 s13;
	s7 =	sshrl.u32 s16, $0x3;
	[sflag:s12] =	ssyncset.done $0x0  }
0x141: {  	s7 =	sadd.s32 s6, s7;
	s24 =	rddreg [dreg:$0xa];
	[sflag:s12] =	ssyncadd.s32 $0xFFFFFB00  }
0x142: {  	[tilespmem:s5], [sflag:$0x4] =	stream.linear.gather [hbm4b:s7+s5], $0x50, $0x38;
	[tilespmem:$0x1F2C0] =	vst v63  }
0x143: {  	s21 =	sadd.s32 s8, s24  }
0x144: {  	[tilespmem:s25], [sflag:$0x4] =	stream.linear.gather [hbm4b:s21+s5], $0x50, $0x38;
	[tilespmem:$0x1F2C0] =	vst v63  }
0x145: {  	_ =	swait.ge [sflag:s14], $0x50  }
0x146: {  	[sflag:s14] =	ssyncset.done $0x0  }
0x147: {  	[sflag:s14] =	ssyncadd.s32 $0xFFFFFFB0  }
0x148: {  	_ =	swait.ge [sflag:s14], $0x50  }
0x149: {  	[sflag:s14] =	ssyncset.done $0x0  }
0x14a: {  	[sflag:s14] =	ssyncadd.s32 $0xFFFFFFB0  }
0x14b: {  	[tilespmem:s15], [sflag:$0x3] =	stream.indirect.gather [hbm4b:s0+s25], $0x80, s1, s25, $0xb8;
	[tilespmem:$0x1F2C0] =	vst v63  }
0x14c: {  	_ =	swait.ge [sflag:s17], $0x2800  }
0x14d: {  	[sflag:s17] =	ssyncset.done $0x0  }
0x14e: {  	[sflag:s17] =	ssyncadd.s32 $0xFFFFD800  }
0x14f: {  	[spmem:s3] =	stream.indirect.scatter.add.f32 [tilespmem:s2], [sflag:$0x8], $0x80, s30, s25, $0xb8;
	[tilespmem:$0x1F2C0] =	vst v63  }
0x150: {  	_ = 	snop  }
0x151: {  	[spmem:s4] =	stream.indirect.scatter.add.f32 [tilespmem:s11], [sflag:$0x8], $0x10, s30, s25, $0xb8;
	[tilespmem:$0x1F2C0] =	vst v63  }
0x152: {  	_ =	swait.ge [sflag:s18], $0x2800  }
0x153: {  	[sflag:s18] =	ssyncset.done $0x0  }
0x154: {  	[sflag:s18] =	ssyncadd.s32 $0xFFFFD800  }
0x155: {  	_ =	swait.ge [sflag:s18], $0x500  }
0x156: {  	s22 =	rddreg [dreg:$0x8];
	[sflag:s18] =	ssyncset.done $0x0  }
0x157: {  	s23 =	rddreg [dreg:$0x9];
	[sflag:s18] =	ssyncadd.s32 $0xFFFFFB00;
	s7 =	sadd.s32 s8, s22  }
0x158: {  	[tilespmem:s29], [sflag:$0x5] =	stream.linear.gather [hbm4b:s7+s5], $0x50, $0x38;
	[tilespmem:$0x1F2C0] =	vst v63  }
0x159: {  	s24 =	sadd.s32 s8, s23  }
0x15a: {  	[tilespmem:s30], [sflag:$0x5] =	stream.linear.gather [hbm4b:s24+s5], $0x50, $0x38;
	[tilespmem:$0x1F2C0] =	vst v63  }
0x15b: {  	_ =	swait.ge [sflag:s26], $0x50  }
0x15c: {  	[sflag:s26] =	ssyncset.done $0x0  }
0x15d: {  	[sflag:s26] =	ssyncadd.s32 $0xFFFFFFB0  }
0x15e: {  	_ =	swait.ge [sflag:s26], $0x50  }
0x15f: {  	[sflag:s26] =	ssyncset.done $0x0  }
0x160: {  	[sflag:s26] =	ssyncadd.s32 $0xFFFFFFB0  }
0x161: {  	[tilespmem:s28], [sflag:$0x1] =	stream.indirect.gather [hbm4b:s0+s25], $0x80, s5, s25, $0xb8;
	[tilespmem:$0x1F2C0] =	vst v63  }
0x162: {  	_ =	swait.ge [sflag:s19], $0x2800  }
0x163: {  	[sflag:s19] =	ssyncset.done $0x0  }
0x164: {  	[sflag:s19] =	ssyncadd.s32 $0xFFFFD800  }
0x165: {  	[spmem:s3] =	stream.indirect.scatter.add.f32 [tilespmem:s15], [sflag:$0x9], $0x80, s9, s25, $0xb8;
	[tilespmem:$0x1F2C0] =	vst v63  }
0x166: {  	_ = 	snop  }
0x167: {  	[spmem:s4] =	stream.indirect.scatter.add.f32 [tilespmem:s11], [sflag:$0x9], $0x10, s9, s25, $0xb8;
	[tilespmem:$0x1F2C0] =	vst v63  }
0x168: {  	_ =	swait.ge [sflag:s20], $0x2800  }
0x169: {  	[sflag:s20] =	ssyncset.done $0x0  }
0x16a: {  	p1 =	seq.s32 s8, $0x4B0;
	[sflag:s20] =	ssyncadd.s32 $0xFFFFD800  }
0x16b: {  	s13 =	sadd.s32 $0x1E, s13;
	s21 =	simm.s32 @!p1 $0x0;
	_ =	swait.ge [sflag:s20], $0x500  }
0x16c: {  	s22 =	simm.s32 @!p1 $0x140;
	s7 =	rddreg [dreg:$0x6];
	[sflag:s20] =	ssyncset.done $0x0  }
0x16d: {  	s24 =	rddreg [dreg:$0x7];
	[sflag:s20] =	ssyncadd.s32 $0xFFFFFB00;
	s7 =	sadd.s32 @!p1 s8, s7  }
0x16e: {  	[tilespmem:s22], [sflag:$0x6] =	stream.linear.gather @!p1 [hbm4b:s7+s21], $0x50, $0x38;
	[tilespmem:$0x1F2C0] =	vst v63  }
0x16f: {  	p0 =	sne.s32 s13, $0x4CE;
	s23 =	simm.s32 @!p1 $0x190;
	s7 =	sadd.s32 @!p1 s8, s24  }
0x170: {  	[tilespmem:s23], [sflag:$0x6] =	stream.linear.gather @!p1 [hbm4b:s7+s21], $0x50, $0x38;
	[tilespmem:$0x1F2C0] =	vst v63  }
.Ltmp3:
0x171: {  	_ =	swait.ge [sflag:s31], $0x50;
	(pc) =	sbr.rel @p0 .LBB2_8-.Ltmp3, $4  }
0x172: {  	[sflag:s31] =	ssyncset.done $0x0  }
0x173: {  	[sflag:s31] =	ssyncadd.s32 $0xFFFFFFB0  }
0x174: {  	_ =	swait.ge [sflag:s31], $0x50  }
0x175: {  	[sflag:s31] =	ssyncset.done $0x0  }
0x176: {  	[sflag:s31] =	ssyncadd.s32 $0xFFFFFFB0  }
0x177: {  	[tilespmem:s2], [sflag:$0x2] =	stream.indirect.gather [hbm4b:s0+s25], $0x80, s29, s25, $0xb8;
	[tilespmem:$0x1F2C0] =	vst v63  }
0x178: {  	_ =	swait.ge [sflag:s10], $0x2800  }
0x179: {  	[sflag:s10] =	ssyncset.done $0x0  }
0x17a: {  	[sflag:s10] =	ssyncadd.s32 $0xFFFFD800  }
0x17b: {  	[spmem:s3] =	stream.indirect.scatter.add.f32 [tilespmem:s28], [sflag:$0x7], $0x80, s25, s25, $0xb8;
	[tilespmem:$0x1F2C0] =	vst v63  }
0x17c: {  	_ = 	snop  }
0x17d: {  	[spmem:s4] =	stream.indirect.scatter.add.f32 [tilespmem:s11], [sflag:$0x7], $0x10, s25, s25, $0xb8;
	[tilespmem:$0x1F2C0] =	vst v63  }
0x17e: {  	_ =	swait.ge [sflag:s12], $0x2800  }
0x17f: {  	[sflag:s12] =	ssyncset.done $0x0  }
0x180: {  	[sflag:s12] =	ssyncadd.s32 $0xFFFFD800  }
0x181: {  	_ =	swait.ge [sflag:s12], $0x500  }
0x182: {  	[sflag:s12] =	ssyncset.done $0x0  }
0x183: {  	[sflag:s12] =	ssyncadd.s32 $0xFFFFFB00  }
0x184: {  	_ =	swait.ge [sflag:s17], $0x2800  }
0x185: {  	[sflag:s17] =	ssyncset.done $0x0  }
0x186: {  	[sflag:s17] =	ssyncadd.s32 $0xFFFFD800  }
0x187: {  	[spmem:s3] =	stream.indirect.scatter.add.f32 [tilespmem:s2], [sflag:$0x8], $0x80, s30, s25, $0xb8;
	[tilespmem:$0x1F2C0] =	vst v63  }
0x188: {  	_ = 	snop  }
0x189: {  	[spmem:s4] =	stream.indirect.scatter.add.f32 [tilespmem:s11], [sflag:$0x8], $0x10, s30, s25, $0xb8;
	[tilespmem:$0x1F2C0] =	vst v63  }
0x18a: {  	_ =	swait.ge [sflag:s18], $0x2800  }
0x18b: {  	[sflag:s18] =	ssyncset.done $0x0  }
0x18c: {  	[sflag:s18] =	ssyncadd.s32 $0xFFFFD800  }
0x18d: {  	_ =	swait.ge [sflag:s18], $0x500  }
0x18e: {  	[sflag:s18] =	ssyncset.done $0x0  }
0x18f: {  	[sflag:s18] =	ssyncadd.s32 $0xFFFFFB00  }
0x190: {  	s7 =	stileid.u32;
	[bflag:$0x0] =	sbarrier.arrive $0xFFFF  }
0x191: {  	s22 =	simm.s32 $0xA;
	s7 =	sshll.u32 s7, $0x6;
	s21 =	rddreg [dreg:$0xb]  }
0x192: {  	s7 =	sor.u32 $0x1C0A, s7;
	s13 =	rddreg [dreg:$0x11];
	s8 =	sshrl.u32 s21, $0x3  }
0x193: {  	[hbm:s13], [sflag:s7] =	dma.local [spmem:s8], $0x2710  }
0x194: {  	_ =	swait.ge [sflag:s22], $0x2710  }
0x195: {  	s16 =	sld [smem:$0x7FD]  }
0x196: {  	s24 =	sld [smem:$0x7F4]  }
0x197: {  	[sflag:s22] =	ssyncset.done $0x0  }
0x198: {  	[sflag:s22] =	ssyncadd.s32 $0xFFFFD8F0;
	s23 =	sshrl.u32 s16, $0x3  }
0x199: {  	[hbm:s24], [sflag:s7] =	dma.local [spmem:s23], $0x4E2  }
0x19a: {  	_ =	swait.ge [sflag:s22], $0x4E2  }
0x19b: {  	s23 =	sld [smem:$0x7EA]  }
0x19c: {  	s24 =	sld [smem:$0x7F5];
	_ =	sdelay $0x1  }
0x19d: {  	s8 =	sadd.s32 $0x1, s23  }
0x19e: {  	p0 =	sne.s32 s8, s24  }
.Ltmp4:
0x19f: {  	_ = 	snop;
	(pc) =	sbr.rel @p0 .LBB2_1-.Ltmp4, $3  }
0x1a0: {  	_ =	sdelay $0x1  }
0x1a1: {  	[sflag:s22] =	ssyncset.done $0x0  }
0x1a2: {  	[sflag:s22] =	ssyncadd.s32 $0xFFFFFB1E  }
0x1a3: {  	_ =	sfence.sel $0x180000  }
0x1a4: {  	[bflag:$0x0] =	sbarrier.arrive $0xFFFF  }
0x1a5: {  	_ =	strace $0x90000047  }
0x1a6: {  	s0 =	stileid.u32;
	[bflag:$0x2] =	sbarrier.arrive $0xFFFF  }
0x1a7: {  	p0 =	sne.s32 s0, $0x0;
	s0 =	rddreg [dreg:$0x5]  }
0x1a8: {  	s0 =	sadd.s32 @!p0 $0x100000, s0  }
0x1a9: {  	[sflag:s0] =	ssyncadd.tile.s32 @!p0 $0x1;
	_ =	shalt  }
.Lfunc_end2:
_tile_overlayer_lowered:
.L_overlay_start_2:
0x1aa: {  	(tag) =	ssettag $0x2  }
0x1ab: {  	s0 =	rddreg [dreg:$0x0];
	s2 =	stileid.u32  }
0x1ac: {  	s1 =	rddreg [dreg:$0x1];
	p0 =	sne.s32 s2, $0x0  }
0x1ad: {  	s3 =	rddreg [dreg:$0x2];
	[bflag:$0x3] =	sbarrier.arrive $0xFFFF;
	s2 =	simm.s32 @!p0 $0x1C0A  }
0x1ae: {  	[timem:s3], [sflag:s2] =	dma.local @!p0 [hbm:s0], s1  }
0x1af: {  	s0 =	simm.s32 @!p0 $0xA  }
0x1b0: {  	_ =	swait.ge @!p0 [sflag:s0], s1  }
0x1b1: {  	s1 =	ssub.s32 @!p0 $0x0, s1;
	[sflag:s0] =	ssyncset.done @!p0 $0x0  }
0x1b2: {  	[sflag:s0] =	ssyncadd.s32 @!p0 s1  }
0x1b3: {  	[bflag:$0x3] =	sbarrier.arrive $0xFFFF  }
0x1b4: {  	_ =	shalt  }

// kernel: kernel.9.cloned.1.call-start
scs
__scs_entry_jumppad:
0x0: {  	(pc) =	sbr.rel $0x88, $3  }
0x1: {  	(tag) =	ssettag $0x0;
	lr =	simm.s32 $0x1  }
0x2: {  	[smem:$0x3F94] =	sst lr;
	_ =	strace $0xD0000000  }
0x3: {  	_ = 	snop  }
0x4: {  	_ = 	snop  }
0x5: {  	_ = 	snop  }
0x6: {  	_ = 	snop  }
0x7: {  	_ = 	snop  }
__scs_overlays_trampoline_lowered:
0x8: {  	[smem:$0x3FA3] =	sst s0  }
0x9: {  	[smem:$0x3FA4] =	sst s1  }
0xa: {  	[smem:$0x3FA5] =	sst s2  }
0xb: {  	[smem:$0x3FA6] =	sst s3  }
0xc: {  	[smem:$0x3FA7] =	sst s4  }
0xd: {  	[smem:$0x3FA8] =	sst s5  }
0xe: {  	[smem:$0x3FA9] =	sst s6  }
0xf: {  	[smem:$0x3FAA] =	sst s7  }
0x10: {  	[smem:$0x3FAB] =	sst s8  }
0x11: {  	[smem:$0x3FAC] =	sst s9;
	s0 =	simm.s32 @!p0 $0x0  }
0x12: {  	s1 =	sld [smem:$0x3F92];
	s0 =	simm.s32 @p0 $0x1  }
0x13: {  	[smem:$0x3FAD] =	sst s0;
	s0 =	simm.s32 @!p1 $0x0  }
0x14: {  	s2 =	sld [smem:$0x3F91];
	s0 =	simm.s32 @p1 $0x1  }
0x15: {  	[smem:$0x3FAE] =	sst s0;
	s0 =	simm.s32 @!p2 $0x0  }
0x16: {  	s3 =	sld [smem:$0x3FDB];
	s0 =	simm.s32 @p2 $0x1  }
0x17: {  	s4 =	simm.s32 $0x1BF5;
	[smem:$0x3FB0] =	sst s0  }
0x18: {  	s0 =	sld [smem:$0x3F93];
	_ =	swait.ge [sflag:s4], $0x0  }
0x19: {  	s7 =	sld [smem:$0x3F94]  }
0x1a: {  	s8 =	sadd.s32 $0xFFFFE003, lr  }
0x1b: {  	s9 =	sadd.s32 $0xFFFFFEF7, lr;
	s5 =	simm.s32 $0xFFFFFFFF;
	p2 =	slt.u32 s8, $0xFFFFF086  }
0x1c: {  	p1 =	slt.u32 s9, $0xF7A;
	s5 =	simm.s32 @!p2 $0x0  }
0x1d: {  	s5 =	simm.s32 @p1 $0x1;
	p0 =	seq.s32 s7, s2  }
0x1e: {  	s7 =	smul.u32 @!p0 $0xF7A, s2;
	p2 =	seq.s32 @!p0 s5, $0x0  }
0x1f: {  	s9 =	smul.u32 $0xF7A, s1;
	s8 =	simm.s32 @!p0 $0x1BF5;
	p2 =	por !p2, p0  }
0x20: {  	[sflag:s8] =	ssyncset.s32 @!p0 $0xFFFFF086;
	s6 =	sadd.s32 @!p0 s3, s7;
	s7 =	simm.s32 @!p0 $0x108  }
0x21: {  	s3 =	sadd.s32 s3, s9;
	s6 =	sadd.s32 @!p0 $0x88, s6;
	s7 =	simm.s32 @p2 $0x1082  }
0x22: {  	[simem:s7], [sflag:s8] =	dma.local @!p0 [hbm:s6], $0xF7A  }
0x23: {  	s9 =	sor.u32 $0xD0000000, s2;
	s6 =	simm.s32 $0x108;
	_ =	swait.ge @!p0 [sflag:s8], $0x0  }
0x24: {  	s3 =	sadd.s32 $0x88, s3;
	s6 =	simm.s32 @!p1 $0x1082;
	[sflag:s4] =	ssyncset.s32 $0xFFFFF086  }
0x25: {  	[simem:s6], [sflag:s4] =	dma.local [hbm:s3], $0xF7A  }
0x26: {  	[smem:$0x3F94] =	sst s1;
	(tag) =	ssettag s2;
	_ =	strace s9  }
0x27: {  	s1 =	sld [smem:$0x3FA4]  }
0x28: {  	s2 =	sld [smem:$0x3FA5]  }
0x29: {  	s4 =	sld [smem:$0x3FA7]  }
0x2a: {  	p0 =	seq.s32 s5, $0x0;
	s5 =	sld [smem:$0x3FA8]  }
0x2b: {  	s6 =	sld [smem:$0x3FA9]  }
0x2c: {  	s7 =	sld [smem:$0x3FAA]  }
0x2d: {  	s3 =	simm.s32 $0x108;
	s8 =	sld [smem:$0x3FAB]  }
0x2e: {  	s3 =	simm.s32 @!p0 $0x1082;
	s9 =	sld [smem:$0x3FAC]  }
0x2f: {  	lr =	sadd.s32 s0, s3;
	s0 =	sld [smem:$0x3FA3]  }
0x30: {  	s3 =	sld [smem:$0x3FA6]  }
0x31: {  	[smem:$0x3FAF] =	sst s10  }
0x32: {  	s10 =	sld [smem:$0x3FAD];
	_ =	sdelay $0x3  }
0x33: {  	p0 =	seq.s32 s10, $0x1;
	s10 =	sld [smem:$0x3FAF];
	_ =	sdelay $0x3  }
0x34: {  	[smem:$0x3FAF] =	sst s10  }
0x35: {  	s10 =	sld [smem:$0x3FAE];
	_ =	sdelay $0x3  }
0x36: {  	p1 =	seq.s32 s10, $0x1;
	s10 =	sld [smem:$0x3FAF];
	_ =	sdelay $0x3  }
0x37: {  	[smem:$0x3FAF] =	sst s10  }
0x38: {  	s10 =	sld [smem:$0x3FB0]  }
0x39: {  	_ = 	snop;
	(pc) =	sbr.ind lr, $3  }
0x3a: {  	_ = 	snop  }
0x3b: {  	_ = 	snop  }
0x3c: {  	p2 =	seq.s32 s10, $0x1;
	s10 =	sld [smem:$0x3FAF]  }
0x3d: {  	_ =	shalt  }
0x3e: {  	_ =	shalt  }
0x3f: {  	_ =	shalt  }
0x40: {  	_ =	shalt  }
0x41: {  	_ =	shalt  }
0x42: {  	_ =	shalt  }
0x43: {  	_ =	shalt  }
0x44: {  	_ =	shalt  }
0x45: {  	_ =	shalt  }
0x46: {  	_ =	shalt  }
0x47: {  	_ =	shalt  }
0x48: {  	_ =	shalt  }
0x49: {  	_ =	shalt  }
0x4a: {  	_ =	shalt  }
0x4b: {  	_ =	shalt  }
0x4c: {  	_ =	shalt  }
0x4d: {  	_ =	shalt  }
0x4e: {  	_ =	shalt  }
0x4f: {  	_ =	shalt  }
0x50: {  	_ =	shalt  }
0x51: {  	_ =	shalt  }
0x52: {  	_ =	shalt  }
0x53: {  	_ =	shalt  }
0x54: {  	_ =	shalt  }
0x55: {  	_ =	shalt  }
0x56: {  	_ =	shalt  }
0x57: {  	_ =	shalt  }
0x58: {  	_ =	shalt  }
0x59: {  	_ =	shalt  }
0x5a: {  	_ =	shalt  }
0x5b: {  	_ =	shalt  }
0x5c: {  	_ =	shalt  }
0x5d: {  	_ =	shalt  }
0x5e: {  	_ =	shalt  }
0x5f: {  	_ =	shalt  }
0x60: {  	_ =	shalt  }
0x61: {  	_ =	shalt  }
0x62: {  	_ =	shalt  }
0x63: {  	_ =	shalt  }
0x64: {  	_ =	shalt  }
0x65: {  	_ =	shalt  }
0x66: {  	_ =	shalt  }
0x67: {  	_ =	shalt  }
0x68: {  	_ =	shalt  }
0x69: {  	_ =	shalt  }
0x6a: {  	_ =	shalt  }
0x6b: {  	_ =	shalt  }
0x6c: {  	_ =	shalt  }
0x6d: {  	_ =	shalt  }
0x6e: {  	_ =	shalt  }
0x6f: {  	_ =	shalt  }
0x70: {  	_ =	shalt  }
0x71: {  	_ =	shalt  }
0x72: {  	_ =	shalt  }
0x73: {  	_ =	shalt  }
0x74: {  	_ =	shalt  }
0x75: {  	_ =	shalt  }
0x76: {  	_ =	shalt  }
0x77: {  	_ =	shalt  }
0x78: {  	_ =	shalt  }
0x79: {  	_ =	shalt  }
0x7a: {  	_ =	shalt  }
0x7b: {  	_ =	shalt  }
0x7c: {  	_ =	shalt  }
0x7d: {  	_ =	shalt  }
0x7e: {  	_ =	shalt  }
0x7f: {  	_ =	shalt  }
0x80: {  	_ =	shalt  }
0x81: {  	_ =	shalt  }
0x82: {  	_ =	shalt  }
0x83: {  	_ =	shalt  }
0x84: {  	_ =	shalt  }
0x85: {  	_ =	shalt  }
0x86: {  	_ =	shalt  }
0x87: {  	_ =	shalt  }
.Lfunc_end0:
.L_simem_size_0:
called_computation.1_lowered:
.L_overlay_start_0:
0x88: {  	s2 =	sld [smem:$0x3FD9]  }
0x89: {  	s3 =	sld [smem:$0x3FFE];
	_ =	sdelay $0x1  }
0x8a: {  	s1 =	srdreg.scid  }
0x8b: {  	s0 =	sand.u32 $0x1, s1  }
0x8c: {  	s17 =	sshll.u32 s0, $0xA;
	s2 =	sadd.s32 s3, s2  }
0x8d: {  	s2 =	sadd.s32 s2, s17  }
0x8e: {  	[smem:$0x3FBB] =	sst s2  }
0x8f: {  	_ = 	snop  }
0x90: {  	s2 =	sld [smem:$0x3FD0];
	(tm) =	ssettm $0x1  }
0x91: {  	s18 =	sld [smem:$0x3FFB];
	_ =	sdelay $0x3  }
0x92: {  	_ =	strace s18  }
0x93: {  	s3 =	sld [smem:$0x3FFC];
	_ =	sdelay $0x3  }
0x94: {  	_ =	strace s3  }
0x95: {  	s3 =	sld [smem:$0x3FFD];
	_ =	sdelay $0x3  }
0x96: {  	_ =	strace s3  }
0x97: {  	_ =	strace $0x8FFFFFFF  }
0x98: {  	s19 =	sld [smem:$0x3FDB];
	_ =	sdelay $0x1  }
0x99: {  	s4 =	simm.s32 $_scs_section_size  }
0x9a: {  	s5 =	simm.s32 $_size__tile_overlayer_lowered;
	s6 =	simm.s32 $_tile_overlayer_lowered  }
0x9b: {  	s22 =	simm.s32 $0x1BFF;
	s21 =	sshll.u32 s6, $0x1;
	s3 =	sadd.s32 s4, s19  }
0x9c: {  	s7 =	simm.s32 $0x0;
	s20 =	sshll.u32 s5, $0x1;
	s5 =	sadd.s32 s21, s3  }
0x9d: {  	[timem:s7], [sflag:s22] =	dma.local [hbm:s5], s20  }
0x9e: {  	_ =	swait.ge [sflag:s22], s20  }
0x9f: {  	s4 =	ssub.s32 $0x0, s20;
	[sflag:s22] =	ssyncset.done $0x0  }
0xa0: {  	[sflag:s22] =	ssyncadd.s32 s4;
	_ =	sdelay $0x1  }
0xa1: {  	s23 =	simm.s32 $0x1B8B  }
0xa2: {  	_ =	swait.ge [sflag:s23], $0x1  }
0xa3: {  	[sflag:s23] =	ssyncset.done $0x0  }
0xa4: {  	s25 =	simm.s32 $0x1B8E;
	s24 =	sld [smem:$0x3FFE];
	[sflag:s23] =	ssyncadd.s32 $0xFFFFFFFF  }
0xa5: {  	s26 =	simm.s32 $execute0_lowered;
	[smem:$0x3FD2] =	sst s25  }
0xa6: {  	s5 =	sshll.u32 s26, $0x1;
	_ =	strace $0x80000049;
	[dreg:$0x1] =	wrdreg $0xFFFFFFFF  }
0xa7: {  	s28 =	simm.s32 $_size_execute0_lowered;
	s3 =	sadd.s32 s3, s5;
	[dreg:$0x0] =	wrdreg $0x0  }
0xa8: {  	s5 =	sshll.u32 s28, $0x1;
	[dreg:$0x2] =	wrdreg s3  }
0xa9: {  	[dreg:$0x3] =	wrdreg s5  }
0xaa: {  	[dreg:$0x4] =	wrdreg $0xC0  }
0xab: {  	_ =	task [dreg:s7], $0x5FFFF  }
0xac: {  	[dreg:$0x1] =	wrdreg $0xFFFFFFFF  }
0xad: {  	[dreg:$0x0] =	wrdreg $0x60  }
0xae: {  	[dreg:$0x2] =	wrdreg s24  }
0xaf: {  	[dreg:$0x3] =	wrdreg s2  }
0xb0: {  	[dreg:$0x4] =	wrdreg $0x9D300  }
0xb1: {  	[dreg:$0x5] =	wrdreg $0x1D5B00  }
0xb2: {  	[dreg:$0x6] =	wrdreg $0x9  }
0xb3: {  	_ =	task.clear_ibuf [dreg:s7], $0x7FFFF;
	_ =	strace $0x90000049  }
0xb4: {  	s29 =	simm.s32 $0x9;
	_ =	strace $0x8000004B  }
0xb5: {  	_ =	swait.ge [sflag:s29], $0x1  }
0xb6: {  	[sflag:s29] =	ssyncadd.s32 $0xFFFFFFFF  }
0xb7: {  	_ =	strace $0x9000004B  }
0xb8: {  	_ =	sfence  }
0xb9: {  	s30 =	sld [smem:$0x0];
	_ =	sdelay $0x2  }
0xba: {  	s31 =	sshll.u32 s1, $0xD;
	s1 =	sshrl.u32 s1, $0x2  }
0xbb: {  	s3 =	sand.u32 $0x4000, s31;
	s1 =	sadd.s32 s1, s30  }
0xbc: {  	s0 =	sor.u32 s3, s0;
	s1 =	sshll.u32 s1, $0x11  }
0xbd: {  	s0 =	sor.u32 s1, s0  }
0xbe: {  	s0 =	sadd.s32 $0x8F2B, s0  }
0xbf: {  	[sflag:s0] =	ssyncadd.remote.s32 $0x1  }
0xc0: {  	_ =	sfence.sel $0xFFFF  }
0xc1: {  	[dreg:$0x0] =	wrdreg $0xFFFFFFFF;
	(pc) =	sbr.abs _section_cstart, $3  }
0xc2: {  	[dreg:$0x1] =	wrdreg $0xFFFFFFFF  }
0xc3: {  	_ =	task.clear_ibuf [dreg:s7], $0x2FFFF;
	_ =	strace $0x9FFFFFFF  }
0xc4: {  	(tm) =	ssettm $0x7FFFFFFF  }
0xc5: {  	_ =	shalt  }
tec
execute0_lowered:
.L_overlay_start_1:
0x0: {  	(tag) =	ssettag $0x1  }
0x1: {  	s1 =	rddreg [dreg:$0x0]  }
0x2: {  	s10 =	rddreg [dreg:$0x1]  }
0x3: {  	s2 =	rddreg [dreg:$0x2]  }
0x4: {  	s3 =	rddreg [dreg:$0x3]  }
0x5: {  	s0 =	srdreg.scid;
	s16 =	stileid.u32  }
0x6: {  	s4 =	simm.s32 $0x0;
	s11 =	sand.u32 $0x1, s0;
	s6 =	smul.u32 $0x2710, s16  }
0x7: {  	[smem:$0x7FF] =	sst s4;
	s5 =	sadd.s32 $0x25400, s1;
	s13 =	smul.u32 $0x4E200, s16  }
0x8: {  	s31 =	sadd.s32 $0x2C00, s1;
	s7 =	sadd.s32 $0x20400, s1;
	s15 =	smul.u32 $0x13880, s16  }
0x9: {  	s0 =	smul.u32 $0x27100, s11;
	_ =	strace $0x8000004A;
	s21 =	ssub.s32 $0x2, s11  }
0xa: {  	s14 =	sshll.u32 s11, $0x4;
	s11 =	smul.u32 $0x138800, s11;
	s9 =	sshrl.u32 s21, $0x1  }
0xb: {  	s13 =	sshrl.u32 s13, $0x2;
	s25 =	sadd.s32 s15, s2;
	s0 =	sadd.s32 s6, s0  }
0xc: {  	s13 =	sadd.s32 s13, s2;
	s11 =	sadd.s32 s15, s11;
	[dreg:$0xa] =	wrdreg s25  }
0xd: {  	s8 =	sshrl.u32 s0, $0x3;
	s22 =	sadd.s32 $0xC80, s13;
	s17 =	sadd.s32 $0x1900, s13  }
0xe: {  	s26 =	sadd.s32 $0x190, s0;
	s11 =	sshrl.u32 s11, $0x3;
	s18 =	sadd.s32 $0x4E390, s0  }
0xf: {  	s20 =	sadd.s32 $0x140, s0;
	s1 =	sadd.s32 s8, s1;
	[dreg:$0xb] =	wrdreg s22  }
0x10: {  	s8 =	ssub.s32 s21, s9;
	[dreg:$0xc] =	wrdreg s17;
	s15 =	sshrl.u32 s26, $0x3  }
0x11: {  	s10 =	sadd.s32 s10, s11;
	s19 =	sshrl.u32 s18, $0x3;
	s11 =	sshrl.u32 s20, $0x3  }
0x12: {  	s21 =	sadd.s32 $0x4E340, s0;
	s20 =	sadd.s32 $0x2580, s13;
	[dreg:$0xf] =	wrdreg s10  }
0x13: {  	s26 =	sadd.s32 $0x4E2F0, s0;
	s0 =	sadd.s32 $0xF0, s0;
	[dreg:$0x12] =	wrdreg s20  }
0x14: {  	s12 =	smul.u32 $0x271, s16;
	s10 =	sadd.s32 s19, s31;
	[smem:$0x7F6] =	sst s0  }
0x15: {  	s9 =	sor.u32 s16, s14;
	s22 =	sadd.s32 s11, s31;
	[dreg:$0x6] =	wrdreg s10  }
0x16: {  	s14 =	sadd.s32 $0x7D, s12;
	s20 =	sadd.s32 $0xD480, s13;
	[dreg:$0x7] =	wrdreg s22  }
0x17: {  	s23 =	sshll.u32 s14, $0x7;
	s1 =	sadd.s32 $0x16600, s1;
	[dreg:$0x1d] =	wrdreg s20  }
0x18: {  	s16 =	sadd.s32 s23, s2;
	[smem:$0x7F4] =	sst s1  }
0x19: {  	s23 =	sshrl.u32 s21, $0x3;
	s21 =	sadd.s32 $0x3200, s13;
	[dreg:$0xd] =	wrdreg s16  }
0x1a: {  	s22 =	sadd.s32 $0x4B00, s13;
	[dreg:$0x13] =	wrdreg s21  }
0x1b: {  	s20 =	smax.u32 s8, $0x1;
	[dreg:$0x14] =	wrdreg s22  }
0x1c: {  	s16 =	sadd.s32 $0xFA, s12;
	s21 =	sadd.s32 $0xE100, s13;
	[smem:$0x7F5] =	sst s20  }
0x1d: {  	s22 =	sadd.s32 $0xED80, s13;
	s24 =	sshll.u32 s16, $0x7;
	[dreg:$0x1e] =	wrdreg s21  }
0x1e: {  	[dreg:$0x1f] =	wrdreg s22;
	s17 =	sadd.s32 s24, s2  }
0x1f: {  	s24 =	sadd.s32 s23, s31;
	[dreg:$0xe] =	wrdreg s17  }
0x20: {  	s23 =	sadd.s32 $0x5780, s13;
	[dreg:$0x8] =	wrdreg s24  }
0x21: {  	s17 =	sadd.s32 s15, s31;
	[dreg:$0x15] =	wrdreg s23  }
0x22: {  	s24 =	sadd.s32 $0x6400, s13;
	[dreg:$0x5] =	wrdreg s17  }
0x23: {  	s15 =	sadd.s32 $0x177, s12;
	s23 =	sadd.s32 $0x10680, s13;
	[dreg:$0x16] =	wrdreg s24  }
0x24: {  	s17 =	sshrl.u32 s26, $0x3;
	s26 =	sadd.s32 $0x7080, s13;
	[smem:$0x7EC] =	sst s23  }
0x25: {  	s18 =	sshll.u32 s15, $0x7;
	s24 =	sadd.s32 $0x11300, s13;
	[dreg:$0x17] =	wrdreg s26  }
0x26: {  	s11 =	sadd.s32 s18, s2;
	[smem:$0x7ED] =	sst s24  }
0x27: {  	s28 =	simm.s32 $0x50;
	s10 =	sadd.s32 s17, s31;
	[dreg:$0x10] =	wrdreg s11  }
0x28: {  	s29 =	simm.s32 $0x7;
	s17 =	sadd.s32 $0xA280, s13;
	[dreg:$0x9] =	wrdreg s10  }
0x29: {  	s12 =	sadd.s32 $0x1F4, s12;
	s18 =	sadd.s32 $0xAF00, s13;
	[dreg:$0x1a] =	wrdreg s17  }
0x2a: {  	s19 =	sshll.u32 s12, $0x7;
	s26 =	sadd.s32 $0x11F80, s13;
	[dreg:$0x1b] =	wrdreg s18  }
0x2b: {  	s30 =	simm.s32 $0x140;
	s10 =	sadd.s32 s19, s2;
	[smem:$0x7EE] =	sst s26  }
0x2c: {  	s9 =	smul.u32 $0x2710, s9;
	s2 =	sadd.s32 $0x8980, s13;
	[dreg:$0x11] =	wrdreg s10  }
0x2d: {  	s1 =	simm.s32 $0x190;
	s11 =	sadd.s32 $0x9600, s13;
	[dreg:$0x18] =	wrdreg s2  }
0x2e: {  	s8 =	simm.s32 $0xB;
	s19 =	sadd.s32 $0xC800, s13;
	[dreg:$0x19] =	wrdreg s11  }
0x2f: {  	s20 =	simm.s32 $0x9;
	s17 =	sshll.u32 s12, $0x4;
	[dreg:$0x1c] =	wrdreg s19  }
0x30: {  	s2 =	sadd.s32 $0x12C00, s13;
	s13 =	sadd.s32 s6, s3;
	s11 =	sshll.u32 s14, $0x4  }
0x31: {  	s14 =	sshll.u32 s16, $0x4;
	s18 =	sadd.s32 s17, s3;
	[smem:$0x7EF] =	sst s2  }
0x32: {  	s16 =	sshll.u32 s15, $0x4;
	s19 =	sshrl.u32 s9, $0x3;
	[smem:$0x7F3] =	sst s18  }
0x33: {  	s10 =	simm.s32 $0xA0;
	s6 =	sadd.s32 s11, s3;
	[smem:$0x7FD] =	sst s13  }
0x34: {  	s9 =	simm.s32 $0x8;
	[smem:$0x7F0] =	sst s6;
	s6 =	sadd.s32 s14, s3  }
0x35: {  	s17 =	simm.s32 $0x4;
	[smem:$0x7F1] =	sst s6;
	s6 =	sadd.s32 s16, s3  }
0x36: {  	s15 =	simm.s32 $0x2;
	[smem:$0x7F2] =	sst s6;
	s6 =	sadd.s32 s31, s19  }
0x37: {  	s2 =	simm.s32 $0x83E0;
	s21 =	sadd.s32 $0x9C40, s6;
	[smem:$0x7FB] =	sst s6  }
0x38: {  	s18 =	simm.s32 $0x5;
	s22 =	sadd.s32 $0xA, s6;
	[smem:$0x7F7] =	sst s21  }
0x39: {  	s11 =	simm.s32 $0x0;
	s23 =	sadd.s32 $0x9C4A, s6;
	[smem:$0x7F8] =	sst s22  }
0x3a: {  	s14 =	simm.s32 $0xD;
	s24 =	sadd.s32 $0x14, s6;
	[smem:$0x7F9] =	sst s23  }
0x3b: {  	s16 =	simm.s32 $0x1;
	s26 =	sadd.s32 $0x9C54, s6;
	[smem:$0x7FA] =	sst s24  }
0x3c: {  	s19 =	simm.s32 $0xA;
	[smem:$0x7FC] =	sst s26;
	s23 =	simm.s32 $0x51E0  }
0x3d: {  	v0 =	vimm.f32 $0.0e+00;
	s21 =	simm.s32 $0x3;
	s22 =	simm.s32 $0x6;
	s26 =	simm.s32 $0xC  }
.LBB2_1:
0x3e: {  	s0 =	smov.u32 s7;
	s6 =	simm.s32 $0x70;
	s24 =	simm.s32 $0x3C0  }
.LBB2_2:
0x3f: {  	p0 =	sne.s32 s24, $0x31C0;
	[tilespmem:s6+$0x88E0] =	vst v0  }
0x40: {  	[tilespmem:s6+$0x8870] =	vst v0  }
0x41: {  	[tilespmem:s6+$0x8880] =	vst v0  }
.Ltmp0:
0x42: {  	[tilespmem:s6+$0x8890] =	vst v0;
	(pc) =	sbr.rel @p0 .LBB2_2-.Ltmp0, $4  }
0x43: {  	[tilespmem:s6+$0x88A0] =	vst v0  }
0x44: {  	[tilespmem:s6+$0x88B0] =	vst v0  }
0x45: {  	[tilespmem:s6+$0x88C0] =	vst v0  }
0x46: {  	[tilespmem:s6+$0x88D0] =	vst v0;
	s6 =	sshra.s32 s24, $0x2;
	s24 =	sadd.s32 $0x200, s24  }
0x47: {  	[tilespmem:s6+$0x88E0] =	vst v0  }
0x48: {  	[tilespmem:s6+$0x8870] =	vst v0  }
0x49: {  	[tilespmem:s6+$0x8880] =	vst v0  }
0x4a: {  	[tilespmem:s6+$0x8890] =	vst v0  }
0x4b: {  	[tilespmem:s6+$0x88A0] =	vst v0  }
0x4c: {  	[tilespmem:s6+$0x88B0] =	vst v0  }
0x4d: {  	[smem:$0x7EB] =	sst s11;
	[tilespmem:s6+$0x88C0] =	vst v0  }
0x4e: {  	[tilespmem:s6+$0x88D0] =	vst v0;
	s6 =	simm.s32 $0x40;
	s24 =	simm.s32 $0x0;
	s12 =	simm.s32 $0x1E0  }
.LBB2_4:
0x4f: {  	p0 =	sne.s32 s6, $0x1F00;
	[tilespmem:s24+$0x9560] =	vst v0;
	s24 =	smov.u32 s6;
	s6 =	sadd.s32 $0x40, s6  }
.Ltmp1:
0x50: {  	(pc) =	sbr.rel @p0 .LBB2_4-.Ltmp1, $2  }
0x51: {  	_ =	sdelay $0x2  }
0x52: {  	s24 =	sshra.s32 s24, $0x2  }
0x53: {  	[tilespmem:s24+$0x9560] =	vst v0;
	s11 =	simm.s32 $0x88E0  }
0x54: {  	[spmem:s25] =	stream.linear.scatter [tilespmem:s11], [sflag:$0xD], $0xC80, $0x38;
	[tilespmem:$0x1FCC0] =	vst v63  }
0x55: {  	_ =	swait.ge [sflag:s14], $0xC80  }
0x56: {  	[sflag:s14] =	ssyncset.done $0x0  }
0x57: {  	s6 =	rddreg [dreg:$0xb];
	[sflag:s14] =	ssyncadd.s32 $0xFFFFF380  }
0x58: {  	[spmem:s6] =	stream.linear.scatter [tilespmem:s11], [sflag:$0xD], $0xC80, $0x38;
	[tilespmem:$0x1FCC0] =	vst v63  }
0x59: {  	_ =	swait.ge [sflag:s14], $0xC80  }
0x5a: {  	[sflag:s14] =	ssyncset.done $0x0  }
0x5b: {  	s25 =	rddreg [dreg:$0xc];
	[sflag:s14] =	ssyncadd.s32 $0xFFFFF380  }
0x5c: {  	[spmem:s25] =	stream.linear.scatter [tilespmem:s11], [sflag:$0xD], $0xC80, $0x38;
	[tilespmem:$0x1FCC0] =	vst v63  }
0x5d: {  	_ =	swait.ge [sflag:s14], $0xC80  }
0x5e: {  	[sflag:s14] =	ssyncset.done $0x0  }
0x5f: {  	s3 =	rddreg [dreg:$0x12];
	[sflag:s14] =	ssyncadd.s32 $0xFFFFF380  }
0x60: {  	[spmem:s3] =	stream.linear.scatter [tilespmem:s11], [sflag:$0xD], $0xC80, $0x38;
	[tilespmem:$0x1FCC0] =	vst v63  }
0x61: {  	_ =	swait.ge [sflag:s14], $0xC80  }
0x62: {  	[sflag:s14] =	ssyncset.done $0x0  }
0x63: {  	s7 =	rddreg [dreg:$0x13];
	[sflag:s14] =	ssyncadd.s32 $0xFFFFF380  }
0x64: {  	[spmem:s7] =	stream.linear.scatter [tilespmem:s11], [sflag:$0xD], $0xC80, $0x38;
	[tilespmem:$0x1FCC0] =	vst v63  }
0x65: {  	_ =	swait.ge [sflag:s14], $0xC80  }
0x66: {  	[sflag:s14] =	ssyncset.done $0x0  }
0x67: {  	s24 =	rddreg [dreg:$0xd];
	[sflag:s14] =	ssyncadd.s32 $0xFFFFF380  }
0x68: {  	[spmem:s24] =	stream.linear.scatter [tilespmem:s11], [sflag:$0xD], $0xC80, $0x38;
	[tilespmem:$0x1FCC0] =	vst v63  }
0x69: {  	_ =	swait.ge [sflag:s14], $0xC80  }
0x6a: {  	[sflag:s14] =	ssyncset.done $0x0  }
0x6b: {  	s25 =	rddreg [dreg:$0x14];
	[sflag:s14] =	ssyncadd.s32 $0xFFFFF380  }
0x6c: {  	[spmem:s25] =	stream.linear.scatter [tilespmem:s11], [sflag:$0xD], $0xC80, $0x38;
	[tilespmem:$0x1FCC0] =	vst v63  }
0x6d: {  	_ =	swait.ge [sflag:s14], $0xC80  }
0x6e: {  	[sflag:s14] =	ssyncset.done $0x0  }
0x6f: {  	s3 =	rddreg [dreg:$0x15];
	[sflag:s14] =	ssyncadd.s32 $0xFFFFF380  }
0x70: {  	[spmem:s3] =	stream.linear.scatter [tilespmem:s11], [sflag:$0xD], $0xC80, $0x38;
	[tilespmem:$0x1FCC0] =	vst v63  }
0x71: {  	_ =	swait.ge [sflag:s14], $0xC80  }
0x72: {  	[sflag:s14] =	ssyncset.done $0x0  }
0x73: {  	s7 =	rddreg [dreg:$0x16];
	[sflag:s14] =	ssyncadd.s32 $0xFFFFF380  }
0x74: {  	[spmem:s7] =	stream.linear.scatter [tilespmem:s11], [sflag:$0xD], $0xC80, $0x38;
	[tilespmem:$0x1FCC0] =	vst v63  }
0x75: {  	_ =	swait.ge [sflag:s14], $0xC80  }
0x76: {  	[sflag:s14] =	ssyncset.done $0x0  }
0x77: {  	s24 =	rddreg [dreg:$0x17];
	[sflag:s14] =	ssyncadd.s32 $0xFFFFF380  }
0x78: {  	[spmem:s24] =	stream.linear.scatter [tilespmem:s11], [sflag:$0xD], $0xC80, $0x38;
	[tilespmem:$0x1FCC0] =	vst v63  }
0x79: {  	_ =	swait.ge [sflag:s14], $0xC80  }
0x7a: {  	[sflag:s14] =	ssyncset.done $0x0  }
0x7b: {  	s25 =	rddreg [dreg:$0xe];
	[sflag:s14] =	ssyncadd.s32 $0xFFFFF380  }
0x7c: {  	[spmem:s25] =	stream.linear.scatter [tilespmem:s11], [sflag:$0xD], $0xC80, $0x38;
	[tilespmem:$0x1FCC0] =	vst v63  }
0x7d: {  	_ =	swait.ge [sflag:s14], $0xC80  }
0x7e: {  	[sflag:s14] =	ssyncset.done $0x0  }
0x7f: {  	s3 =	rddreg [dreg:$0x18];
	[sflag:s14] =	ssyncadd.s32 $0xFFFFF380  }
0x80: {  	[spmem:s3] =	stream.linear.scatter [tilespmem:s11], [sflag:$0xD], $0xC80, $0x38;
	[tilespmem:$0x1FCC0] =	vst v63  }
0x81: {  	_ =	swait.ge [sflag:s14], $0xC80  }
0x82: {  	[sflag:s14] =	ssyncset.done $0x0  }
0x83: {  	s7 =	rddreg [dreg:$0x19];
	[sflag:s14] =	ssyncadd.s32 $0xFFFFF380  }
0x84: {  	[spmem:s7] =	stream.linear.scatter [tilespmem:s11], [sflag:$0xD], $0xC80, $0x38;
	[tilespmem:$0x1FCC0] =	vst v63  }
0x85: {  	_ =	swait.ge [sflag:s14], $0xC80  }
0x86: {  	[sflag:s14] =	ssyncset.done $0x0  }
0x87: {  	s24 =	rddreg [dreg:$0x1a];
	[sflag:s14] =	ssyncadd.s32 $0xFFFFF380  }
0x88: {  	[spmem:s24] =	stream.linear.scatter [tilespmem:s11], [sflag:$0xD], $0xC80, $0x38;
	[tilespmem:$0x1FCC0] =	vst v63  }
0x89: {  	_ =	swait.ge [sflag:s14], $0xC80  }
0x8a: {  	[sflag:s14] =	ssyncset.done $0x0  }
0x8b: {  	s25 =	rddreg [dreg:$0x1b];
	[sflag:s14] =	ssyncadd.s32 $0xFFFFF380  }
0x8c: {  	[spmem:s25] =	stream.linear.scatter [tilespmem:s11], [sflag:$0xD], $0xC80, $0x38;
	[tilespmem:$0x1FCC0] =	vst v63  }
0x8d: {  	_ =	swait.ge [sflag:s14], $0xC80  }
0x8e: {  	[sflag:s14] =	ssyncset.done $0x0  }
0x8f: {  	s3 =	rddreg [dreg:$0x10];
	[sflag:s14] =	ssyncadd.s32 $0xFFFFF380  }
0x90: {  	[spmem:s3] =	stream.linear.scatter [tilespmem:s11], [sflag:$0xD], $0xC80, $0x38;
	[tilespmem:$0x1FCC0] =	vst v63  }
0x91: {  	_ =	swait.ge [sflag:s14], $0xC80  }
0x92: {  	[sflag:s14] =	ssyncset.done $0x0  }
0x93: {  	s7 =	rddreg [dreg:$0x1c];
	[sflag:s14] =	ssyncadd.s32 $0xFFFFF380  }
0x94: {  	[spmem:s7] =	stream.linear.scatter [tilespmem:s11], [sflag:$0xD], $0xC80, $0x38;
	[tilespmem:$0x1FCC0] =	vst v63  }
0x95: {  	_ =	swait.ge [sflag:s14], $0xC80  }
0x96: {  	[sflag:s14] =	ssyncset.done $0x0  }
0x97: {  	s24 =	rddreg [dreg:$0x1d];
	[sflag:s14] =	ssyncadd.s32 $0xFFFFF380  }
0x98: {  	[spmem:s24] =	stream.linear.scatter [tilespmem:s11], [sflag:$0xD], $0xC80, $0x38;
	[tilespmem:$0x1FCC0] =	vst v63  }
0x99: {  	_ =	swait.ge [sflag:s14], $0xC80  }
0x9a: {  	[sflag:s14] =	ssyncset.done $0x0  }
0x9b: {  	s25 =	rddreg [dreg:$0x1e];
	[sflag:s14] =	ssyncadd.s32 $0xFFFFF380  }
0x9c: {  	[spmem:s25] =	stream.linear.scatter [tilespmem:s11], [sflag:$0xD], $0xC80, $0x38;
	[tilespmem:$0x1FCC0] =	vst v63  }
0x9d: {  	_ =	swait.ge [sflag:s14], $0xC80  }
0x9e: {  	[sflag:s14] =	ssyncset.done $0x0  }
0x9f: {  	s3 =	rddreg [dreg:$0x1f];
	[sflag:s14] =	ssyncadd.s32 $0xFFFFF380  }
0xa0: {  	[spmem:s3] =	stream.linear.scatter [tilespmem:s11], [sflag:$0xD], $0xC80, $0x38;
	[tilespmem:$0x1FCC0] =	vst v63  }
0xa1: {  	_ =	swait.ge [sflag:s14], $0xC80  }
0xa2: {  	[sflag:s14] =	ssyncset.done $0x0  }
0xa3: {  	s7 =	rddreg [dreg:$0x11];
	[sflag:s14] =	ssyncadd.s32 $0xFFFFF380  }
0xa4: {  	[spmem:s7] =	stream.linear.scatter [tilespmem:s11], [sflag:$0xD], $0xC80, $0x38;
	[tilespmem:$0x1FCC0] =	vst v63  }
0xa5: {  	_ =	swait.ge [sflag:s14], $0xC80  }
0xa6: {  	s24 =	sld [smem:$0x7EC]  }
0xa7: {  	[sflag:s14] =	ssyncset.done $0x0  }
0xa8: {  	[sflag:s14] =	ssyncadd.s32 $0xFFFFF380  }
0xa9: {  	[spmem:s24] =	stream.linear.scatter [tilespmem:s11], [sflag:$0xD], $0xC80, $0x38;
	[tilespmem:$0x1FCC0] =	vst v63  }
0xaa: {  	_ =	swait.ge [sflag:s14], $0xC80  }
0xab: {  	s25 =	sld [smem:$0x7ED]  }
0xac: {  	[sflag:s14] =	ssyncset.done $0x0  }
0xad: {  	[sflag:s14] =	ssyncadd.s32 $0xFFFFF380  }
0xae: {  	[spmem:s25] =	stream.linear.scatter [tilespmem:s11], [sflag:$0xD], $0xC80, $0x38;
	[tilespmem:$0x1FCC0] =	vst v63  }
0xaf: {  	_ =	swait.ge [sflag:s14], $0xC80  }
0xb0: {  	s3 =	sld [smem:$0x7EE]  }
0xb1: {  	[sflag:s14] =	ssyncset.done $0x0  }
0xb2: {  	[sflag:s14] =	ssyncadd.s32 $0xFFFFF380  }
0xb3: {  	[spmem:s3] =	stream.linear.scatter [tilespmem:s11], [sflag:$0xD], $0xC80, $0x38;
	[tilespmem:$0x1FCC0] =	vst v63  }
0xb4: {  	_ =	swait.ge [sflag:s14], $0xC80  }
0xb5: {  	s7 =	sld [smem:$0x7EF]  }
0xb6: {  	[sflag:s14] =	ssyncset.done $0x0  }
0xb7: {  	[sflag:s14] =	ssyncadd.s32 $0xFFFFF380  }
0xb8: {  	[spmem:s7] =	stream.linear.scatter [tilespmem:s11], [sflag:$0xD], $0xC80, $0x38;
	[tilespmem:$0x1FCC0] =	vst v63  }
0xb9: {  	_ =	swait.ge [sflag:s14], $0xC80  }
0xba: {  	[sflag:s14] =	ssyncset.done $0x0  }
0xbb: {  	s24 =	simm.s32 $0x9560;
	[sflag:s14] =	ssyncadd.s32 $0xFFFFF380  }
0xbc: {  	[spmem:s13] =	stream.linear.scatter [tilespmem:s24], [sflag:$0xD], $0x7D0, $0x38;
	[tilespmem:$0x1FCC0] =	vst v63  }
0xbd: {  	_ =	swait.ge [sflag:s14], $0x7D0  }
0xbe: {  	s25 =	sld [smem:$0x7F0]  }
0xbf: {  	[sflag:s14] =	ssyncset.done $0x0  }
0xc0: {  	[sflag:s14] =	ssyncadd.s32 $0xFFFFF830  }
0xc1: {  	[spmem:s25] =	stream.linear.scatter [tilespmem:s24], [sflag:$0xD], $0x7D0, $0x38;
	[tilespmem:$0x1FCC0] =	vst v63  }
0xc2: {  	_ =	swait.ge [sflag:s14], $0x7D0  }
0xc3: {  	s3 =	sld [smem:$0x7F1]  }
0xc4: {  	[sflag:s14] =	ssyncset.done $0x0  }
0xc5: {  	[sflag:s14] =	ssyncadd.s32 $0xFFFFF830  }
0xc6: {  	[spmem:s3] =	stream.linear.scatter [tilespmem:s24], [sflag:$0xD], $0x7D0, $0x38;
	[tilespmem:$0x1FCC0] =	vst v63  }
0xc7: {  	_ =	swait.ge [sflag:s14], $0x7D0  }
0xc8: {  	s7 =	sld [smem:$0x7F2]  }
0xc9: {  	[sflag:s14] =	ssyncset.done $0x0  }
0xca: {  	[sflag:s14] =	ssyncadd.s32 $0xFFFFF830  }
0xcb: {  	[spmem:s7] =	stream.linear.scatter [tilespmem:s24], [sflag:$0xD], $0x7D0, $0x38;
	[tilespmem:$0x1FCC0] =	vst v63  }
0xcc: {  	_ =	swait.ge [sflag:s14], $0x7D0  }
0xcd: {  	s13 =	sld [smem:$0x7F3]  }
0xce: {  	[sflag:s14] =	ssyncset.done $0x0  }
0xcf: {  	[sflag:s14] =	ssyncadd.s32 $0xFFFFF830  }
0xd0: {  	[spmem:s13] =	stream.linear.scatter [tilespmem:s24], [sflag:$0xD], $0x7D0, $0x38;
	[tilespmem:$0x1FCC0] =	vst v63  }
0xd1: {  	_ =	swait.ge [sflag:s14], $0x7D0  }
0xd2: {  	[sflag:s14] =	ssyncset.done $0x0  }
0xd3: {  	[sflag:s14] =	ssyncadd.s32 $0xFFFFF830  }
0xd4: {  	[bflag:$0x0] =	sbarrier.arrive $0xFFFF  }
0xd5: {  	s24 =	sld [smem:$0x7FB];
	_ =	sdelay $0x1  }
0xd6: {  	s6 =	simm.s32 $0x0;
	s25 =	sld [smem:$0x7F7]  }
0xd7: {  	[tilespmem:s6], [sflag:$0x7] =	stream.linear.gather [hbm4b:s24+s6], $0x50, $0x38;
	[tilespmem:$0x1FCC0] =	vst v63  }
0xd8: {  	_ = 	snop  }
0xd9: {  	[tilespmem:s28], [sflag:$0x7] =	stream.linear.gather [hbm4b:s25+s6], $0x50, $0x38;
	[tilespmem:$0x1FCC0] =	vst v63  }
0xda: {  	_ =	swait.ge [sflag:s29], $0x50  }
0xdb: {  	[sflag:s29] =	ssyncset.done $0x0  }
0xdc: {  	[sflag:s29] =	ssyncadd.s32 $0xFFFFFFB0  }
0xdd: {  	_ =	swait.ge [sflag:s29], $0x50  }
0xde: {  	[sflag:s29] =	ssyncset.done $0x0  }
0xdf: {  	[sflag:s29] =	ssyncadd.s32 $0xFFFFFFB0  }
0xe0: {  	[tilespmem:s12], [sflag:$0x1] =	stream.indirect.gather [hbm4b:s5+s28], $0x80, s28, s28, $0xb8;
	[tilespmem:$0x1FCC0] =	vst v63  }
0xe1: {  	s13 =	simm.s32 $0x79E0;
	s3 =	sld [smem:$0x7F8]  }
0xe2: {  	[tilespmem:s13], [sflag:$0x4] =	stream.indirect.gather [hbm4b:s0+s28], $0x10, s28, s28, $0xb8;
	[tilespmem:$0x1FCC0] =	vst v63  }
0xe3: {  	s7 =	sld [smem:$0x7F9]  }
0xe4: {  	[tilespmem:s10], [sflag:$0x8] =	stream.linear.gather [hbm4b:s3+s6], $0x50, $0x38;
	[tilespmem:$0x1FCC0] =	vst v63  }
0xe5: {  	s14 =	simm.s32 $0xF0  }
0xe6: {  	[tilespmem:s14], [sflag:$0x8] =	stream.linear.gather [hbm4b:s7+s6], $0x50, $0x38;
	[tilespmem:$0x1FCC0] =	vst v63  }
0xe7: {  	_ =	swait.ge [sflag:s9], $0x50  }
0xe8: {  	[sflag:s9] =	ssyncset.done $0x0  }
0xe9: {  	[sflag:s9] =	ssyncadd.s32 $0xFFFFFFB0  }
0xea: {  	_ =	swait.ge [sflag:s9], $0x50  }
0xeb: {  	[sflag:s9] =	ssyncset.done $0x0  }
0xec: {  	s3 =	simm.s32 $0x29E0;
	[sflag:s9] =	ssyncadd.s32 $0xFFFFFFB0  }
0xed: {  	[tilespmem:s3], [sflag:$0x2] =	stream.indirect.gather [hbm4b:s5+s28], $0x80, s14, s28, $0xb8;
	[tilespmem:$0x1FCC0] =	vst v63  }
0xee: {  	s25 =	simm.s32 $0x7EE0;
	s24 =	sld [smem:$0x7FA]  }
0xef: {  	[tilespmem:s25], [sflag:$0x5] =	stream.indirect.gather [hbm4b:s0+s28], $0x10, s14, s28, $0xb8;
	[tilespmem:$0x1FCC0] =	vst v63  }
0xf0: {  	s7 =	sld [smem:$0x7FC]  }
0xf1: {  	[tilespmem:s30], [sflag:$0x9] =	stream.linear.gather [hbm4b:s24+s6], $0x50, $0x38;
	[tilespmem:$0x1FCC0] =	vst v63  }
0xf2: {  	_ = 	snop  }
0xf3: {  	[tilespmem:s1], [sflag:$0x9] =	stream.linear.gather [hbm4b:s7+s6], $0x50, $0x38;
	[tilespmem:$0x1FCC0] =	vst v63  }
0xf4: {  	_ =	swait.ge [sflag:s16], $0x2800  }
0xf5: {  	[sflag:s16] =	ssyncset.done $0x0  }
0xf6: {  	[sflag:s16] =	ssyncadd.s32 $0xFFFFD800  }
0xf7: {  	_ =	swait.ge [sflag:s17], $0x500  }
0xf8: {  	[sflag:s17] =	ssyncset.done $0x0  }
0xf9: {  	[sflag:s17] =	ssyncadd.s32 $0xFFFFFB00  }
0xfa: {  	s16 =	rddreg [dreg:$0x2]  }
0xfb: {  	[spmem:s16] =	stream.indirect.scatter.add.f32 [tilespmem:s12], [sflag:$0xA], $0x80, s4, s28, $0xb8;
	[tilespmem:$0x1FCC0] =	vst v63  }
0xfc: {  	s7 =	rddreg [dreg:$0x3]  }
0xfd: {  	[spmem:s7] =	stream.indirect.scatter.add.f32 [tilespmem:s13], [sflag:$0xA], $0x10, s4, s28, $0xb8;
	[tilespmem:$0x1FCC0] =	vst v63  }
0xfe: {  	_ =	swait.ge [sflag:s19], $0x2800  }
0xff: {  	[sflag:s19] =	ssyncset.done $0x0  }
0x100: {  	[sflag:s19] =	ssyncadd.s32 $0xFFFFD800  }
0x101: {  	_ =	swait.ge [sflag:s19], $0x500  }
0x102: {  	s11 =	sld [smem:$0x7F6];
	_ =	sdelay $0x2  }
0x103: {  	[sflag:s19] =	ssyncset.done $0x0;
	s24 =	sshrl.u32 s11, $0x3  }
0x104: {  	s17 =	rddreg [dreg:$0x9];
	[sflag:s19] =	ssyncadd.s32 $0xFFFFFB00;
	s6 =	sadd.s32 s31, s24  }
0x105: {  	[tilespmem:s4], [sflag:$0x7] =	stream.linear.gather [hbm4b:s6+s4], $0x50, $0x38;
	[tilespmem:$0x1FCC0] =	vst v63  }
0x106: {  	s17 =	sadd.s32 $0x0, s17  }
0x107: {  	[tilespmem:s28], [sflag:$0x7] =	stream.linear.gather [hbm4b:s17+s4], $0x50, $0x38;
	[tilespmem:$0x1FCC0] =	vst v63  }
0x108: {  	_ =	swait.ge [sflag:s20], $0x50  }
0x109: {  	[sflag:s20] =	ssyncset.done $0x0  }
0x10a: {  	[sflag:s20] =	ssyncadd.s32 $0xFFFFFFB0  }
0x10b: {  	_ =	swait.ge [sflag:s20], $0x50  }
0x10c: {  	[sflag:s20] =	ssyncset.done $0x0  }
0x10d: {  	[sflag:s20] =	ssyncadd.s32 $0xFFFFFFB0  }
0x10e: {  	[tilespmem:s23], [sflag:$0x3] =	stream.indirect.gather [hbm4b:s5+s28], $0x80, s1, s28, $0xb8;
	[tilespmem:$0x1FCC0] =	vst v63  }
0x10f: {  	_ = 	snop  }
0x110: {  	[tilespmem:s2], [sflag:$0x6] =	stream.indirect.gather [hbm4b:s0+s28], $0x10, s1, s28, $0xb8;
	[tilespmem:$0x1FCC0] =	vst v63  }
0x111: {  	_ =	swait.ge [sflag:s15], $0x2800  }
0x112: {  	[sflag:s15] =	ssyncset.done $0x0  }
0x113: {  	[sflag:s15] =	ssyncadd.s32 $0xFFFFD800  }
0x114: {  	_ =	swait.ge [sflag:s18], $0x500  }
0x115: {  	[sflag:s18] =	ssyncset.done $0x0  }
0x116: {  	[sflag:s18] =	ssyncadd.s32 $0xFFFFFB00  }
0x117: {  	[spmem:s16] =	stream.indirect.scatter.add.f32 [tilespmem:s3], [sflag:$0xB], $0x80, s10, s28, $0xb8;
	[tilespmem:$0x1FCC0] =	vst v63  }
0x118: {  	_ = 	snop  }
0x119: {  	[spmem:s7] =	stream.indirect.scatter.add.f32 [tilespmem:s25], [sflag:$0xB], $0x10, s10, s28, $0xb8;
	[tilespmem:$0x1FCC0] =	vst v63  }
0x11a: {  	_ =	swait.ge [sflag:s8], $0x2800  }
0x11b: {  	[sflag:s8] =	ssyncset.done $0x0  }
0x11c: {  	[sflag:s8] =	ssyncadd.s32 $0xFFFFD800  }
0x11d: {  	_ =	swait.ge [sflag:s8], $0x500  }
0x11e: {  	s19 =	rddreg [dreg:$0x7];
	[sflag:s8] =	ssyncset.done $0x0  }
0x11f: {  	s20 =	rddreg [dreg:$0x8];
	[sflag:s8] =	ssyncadd.s32 $0xFFFFFB00;
	s6 =	sadd.s32 $0x0, s19  }
0x120: {  	[tilespmem:s10], [sflag:$0x8] =	stream.linear.gather [hbm4b:s6+s4], $0x50, $0x38;
	[tilespmem:$0x1FCC0] =	vst v63  }
0x121: {  	s25 =	sadd.s32 $0x0, s20  }
0x122: {  	[tilespmem:s14], [sflag:$0x8] =	stream.linear.gather [hbm4b:s25+s4], $0x50, $0x38;
	[tilespmem:$0x1FCC0] =	vst v63  }
0x123: {  	_ =	swait.ge [sflag:s29], $0x50  }
0x124: {  	[sflag:s29] =	ssyncset.done $0x0  }
0x125: {  	[sflag:s29] =	ssyncadd.s32 $0xFFFFFFB0  }
0x126: {  	_ =	swait.ge [sflag:s29], $0x50  }
0x127: {  	[sflag:s29] =	ssyncset.done $0x0  }
0x128: {  	[sflag:s29] =	ssyncadd.s32 $0xFFFFFFB0  }
0x129: {  	[tilespmem:s12], [sflag:$0x1] =	stream.indirect.gather [hbm4b:s5+s28], $0x80, s28, s28, $0xb8;
	[tilespmem:$0x1FCC0] =	vst v63  }
0x12a: {  	_ = 	snop  }
0x12b: {  	[tilespmem:s13], [sflag:$0x4] =	stream.indirect.gather [hbm4b:s0+s28], $0x10, s28, s28, $0xb8;
	[tilespmem:$0x1FCC0] =	vst v63  }
0x12c: {  	_ =	swait.ge [sflag:s21], $0x2800  }
0x12d: {  	[sflag:s21] =	ssyncset.done $0x0  }
0x12e: {  	[sflag:s21] =	ssyncadd.s32 $0xFFFFD800  }
0x12f: {  	_ =	swait.ge [sflag:s22], $0x500  }
0x130: {  	[sflag:s22] =	ssyncset.done $0x0  }
0x131: {  	[sflag:s22] =	ssyncadd.s32 $0xFFFFFB00  }
0x132: {  	[spmem:s16] =	stream.indirect.scatter.add.f32 [tilespmem:s23], [sflag:$0xC], $0x80, s30, s28, $0xb8;
	[tilespmem:$0x1FCC0] =	vst v63  }
0x133: {  	_ = 	snop  }
0x134: {  	[spmem:s7] =	stream.indirect.scatter.add.f32 [tilespmem:s2], [sflag:$0xC], $0x10, s30, s28, $0xb8;
	[tilespmem:$0x1FCC0] =	vst v63  }
0x135: {  	_ =	swait.ge [sflag:s26], $0x2800  }
0x136: {  	[sflag:s26] =	ssyncset.done $0x0  }
0x137: {  	p0 =	por $0x0, $0x0;
	[sflag:s26] =	ssyncadd.s32 $0xFFFFD800  }
0x138: {  	s17 =	simm.s32 $0x1;
	s1 =	simm.s32 @!p0 $0x0;
	_ =	swait.ge [sflag:s26], $0x500  }
0x139: {  	s25 =	simm.s32 @!p0 $0x140;
	s6 =	rddreg [dreg:$0x5];
	[sflag:s26] =	ssyncset.done $0x0  }
0x13a: {  	s24 =	rddreg [dreg:$0x6];
	[sflag:s26] =	ssyncadd.s32 $0xFFFFFB00;
	s6 =	sadd.s32 @!p0 $0x0, s6  }
0x13b: {  	[tilespmem:s25], [sflag:$0x9] =	stream.linear.gather @!p0 [hbm4b:s6+s1], $0x50, $0x38;
	[tilespmem:$0x1FCC0] =	vst v63  }
0x13c: {  	s8 =	simm.s32 $0x9;
	s24 =	sadd.s32 @!p0 $0x0, s24;
	s6 =	simm.s32 @!p0 $0x190  }
0x13d: {  	[tilespmem:s6], [sflag:$0x9] =	stream.linear.gather @!p0 [hbm4b:s24+s1], $0x50, $0x38;
	[tilespmem:$0x1FCC0] =	vst v63  }
0x13e: {  	s20 =	simm.s32 $0xA;
	s19 =	simm.s32 $0x8;
	_ =	swait.ge [sflag:s9], $0x50  }
0x13f: {  	s10 =	simm.s32 $0x2;
	s4 =	simm.s32 $0x6;
	[sflag:s9] =	ssyncset.done $0x0  }
0x140: {  	s22 =	simm.s32 $0x3;
	s23 =	simm.s32 $0x4;
	[sflag:s9] =	ssyncadd.s32 $0xFFFFFFB0  }
0x141: {  	s2 =	smov.u32 s16;
	s26 =	simm.s32 $0xB;
	_ =	swait.ge [sflag:s9], $0x50  }
0x142: {  	s25 =	smov.u32 s11;
	s24 =	simm.s32 $0x1E;
	[sflag:s9] =	ssyncset.done $0x0  }
0x143: {  	s1 =	simm.s32 $0xC;
	[sflag:s9] =	ssyncadd.s32 $0xFFFFFFB0;
	s9 =	simm.s32 $0x7  }
0x144: {  	[tilespmem:s3], [sflag:$0x2] =	stream.indirect.gather [hbm4b:s5+s28], $0x80, s14, s28, $0xb8;
	[tilespmem:$0x1FCC0] =	vst v63  }
0x145: {  	s3 =	smov.u32 s7;
	s7 =	smov.u32 s5;
	s5 =	simm.s32 $0x0  }
.LBB2_6:
0x146: {  	s18 =	simm.s32 $0x7EE0  }
0x147: {  	[tilespmem:s18], [sflag:$0x5] =	stream.indirect.gather [hbm4b:s0+s28], $0x10, s14, s28, $0xb8;
	[tilespmem:$0x1FCC0] =	vst v63  }
0x148: {  	_ =	swait.ge [sflag:s17], $0x2800  }
0x149: {  	[sflag:s17] =	ssyncset.done $0x0  }
0x14a: {  	[sflag:s17] =	ssyncadd.s32 $0xFFFFD800  }
0x14b: {  	_ =	swait.ge [sflag:s23], $0x500  }
0x14c: {  	[sflag:s23] =	ssyncset.done $0x0  }
0x14d: {  	[sflag:s23] =	ssyncadd.s32 $0xFFFFFB00  }
0x14e: {  	[spmem:s2] =	stream.indirect.scatter.add.f32 [tilespmem:s12], [sflag:$0xA], $0x80, s5, s28, $0xb8;
	[tilespmem:$0x1FCC0] =	vst v63  }
0x14f: {  	_ = 	snop  }
0x150: {  	[spmem:s3] =	stream.indirect.scatter.add.f32 [tilespmem:s13], [sflag:$0xA], $0x10, s5, s28, $0xb8;
	[tilespmem:$0x1FCC0] =	vst v63  }
0x151: {  	_ =	swait.ge [sflag:s20], $0x2800  }
0x152: {  	[sflag:s20] =	ssyncset.done $0x0  }
0x153: {  	[sflag:s20] =	ssyncadd.s32 $0xFFFFD800  }
0x154: {  	s25 =	sadd.s32 $0xF0, s25;
	s6 =	smov.u32 s24;
	_ =	swait.ge [sflag:s20], $0x500  }
0x155: {  	s30 =	sshrl.u32 s25, $0x3;
	s14 =	smov.u32 s31;
	[sflag:s20] =	ssyncset.done $0x0  }
0x156: {  	s30 =	sadd.s32 s31, s30;
	s31 =	rddreg [dreg:$0x9];
	[sflag:s20] =	ssyncadd.s32 $0xFFFFFB00  }
0x157: {  	[tilespmem:s5], [sflag:$0x7] =	stream.linear.gather [hbm4b:s30+s5], $0x50, $0x38;
	[tilespmem:$0x1FCC0] =	vst v63  }
0x158: {  	s29 =	sadd.s32 s6, s31  }
0x159: {  	[tilespmem:s28], [sflag:$0x7] =	stream.linear.gather [hbm4b:s29+s5], $0x50, $0x38;
	[tilespmem:$0x1FCC0] =	vst v63  }
0x15a: {  	_ =	swait.ge [sflag:s8], $0x50  }
0x15b: {  	[sflag:s8] =	ssyncset.done $0x0  }
0x15c: {  	[sflag:s8] =	ssyncadd.s32 $0xFFFFFFB0  }
0x15d: {  	_ =	swait.ge [sflag:s8], $0x50  }
0x15e: {  	[sflag:s8] =	ssyncset.done $0x0  }
0x15f: {  	s15 =	simm.s32 $0x190;
	s29 =	simm.s32 $0x51E0;
	[sflag:s8] =	ssyncadd.s32 $0xFFFFFFB0  }
0x160: {  	[tilespmem:s29], [sflag:$0x3] =	stream.indirect.gather [hbm4b:s7+s28], $0x80, s15, s28, $0xb8;
	[tilespmem:$0x1FCC0] =	vst v63  }
0x161: {  	s16 =	simm.s32 $0x83E0  }
0x162: {  	[tilespmem:s16], [sflag:$0x6] =	stream.indirect.gather [hbm4b:s0+s28], $0x10, s15, s28, $0xb8;
	[tilespmem:$0x1FCC0] =	vst v63  }
0x163: {  	_ =	swait.ge [sflag:s10], $0x2800  }
0x164: {  	[sflag:s10] =	ssyncset.done $0x0  }
0x165: {  	s30 =	simm.s32 $0x5;
	[sflag:s10] =	ssyncadd.s32 $0xFFFFD800  }
0x166: {  	_ =	swait.ge [sflag:s30], $0x500  }
0x167: {  	[sflag:s30] =	ssyncset.done $0x0  }
0x168: {  	s21 =	simm.s32 $0xA0;
	s15 =	simm.s32 $0x29E0;
	[sflag:s30] =	ssyncadd.s32 $0xFFFFFB00  }
0x169: {  	[spmem:s2] =	stream.indirect.scatter.add.f32 [tilespmem:s15], [sflag:$0xB], $0x80, s21, s28, $0xb8;
	[tilespmem:$0x1FCC0] =	vst v63  }
0x16a: {  	_ = 	snop  }
0x16b: {  	[spmem:s3] =	stream.indirect.scatter.add.f32 [tilespmem:s18], [sflag:$0xB], $0x10, s21, s28, $0xb8;
	[tilespmem:$0x1FCC0] =	vst v63  }
0x16c: {  	_ =	swait.ge [sflag:s26], $0x2800  }
0x16d: {  	[sflag:s26] =	ssyncset.done $0x0  }
0x16e: {  	[sflag:s26] =	ssyncadd.s32 $0xFFFFD800  }
0x16f: {  	_ =	swait.ge [sflag:s26], $0x500  }
0x170: {  	s18 =	rddreg [dreg:$0x7];
	[sflag:s26] =	ssyncset.done $0x0  }
0x171: {  	s31 =	rddreg [dreg:$0x8];
	[sflag:s26] =	ssyncadd.s32 $0xFFFFFB00;
	s30 =	sadd.s32 s6, s18  }
0x172: {  	[tilespmem:s21], [sflag:$0x8] =	stream.linear.gather [hbm4b:s30+s5], $0x50, $0x38;
	[tilespmem:$0x1FCC0] =	vst v63  }
0x173: {  	s11 =	simm.s32 $0xF0;
	s21 =	sadd.s32 s6, s31  }
0x174: {  	[tilespmem:s11], [sflag:$0x8] =	stream.linear.gather [hbm4b:s21+s5], $0x50, $0x38;
	[tilespmem:$0x1FCC0] =	vst v63  }
0x175: {  	_ =	swait.ge [sflag:s9], $0x50  }
0x176: {  	[sflag:s9] =	ssyncset.done $0x0  }
0x177: {  	[sflag:s9] =	ssyncadd.s32 $0xFFFFFFB0  }
0x178: {  	_ =	swait.ge [sflag:s9], $0x50  }
0x179: {  	[sflag:s9] =	ssyncset.done $0x0  }
0x17a: {  	[sflag:s9] =	ssyncadd.s32 $0xFFFFFFB0  }
0x17b: {  	[tilespmem:s12], [sflag:$0x1] =	stream.indirect.gather [hbm4b:s7+s28], $0x80, s28, s28, $0xb8;
	[tilespmem:$0x1FCC0] =	vst v63  }
0x17c: {  	_ = 	snop  }
0x17d: {  	[tilespmem:s13], [sflag:$0x4] =	stream.indirect.gather [hbm4b:s0+s28], $0x10, s28, s28, $0xb8;
	[tilespmem:$0x1FCC0] =	vst v63  }
0x17e: {  	_ =	swait.ge [sflag:s22], $0x2800  }
0x17f: {  	[sflag:s22] =	ssyncset.done $0x0  }
0x180: {  	[sflag:s22] =	ssyncadd.s32 $0xFFFFD800  }
0x181: {  	_ =	swait.ge [sflag:s4], $0x500  }
0x182: {  	[sflag:s4] =	ssyncset.done $0x0  }
0x183: {  	s30 =	simm.s32 $0x140;
	[sflag:s4] =	ssyncadd.s32 $0xFFFFFB00  }
0x184: {  	[spmem:s2] =	stream.indirect.scatter.add.f32 [tilespmem:s29], [sflag:$0xC], $0x80, s30, s28, $0xb8;
	[tilespmem:$0x1FCC0] =	vst v63  }
0x185: {  	_ = 	snop  }
0x186: {  	[spmem:s3] =	stream.indirect.scatter.add.f32 [tilespmem:s16], [sflag:$0xC], $0x10, s30, s28, $0xb8;
	[tilespmem:$0x1FCC0] =	vst v63  }
0x187: {  	_ =	swait.ge [sflag:s1], $0x2800  }
0x188: {  	[sflag:s1] =	ssyncset.done $0x0  }
0x189: {  	p1 =	seq.s32 s6, $0x4B0;
	[sflag:s1] =	ssyncadd.s32 $0xFFFFD800  }
0x18a: {  	s11 =	simm.s32 @!p1 $0x0;
	_ =	swait.ge [sflag:s1], $0x500  }
0x18b: {  	s12 =	simm.s32 @!p1 $0x140;
	s30 =	rddreg [dreg:$0x5];
	[sflag:s1] =	ssyncset.done $0x0  }
0x18c: {  	s31 =	rddreg [dreg:$0x6];
	[sflag:s1] =	ssyncadd.s32 $0xFFFFFB00;
	s30 =	sadd.s32 @!p1 s6, s30  }
0x18d: {  	[tilespmem:s12], [sflag:$0x9] =	stream.linear.gather @!p1 [hbm4b:s30+s11], $0x50, $0x38;
	[tilespmem:$0x1FCC0] =	vst v63  }
0x18e: {  	s13 =	simm.s32 @!p1 $0x190;
	s6 =	sadd.s32 @!p1 s6, s31  }
0x18f: {  	[tilespmem:s13], [sflag:$0x9] =	stream.linear.gather @!p1 [hbm4b:s6+s11], $0x50, $0x38;
	[tilespmem:$0x1FCC0] =	vst v63  }
0x190: {  	s24 =	sadd.s32 $0x1E, s24;
	_ =	swait.ge [sflag:s19], $0x50  }
0x191: {  	p0 =	sne.s32 s24, $0x4CE;
	[sflag:s19] =	ssyncset.done $0x0  }
.Ltmp2:
0x192: {  	[sflag:s19] =	ssyncadd.s32 $0xFFFFFFB0;
	(pc) =	sbr.rel @p0 .LBB2_6-.Ltmp2, $4  }
0x193: {  	s31 =	smov.u32 s14;
	_ =	swait.ge [sflag:s19], $0x50  }
0x194: {  	s14 =	simm.s32 $0xF0;
	s12 =	simm.s32 $0x1E0;
	[sflag:s19] =	ssyncset.done $0x0  }
0x195: {  	s13 =	simm.s32 $0x79E0;
	s6 =	simm.s32 $0x29E0;
	[sflag:s19] =	ssyncadd.s32 $0xFFFFFFB0  }
0x196: {  	[tilespmem:s15], [sflag:$0x2] =	stream.indirect.gather [hbm4b:s7+s28], $0x80, s14, s28, $0xb8;
	[tilespmem:$0x1FCC0] =	vst v63  }
0x197: {  	s4 =	simm.s32 $0x7EE0  }
0x198: {  	[tilespmem:s4], [sflag:$0x5] =	stream.indirect.gather [hbm4b:s0+s28], $0x10, s14, s28, $0xb8;
	[tilespmem:$0x1FCC0] =	vst v63  }
0x199: {  	_ =	swait.ge [sflag:s17], $0x2800  }
0x19a: {  	[sflag:s17] =	ssyncset.done $0x0  }
0x19b: {  	[sflag:s17] =	ssyncadd.s32 $0xFFFFD800  }
0x19c: {  	_ =	swait.ge [sflag:s23], $0x500  }
0x19d: {  	[sflag:s23] =	ssyncset.done $0x0  }
0x19e: {  	[sflag:s23] =	ssyncadd.s32 $0xFFFFFB00  }
0x19f: {  	[spmem:s2] =	stream.indirect.scatter.add.f32 [tilespmem:s12], [sflag:$0xA], $0x80, s5, s28, $0xb8;
	[tilespmem:$0x1FCC0] =	vst v63  }
0x1a0: {  	_ = 	snop  }
0x1a1: {  	[spmem:s3] =	stream.indirect.scatter.add.f32 [tilespmem:s13], [sflag:$0xA], $0x10, s5, s28, $0xb8;
	[tilespmem:$0x1FCC0] =	vst v63  }
0x1a2: {  	_ =	swait.ge [sflag:s20], $0x2800  }
0x1a3: {  	[sflag:s20] =	ssyncset.done $0x0  }
0x1a4: {  	[sflag:s20] =	ssyncadd.s32 $0xFFFFD800  }
0x1a5: {  	_ =	swait.ge [sflag:s20], $0x500  }
0x1a6: {  	[sflag:s20] =	ssyncset.done $0x0  }
0x1a7: {  	[sflag:s20] =	ssyncadd.s32 $0xFFFFFB00  }
0x1a8: {  	_ =	swait.ge [sflag:s10], $0x2800  }
0x1a9: {  	[sflag:s10] =	ssyncset.done $0x0  }
0x1aa: {  	s1 =	simm.s32 $0x5;
	[sflag:s10] =	ssyncadd.s32 $0xFFFFD800  }
0x1ab: {  	_ =	swait.ge [sflag:s1], $0x500  }
0x1ac: {  	[sflag:s1] =	ssyncset.done $0x0  }
0x1ad: {  	s19 =	simm.s32 $0xA0;
	[sflag:s1] =	ssyncadd.s32 $0xFFFFFB00  }
0x1ae: {  	[spmem:s2] =	stream.indirect.scatter.add.f32 [tilespmem:s6], [sflag:$0xB], $0x80, s19, s28, $0xb8;
	[tilespmem:$0x1FCC0] =	vst v63  }
0x1af: {  	_ = 	snop  }
0x1b0: {  	[spmem:s3] =	stream.indirect.scatter.add.f32 [tilespmem:s4], [sflag:$0xB], $0x10, s19, s28, $0xb8;
	[tilespmem:$0x1FCC0] =	vst v63  }
0x1b1: {  	_ =	swait.ge [sflag:s26], $0x2800  }
0x1b2: {  	[sflag:s26] =	ssyncset.done $0x0  }
0x1b3: {  	[sflag:s26] =	ssyncadd.s32 $0xFFFFD800  }
0x1b4: {  	_ =	swait.ge [sflag:s26], $0x500  }
0x1b5: {  	[sflag:s26] =	ssyncset.done $0x0  }
0x1b6: {  	[sflag:s26] =	ssyncadd.s32 $0xFFFFFB00  }
0x1b7: {  	s20 =	stileid.u32;
	[bflag:$0x0] =	sbarrier.arrive $0xFFFF  }
0x1b8: {  	s14 =	simm.s32 $0xD;
	s6 =	sshll.u32 s20, $0x6;
	s25 =	rddreg [dreg:$0xa]  }
0x1b9: {  	s6 =	sor.u32 $0x1C0D, s6;
	s21 =	rddreg [dreg:$0xf];
	s11 =	sshrl.u32 s25, $0x3  }
0x1ba: {  	[hbm:s21], [sflag:s6] =	dma.local [spmem:s11], $0x2710  }
0x1bb: {  	_ =	swait.ge [sflag:s14], $0x2710  }
0x1bc: {  	s13 =	sld [smem:$0x7FD]  }
0x1bd: {  	s23 =	sld [smem:$0x7F4]  }
0x1be: {  	[sflag:s14] =	ssyncset.done $0x0  }
0x1bf: {  	[sflag:s14] =	ssyncadd.s32 $0xFFFFD8F0;
	s22 =	sshrl.u32 s13, $0x3  }
0x1c0: {  	[hbm:s23], [sflag:s6] =	dma.local [spmem:s22], $0x4E2  }
0x1c1: {  	_ =	swait.ge [sflag:s14], $0x4E2  }
0x1c2: {  	s24 =	sld [smem:$0x7EB]  }
0x1c3: {  	s30 =	simm.s32 $0x140;
	s26 =	sld [smem:$0x7F5]  }
0x1c4: {  	s16 =	simm.s32 $0x1;
	s15 =	simm.s32 $0x2;
	s18 =	simm.s32 $0x5  }
0x1c5: {  	s29 =	simm.s32 $0x7;
	s9 =	simm.s32 $0x8;
	s11 =	sadd.s32 $0x1, s24  }
0x1c6: {  	s8 =	simm.s32 $0xB;
	s17 =	simm.s32 $0x4;
	p0 =	sne.s32 s11, s26  }
.Ltmp3:
0x1c7: {  	s5 =	smov.u32 s7;
	s7 =	smov.u32 s0;
	(pc) =	sbr.rel @p0 .LBB2_1-.Ltmp3, $4  }
0x1c8: {  	s10 =	simm.s32 $0xA0;
	s1 =	simm.s32 $0x190;
	s2 =	simm.s32 $0x83E0  }
0x1c9: {  	s20 =	simm.s32 $0x9;
	s4 =	simm.s32 $0x0;
	s19 =	simm.s32 $0xA  }
0x1ca: {  	s21 =	simm.s32 $0x3;
	s23 =	simm.s32 $0x51E0;
	[sflag:s14] =	ssyncset.done $0x0  }
0x1cb: {  	s22 =	simm.s32 $0x6;
	[sflag:s14] =	ssyncadd.s32 $0xFFFFFB1E;
	s26 =	simm.s32 $0xC  }
0x1cc: {  	_ =	sfence.sel $0x180000  }
0x1cd: {  	[bflag:$0x0] =	sbarrier.arrive $0xFFFF  }
0x1ce: {  	_ =	strace $0x9000004A  }
0x1cf: {  	s0 =	stileid.u32;
	[bflag:$0x2] =	sbarrier.arrive $0xFFFF  }
0x1d0: {  	p0 =	sne.s32 s0, $0x0;
	s0 =	rddreg [dreg:$0x4]  }
0x1d1: {  	s0 =	sadd.s32 @!p0 $0x100000, s0  }
0x1d2: {  	[sflag:s0] =	ssyncadd.tile.s32 @!p0 $0x1;
	_ =	shalt  }
.Lfunc_end2:
_tile_overlayer_lowered:
.L_overlay_start_2:
0x1d3: {  	(tag) =	ssettag $0x2  }
0x1d4: {  	s0 =	rddreg [dreg:$0x0];
	s2 =	stileid.u32  }
0x1d5: {  	s1 =	rddreg [dreg:$0x1];
	p0 =	sne.s32 s2, $0x0  }
0x1d6: {  	s3 =	rddreg [dreg:$0x2];
	[bflag:$0x3] =	sbarrier.arrive $0xFFFF;
	s2 =	simm.s32 @!p0 $0x1C0D  }
0x1d7: {  	[timem:s3], [sflag:s2] =	dma.local @!p0 [hbm:s0], s1  }
0x1d8: {  	s0 =	simm.s32 @!p0 $0xD  }
0x1d9: {  	_ =	swait.ge @!p0 [sflag:s0], s1  }
0x1da: {  	s1 =	ssub.s32 @!p0 $0x0, s1;
	[sflag:s0] =	ssyncset.done @!p0 $0x0  }
0x1db: {  	[sflag:s0] =	ssyncadd.s32 @!p0 s1  }
0x1dc: {  	[bflag:$0x3] =	sbarrier.arrive $0xFFFF  }
0x1dd: {  	_ =	shalt  }

</sc_bundles>
